<compile_context>
chip_gen: v7x
topology: tpu7x:2x2x1
jax: 0.10.2.dev20260603
libtpu: 0.0.44.dev20260713+nightly
codegen_flags: <defaults>
</compile_context>

<pallas_src>
import functools

import jax
import jax.numpy as jnp
from jax import lax
from jax.experimental import pallas as pl
from jax.experimental.pallas import tpu as pltpu
from jax.experimental.pallas import tpu_sc as plsc

E = 8
K = 2
D = 768
F = 3072
NT = 4096
NA = NT * K

TB = 512
NB = NT // TB

BM = 256
NBLK = NA // BM
T_TILES = NBLK + E - 1

NW = 32
TPW = NT // NW
SUB = 64



def _gate_body(x_ref, wg_ref, bg_ref,
               w0_ref, w1_ref, i0_ref, i1_ref, r0_ref, r1_ref, cnt_ref):
    x = x_ref[0]
    logits = jnp.dot(x, wg_ref[...], preferred_element_type=jnp.float32)
    logits = logits + bg_ref[...]
    m = jnp.max(logits, axis=-1, keepdims=True)
    z = jnp.exp(logits - m)
    p = z / jnp.sum(z, axis=-1, keepdims=True)

    idx8 = lax.broadcasted_iota(jnp.int32, (TB, E), 1)
    p0 = jnp.max(p, axis=-1, keepdims=True)
    i0 = jnp.min(jnp.where(p == p0, idx8, E), axis=-1, keepdims=True)
    oh0 = idx8 == i0
    pm = jnp.where(oh0, -jnp.inf, p)
    p1 = jnp.max(pm, axis=-1, keepdims=True)
    i1 = jnp.min(jnp.where(pm == p1, idx8, E), axis=-1, keepdims=True)
    oh1 = idx8 == i1

    s = p0 + p1
    ones16 = jnp.ones((1, 128), jnp.float32)
    w0_ref[...] = (p0 / s) * ones16
    w1_ref[...] = (p1 / s) * ones16
    i0_ref[...] = i0
    i1_ref[...] = i1

    sel = oh0.astype(jnp.float32) + oh1.astype(jnp.float32)
    r = lax.broadcasted_iota(jnp.int32, (TB, TB), 0)
    c = lax.broadcasted_iota(jnp.int32, (TB, TB), 1)
    tri = (r > c).astype(jnp.float32)
    pref = jnp.dot(tri, sel, preferred_element_type=jnp.float32)
    r0_ref[...] = jnp.sum(jnp.where(oh0, pref, 0.0), axis=-1,
                          keepdims=True).astype(jnp.int32)
    r1_ref[...] = jnp.sum(jnp.where(oh1, pref, 0.0), axis=-1,
                          keepdims=True).astype(jnp.int32)
    cnt_ref[...] = jnp.sum(sel, axis=0, keepdims=True)[None].astype(jnp.int32)


def _gating(x, w_g, b_g):
    wide_f = jax.ShapeDtypeStruct((NT, 128), jnp.float32)
    col_i = jax.ShapeDtypeStruct((NT, 1), jnp.int32)
    return pl.pallas_call(
        _gate_body,
        grid=(NB,),
        in_specs=[
            pl.BlockSpec((1, TB, D), lambda b: (b, 0, 0)),
            pl.BlockSpec((D, E), lambda b: (0, 0)),
            pl.BlockSpec((1, E), lambda b: (0, 0)),
        ],
        out_specs=[
            pl.BlockSpec((TB, 128), lambda b: (b, 0)),
            pl.BlockSpec((TB, 128), lambda b: (b, 0)),
            pl.BlockSpec((TB, 1), lambda b: (b, 0)),
            pl.BlockSpec((TB, 1), lambda b: (b, 0)),
            pl.BlockSpec((TB, 1), lambda b: (b, 0)),
            pl.BlockSpec((TB, 1), lambda b: (b, 0)),
            pl.BlockSpec((1, 1, E), lambda b: (b, 0, 0)),
        ],
        out_shape=[wide_f, wide_f, col_i, col_i, col_i, col_i,
                   jax.ShapeDtypeStruct((NB, 1, E), jnp.int32)],
    )(x.reshape(NB, TB, D), w_g, b_g.reshape(1, E))



def _metadata(cnt):
    cnt = cnt.reshape(NB, E)
    ex_cnt = jnp.sum(cnt, axis=0)
    off = jnp.concatenate([jnp.zeros((1,), jnp.int32),
                           jnp.cumsum(ex_cnt)]).astype(jnp.int32)
    carry = jnp.cumsum(cnt, axis=0) - cnt
    comb = (off[:E][None, :] + carry).reshape(NB, 1, E).astype(jnp.int32)

    fb = off[:E] // BM
    lb = (off[1:] + BM - 1) // BM
    nb = jnp.where(ex_cnt > 0, lb - fb, 0)
    cum = jnp.concatenate([jnp.zeros((1,), jnp.int32),
                           jnp.cumsum(nb)]).astype(jnp.int32)
    total = cum[E]
    s = jnp.arange(T_TILES, dtype=jnp.int32)
    eo = jnp.sum((s[:, None] >= cum[None, 1:]).astype(jnp.int32), axis=1)
    e_pad = jnp.max(jnp.where(nb > 0, jnp.arange(E, dtype=jnp.int32), 0))
    valid = s < total
    eo = jnp.where(valid, jnp.minimum(eo, E - 1), e_pad)
    bo = jnp.where(valid, fb[eo] + (s - cum[eo]), NBLK - 1)
    start = jnp.where(valid, jnp.maximum(off[eo], bo * BM), 0)
    end = jnp.where(valid, jnp.minimum(off[eo + 1], (bo + 1) * BM), 0)
    meta = jnp.stack([bo, eo, start, end]).astype(jnp.int32)
    return comb, meta



def _pos_body(i0_ref, i1_ref, r0_ref, r1_ref, comb_ref, p0_ref, p1_ref):
    comb = comb_ref[0]
    idx8 = lax.broadcasted_iota(jnp.int32, (TB, E), 1)
    oh0 = idx8 == i0_ref[...]
    oh1 = idx8 == i1_ref[...]
    base0 = jnp.sum(jnp.where(oh0, comb, 0), axis=-1, keepdims=True)
    base1 = jnp.sum(jnp.where(oh1, comb, 0), axis=-1, keepdims=True)
    p0_ref[...] = base0 + r0_ref[...]
    p1_ref[...] = base1 + r1_ref[...]


def _positions(i0, i1, r0, r1, comb):
    col_i = jax.ShapeDtypeStruct((NT, 1), jnp.int32)
    col_spec = pl.BlockSpec((TB, 1), lambda b: (b, 0))
    return pl.pallas_call(
        _pos_body,
        grid=(NB,),
        in_specs=[col_spec, col_spec, col_spec, col_spec,
                  pl.BlockSpec((1, 1, E), lambda b: (b, 0, 0))],
        out_specs=[col_spec, col_spec],
        out_shape=[col_i, col_i],
    )(i0, i1, r0, r1, comb)



@functools.cache
def _sc_dispatch_call():
    mesh = plsc.VectorSubcoreMesh(core_axis_name="c", subcore_axis_name="s")

    @functools.partial(
        pl.kernel,
        out_type=(jax.ShapeDtypeStruct((NA, D), jnp.float32),
                  jax.ShapeDtypeStruct((NA, 128), jnp.float32)),
        mesh=mesh,
        scratch_types=[
            pltpu.VMEM((SUB,), jnp.int32),
            pltpu.VMEM((SUB,), jnp.int32),
            pltpu.VMEM((SUB, D), jnp.float32),
            pltpu.VMEM((SUB, 128), jnp.float32),
            pltpu.VMEM((SUB, 128), jnp.float32),
            pltpu.SemaphoreType.DMA,
        ],
    )
    def dispatch(x_hbm, p0_hbm, p1_hbm, w0_hbm, w1_hbm, xs_hbm, ws_hbm,
                 p0_v, p1_v, rows_v, w0_v, w1_v, sem):
        wid = lax.axis_index("s") * 2 + lax.axis_index("c")
        for j in range(TPW // SUB):
            pltpu.sync_copy(p0_hbm.at[wid, j], p0_v)
            pltpu.sync_copy(p1_hbm.at[wid, j], p1_v)
            pltpu.sync_copy(w0_hbm.at[wid, j], w0_v)
            pltpu.sync_copy(w1_hbm.at[wid, j], w1_v)
            pltpu.sync_copy(x_hbm.at[pl.ds(wid * TPW + j * SUB, SUB)], rows_v)
            pltpu.async_copy(rows_v, xs_hbm.at[p0_v], sem).wait()
            pltpu.async_copy(rows_v, xs_hbm.at[p1_v], sem).wait()
            pltpu.async_copy(w0_v, ws_hbm.at[p0_v], sem).wait()
            pltpu.async_copy(w1_v, ws_hbm.at[p1_v], sem).wait()

    return dispatch


def _sc_dispatch(x, p0w, p1w, w0w, w1w):
    nj = TPW // SUB
    return _sc_dispatch_call()(x, p0w.reshape(NW, nj, SUB),
                               p1w.reshape(NW, nj, SUB),
                               w0w.reshape(NW, nj, SUB, 128),
                               w1w.reshape(NW, nj, SUB, 128))



def _gmm_body(meta_ref, x_ref, ws_ref, w1_ref, b1_ref, w2_ref, b2_ref, o_ref):
    t = pl.program_id(0)
    bid = meta_ref[0, t]
    start = meta_ref[2, t]
    end = meta_ref[3, t]
    xb = x_ref[...].astype(jnp.bfloat16)
    h = jnp.dot(xb, w1_ref[0], preferred_element_type=jnp.float32)
    h = jax.nn.gelu(h + b1_ref[0])
    acc = jnp.dot(h.astype(jnp.bfloat16), w2_ref[0],
                  preferred_element_type=jnp.float32)
    acc = (acc + b2_ref[0]) * ws_ref[...][:, :1]
    rid = bid * BM + lax.broadcasted_iota(jnp.int32, (BM, 1), 0)
    mask = (rid >= start) & (rid < end)
    o_ref[...] = jnp.where(mask, acc, o_ref[...])


def _gmm(meta, xs, ws, w1, b1, w2, b2):
    grid_spec = pltpu.PrefetchScalarGridSpec(
        num_scalar_prefetch=1,
        grid=(T_TILES,),
        in_specs=[
            pl.BlockSpec((BM, D), lambda t, m: (m[0, t], 0)),
            pl.BlockSpec((BM, 128), lambda t, m: (m[0, t], 0)),
            pl.BlockSpec((1, D, F), lambda t, m: (m[1, t], 0, 0)),
            pl.BlockSpec((1, 1, F), lambda t, m: (m[1, t], 0, 0)),
            pl.BlockSpec((1, F, D), lambda t, m: (m[1, t], 0, 0)),
            pl.BlockSpec((1, 1, D), lambda t, m: (m[1, t], 0, 0)),
        ],
        out_specs=pl.BlockSpec((BM, D), lambda t, m: (m[0, t], 0)),
    )
    return pl.pallas_call(
        _gmm_body,
        grid_spec=grid_spec,
        out_shape=jax.ShapeDtypeStruct((NA, D), jnp.float32),
        compiler_params=pltpu.CompilerParams(
            dimension_semantics=("arbitrary",)),
    )(meta, xs, ws, w1.astype(jnp.bfloat16), b1.reshape(E, 1, F),
      w2.astype(jnp.bfloat16), b2.reshape(E, 1, D))



@functools.cache
def _sc_combine_call():
    mesh = plsc.VectorSubcoreMesh(core_axis_name="c", subcore_axis_name="s")

    @functools.partial(
        pl.kernel,
        out_type=jax.ShapeDtypeStruct((NT, D), jnp.float32),
        mesh=mesh,
        scratch_types=[
            pltpu.VMEM((TPW,), jnp.int32),
            pltpu.VMEM((TPW,), jnp.int32),
            pltpu.VMEM((SUB, D), jnp.float32),
            pltpu.VMEM((SUB, D), jnp.float32),
            pltpu.SemaphoreType.DMA,
        ],
    )
    def combine(y_hbm, p0_hbm, p1_hbm, o_hbm, p0_v, p1_v, buf0, buf1, sem):
        wid = lax.axis_index("s") * 2 + lax.axis_index("c")
        pltpu.sync_copy(p0_hbm.at[wid], p0_v)
        pltpu.sync_copy(p1_hbm.at[wid], p1_v)
        for j in range(TPW // SUB):
            pltpu.async_copy(y_hbm.at[p0_v.at[pl.ds(j * SUB, SUB)]], buf0,
                             sem).wait()
            pltpu.async_copy(y_hbm.at[p1_v.at[pl.ds(j * SUB, SUB)]], buf1,
                             sem).wait()

            def row_body(i, _):
                for cv in range(D // 16):
                    sl = pl.ds(cv * 16, 16)
                    buf0[i, sl] = buf0[i, sl] + buf1[i, sl]
                return 0

            lax.fori_loop(0, SUB, row_body, 0)
            pltpu.sync_copy(buf0, o_hbm.at[pl.ds(wid * TPW + j * SUB, SUB)])

    return combine


def _sc_combine(y, p0w, p1w):
    return _sc_combine_call()(y, p0w, p1w)



def kernel(hidden_states, W_g, b_g, W1, b1, W2, b2):
    B, S, _ = hidden_states.shape
    x = hidden_states.reshape(NT, D)

    w0, w1, i0, i1, r0, r1, cnt = _gating(x, W_g, b_g)
    comb, meta = _metadata(cnt)
    p0, p1 = _positions(i0, i1, r0, r1, comb)

    p0w = p0.reshape(NW, TPW)
    p1w = p1.reshape(NW, TPW)
    xs, ws = _sc_dispatch(x, p0w, p1w,
                          w0.reshape(NW, TPW, 128), w1.reshape(NW, TPW, 128))
    y = _gmm(meta, xs, ws, W1, b1, W2, b2)
    out = _sc_combine(y, p0w, p1w)
    return out.reshape(B, S, D)

# --- scband reference (transcript-rebuilt; emitter-appended) ---
"""Pipeline reference for scband-mixture-of-experts-66228395705075 (READ-ONLY COPY).

The authoritative reference and input builder live on the scoring server;
editing this copy changes nothing except your own understanding.
"""

import jax, jax.numpy as jnp
import numpy as np

NUM_EXPERTS = 8
TOP_K = 2
D_MODEL = 768
D_FF = 3072
B = 2
S = 2048


def setup_inputs(seed: int = 0):
    key = jax.random.key(seed)
    ks = jax.random.split(key, 8)
    hidden_states = jax.random.normal(ks[0], (B, S, D_MODEL), dtype=jnp.float32)
    W_g = jax.random.normal(ks[1], (D_MODEL, NUM_EXPERTS), dtype=jnp.float32) * 0.02
    b_g = jnp.zeros((NUM_EXPERTS,), dtype=jnp.float32)
    W1 = jax.random.normal(ks[2], (NUM_EXPERTS, D_MODEL, D_FF), dtype=jnp.float32) * 0.02
    b1 = jnp.zeros((NUM_EXPERTS, D_FF), dtype=jnp.float32)
    W2 = jax.random.normal(ks[3], (NUM_EXPERTS, D_FF, D_MODEL), dtype=jnp.float32) * 0.02
    b2 = jnp.zeros((NUM_EXPERTS, D_MODEL), dtype=jnp.float32)
    return {"hidden_states": hidden_states, "W_g": W_g, "b_g": b_g, "W1": W1, "b1": b1, "W2": W2, "b2": b2}


def reference(hidden_states, W_g, b_g, W1, b1, W2, b2):
    # gate
    logits = hidden_states @ W_g + b_g
    expert_weights = jax.nn.softmax(logits, axis=-1)
    top_k_weights, top_k_indices = jax.lax.top_k(expert_weights, TOP_K)
    top_k_weights = top_k_weights / jnp.sum(top_k_weights, axis=-1, keepdims=True)
    output = jnp.zeros_like(hidden_states)
    # Mathematically identical to the torch nested loop: each expert output is
    # computed once and accumulated with the mask/weight for every top-k slot.
    for i in range(NUM_EXPERTS):
        h = jax.nn.gelu(hidden_states @ W1[i] + b1[i])
        expert_output = h @ W2[i] + b2[i]
        for k in range(TOP_K):
            mask = (top_k_indices[:, :, k] == i).astype(hidden_states.dtype)[..., None]
            w = top_k_weights[:, :, k][..., None]
            output = output + mask * w * expert_output
    return output

if __name__ == "__main__":
    import jax
    _d = setup_inputs()
    print(jax.jit(kernel)(*tuple(_d.values())))

</pallas_src>

<mosaic_0001>
#map = affine_map<(d0, d1) -> (0, 0)>
module attributes {stable_mosaic.version = 14 : i64} {
  func.func @combine(%arg0: i32, %arg1: i32, %arg2: memref<8192x768xf32, #tpu.memory_space<hbm>>, %arg3: memref<32x128xi32, #tpu.memory_space<hbm>>, %arg4: memref<32x128xi32, #tpu.memory_space<hbm>>, %arg5: memref<4096x768xf32, #tpu.memory_space<hbm>>, %arg6: memref<128xi32, #tpu.memory_space<vmem>>, %arg7: memref<128xi32, #tpu.memory_space<vmem>>, %arg8: memref<64x768xf32, #tpu.memory_space<vmem>>, %arg9: memref<64x768xf32, #tpu.memory_space<vmem>>, %arg10: memref<!tpu.dma_semaphore, #tpu.memory_space<semaphore_mem>>) attributes {dimension_semantics = [#tpu.dimension_semantics<core_parallel>, #tpu.dimension_semantics<subcore_parallel>], iteration_bounds = array<i64: 2, 16>, scalar_prefetch = 0 : i64, scratch_operands = 5 : i64, tpu.core_type = #tpu.core_type<sc_vector_subcore>, window_params = [{transform_indices = #map}, {transform_indices = #map}, {transform_indices = #map}, {transform_indices = #map}]} {
    %mul3A = arith.constant 2 : i32
    %mul3A_0 = arith.muli %arg1, %mul3A : i32
    %add3A = arith.addi %mul3A_0, %arg0 : i32
    "tpu.region"() ({
      %run_scoped3A = tpu.sem_alloc : memref<!tpu.dma_semaphore, #tpu.memory_space<semaphore_mem>>
      %dma_start3A_60 = arith.constant 0 : i32
      %dma_start3A_61 = tpu.memref_slice %arg3[%add3A, %dma_start3A_60] : memref<32x128xi32, #tpu.memory_space<hbm>> -> memref<1x128xi32, #tpu.memory_space<hbm>>
      %dma_start3A_62 = tpu.memref_squeeze %dma_start3A_61 : memref<1x128xi32, #tpu.memory_space<hbm>> -> memref<128xi32, #tpu.memory_space<hbm>>
      %dma_start3A_63 = arith.constant 0 : i32
      %dma_start3A_64 = tpu.memref_slice %arg3[%add3A, %dma_start3A_63] : memref<32x128xi32, #tpu.memory_space<hbm>> -> memref<1x128xi32, #tpu.memory_space<hbm>>
      %dma_start3A_65 = tpu.memref_squeeze %dma_start3A_64 : memref<1x128xi32, #tpu.memory_space<hbm>> -> memref<128xi32, #tpu.memory_space<hbm>>
      tpu.enqueue_dma source(%dma_start3A_65 : memref<128xi32, #tpu.memory_space<hbm>>) target(%arg6 : memref<128xi32, #tpu.memory_space<vmem>>) target_semaphore(%run_scoped3A : memref<!tpu.dma_semaphore, #tpu.memory_space<semaphore_mem>>)
      %dma_wait3A_66 = arith.constant 0 : i32
      %dma_wait3A_67 = tpu.memref_slice %arg3[%add3A, %dma_wait3A_66] : memref<32x128xi32, #tpu.memory_space<hbm>> -> memref<1x128xi32, #tpu.memory_space<hbm>>
      %dma_wait3A_68 = tpu.memref_squeeze %dma_wait3A_67 : memref<1x128xi32, #tpu.memory_space<hbm>> -> memref<128xi32, #tpu.memory_space<hbm>>
      %dma_wait3A_69 = arith.constant 0 : i32
      %dma_wait3A_70 = tpu.memref_slice %arg3[%add3A, %dma_wait3A_69] : memref<32x128xi32, #tpu.memory_space<hbm>> -> memref<1x128xi32, #tpu.memory_space<hbm>>
      %dma_wait3A_71 = tpu.memref_squeeze %dma_wait3A_70 : memref<1x128xi32, #tpu.memory_space<hbm>> -> memref<128xi32, #tpu.memory_space<hbm>>
      tpu.wait_dma2 semaphore(%run_scoped3A : memref<!tpu.dma_semaphore, #tpu.memory_space<semaphore_mem>>) src(%dma_wait3A_71 : memref<128xi32, #tpu.memory_space<hbm>>) dst(%arg6 : memref<128xi32, #tpu.memory_space<vmem>>)
      tpu.yield
    }) : () -> ()
    "tpu.region"() ({
      %run_scoped3A = tpu.sem_alloc : memref<!tpu.dma_semaphore, #tpu.memory_space<semaphore_mem>>
      %dma_start3A_60 = arith.constant 0 : i32
      %dma_start3A_61 = tpu.memref_slice %arg4[%add3A, %dma_start3A_60] : memref<32x128xi32, #tpu.memory_space<hbm>> -> memref<1x128xi32, #tpu.memory_space<hbm>>
      %dma_start3A_62 = tpu.memref_squeeze %dma_start3A_61 : memref<1x128xi32, #tpu.memory_space<hbm>> -> memref<128xi32, #tpu.memory_space<hbm>>
      %dma_start3A_63 = arith.constant 0 : i32
      %dma_start3A_64 = tpu.memref_slice %arg4[%add3A, %dma_start3A_63] : memref<32x128xi32, #tpu.memory_space<hbm>> -> memref<1x128xi32, #tpu.memory_space<hbm>>
      %dma_start3A_65 = tpu.memref_squeeze %dma_start3A_64 : memref<1x128xi32, #tpu.memory_space<hbm>> -> memref<128xi32, #tpu.memory_space<hbm>>
      tpu.enqueue_dma source(%dma_start3A_65 : memref<128xi32, #tpu.memory_space<hbm>>) target(%arg7 : memref<128xi32, #tpu.memory_space<vmem>>) target_semaphore(%run_scoped3A : memref<!tpu.dma_semaphore, #tpu.memory_space<semaphore_mem>>)
      %dma_wait3A_66 = arith.constant 0 : i32
      %dma_wait3A_67 = tpu.memref_slice %arg4[%add3A, %dma_wait3A_66] : memref<32x128xi32, #tpu.memory_space<hbm>> -> memref<1x128xi32, #tpu.memory_space<hbm>>
      %dma_wait3A_68 = tpu.memref_squeeze %dma_wait3A_67 : memref<1x128xi32, #tpu.memory_space<hbm>> -> memref<128xi32, #tpu.memory_space<hbm>>
      %dma_wait3A_69 = arith.constant 0 : i32
      %dma_wait3A_70 = tpu.memref_slice %arg4[%add3A, %dma_wait3A_69] : memref<32x128xi32, #tpu.memory_space<hbm>> -> memref<1x128xi32, #tpu.memory_space<hbm>>
      %dma_wait3A_71 = tpu.memref_squeeze %dma_wait3A_70 : memref<1x128xi32, #tpu.memory_space<hbm>> -> memref<128xi32, #tpu.memory_space<hbm>>
      tpu.wait_dma2 semaphore(%run_scoped3A : memref<!tpu.dma_semaphore, #tpu.memory_space<semaphore_mem>>) src(%dma_wait3A_71 : memref<128xi32, #tpu.memory_space<hbm>>) dst(%arg7 : memref<128xi32, #tpu.memory_space<vmem>>)
      tpu.yield
    }) : () -> ()
    %dma_start3A = arith.constant 0 : i32
    %dma_start3A_1 = tpu.memref_slice %arg6[%dma_start3A] : memref<128xi32, #tpu.memory_space<vmem>> -> memref<64xi32, #tpu.memory_space<vmem>>
    %dma_start3A_2 = arith.constant 0 : i32
    %dma_start3A_3 = arith.constant 0 : i32
    %dma_start3A_4 = tpu.memref_slice %arg2[%dma_start3A_2, %dma_start3A_3] : memref<8192x768xf32, #tpu.memory_space<hbm>> -> memref<8192x768xf32, #tpu.memory_space<hbm>>
    tpu.enqueue_indirect_dma source(%dma_start3A_4 : memref<8192x768xf32, #tpu.memory_space<hbm>>) target(%arg8 : memref<64x768xf32, #tpu.memory_space<vmem>>) offsets(%dma_start3A_1 : memref<64xi32, #tpu.memory_space<vmem>>) semaphore(%arg10 : memref<!tpu.dma_semaphore, #tpu.memory_space<semaphore_mem>>)
    %dma_wait3A = arith.constant 0 : i32
    %dma_wait3A_5 = tpu.memref_slice %arg6[%dma_wait3A] : memref<128xi32, #tpu.memory_space<vmem>> -> memref<64xi32, #tpu.memory_space<vmem>>
    %dma_wait3A_6 = arith.constant 0 : i32
    %dma_wait3A_7 = arith.constant 0 : i32
    %dma_wait3A_8 = tpu.memref_slice %arg2[%dma_wait3A_6, %dma_wait3A_7] : memref<8192x768xf32, #tpu.memory_space<hbm>> -> memref<8192x768xf32, #tpu.memory_space<hbm>>
    tpu.wait_indirect_dma semaphore(%arg10 : memref<!tpu.dma_semaphore, #tpu.memory_space<semaphore_mem>>) src(%dma_wait3A_8 : memref<8192x768xf32, #tpu.memory_space<hbm>>) dst(%arg8 : memref<64x768xf32, #tpu.memory_space<vmem>>)
    %dma_start3A_9 = arith.constant 0 : i32
    %dma_start3A_10 = tpu.memref_slice %arg7[%dma_start3A_9] : memref<128xi32, #tpu.memory_space<vmem>> -> memref<64xi32, #tpu.memory_space<vmem>>
    %dma_start3A_11 = arith.constant 0 : i32
    %dma_start3A_12 = arith.constant 0 : i32
    %dma_start3A_13 = tpu.memref_slice %arg2[%dma_start3A_11, %dma_start3A_12] : memref<8192x768xf32, #tpu.memory_space<hbm>> -> memref<8192x768xf32, #tpu.memory_space<hbm>>
    tpu.enqueue_indirect_dma source(%dma_start3A_13 : memref<8192x768xf32, #tpu.memory_space<hbm>>) target(%arg9 : memref<64x768xf32, #tpu.memory_space<vmem>>) offsets(%dma_start3A_10 : memref<64xi32, #tpu.memory_space<vmem>>) semaphore(%arg10 : memref<!tpu.dma_semaphore, #tpu.memory_space<semaphore_mem>>)
    %dma_wait3A_14 = arith.constant 0 : i32
    %dma_wait3A_15 = tpu.memref_slice %arg7[%dma_wait3A_14] : memref<128xi32, #tpu.memory_space<vmem>> -> memref<64xi32, #tpu.memory_space<vmem>>
    %dma_wait3A_16 = arith.constant 0 : i32
    %dma_wait3A_17 = arith.constant 0 : i32
    %dma_wait3A_18 = tpu.memref_slice %arg2[%dma_wait3A_16, %dma_wait3A_17] : memref<8192x768xf32, #tpu.memory_space<hbm>> -> memref<8192x768xf32, #tpu.memory_space<hbm>>
    tpu.wait_indirect_dma semaphore(%arg10 : memref<!tpu.dma_semaphore, #tpu.memory_space<semaphore_mem>>) src(%dma_wait3A_18 : memref<8192x768xf32, #tpu.memory_space<hbm>>) dst(%arg9 : memref<64x768xf32, #tpu.memory_space<vmem>>)
    %scan3A = arith.constant 0 : i32
    %scan3A_19 = arith.constant 0 : i32
    %scan3A_20 = arith.constant 64 : i32
    %scan3A_21 = arith.addi %scan3A_19, %scan3A_20 : i32
    %scan3A_22 = arith.constant 1 : i32
    %scan3A_23 = scf.for %scan3A_60 = %scan3A_19 to %scan3A_21 step %scan3A_22 iter_args(%scan3A_61 = %scan3A) -> (i32)  : i32 {
      %get3A = arith.index_cast %scan3A_60 : i32 to index
      %get3A_62 = arith.constant 0 : index
      %get3A_63 = tpu.vector_load %arg8[%get3A, %get3A_62] {strides = array<i32>} : memref<64x768xf32, #tpu.memory_space<vmem>>, vector<1x16xf32>,
      %get3A_64 = vector.shape_cast %get3A_63 : vector<1x16xf32> to vector<16xf32>
      %get3A_65 = arith.index_cast %scan3A_60 : i32 to index
      %get3A_66 = arith.constant 0 : index
      %get3A_67 = tpu.vector_load %arg9[%get3A_65, %get3A_66] {strides = array<i32>} : memref<64x768xf32, #tpu.memory_space<vmem>>, vector<1x16xf32>,
      %get3A_68 = vector.shape_cast %get3A_67 : vector<1x16xf32> to vector<16xf32>
      %add3A_69 = arith.addf %get3A_64, %get3A_68 : vector<16xf32>
      %swap3A = arith.index_cast %scan3A_60 : i32 to index
      %swap3A_70 = arith.constant 0 : index
      %swap3A_71 = tpu.vector_load %arg8[%swap3A, %swap3A_70] {strides = array<i32>} : memref<64x768xf32, #tpu.memory_space<vmem>>, vector<1x16xf32>,
      %swap3A_72 = vector.shape_cast %swap3A_71 : vector<1x16xf32> to vector<16xf32>
      %swap3A_73 = vector.shape_cast %add3A_69 : vector<16xf32> to vector<1x16xf32>
      tpu.vector_store %arg8[%swap3A, %swap3A_70], %swap3A_73 {strides = array<i32>} : memref<64x768xf32, #tpu.memory_space<vmem>>, vector<1x16xf32>,
      %get3A_74 = arith.index_cast %scan3A_60 : i32 to index
      %get3A_75 = arith.constant 16 : index
      %get3A_76 = tpu.vector_load %arg8[%get3A_74, %get3A_75] {strides = array<i32>} : memref<64x768xf32, #tpu.memory_space<vmem>>, vector<1x16xf32>,
      %get3A_77 = vector.shape_cast %get3A_76 : vector<1x16xf32> to vector<16xf32>
      %get3A_78 = arith.index_cast %scan3A_60 : i32 to index
      %get3A_79 = arith.constant 16 : index
      %get3A_80 = tpu.vector_load %arg9[%get3A_78, %get3A_79] {strides = array<i32>} : memref<64x768xf32, #tpu.memory_space<vmem>>, vector<1x16xf32>,
      %get3A_81 = vector.shape_cast %get3A_80 : vector<1x16xf32> to vector<16xf32>
      %add3A_82 = arith.addf %get3A_77, %get3A_81 : vector<16xf32>
      %swap3A_83 = arith.index_cast %scan3A_60 : i32 to index
      %swap3A_84 = arith.constant 16 : index
      %swap3A_85 = tpu.vector_load %arg8[%swap3A_83, %swap3A_84] {strides = array<i32>} : memref<64x768xf32, #tpu.memory_space<vmem>>, vector<1x16xf32>,
      %swap3A_86 = vector.shape_cast %swap3A_85 : vector<1x16xf32> to vector<16xf32>
      %swap3A_87 = vector.shape_cast %add3A_82 : vector<16xf32> to vector<1x16xf32>
      tpu.vector_store %arg8[%swap3A_83, %swap3A_84], %swap3A_87 {strides = array<i32>} : memref<64x768xf32, #tpu.memory_space<vmem>>, vector<1x16xf32>,
      %get3A_88 = arith.index_cast %scan3A_60 : i32 to index
      %get3A_89 = arith.constant 32 : index
      %get3A_90 = tpu.vector_load %arg8[%get3A_88, %get3A_89] {strides = array<i32>} : memref<64x768xf32, #tpu.memory_space<vmem>>, vector<1x16xf32>,
      %get3A_91 = vector.shape_cast %get3A_90 : vector<1x16xf32> to vector<16xf32>
      %get3A_92 = arith.index_cast %scan3A_60 : i32 to index
      %get3A_93 = arith.constant 32 : index
      %get3A_94 = tpu.vector_load %arg9[%get3A_92, %get3A_93] {strides = array<i32>} : memref<64x768xf32, #tpu.memory_space<vmem>>, vector<1x16xf32>,
      %get3A_95 = vector.shape_cast %get3A_94 : vector<1x16xf32> to vector<16xf32>
      %add3A_96 = arith.addf %get3A_91, %get3A_95 : vector<16xf32>
      %swap3A_97 = arith.index_cast %scan3A_60 : i32 to index
      %swap3A_98 = arith.constant 32 : index
      %swap3A_99 = tpu.vector_load %arg8[%swap3A_97, %swap3A_98] {strides = array<i32>} : memref<64x768xf32, #tpu.memory_space<vmem>>, vector<1x16xf32>,
      %swap3A_100 = vector.shape_cast %swap3A_99 : vector<1x16xf32> to vector<16xf32>
      %swap3A_101 = vector.shape_cast %add3A_96 : vector<16xf32> to vector<1x16xf32>
      tpu.vector_store %arg8[%swap3A_97, %swap3A_98], %swap3A_101 {strides = array<i32>} : memref<64x768xf32, #tpu.memory_space<vmem>>, vector<1x16xf32>,
      %get3A_102 = arith.index_cast %scan3A_60 : i32 to index
      %get3A_103 = arith.constant 48 : index
      %get3A_104 = tpu.vector_load %arg8[%get3A_102, %get3A_103] {strides = array<i32>} : memref<64x768xf32, #tpu.memory_space<vmem>>, vector<1x16xf32>,
      %get3A_105 = vector.shape_cast %get3A_104 : vector<1x16xf32> to vector<16xf32>
      %get3A_106 = arith.index_cast %scan3A_60 : i32 to index
      %get3A_107 = arith.constant 48 : index
      %get3A_108 = tpu.vector_load %arg9[%get3A_106, %get3A_107] {strides = array<i32>} : memref<64x768xf32, #tpu.memory_space<vmem>>, vector<1x16xf32>,
      %get3A_109 = vector.shape_cast %get3A_108 : vector<1x16xf32> to vector<16xf32>
      %add3A_110 = arith.addf %get3A_105, %get3A_109 : vector<16xf32>
      %swap3A_111 = arith.index_cast %scan3A_60 : i32 to index
      %swap3A_112 = arith.constant 48 : index
      %swap3A_113 = tpu.vector_load %arg8[%swap3A_111, %swap3A_112] {strides = array<i32>} : memref<64x768xf32, #tpu.memory_space<vmem>>, vector<1x16xf32>,
      %swap3A_114 = vector.shape_cast %swap3A_113 : vector<1x16xf32> to vector<16xf32>
      %swap3A_115 = vector.shape_cast %add3A_110 : vector<16xf32> to vector<1x16xf32>
      tpu.vector_store %arg8[%swap3A_111, %swap3A_112], %swap3A_115 {strides = array<i32>} : memref<64x768xf32, #tpu.memory_space<vmem>>, vector<1x16xf32>,
      %get3A_116 = arith.index_cast %scan3A_60 : i32 to index
      %get3A_117 = arith.constant 64 : index
      %get3A_118 = tpu.vector_load %arg8[%get3A_116, %get3A_117] {strides = array<i32>} : memref<64x768xf32, #tpu.memory_space<vmem>>, vector<1x16xf32>,
      %get3A_119 = vector.shape_cast %get3A_118 : vector<1x16xf32> to vector<16xf32>
      %get3A_120 = arith.index_cast %scan3A_60 : i32 to index
      %get3A_121 = arith.constant 64 : index
      %get3A_122 = tpu.vector_load %arg9[%get3A_120, %get3A_121] {strides = array<i32>} : memref<64x768xf32, #tpu.memory_space<vmem>>, vector<1x16xf32>,
      %get3A_123 = vector.shape_cast %get3A_122 : vector<1x16xf32> to vector<16xf32>
      %add3A_124 = arith.addf %get3A_119, %get3A_123 : vector<16xf32>
      %swap3A_125 = arith.index_cast %scan3A_60 : i32 to index
      %swap3A_126 = arith.constant 64 : index
      %swap3A_127 = tpu.vector_load %arg8[%swap3A_125, %swap3A_126] {strides = array<i32>} : memref<64x768xf32, #tpu.memory_space<vmem>>, vector<1x16xf32>,
      %swap3A_128 = vector.shape_cast %swap3A_127 : vector<1x16xf32> to vector<16xf32>
      %swap3A_129 = vector.shape_cast %add3A_124 : vector<16xf32> to vector<1x16xf32>
      tpu.vector_store %arg8[%swap3A_125, %swap3A_126], %swap3A_129 {strides = array<i32>} : memref<64x768xf32, #tpu.memory_space<vmem>>, vector<1x16xf32>,
      %get3A_130 = arith.index_cast %scan3A_60 : i32 to index
      %get3A_131 = arith.constant 80 : index
      %get3A_132 = tpu.vector_load %arg8[%get3A_130, %get3A_131] {strides = array<i32>} : memref<64x768xf32, #tpu.memory_space<vmem>>, vector<1x16xf32>,
      %get3A_133 = vector.shape_cast %get3A_132 : vector<1x16xf32> to vector<16xf32>
      %get3A_134 = arith.index_cast %scan3A_60 : i32 to index
      %get3A_135 = arith.constant 80 : index
      %get3A_136 = tpu.vector_load %arg9[%get3A_134, %get3A_135] {strides = array<i32>} : memref<64x768xf32, #tpu.memory_space<vmem>>, vector<1x16xf32>,
      %get3A_137 = vector.shape_cast %get3A_136 : vector<1x16xf32> to vector<16xf32>
      %add3A_138 = arith.addf %get3A_133, %get3A_137 : vector<16xf32>
      %swap3A_139 = arith.index_cast %scan3A_60 : i32 to index
      %swap3A_140 = arith.constant 80 : index
      %swap3A_141 = tpu.vector_load %arg8[%swap3A_139, %swap3A_140] {strides = array<i32>} : memref<64x768xf32, #tpu.memory_space<vmem>>, vector<1x16xf32>,
      %swap3A_142 = vector.shape_cast %swap3A_141 : vector<1x16xf32> to vector<16xf32>
      %swap3A_143 = vector.shape_cast %add3A_138 : vector<16xf32> to vector<1x16xf32>
      tpu.vector_store %arg8[%swap3A_139, %swap3A_140], %swap3A_143 {strides = array<i32>} : memref<64x768xf32, #tpu.memory_space<vmem>>, vector<1x16xf32>,
      %get3A_144 = arith.index_cast %scan3A_60 : i32 to index
      %get3A_145 = arith.constant 96 : index
      %get3A_146 = tpu.vector_load %arg8[%get3A_144, %get3A_145] {strides = array<i32>} : memref<64x768xf32, #tpu.memory_space<vmem>>, vector<1x16xf32>,
      %get3A_147 = vector.shape_cast %get3A_146 : vector<1x16xf32> to vector<16xf32>
      %get3A_148 = arith.index_cast %scan3A_60 : i32 to index
      %get3A_149 = arith.constant 96 : index
      %get3A_150 = tpu.vector_load %arg9[%get3A_148, %get3A_149] {strides = array<i32>} : memref<64x768xf32, #tpu.memory_space<vmem>>, vector<1x16xf32>,
      %get3A_151 = vector.shape_cast %get3A_150 : vector<1x16xf32> to vector<16xf32>
      %add3A_152 = arith.addf %get3A_147, %get3A_151 : vector<16xf32>
      %swap3A_153 = arith.index_cast %scan3A_60 : i32 to index
      %swap3A_154 = arith.constant 96 : index
      %swap3A_155 = tpu.vector_load %arg8[%swap3A_153, %swap3A_154] {strides = array<i32>} : memref<64x768xf32, #tpu.memory_space<vmem>>, vector<1x16xf32>,
      %swap3A_156 = vector.shape_cast %swap3A_155 : vector<1x16xf32> to vector<16xf32>
      %swap3A_157 = vector.shape_cast %add3A_152 : vector<16xf32> to vector<1x16xf32>
      tpu.vector_store %arg8[%swap3A_153, %swap3A_154], %swap3A_157 {strides = array<i32>} : memref<64x768xf32, #tpu.memory_space<vmem>>, vector<1x16xf32>,
      %get3A_158 = arith.index_cast %scan3A_60 : i32 to index
      %get3A_159 = arith.constant 112 : index
      %get3A_160 = tpu.vector_load %arg8[%get3A_158, %get3A_159] {strides = array<i32>} : memref<64x768xf32, #tpu.memory_space<vmem>>, vector<1x16xf32>,
      %get3A_161 = vector.shape_cast %get3A_160 : vector<1x16xf32> to vector<16xf32>
      %get3A_162 = arith.index_cast %scan3A_60 : i32 to index
      %get3A_163 = arith.constant 112 : index
      %get3A_164 = tpu.vector_load %arg9[%get3A_162, %get3A_163] {strides = array<i32>} : memref<64x768xf32, #tpu.memory_space<vmem>>, vector<1x16xf32>,
      %get3A_165 = vector.shape_cast %get3A_164 : vector<1x16xf32> to vector<16xf32>
      %add3A_166 = arith.addf %get3A_161, %get3A_165 : vector<16xf32>
      %swap3A_167 = arith.index_cast %scan3A_60 : i32 to index
      %swap3A_168 = arith.constant 112 : index
      %swap3A_169 = tpu.vector_load %arg8[%swap3A_167, %swap3A_168] {strides = array<i32>} : memref<64x768xf32, #tpu.memory_space<vmem>>, vector<1x16xf32>,
      %swap3A_170 = vector.shape_cast %swap3A_169 : vector<1x16xf32> to vector<16xf32>
      %swap3A_171 = vector.shape_cast %add3A_166 : vector<16xf32> to vector<1x16xf32>
      tpu.vector_store %arg8[%swap3A_167, %swap3A_168], %swap3A_171 {strides = array<i32>} : memref<64x768xf32, #tpu.memory_space<vmem>>, vector<1x16xf32>,
      %get3A_172 = arith.index_cast %scan3A_60 : i32 to index
      %get3A_173 = arith.constant 128 : index
      %get3A_174 = tpu.vector_load %arg8[%get3A_172, %get3A_173] {strides = array<i32>} : memref<64x768xf32, #tpu.memory_space<vmem>>, vector<1x16xf32>,
      %get3A_175 = vector.shape_cast %get3A_174 : vector<1x16xf32> to vector<16xf32>
      %get3A_176 = arith.index_cast %scan3A_60 : i32 to index
      %get3A_177 = arith.constant 128 : index
      %get3A_178 = tpu.vector_load %arg9[%get3A_176, %get3A_177] {strides = array<i32>} : memref<64x768xf32, #tpu.memory_space<vmem>>, vector<1x16xf32>,
      %get3A_179 = vector.shape_cast %get3A_178 : vector<1x16xf32> to vector<16xf32>
      %add3A_180 = arith.addf %get3A_175, %get3A_179 : vector<16xf32>
      %swap3A_181 = arith.index_cast %scan3A_60 : i32 to index
      %swap3A_182 = arith.constant 128 : index
      %swap3A_183 = tpu.vector_load %arg8[%swap3A_181, %swap3A_182] {strides = array<i32>} : memref<64x768xf32, #tpu.memory_space<vmem>>, vector<1x16xf32>,
      %swap3A_184 = vector.shape_cast %swap3A_183 : vector<1x16xf32> to vector<16xf32>
      %swap3A_185 = vector.shape_cast %add3A_180 : vector<16xf32> to vector<1x16xf32>
      tpu.vector_store %arg8[%swap3A_181, %swap3A_182], %swap3A_185 {strides = array<i32>} : memref<64x768xf32, #tpu.memory_space<vmem>>, vector<1x16xf32>,
      %get3A_186 = arith.index_cast %scan3A_60 : i32 to index
      %get3A_187 = arith.constant 144 : index
      %get3A_188 = tpu.vector_load %arg8[%get3A_186, %get3A_187] {strides = array<i32>} : memref<64x768xf32, #tpu.memory_space<vmem>>, vector<1x16xf32>,
      %get3A_189 = vector.shape_cast %get3A_188 : vector<1x16xf32> to vector<16xf32>
      %get3A_190 = arith.index_cast %scan3A_60 : i32 to index
      %get3A_191 = arith.constant 144 : index
      %get3A_192 = tpu.vector_load %arg9[%get3A_190, %get3A_191] {strides = array<i32>} : memref<64x768xf32, #tpu.memory_space<vmem>>, vector<1x16xf32>,
      %get3A_193 = vector.shape_cast %get3A_192 : vector<1x16xf32> to vector<16xf32>
      %add3A_194 = arith.addf %get3A_189, %get3A_193 : vector<16xf32>
      %swap3A_195 = arith.index_cast %scan3A_60 : i32 to index
      %swap3A_196 = arith.constant 144 : index
      %swap3A_197 = tpu.vector_load %arg8[%swap3A_195, %swap3A_196] {strides = array<i32>} : memref<64x768xf32, #tpu.memory_space<vmem>>, vector<1x16xf32>,
      %swap3A_198 = vector.shape_cast %swap3A_197 : vector<1x16xf32> to vector<16xf32>
      %swap3A_199 = vector.shape_cast %add3A_194 : vector<16xf32> to vector<1x16xf32>
      tpu.vector_store %arg8[%swap3A_195, %swap3A_196], %swap3A_199 {strides = array<i32>} : memref<64x768xf32, #tpu.memory_space<vmem>>, vector<1x16xf32>,
      %get3A_200 = arith.index_cast %scan3A_60 : i32 to index
      %get3A_201 = arith.constant 160 : index
      %get3A_202 = tpu.vector_load %arg8[%get3A_200, %get3A_201] {strides = array<i32>} : memref<64x768xf32, #tpu.memory_space<vmem>>, vector<1x16xf32>,
      %get3A_203 = vector.shape_cast %get3A_202 : vector<1x16xf32> to vector<16xf32>
      %get3A_204 = arith.index_cast %scan3A_60 : i32 to index
      %get3A_205 = arith.constant 160 : index
      %get3A_206 = tpu.vector_load %arg9[%get3A_204, %get3A_205] {strides = array<i32>} : memref<64x768xf32, #tpu.memory_space<vmem>>, vector<1x16xf32>,
      %get3A_207 = vector.shape_cast %get3A_206 : vector<1x16xf32> to vector<16xf32>
      %add3A_208 = arith.addf %get3A_203, %get3A_207 : vector<16xf32>
      %swap3A_209 = arith.index_cast %scan3A_60 : i32 to index
      %swap3A_210 = arith.constant 160 : index
      %swap3A_211 = tpu.vector_load %arg8[%swap3A_209, %swap3A_210] {strides = array<i32>} : memref<64x768xf32, #tpu.memory_space<vmem>>, vector<1x16xf32>,
      %swap3A_212 = vector.shape_cast %swap3A_211 : vector<1x16xf32> to vector<16xf32>
      %swap3A_213 = vector.shape_cast %add3A_208 : vector<16xf32> to vector<1x16xf32>
      tpu.vector_store %arg8[%swap3A_209, %swap3A_210], %swap3A_213 {strides = array<i32>} : memref<64x768xf32, #tpu.memory_space<vmem>>, vector<1x16xf32>,
      %get3A_214 = arith.index_cast %scan3A_60 : i32 to index
      %get3A_215 = arith.constant 176 : index
      %get3A_216 = tpu.vector_load %arg8[%get3A_214, %get3A_215] {strides = array<i32>} : memref<64x768xf32, #tpu.memory_space<vmem>>, vector<1x16xf32>,
      %get3A_217 = vector.shape_cast %get3A_216 : vector<1x16xf32> to vector<16xf32>
      %get3A_218 = arith.index_cast %scan3A_60 : i32 to index
      %get3A_219 = arith.constant 176 : index
      %get3A_220 = tpu.vector_load %arg9[%get3A_218, %get3A_219] {strides = array<i32>} : memref<64x768xf32, #tpu.memory_space<vmem>>, vector<1x16xf32>,
      %get3A_221 = vector.shape_cast %get3A_220 : vector<1x16xf32> to vector<16xf32>
      %add3A_222 = arith.addf %get3A_217, %get3A_221 : vector<16xf32>
      %swap3A_223 = arith.index_cast %scan3A_60 : i32 to index
      %swap3A_224 = arith.constant 176 : index
      %swap3A_225 = tpu.vector_load %arg8[%swap3A_223, %swap3A_224] {strides = array<i32>} : memref<64x768xf32, #tpu.memory_space<vmem>>, vector<1x16xf32>,
      %swap3A_226 = vector.shape_cast %swap3A_225 : vector<1x16xf32> to vector<16xf32>
      %swap3A_227 = vector.shape_cast %add3A_222 : vector<16xf32> to vector<1x16xf32>
      tpu.vector_store %arg8[%swap3A_223, %swap3A_224], %swap3A_227 {strides = array<i32>} : memref<64x768xf32, #tpu.memory_space<vmem>>, vector<1x16xf32>,
      %get3A_228 = arith.index_cast %scan3A_60 : i32 to index
      %get3A_229 = arith.constant 192 : index
      %get3A_230 = tpu.vector_load %arg8[%get3A_228, %get3A_229] {strides = array<i32>} : memref<64x768xf32, #tpu.memory_space<vmem>>, vector<1x16xf32>,
      %get3A_231 = vector.shape_cast %get3A_230 : vector<1x16xf32> to vector<16xf32>
      %get3A_232 = arith.index_cast %scan3A_60 : i32 to index
      %get3A_233 = arith.constant 192 : index
      %get3A_234 = tpu.vector_load %arg9[%get3A_232, %get3A_233] {strides = array<i32>} : memref<64x768xf32, #tpu.memory_space<vmem>>, vector<1x16xf32>,
      %get3A_235 = vector.shape_cast %get3A_234 : vector<1x16xf32> to vector<16xf32>
      %add3A_236 = arith.addf %get3A_231, %get3A_235 : vector<16xf32>
      %swap3A_237 = arith.index_cast %scan3A_60 : i32 to index
      %swap3A_238 = arith.constant 192 : index
      %swap3A_239 = tpu.vector_load %arg8[%swap3A_237, %swap3A_238] {strides = array<i32>} : memref<64x768xf32, #tpu.memory_space<vmem>>, vector<1x16xf32>,
      %swap3A_240 = vector.shape_cast %swap3A_239 : vector<1x16xf32> to vector<16xf32>
      %swap3A_241 = vector.shape_cast %add3A_236 : vector<16xf32> to vector<1x16xf32>
      tpu.vector_store %arg8[%swap3A_237, %swap3A_238], %swap3A_241 {strides = array<i32>} : memref<64x768xf32, #tpu.memory_space<vmem>>, vector<1x16xf32>,
      %get3A_242 = arith.index_cast %scan3A_60 : i32 to index
      %get3A_243 = arith.constant 208 : index
      %get3A_244 = tpu.vector_load %arg8[%get3A_242, %get3A_243] {strides = array<i32>} : memref<64x768xf32, #tpu.memory_space<vmem>>, vector<1x16xf32>,
      %get3A_245 = vector.shape_cast %get3A_244 : vector<1x16xf32> to vector<16xf32>
      %get3A_246 = arith.index_cast %scan3A_60 : i32 to index
      %get3A_247 = arith.constant 208 : index
      %get3A_248 = tpu.vector_load %arg9[%get3A_246, %get3A_247] {strides = array<i32>} : memref<64x768xf32, #tpu.memory_space<vmem>>, vector<1x16xf32>,
      %get3A_249 = vector.shape_cast %get3A_248 : vector<1x16xf32> to vector<16xf32>
      %add3A_250 = arith.addf %get3A_245, %get3A_249 : vector<16xf32>
      %swap3A_251 = arith.index_cast %scan3A_60 : i32 to index
      %swap3A_252 = arith.constant 208 : index
      %swap3A_253 = tpu.vector_load %arg8[%swap3A_251, %swap3A_252] {strides = array<i32>} : memref<64x768xf32, #tpu.memory_space<vmem>>, vector<1x16xf32>,
      %swap3A_254 = vector.shape_cast %swap3A_253 : vector<1x16xf32> to vector<16xf32>
      %swap3A_255 = vector.shape_cast %add3A_250 : vector<16xf32> to vector<1x16xf32>
      tpu.vector_store %arg8[%swap3A_251, %swap3A_252], %swap3A_255 {strides = array<i32>} : memref<64x768xf32, #tpu.memory_space<vmem>>, vector<1x16xf32>,
      %get3A_256 = arith.index_cast %scan3A_60 : i32 to index
      %get3A_257 = arith.constant 224 : index
      %get3A_258 = tpu.vector_load %arg8[%get3A_256, %get3A_257] {strides = array<i32>} : memref<64x768xf32, #tpu.memory_space<vmem>>, vector<1x16xf32>,
      %get3A_259 = vector.shape_cast %get3A_258 : vector<1x16xf32> to vector<16xf32>
      %get3A_260 = arith.index_cast %scan3A_60 : i32 to index
      %get3A_261 = arith.constant 224 : index
      %get3A_262 = tpu.vector_load %arg9[%get3A_260, %get3A_261] {strides = array<i32>} : memref<64x768xf32, #tpu.memory_space<vmem>>, vector<1x16xf32>,
      %get3A_263 = vector.shape_cast %get3A_262 : vector<1x16xf32> to vector<16xf32>
      %add3A_264 = arith.addf %get3A_259, %get3A_263 : vector<16xf32>
      %swap3A_265 = arith.index_cast %scan3A_60 : i32 to index
      %swap3A_266 = arith.constant 224 : index
      %swap3A_267 = tpu.vector_load %arg8[%swap3A_265, %swap3A_266] {strides = array<i32>} : memref<64x768xf32, #tpu.memory_space<vmem>>, vector<1x16xf32>,
      %swap3A_268 = vector.shape_cast %swap3A_267 : vector<1x16xf32> to vector<16xf32>
      %swap3A_269 = vector.shape_cast %add3A_264 : vector<16xf32> to vector<1x16xf32>
      tpu.vector_store %arg8[%swap3A_265, %swap3A_266], %swap3A_269 {strides = array<i32>} : memref<64x768xf32, #tpu.memory_space<vmem>>, vector<1x16xf32>,
      %get3A_270 = arith.index_cast %scan3A_60 : i32 to index
      %get3A_271 = arith.constant 240 : index
      %get3A_272 = tpu.vector_load %arg8[%get3A_270, %get3A_271] {strides = array<i32>} : memref<64x768xf32, #tpu.memory_space<vmem>>, vector<1x16xf32>,
      %get3A_273 = vector.shape_cast %get3A_272 : vector<1x16xf32> to vector<16xf32>
      %get3A_274 = arith.index_cast %scan3A_60 : i32 to index
      %get3A_275 = arith.constant 240 : index
      %get3A_276 = tpu.vector_load %arg9[%get3A_274, %get3A_275] {strides = array<i32>} : memref<64x768xf32, #tpu.memory_space<vmem>>, vector<1x16xf32>,
      %get3A_277 = vector.shape_cast %get3A_276 : vector<1x16xf32> to vector<16xf32>
      %add3A_278 = arith.addf %get3A_273, %get3A_277 : vector<16xf32>
      %swap3A_279 = arith.index_cast %scan3A_60 : i32 to index
      %swap3A_280 = arith.constant 240 : index
      %swap3A_281 = tpu.vector_load %arg8[%swap3A_279, %swap3A_280] {strides = array<i32>} : memref<64x768xf32, #tpu.memory_space<vmem>>, vector<1x16xf32>,
      %swap3A_282 = vector.shape_cast %swap3A_281 : vector<1x16xf32> to vector<16xf32>
      %swap3A_283 = vector.shape_cast %add3A_278 : vector<16xf32> to vector<1x16xf32>
      tpu.vector_store %arg8[%swap3A_279, %swap3A_280], %swap3A_283 {strides = array<i32>} : memref<64x768xf32, #tpu.memory_space<vmem>>, vector<1x16xf32>,
      %get3A_284 = arith.index_cast %scan3A_60 : i32 to index
      %get3A_285 = arith.constant 256 : index
      %get3A_286 = tpu.vector_load %arg8[%get3A_284, %get3A_285] {strides = array<i32>} : memref<64x768xf32, #tpu.memory_space<vmem>>, vector<1x16xf32>,
      %get3A_287 = vector.shape_cast %get3A_286 : vector<1x16xf32> to vector<16xf32>
      %get3A_288 = arith.index_cast %scan3A_60 : i32 to index
      %get3A_289 = arith.constant 256 : index
      %get3A_290 = tpu.vector_load %arg9[%get3A_288, %get3A_289] {strides = array<i32>} : memref<64x768xf32, #tpu.memory_space<vmem>>, vector<1x16xf32>,
      %get3A_291 = vector.shape_cast %get3A_290 : vector<1x16xf32> to vector<16xf32>
      %add3A_292 = arith.addf %get3A_287, %get3A_291 : vector<16xf32>
      %swap3A_293 = arith.index_cast %scan3A_60 : i32 to index
      %swap3A_294 = arith.constant 256 : index
      %swap3A_295 = tpu.vector_load %arg8[%swap3A_293, %swap3A_294] {strides = array<i32>} : memref<64x768xf32, #tpu.memory_space<vmem>>, vector<1x16xf32>,
      %swap3A_296 = vector.shape_cast %swap3A_295 : vector<1x16xf32> to vector<16xf32>
      %swap3A_297 = vector.shape_cast %add3A_292 : vector<16xf32> to vector<1x16xf32>
      tpu.vector_store %arg8[%swap3A_293, %swap3A_294], %swap3A_297 {strides = array<i32>} : memref<64x768xf32, #tpu.memory_space<vmem>>, vector<1x16xf32>,
      %get3A_298 = arith.index_cast %scan3A_60 : i32 to index
      %get3A_299 = arith.constant 272 : index
      %get3A_300 = tpu.vector_load %arg8[%get3A_298, %get3A_299] {strides = array<i32>} : memref<64x768xf32, #tpu.memory_space<vmem>>, vector<1x16xf32>,
      %get3A_301 = vector.shape_cast %get3A_300 : vector<1x16xf32> to vector<16xf32>
      %get3A_302 = arith.index_cast %scan3A_60 : i32 to index
      %get3A_303 = arith.constant 272 : index
      %get3A_304 = tpu.vector_load %arg9[%get3A_302, %get3A_303] {strides = array<i32>} : memref<64x768xf32, #tpu.memory_space<vmem>>, vector<1x16xf32>,
      %get3A_305 = vector.shape_cast %get3A_304 : vector<1x16xf32> to vector<16xf32>
      %add3A_306 = arith.addf %get3A_301, %get3A_305 : vector<16xf32>
      %swap3A_307 = arith.index_cast %scan3A_60 : i32 to index
      %swap3A_308 = arith.constant 272 : index
      %swap3A_309 = tpu.vector_load %arg8[%swap3A_307, %swap3A_308] {strides = array<i32>} : memref<64x768xf32, #tpu.memory_space<vmem>>, vector<1x16xf32>,
      %swap3A_310 = vector.shape_cast %swap3A_309 : vector<1x16xf32> to vector<16xf32>
      %swap3A_311 = vector.shape_cast %add3A_306 : vector<16xf32> to vector<1x16xf32>
      tpu.vector_store %arg8[%swap3A_307, %swap3A_308], %swap3A_311 {strides = array<i32>} : memref<64x768xf32, #tpu.memory_space<vmem>>, vector<1x16xf32>,
      %get3A_312 = arith.index_cast %scan3A_60 : i32 to index
      %get3A_313 = arith.constant 288 : index
      %get3A_314 = tpu.vector_load %arg8[%get3A_312, %get3A_313] {strides = array<i32>} : memref<64x768xf32, #tpu.memory_space<vmem>>, vector<1x16xf32>,
      %get3A_315 = vector.shape_cast %get3A_314 : vector<1x16xf32> to vector<16xf32>
      %get3A_316 = arith.index_cast %scan3A_60 : i32 to index
      %get3A_317 = arith.constant 288 : index
      %get3A_318 = tpu.vector_load %arg9[%get3A_316, %get3A_317] {strides = array<i32>} : memref<64x768xf32, #tpu.memory_space<vmem>>, vector<1x16xf32>,
      %get3A_319 = vector.shape_cast %get3A_318 : vector<1x16xf32> to vector<16xf32>
      %add3A_320 = arith.addf %get3A_315, %get3A_319 : vector<16xf32>
      %swap3A_321 = arith.index_cast %scan3A_60 : i32 to index
      %swap3A_322 = arith.constant 288 : index
      %swap3A_323 = tpu.vector_load %arg8[%swap3A_321, %swap3A_322] {strides = array<i32>} : memref<64x768xf32, #tpu.memory_space<vmem>>, vector<1x16xf32>,
      %swap3A_324 = vector.shape_cast %swap3A_323 : vector<1x16xf32> to vector<16xf32>
      %swap3A_325 = vector.shape_cast %add3A_320 : vector<16xf32> to vector<1x16xf32>
      tpu.vector_store %arg8[%swap3A_321, %swap3A_322], %swap3A_325 {strides = array<i32>} : memref<64x768xf32, #tpu.memory_space<vmem>>, vector<1x16xf32>,
      %get3A_326 = arith.index_cast %scan3A_60 : i32 to index
      %get3A_327 = arith.constant 304 : index
      %get3A_328 = tpu.vector_load %arg8[%get3A_326, %get3A_327] {strides = array<i32>} : memref<64x768xf32, #tpu.memory_space<vmem>>, vector<1x16xf32>,
      %get3A_329 = vector.shape_cast %get3A_328 : vector<1x16xf32> to vector<16xf32>
      %get3A_330 = arith.index_cast %scan3A_60 : i32 to index
      %get3A_331 = arith.constant 304 : index
      %get3A_332 = tpu.vector_load %arg9[%get3A_330, %get3A_331] {strides = array<i32>} : memref<64x768xf32, #tpu.memory_space<vmem>>, vector<1x16xf32>,
      %get3A_333 = vector.shape_cast %get3A_332 : vector<1x16xf32> to vector<16xf32>
      %add3A_334 = arith.addf %get3A_329, %get3A_333 : vector<16xf32>
      %swap3A_335 = arith.index_cast %scan3A_60 : i32 to index
      %swap3A_336 = arith.constant 304 : index
      %swap3A_337 = tpu.vector_load %arg8[%swap3A_335, %swap3A_336] {strides = array<i32>} : memref<64x768xf32, #tpu.memory_space<vmem>>, vector<1x16xf32>,
      %swap3A_338 = vector.shape_cast %swap3A_337 : vector<1x16xf32> to vector<16xf32>
      %swap3A_339 = vector.shape_cast %add3A_334 : vector<16xf32> to vector<1x16xf32>
      tpu.vector_store %arg8[%swap3A_335, %swap3A_336], %swap3A_339 {strides = array<i32>} : memref<64x768xf32, #tpu.memory_space<vmem>>, vector<1x16xf32>,
      %get3A_340 = arith.index_cast %scan3A_60 : i32 to index
      %get3A_341 = arith.constant 320 : index
      %get3A_342 = tpu.vector_load %arg8[%get3A_340, %get3A_341] {strides = array<i32>} : memref<64x768xf32, #tpu.memory_space<vmem>>, vector<1x16xf32>,
      %get3A_343 = vector.shape_cast %get3A_342 : vector<1x16xf32> to vector<16xf32>
      %get3A_344 = arith.index_cast %scan3A_60 : i32 to index
      %get3A_345 = arith.constant 320 : index
      %get3A_346 = tpu.vector_load %arg9[%get3A_344, %get3A_345] {strides = array<i32>} : memref<64x768xf32, #tpu.memory_space<vmem>>, vector<1x16xf32>,
      %get3A_347 = vector.shape_cast %get3A_346 : vector<1x16xf32> to vector<16xf32>
      %add3A_348 = arith.addf %get3A_343, %get3A_347 : vector<16xf32>
      %swap3A_349 = arith.index_cast %scan3A_60 : i32 to index
      %swap3A_350 = arith.constant 320 : index
      %swap3A_351 = tpu.vector_load %arg8[%swap3A_349, %swap3A_350] {strides = array<i32>} : memref<64x768xf32, #tpu.memory_space<vmem>>, vector<1x16xf32>,
      %swap3A_352 = vector.shape_cast %swap3A_351 : vector<1x16xf32> to vector<16xf32>
      %swap3A_353 = vector.shape_cast %add3A_348 : vector<16xf32> to vector<1x16xf32>
      tpu.vector_store %arg8[%swap3A_349, %swap3A_350], %swap3A_353 {strides = array<i32>} : memref<64x768xf32, #tpu.memory_space<vmem>>, vector<1x16xf32>,
      %get3A_354 = arith.index_cast %scan3A_60 : i32 to index
      %get3A_355 = arith.constant 336 : index
      %get3A_356 = tpu.vector_load %arg8[%get3A_354, %get3A_355] {strides = array<i32>} : memref<64x768xf32, #tpu.memory_space<vmem>>, vector<1x16xf32>,
      %get3A_357 = vector.shape_cast %get3A_356 : vector<1x16xf32> to vector<16xf32>
      %get3A_358 = arith.index_cast %scan3A_60 : i32 to index
      %get3A_359 = arith.constant 336 : index
      %get3A_360 = tpu.vector_load %arg9[%get3A_358, %get3A_359] {strides = array<i32>} : memref<64x768xf32, #tpu.memory_space<vmem>>, vector<1x16xf32>,
      %get3A_361 = vector.shape_cast %get3A_360 : vector<1x16xf32> to vector<16xf32>
      %add3A_362 = arith.addf %get3A_357, %get3A_361 : vector<16xf32>
      %swap3A_363 = arith.index_cast %scan3A_60 : i32 to index
      %swap3A_364 = arith.constant 336 : index
      %swap3A_365 = tpu.vector_load %arg8[%swap3A_363, %swap3A_364] {strides = array<i32>} : memref<64x768xf32, #tpu.memory_space<vmem>>, vector<1x16xf32>,
      %swap3A_366 = vector.shape_cast %swap3A_365 : vector<1x16xf32> to vector<16xf32>
      %swap3A_367 = vector.shape_cast %add3A_362 : vector<16xf32> to vector<1x16xf32>
      tpu.vector_store %arg8[%swap3A_363, %swap3A_364], %swap3A_367 {strides = array<i32>} : memref<64x768xf32, #tpu.memory_space<vmem>>, vector<1x16xf32>,
      %get3A_368 = arith.index_cast %scan3A_60 : i32 to index
      %get3A_369 = arith.constant 352 : index
      %get3A_370 = tpu.vector_load %arg8[%get3A_368, %get3A_369] {strides = array<i32>} : memref<64x768xf32, #tpu.memory_space<vmem>>, vector<1x16xf32>,
      %get3A_371 = vector.shape_cast %get3A_370 : vector<1x16xf32> to vector<16xf32>
      %get3A_372 = arith.index_cast %scan3A_60 : i32 to index
      %get3A_373 = arith.constant 352 : index
      %get3A_374 = tpu.vector_load %arg9[%get3A_372, %get3A_373] {strides = array<i32>} : memref<64x768xf32, #tpu.memory_space<vmem>>, vector<1x16xf32>,
      %get3A_375 = vector.shape_cast %get3A_374 : vector<1x16xf32> to vector<16xf32>
      %add3A_376 = arith.addf %get3A_371, %get3A_375 : vector<16xf32>
      %swap3A_377 = arith.index_cast %scan3A_60 : i32 to index
      %swap3A_378 = arith.constant 352 : index
      %swap3A_379 = tpu.vector_load %arg8[%swap3A_377, %swap3A_378] {strides = array<i32>} : memref<64x768xf32, #tpu.memory_space<vmem>>, vector<1x16xf32>,
      %swap3A_380 = vector.shape_cast %swap3A_379 : vector<1x16xf32> to vector<16xf32>
      %swap3A_381 = vector.shape_cast %add3A_376 : vector<16xf32> to vector<1x16xf32>
      tpu.vector_store %arg8[%swap3A_377, %swap3A_378], %swap3A_381 {strides = array<i32>} : memref<64x768xf32, #tpu.memory_space<vmem>>, vector<1x16xf32>,
      %get3A_382 = arith.index_cast %scan3A_60 : i32 to index
      %get3A_383 = arith.constant 368 : index
      %get3A_384 = tpu.vector_load %arg8[%get3A_382, %get3A_383] {strides = array<i32>} : memref<64x768xf32, #tpu.memory_space<vmem>>, vector<1x16xf32>,
      %get3A_385 = vector.shape_cast %get3A_384 : vector<1x16xf32> to vector<16xf32>
      %get3A_386 = arith.index_cast %scan3A_60 : i32 to index
      %get3A_387 = arith.constant 368 : index
      %get3A_388 = tpu.vector_load %arg9[%get3A_386, %get3A_387] {strides = array<i32>} : memref<64x768xf32, #tpu.memory_space<vmem>>, vector<1x16xf32>,
      %get3A_389 = vector.shape_cast %get3A_388 : vector<1x16xf32> to vector<16xf32>
      %add3A_390 = arith.addf %get3A_385, %get3A_389 : vector<16xf32>
      %swap3A_391 = arith.index_cast %scan3A_60 : i32 to index
      %swap3A_392 = arith.constant 368 : index
      %swap3A_393 = tpu.vector_load %arg8[%swap3A_391, %swap3A_392] {strides = array<i32>} : memref<64x768xf32, #tpu.memory_space<vmem>>, vector<1x16xf32>,
      %swap3A_394 = vector.shape_cast %swap3A_393 : vector<1x16xf32> to vector<16xf32>
      %swap3A_395 = vector.shape_cast %add3A_390 : vector<16xf32> to vector<1x16xf32>
      tpu.vector_store %arg8[%swap3A_391, %swap3A_392], %swap3A_395 {strides = array<i32>} : memref<64x768xf32, #tpu.memory_space<vmem>>, vector<1x16xf32>,
      %get3A_396 = arith.index_cast %scan3A_60 : i32 to index
      %get3A_397 = arith.constant 384 : index
      %get3A_398 = tpu.vector_load %arg8[%get3A_396, %get3A_397] {strides = array<i32>} : memref<64x768xf32, #tpu.memory_space<vmem>>, vector<1x16xf32>,
      %get3A_399 = vector.shape_cast %get3A_398 : vector<1x16xf32> to vector<16xf32>
      %get3A_400 = arith.index_cast %scan3A_60 : i32 to index
      %get3A_401 = arith.constant 384 : index
      %get3A_402 = tpu.vector_load %arg9[%get3A_400, %get3A_401] {strides = array<i32>} : memref<64x768xf32, #tpu.memory_space<vmem>>, vector<1x16xf32>,
      %get3A_403 = vector.shape_cast %get3A_402 : vector<1x16xf32> to vector<16xf32>
      %add3A_404 = arith.addf %get3A_399, %get3A_403 : vector<16xf32>
      %swap3A_405 = arith.index_cast %scan3A_60 : i32 to index
      %swap3A_406 = arith.constant 384 : index
      %swap3A_407 = tpu.vector_load %arg8[%swap3A_405, %swap3A_406] {strides = array<i32>} : memref<64x768xf32, #tpu.memory_space<vmem>>, vector<1x16xf32>,
      %swap3A_408 = vector.shape_cast %swap3A_407 : vector<1x16xf32> to vector<16xf32>
      %swap3A_409 = vector.shape_cast %add3A_404 : vector<16xf32> to vector<1x16xf32>
      tpu.vector_store %arg8[%swap3A_405, %swap3A_406], %swap3A_409 {strides = array<i32>} : memref<64x768xf32, #tpu.memory_space<vmem>>, vector<1x16xf32>,
      %get3A_410 = arith.index_cast %scan3A_60 : i32 to index
      %get3A_411 = arith.constant 400 : index
      %get3A_412 = tpu.vector_load %arg8[%get3A_410, %get3A_411] {strides = array<i32>} : memref<64x768xf32, #tpu.memory_space<vmem>>, vector<1x16xf32>,
      %get3A_413 = vector.shape_cast %get3A_412 : vector<1x16xf32> to vector<16xf32>
      %get3A_414 = arith.index_cast %scan3A_60 : i32 to index
      %get3A_415 = arith.constant 400 : index
      %get3A_416 = tpu.vector_load %arg9[%get3A_414, %get3A_415] {strides = array<i32>} : memref<64x768xf32, #tpu.memory_space<vmem>>, vector<1x16xf32>,
      %get3A_417 = vector.shape_cast %get3A_416 : vector<1x16xf32> to vector<16xf32>
      %add3A_418 = arith.addf %get3A_413, %get3A_417 : vector<16xf32>
      %swap3A_419 = arith.index_cast %scan3A_60 : i32 to index
      %swap3A_420 = arith.constant 400 : index
      %swap3A_421 = tpu.vector_load %arg8[%swap3A_419, %swap3A_420] {strides = array<i32>} : memref<64x768xf32, #tpu.memory_space<vmem>>, vector<1x16xf32>,
      %swap3A_422 = vector.shape_cast %swap3A_421 : vector<1x16xf32> to vector<16xf32>
      %swap3A_423 = vector.shape_cast %add3A_418 : vector<16xf32> to vector<1x16xf32>
      tpu.vector_store %arg8[%swap3A_419, %swap3A_420], %swap3A_423 {strides = array<i32>} : memref<64x768xf32, #tpu.memory_space<vmem>>, vector<1x16xf32>,
      %get3A_424 = arith.index_cast %scan3A_60 : i32 to index
      %get3A_425 = arith.constant 416 : index
      %get3A_426 = tpu.vector_load %arg8[%get3A_424, %get3A_425] {strides = array<i32>} : memref<64x768xf32, #tpu.memory_space<vmem>>, vector<1x16xf32>,
      %get3A_427 = vector.shape_cast %get3A_426 : vector<1x16xf32> to vector<16xf32>
      %get3A_428 = arith.index_cast %scan3A_60 : i32 to index
      %get3A_429 = arith.constant 416 : index
      %get3A_430 = tpu.vector_load %arg9[%get3A_428, %get3A_429] {strides = array<i32>} : memref<64x768xf32, #tpu.memory_space<vmem>>, vector<1x16xf32>,
      %get3A_431 = vector.shape_cast %get3A_430 : vector<1x16xf32> to vector<16xf32>
      %add3A_432 = arith.addf %get3A_427, %get3A_431 : vector<16xf32>
      %swap3A_433 = arith.index_cast %scan3A_60 : i32 to index
      %swap3A_434 = arith.constant 416 : index
      %swap3A_435 = tpu.vector_load %arg8[%swap3A_433, %swap3A_434] {strides = array<i32>} : memref<64x768xf32, #tpu.memory_space<vmem>>, vector<1x16xf32>,
      %swap3A_436 = vector.shape_cast %swap3A_435 : vector<1x16xf32> to vector<16xf32>
      %swap3A_437 = vector.shape_cast %add3A_432 : vector<16xf32> to vector<1x16xf32>
      tpu.vector_store %arg8[%swap3A_433, %swap3A_434], %swap3A_437 {strides = array<i32>} : memref<64x768xf32, #tpu.memory_space<vmem>>, vector<1x16xf32>,
      %get3A_438 = arith.index_cast %scan3A_60 : i32 to index
      %get3A_439 = arith.constant 432 : index
      %get3A_440 = tpu.vector_load %arg8[%get3A_438, %get3A_439] {strides = array<i32>} : memref<64x768xf32, #tpu.memory_space<vmem>>, vector<1x16xf32>,
      %get3A_441 = vector.shape_cast %get3A_440 : vector<1x16xf32> to vector<16xf32>
      %get3A_442 = arith.index_cast %scan3A_60 : i32 to index
      %get3A_443 = arith.constant 432 : index
      %get3A_444 = tpu.vector_load %arg9[%get3A_442, %get3A_443] {strides = array<i32>} : memref<64x768xf32, #tpu.memory_space<vmem>>, vector<1x16xf32>,
      %get3A_445 = vector.shape_cast %get3A_444 : vector<1x16xf32> to vector<16xf32>
      %add3A_446 = arith.addf %get3A_441, %get3A_445 : vector<16xf32>
      %swap3A_447 = arith.index_cast %scan3A_60 : i32 to index
      %swap3A_448 = arith.constant 432 : index
      %swap3A_449 = tpu.vector_load %arg8[%swap3A_447, %swap3A_448] {strides = array<i32>} : memref<64x768xf32, #tpu.memory_space<vmem>>, vector<1x16xf32>,
      %swap3A_450 = vector.shape_cast %swap3A_449 : vector<1x16xf32> to vector<16xf32>
      %swap3A_451 = vector.shape_cast %add3A_446 : vector<16xf32> to vector<1x16xf32>
      tpu.vector_store %arg8[%swap3A_447, %swap3A_448], %swap3A_451 {strides = array<i32>} : memref<64x768xf32, #tpu.memory_space<vmem>>, vector<1x16xf32>,
      %get3A_452 = arith.index_cast %scan3A_60 : i32 to index
      %get3A_453 = arith.constant 448 : index
      %get3A_454 = tpu.vector_load %arg8[%get3A_452, %get3A_453] {strides = array<i32>} : memref<64x768xf32, #tpu.memory_space<vmem>>, vector<1x16xf32>,
      %get3A_455 = vector.shape_cast %get3A_454 : vector<1x16xf32> to vector<16xf32>
      %get3A_456 = arith.index_cast %scan3A_60 : i32 to index
      %get3A_457 = arith.constant 448 : index
      %get3A_458 = tpu.vector_load %arg9[%get3A_456, %get3A_457] {strides = array<i32>} : memref<64x768xf32, #tpu.memory_space<vmem>>, vector<1x16xf32>,
      %get3A_459 = vector.shape_cast %get3A_458 : vector<1x16xf32> to vector<16xf32>
      %add3A_460 = arith.addf %get3A_455, %get3A_459 : vector<16xf32>
      %swap3A_461 = arith.index_cast %scan3A_60 : i32 to index
      %swap3A_462 = arith.constant 448 : index
      %swap3A_463 = tpu.vector_load %arg8[%swap3A_461, %swap3A_462] {strides = array<i32>} : memref<64x768xf32, #tpu.memory_space<vmem>>, vector<1x16xf32>,
      %swap3A_464 = vector.shape_cast %swap3A_463 : vector<1x16xf32> to vector<16xf32>
      %swap3A_465 = vector.shape_cast %add3A_460 : vector<16xf32> to vector<1x16xf32>
      tpu.vector_store %arg8[%swap3A_461, %swap3A_462], %swap3A_465 {strides = array<i32>} : memref<64x768xf32, #tpu.memory_space<vmem>>, vector<1x16xf32>,
      %get3A_466 = arith.index_cast %scan3A_60 : i32 to index
      %get3A_467 = arith.constant 464 : index
      %get3A_468 = tpu.vector_load %arg8[%get3A_466, %get3A_467] {strides = array<i32>} : memref<64x768xf32, #tpu.memory_space<vmem>>, vector<1x16xf32>,
      %get3A_469 = vector.shape_cast %get3A_468 : vector<1x16xf32> to vector<16xf32>
      %get3A_470 = arith.index_cast %scan3A_60 : i32 to index
      %get3A_471 = arith.constant 464 : index
      %get3A_472 = tpu.vector_load %arg9[%get3A_470, %get3A_471] {strides = array<i32>} : memref<64x768xf32, #tpu.memory_space<vmem>>, vector<1x16xf32>,
      %get3A_473 = vector.shape_cast %get3A_472 : vector<1x16xf32> to vector<16xf32>
      %add3A_474 = arith.addf %get3A_469, %get3A_473 : vector<16xf32>
      %swap3A_475 = arith.index_cast %scan3A_60 : i32 to index
      %swap3A_476 = arith.constant 464 : index
      %swap3A_477 = tpu.vector_load %arg8[%swap3A_475, %swap3A_476] {strides = array<i32>} : memref<64x768xf32, #tpu.memory_space<vmem>>, vector<1x16xf32>,
      %swap3A_478 = vector.shape_cast %swap3A_477 : vector<1x16xf32> to vector<16xf32>
      %swap3A_479 = vector.shape_cast %add3A_474 : vector<16xf32> to vector<1x16xf32>
      tpu.vector_store %arg8[%swap3A_475, %swap3A_476], %swap3A_479 {strides = array<i32>} : memref<64x768xf32, #tpu.memory_space<vmem>>, vector<1x16xf32>,
      %get3A_480 = arith.index_cast %scan3A_60 : i32 to index
      %get3A_481 = arith.constant 480 : index
      %get3A_482 = tpu.vector_load %arg8[%get3A_480, %get3A_481] {strides = array<i32>} : memref<64x768xf32, #tpu.memory_space<vmem>>, vector<1x16xf32>,
      %get3A_483 = vector.shape_cast %get3A_482 : vector<1x16xf32> to vector<16xf32>
      %get3A_484 = arith.index_cast %scan3A_60 : i32 to index
      %get3A_485 = arith.constant 480 : index
      %get3A_486 = tpu.vector_load %arg9[%get3A_484, %get3A_485] {strides = array<i32>} : memref<64x768xf32, #tpu.memory_space<vmem>>, vector<1x16xf32>,
      %get3A_487 = vector.shape_cast %get3A_486 : vector<1x16xf32> to vector<16xf32>
      %add3A_488 = arith.addf %get3A_483, %get3A_487 : vector<16xf32>
      %swap3A_489 = arith.index_cast %scan3A_60 : i32 to index
      %swap3A_490 = arith.constant 480 : index
      %swap3A_491 = tpu.vector_load %arg8[%swap3A_489, %swap3A_490] {strides = array<i32>} : memref<64x768xf32, #tpu.memory_space<vmem>>, vector<1x16xf32>,
      %swap3A_492 = vector.shape_cast %swap3A_491 : vector<1x16xf32> to vector<16xf32>
      %swap3A_493 = vector.shape_cast %add3A_488 : vector<16xf32> to vector<1x16xf32>
      tpu.vector_store %arg8[%swap3A_489, %swap3A_490], %swap3A_493 {strides = array<i32>} : memref<64x768xf32, #tpu.memory_space<vmem>>, vector<1x16xf32>,
      %get3A_494 = arith.index_cast %scan3A_60 : i32 to index
      %get3A_495 = arith.constant 496 : index
      %get3A_496 = tpu.vector_load %arg8[%get3A_494, %get3A_495] {strides = array<i32>} : memref<64x768xf32, #tpu.memory_space<vmem>>, vector<1x16xf32>,
      %get3A_497 = vector.shape_cast %get3A_496 : vector<1x16xf32> to vector<16xf32>
      %get3A_498 = arith.index_cast %scan3A_60 : i32 to index
      %get3A_499 = arith.constant 496 : index
      %get3A_500 = tpu.vector_load %arg9[%get3A_498, %get3A_499] {strides = array<i32>} : memref<64x768xf32, #tpu.memory_space<vmem>>, vector<1x16xf32>,
      %get3A_501 = vector.shape_cast %get3A_500 : vector<1x16xf32> to vector<16xf32>
      %add3A_502 = arith.addf %get3A_497, %get3A_501 : vector<16xf32>
      %swap3A_503 = arith.index_cast %scan3A_60 : i32 to index
      %swap3A_504 = arith.constant 496 : index
      %swap3A_505 = tpu.vector_load %arg8[%swap3A_503, %swap3A_504] {strides = array<i32>} : memref<64x768xf32, #tpu.memory_space<vmem>>, vector<1x16xf32>,
      %swap3A_506 = vector.shape_cast %swap3A_505 : vector<1x16xf32> to vector<16xf32>
      %swap3A_507 = vector.shape_cast %add3A_502 : vector<16xf32> to vector<1x16xf32>
      tpu.vector_store %arg8[%swap3A_503, %swap3A_504], %swap3A_507 {strides = array<i32>} : memref<64x768xf32, #tpu.memory_space<vmem>>, vector<1x16xf32>,
      %get3A_508 = arith.index_cast %scan3A_60 : i32 to index
      %get3A_509 = arith.constant 512 : index
      %get3A_510 = tpu.vector_load %arg8[%get3A_508, %get3A_509] {strides = array<i32>} : memref<64x768xf32, #tpu.memory_space<vmem>>, vector<1x16xf32>,
      %get3A_511 = vector.shape_cast %get3A_510 : vector<1x16xf32> to vector<16xf32>
      %get3A_512 = arith.index_cast %scan3A_60 : i32 to index
      %get3A_513 = arith.constant 512 : index
      %get3A_514 = tpu.vector_load %arg9[%get3A_512, %get3A_513] {strides = array<i32>} : memref<64x768xf32, #tpu.memory_space<vmem>>, vector<1x16xf32>,
      %get3A_515 = vector.shape_cast %get3A_514 : vector<1x16xf32> to vector<16xf32>
      %add3A_516 = arith.addf %get3A_511, %get3A_515 : vector<16xf32>
      %swap3A_517 = arith.index_cast %scan3A_60 : i32 to index
      %swap3A_518 = arith.constant 512 : index
      %swap3A_519 = tpu.vector_load %arg8[%swap3A_517, %swap3A_518] {strides = array<i32>} : memref<64x768xf32, #tpu.memory_space<vmem>>, vector<1x16xf32>,
      %swap3A_520 = vector.shape_cast %swap3A_519 : vector<1x16xf32> to vector<16xf32>
      %swap3A_521 = vector.shape_cast %add3A_516 : vector<16xf32> to vector<1x16xf32>
      tpu.vector_store %arg8[%swap3A_517, %swap3A_518], %swap3A_521 {strides = array<i32>} : memref<64x768xf32, #tpu.memory_space<vmem>>, vector<1x16xf32>,
      %get3A_522 = arith.index_cast %scan3A_60 : i32 to index
      %get3A_523 = arith.constant 528 : index
      %get3A_524 = tpu.vector_load %arg8[%get3A_522, %get3A_523] {strides = array<i32>} : memref<64x768xf32, #tpu.memory_space<vmem>>, vector<1x16xf32>,
      %get3A_525 = vector.shape_cast %get3A_524 : vector<1x16xf32> to vector<16xf32>
      %get3A_526 = arith.index_cast %scan3A_60 : i32 to index
      %get3A_527 = arith.constant 528 : index
      %get3A_528 = tpu.vector_load %arg9[%get3A_526, %get3A_527] {strides = array<i32>} : memref<64x768xf32, #tpu.memory_space<vmem>>, vector<1x16xf32>,
      %get3A_529 = vector.shape_cast %get3A_528 : vector<1x16xf32> to vector<16xf32>
      %add3A_530 = arith.addf %get3A_525, %get3A_529 : vector<16xf32>
      %swap3A_531 = arith.index_cast %scan3A_60 : i32 to index
      %swap3A_532 = arith.constant 528 : index
      %swap3A_533 = tpu.vector_load %arg8[%swap3A_531, %swap3A_532] {strides = array<i32>} : memref<64x768xf32, #tpu.memory_space<vmem>>, vector<1x16xf32>,
      %swap3A_534 = vector.shape_cast %swap3A_533 : vector<1x16xf32> to vector<16xf32>
      %swap3A_535 = vector.shape_cast %add3A_530 : vector<16xf32> to vector<1x16xf32>
      tpu.vector_store %arg8[%swap3A_531, %swap3A_532], %swap3A_535 {strides = array<i32>} : memref<64x768xf32, #tpu.memory_space<vmem>>, vector<1x16xf32>,
      %get3A_536 = arith.index_cast %scan3A_60 : i32 to index
      %get3A_537 = arith.constant 544 : index
      %get3A_538 = tpu.vector_load %arg8[%get3A_536, %get3A_537] {strides = array<i32>} : memref<64x768xf32, #tpu.memory_space<vmem>>, vector<1x16xf32>,
      %get3A_539 = vector.shape_cast %get3A_538 : vector<1x16xf32> to vector<16xf32>
      %get3A_540 = arith.index_cast %scan3A_60 : i32 to index
      %get3A_541 = arith.constant 544 : index
      %get3A_542 = tpu.vector_load %arg9[%get3A_540, %get3A_541] {strides = array<i32>} : memref<64x768xf32, #tpu.memory_space<vmem>>, vector<1x16xf32>,
      %get3A_543 = vector.shape_cast %get3A_542 : vector<1x16xf32> to vector<16xf32>
      %add3A_544 = arith.addf %get3A_539, %get3A_543 : vector<16xf32>
      %swap3A_545 = arith.index_cast %scan3A_60 : i32 to index
      %swap3A_546 = arith.constant 544 : index
      %swap3A_547 = tpu.vector_load %arg8[%swap3A_545, %swap3A_546] {strides = array<i32>} : memref<64x768xf32, #tpu.memory_space<vmem>>, vector<1x16xf32>,
      %swap3A_548 = vector.shape_cast %swap3A_547 : vector<1x16xf32> to vector<16xf32>
      %swap3A_549 = vector.shape_cast %add3A_544 : vector<16xf32> to vector<1x16xf32>
      tpu.vector_store %arg8[%swap3A_545, %swap3A_546], %swap3A_549 {strides = array<i32>} : memref<64x768xf32, #tpu.memory_space<vmem>>, vector<1x16xf32>,
      %get3A_550 = arith.index_cast %scan3A_60 : i32 to index
      %get3A_551 = arith.constant 560 : index
      %get3A_552 = tpu.vector_load %arg8[%get3A_550, %get3A_551] {strides = array<i32>} : memref<64x768xf32, #tpu.memory_space<vmem>>, vector<1x16xf32>,
      %get3A_553 = vector.shape_cast %get3A_552 : vector<1x16xf32> to vector<16xf32>
      %get3A_554 = arith.index_cast %scan3A_60 : i32 to index
      %get3A_555 = arith.constant 560 : index
      %get3A_556 = tpu.vector_load %arg9[%get3A_554, %get3A_555] {strides = array<i32>} : memref<64x768xf32, #tpu.memory_space<vmem>>, vector<1x16xf32>,
      %get3A_557 = vector.shape_cast %get3A_556 : vector<1x16xf32> to vector<16xf32>
      %add3A_558 = arith.addf %get3A_553, %get3A_557 : vector<16xf32>
      %swap3A_559 = arith.index_cast %scan3A_60 : i32 to index
      %swap3A_560 = arith.constant 560 : index
      %swap3A_561 = tpu.vector_load %arg8[%swap3A_559, %swap3A_560] {strides = array<i32>} : memref<64x768xf32, #tpu.memory_space<vmem>>, vector<1x16xf32>,
      %swap3A_562 = vector.shape_cast %swap3A_561 : vector<1x16xf32> to vector<16xf32>
      %swap3A_563 = vector.shape_cast %add3A_558 : vector<16xf32> to vector<1x16xf32>
      tpu.vector_store %arg8[%swap3A_559, %swap3A_560], %swap3A_563 {strides = array<i32>} : memref<64x768xf32, #tpu.memory_space<vmem>>, vector<1x16xf32>,
      %get3A_564 = arith.index_cast %scan3A_60 : i32 to index
      %get3A_565 = arith.constant 576 : index
      %get3A_566 = tpu.vector_load %arg8[%get3A_564, %get3A_565] {strides = array<i32>} : memref<64x768xf32, #tpu.memory_space<vmem>>, vector<1x16xf32>,
      %get3A_567 = vector.shape_cast %get3A_566 : vector<1x16xf32> to vector<16xf32>
      %get3A_568 = arith.index_cast %scan3A_60 : i32 to index
      %get3A_569 = arith.constant 576 : index
      %get3A_570 = tpu.vector_load %arg9[%get3A_568, %get3A_569] {strides = array<i32>} : memref<64x768xf32, #tpu.memory_space<vmem>>, vector<1x16xf32>,
      %get3A_571 = vector.shape_cast %get3A_570 : vector<1x16xf32> to vector<16xf32>
      %add3A_572 = arith.addf %get3A_567, %get3A_571 : vector<16xf32>
      %swap3A_573 = arith.index_cast %scan3A_60 : i32 to index
      %swap3A_574 = arith.constant 576 : index
      %swap3A_575 = tpu.vector_load %arg8[%swap3A_573, %swap3A_574] {strides = array<i32>} : memref<64x768xf32, #tpu.memory_space<vmem>>, vector<1x16xf32>,
      %swap3A_576 = vector.shape_cast %swap3A_575 : vector<1x16xf32> to vector<16xf32>
      %swap3A_577 = vector.shape_cast %add3A_572 : vector<16xf32> to vector<1x16xf32>
      tpu.vector_store %arg8[%swap3A_573, %swap3A_574], %swap3A_577 {strides = array<i32>} : memref<64x768xf32, #tpu.memory_space<vmem>>, vector<1x16xf32>,
      %get3A_578 = arith.index_cast %scan3A_60 : i32 to index
      %get3A_579 = arith.constant 592 : index
      %get3A_580 = tpu.vector_load %arg8[%get3A_578, %get3A_579] {strides = array<i32>} : memref<64x768xf32, #tpu.memory_space<vmem>>, vector<1x16xf32>,
      %get3A_581 = vector.shape_cast %get3A_580 : vector<1x16xf32> to vector<16xf32>
      %get3A_582 = arith.index_cast %scan3A_60 : i32 to index
      %get3A_583 = arith.constant 592 : index
      %get3A_584 = tpu.vector_load %arg9[%get3A_582, %get3A_583] {strides = array<i32>} : memref<64x768xf32, #tpu.memory_space<vmem>>, vector<1x16xf32>,
      %get3A_585 = vector.shape_cast %get3A_584 : vector<1x16xf32> to vector<16xf32>
      %add3A_586 = arith.addf %get3A_581, %get3A_585 : vector<16xf32>
      %swap3A_587 = arith.index_cast %scan3A_60 : i32 to index
      %swap3A_588 = arith.constant 592 : index
      %swap3A_589 = tpu.vector_load %arg8[%swap3A_587, %swap3A_588] {strides = array<i32>} : memref<64x768xf32, #tpu.memory_space<vmem>>, vector<1x16xf32>,
      %swap3A_590 = vector.shape_cast %swap3A_589 : vector<1x16xf32> to vector<16xf32>
      %swap3A_591 = vector.shape_cast %add3A_586 : vector<16xf32> to vector<1x16xf32>
      tpu.vector_store %arg8[%swap3A_587, %swap3A_588], %swap3A_591 {strides = array<i32>} : memref<64x768xf32, #tpu.memory_space<vmem>>, vector<1x16xf32>,
      %get3A_592 = arith.index_cast %scan3A_60 : i32 to index
      %get3A_593 = arith.constant 608 : index
      %get3A_594 = tpu.vector_load %arg8[%get3A_592, %get3A_593] {strides = array<i32>} : memref<64x768xf32, #tpu.memory_space<vmem>>, vector<1x16xf32>,
      %get3A_595 = vector.shape_cast %get3A_594 : vector<1x16xf32> to vector<16xf32>
      %get3A_596 = arith.index_cast %scan3A_60 : i32 to index
      %get3A_597 = arith.constant 608 : index
      %get3A_598 = tpu.vector_load %arg9[%get3A_596, %get3A_597] {strides = array<i32>} : memref<64x768xf32, #tpu.memory_space<vmem>>, vector<1x16xf32>,
      %get3A_599 = vector.shape_cast %get3A_598 : vector<1x16xf32> to vector<16xf32>
      %add3A_600 = arith.addf %get3A_595, %get3A_599 : vector<16xf32>
      %swap3A_601 = arith.index_cast %scan3A_60 : i32 to index
      %swap3A_602 = arith.constant 608 : index
      %swap3A_603 = tpu.vector_load %arg8[%swap3A_601, %swap3A_602] {strides = array<i32>} : memref<64x768xf32, #tpu.memory_space<vmem>>, vector<1x16xf32>,
      %swap3A_604 = vector.shape_cast %swap3A_603 : vector<1x16xf32> to vector<16xf32>
      %swap3A_605 = vector.shape_cast %add3A_600 : vector<16xf32> to vector<1x16xf32>
      tpu.vector_store %arg8[%swap3A_601, %swap3A_602], %swap3A_605 {strides = array<i32>} : memref<64x768xf32, #tpu.memory_space<vmem>>, vector<1x16xf32>,
      %get3A_606 = arith.index_cast %scan3A_60 : i32 to index
      %get3A_607 = arith.constant 624 : index
      %get3A_608 = tpu.vector_load %arg8[%get3A_606, %get3A_607] {strides = array<i32>} : memref<64x768xf32, #tpu.memory_space<vmem>>, vector<1x16xf32>,
      %get3A_609 = vector.shape_cast %get3A_608 : vector<1x16xf32> to vector<16xf32>
      %get3A_610 = arith.index_cast %scan3A_60 : i32 to index
      %get3A_611 = arith.constant 624 : index
      %get3A_612 = tpu.vector_load %arg9[%get3A_610, %get3A_611] {strides = array<i32>} : memref<64x768xf32, #tpu.memory_space<vmem>>, vector<1x16xf32>,
      %get3A_613 = vector.shape_cast %get3A_612 : vector<1x16xf32> to vector<16xf32>
      %add3A_614 = arith.addf %get3A_609, %get3A_613 : vector<16xf32>
      %swap3A_615 = arith.index_cast %scan3A_60 : i32 to index
      %swap3A_616 = arith.constant 624 : index
      %swap3A_617 = tpu.vector_load %arg8[%swap3A_615, %swap3A_616] {strides = array<i32>} : memref<64x768xf32, #tpu.memory_space<vmem>>, vector<1x16xf32>,
      %swap3A_618 = vector.shape_cast %swap3A_617 : vector<1x16xf32> to vector<16xf32>
      %swap3A_619 = vector.shape_cast %add3A_614 : vector<16xf32> to vector<1x16xf32>
      tpu.vector_store %arg8[%swap3A_615, %swap3A_616], %swap3A_619 {strides = array<i32>} : memref<64x768xf32, #tpu.memory_space<vmem>>, vector<1x16xf32>,
      %get3A_620 = arith.index_cast %scan3A_60 : i32 to index
      %get3A_621 = arith.constant 640 : index
      %get3A_622 = tpu.vector_load %arg8[%get3A_620, %get3A_621] {strides = array<i32>} : memref<64x768xf32, #tpu.memory_space<vmem>>, vector<1x16xf32>,
      %get3A_623 = vector.shape_cast %get3A_622 : vector<1x16xf32> to vector<16xf32>
      %get3A_624 = arith.index_cast %scan3A_60 : i32 to index
      %get3A_625 = arith.constant 640 : index
      %get3A_626 = tpu.vector_load %arg9[%get3A_624, %get3A_625] {strides = array<i32>} : memref<64x768xf32, #tpu.memory_space<vmem>>, vector<1x16xf32>,
      %get3A_627 = vector.shape_cast %get3A_626 : vector<1x16xf32> to vector<16xf32>
      %add3A_628 = arith.addf %get3A_623, %get3A_627 : vector<16xf32>
      %swap3A_629 = arith.index_cast %scan3A_60 : i32 to index
      %swap3A_630 = arith.constant 640 : index
      %swap3A_631 = tpu.vector_load %arg8[%swap3A_629, %swap3A_630] {strides = array<i32>} : memref<64x768xf32, #tpu.memory_space<vmem>>, vector<1x16xf32>,
      %swap3A_632 = vector.shape_cast %swap3A_631 : vector<1x16xf32> to vector<16xf32>
      %swap3A_633 = vector.shape_cast %add3A_628 : vector<16xf32> to vector<1x16xf32>
      tpu.vector_store %arg8[%swap3A_629, %swap3A_630], %swap3A_633 {strides = array<i32>} : memref<64x768xf32, #tpu.memory_space<vmem>>, vector<1x16xf32>,
      %get3A_634 = arith.index_cast %scan3A_60 : i32 to index
      %get3A_635 = arith.constant 656 : index
      %get3A_636 = tpu.vector_load %arg8[%get3A_634, %get3A_635] {strides = array<i32>} : memref<64x768xf32, #tpu.memory_space<vmem>>, vector<1x16xf32>,
      %get3A_637 = vector.shape_cast %get3A_636 : vector<1x16xf32> to vector<16xf32>
      %get3A_638 = arith.index_cast %scan3A_60 : i32 to index
      %get3A_639 = arith.constant 656 : index
      %get3A_640 = tpu.vector_load %arg9[%get3A_638, %get3A_639] {strides = array<i32>} : memref<64x768xf32, #tpu.memory_space<vmem>>, vector<1x16xf32>,
      %get3A_641 = vector.shape_cast %get3A_640 : vector<1x16xf32> to vector<16xf32>
      %add3A_642 = arith.addf %get3A_637, %get3A_641 : vector<16xf32>
      %swap3A_643 = arith.index_cast %scan3A_60 : i32 to index
      %swap3A_644 = arith.constant 656 : index
      %swap3A_645 = tpu.vector_load %arg8[%swap3A_643, %swap3A_644] {strides = array<i32>} : memref<64x768xf32, #tpu.memory_space<vmem>>, vector<1x16xf32>,
      %swap3A_646 = vector.shape_cast %swap3A_645 : vector<1x16xf32> to vector<16xf32>
      %swap3A_647 = vector.shape_cast %add3A_642 : vector<16xf32> to vector<1x16xf32>
      tpu.vector_store %arg8[%swap3A_643, %swap3A_644], %swap3A_647 {strides = array<i32>} : memref<64x768xf32, #tpu.memory_space<vmem>>, vector<1x16xf32>,
      %get3A_648 = arith.index_cast %scan3A_60 : i32 to index
      %get3A_649 = arith.constant 672 : index
      %get3A_650 = tpu.vector_load %arg8[%get3A_648, %get3A_649] {strides = array<i32>} : memref<64x768xf32, #tpu.memory_space<vmem>>, vector<1x16xf32>,
      %get3A_651 = vector.shape_cast %get3A_650 : vector<1x16xf32> to vector<16xf32>
      %get3A_652 = arith.index_cast %scan3A_60 : i32 to index
      %get3A_653 = arith.constant 672 : index
      %get3A_654 = tpu.vector_load %arg9[%get3A_652, %get3A_653] {strides = array<i32>} : memref<64x768xf32, #tpu.memory_space<vmem>>, vector<1x16xf32>,
      %get3A_655 = vector.shape_cast %get3A_654 : vector<1x16xf32> to vector<16xf32>
      %add3A_656 = arith.addf %get3A_651, %get3A_655 : vector<16xf32>
      %swap3A_657 = arith.index_cast %scan3A_60 : i32 to index
      %swap3A_658 = arith.constant 672 : index
      %swap3A_659 = tpu.vector_load %arg8[%swap3A_657, %swap3A_658] {strides = array<i32>} : memref<64x768xf32, #tpu.memory_space<vmem>>, vector<1x16xf32>,
      %swap3A_660 = vector.shape_cast %swap3A_659 : vector<1x16xf32> to vector<16xf32>
      %swap3A_661 = vector.shape_cast %add3A_656 : vector<16xf32> to vector<1x16xf32>
      tpu.vector_store %arg8[%swap3A_657, %swap3A_658], %swap3A_661 {strides = array<i32>} : memref<64x768xf32, #tpu.memory_space<vmem>>, vector<1x16xf32>,
      %get3A_662 = arith.index_cast %scan3A_60 : i32 to index
      %get3A_663 = arith.constant 688 : index
      %get3A_664 = tpu.vector_load %arg8[%get3A_662, %get3A_663] {strides = array<i32>} : memref<64x768xf32, #tpu.memory_space<vmem>>, vector<1x16xf32>,
      %get3A_665 = vector.shape_cast %get3A_664 : vector<1x16xf32> to vector<16xf32>
      %get3A_666 = arith.index_cast %scan3A_60 : i32 to index
      %get3A_667 = arith.constant 688 : index
      %get3A_668 = tpu.vector_load %arg9[%get3A_666, %get3A_667] {strides = array<i32>} : memref<64x768xf32, #tpu.memory_space<vmem>>, vector<1x16xf32>,
      %get3A_669 = vector.shape_cast %get3A_668 : vector<1x16xf32> to vector<16xf32>
      %add3A_670 = arith.addf %get3A_665, %get3A_669 : vector<16xf32>
      %swap3A_671 = arith.index_cast %scan3A_60 : i32 to index
      %swap3A_672 = arith.constant 688 : index
      %swap3A_673 = tpu.vector_load %arg8[%swap3A_671, %swap3A_672] {strides = array<i32>} : memref<64x768xf32, #tpu.memory_space<vmem>>, vector<1x16xf32>,
      %swap3A_674 = vector.shape_cast %swap3A_673 : vector<1x16xf32> to vector<16xf32>
      %swap3A_675 = vector.shape_cast %add3A_670 : vector<16xf32> to vector<1x16xf32>
      tpu.vector_store %arg8[%swap3A_671, %swap3A_672], %swap3A_675 {strides = array<i32>} : memref<64x768xf32, #tpu.memory_space<vmem>>, vector<1x16xf32>,
      %get3A_676 = arith.index_cast %scan3A_60 : i32 to index
      %get3A_677 = arith.constant 704 : index
      %get3A_678 = tpu.vector_load %arg8[%get3A_676, %get3A_677] {strides = array<i32>} : memref<64x768xf32, #tpu.memory_space<vmem>>, vector<1x16xf32>,
      %get3A_679 = vector.shape_cast %get3A_678 : vector<1x16xf32> to vector<16xf32>
      %get3A_680 = arith.index_cast %scan3A_60 : i32 to index
      %get3A_681 = arith.constant 704 : index
      %get3A_682 = tpu.vector_load %arg9[%get3A_680, %get3A_681] {strides = array<i32>} : memref<64x768xf32, #tpu.memory_space<vmem>>, vector<1x16xf32>,
      %get3A_683 = vector.shape_cast %get3A_682 : vector<1x16xf32> to vector<16xf32>
      %add3A_684 = arith.addf %get3A_679, %get3A_683 : vector<16xf32>
      %swap3A_685 = arith.index_cast %scan3A_60 : i32 to index
      %swap3A_686 = arith.constant 704 : index
      %swap3A_687 = tpu.vector_load %arg8[%swap3A_685, %swap3A_686] {strides = array<i32>} : memref<64x768xf32, #tpu.memory_space<vmem>>, vector<1x16xf32>,
      %swap3A_688 = vector.shape_cast %swap3A_687 : vector<1x16xf32> to vector<16xf32>
      %swap3A_689 = vector.shape_cast %add3A_684 : vector<16xf32> to vector<1x16xf32>
      tpu.vector_store %arg8[%swap3A_685, %swap3A_686], %swap3A_689 {strides = array<i32>} : memref<64x768xf32, #tpu.memory_space<vmem>>, vector<1x16xf32>,
      %get3A_690 = arith.index_cast %scan3A_60 : i32 to index
      %get3A_691 = arith.constant 720 : index
      %get3A_692 = tpu.vector_load %arg8[%get3A_690, %get3A_691] {strides = array<i32>} : memref<64x768xf32, #tpu.memory_space<vmem>>, vector<1x16xf32>,
      %get3A_693 = vector.shape_cast %get3A_692 : vector<1x16xf32> to vector<16xf32>
      %get3A_694 = arith.index_cast %scan3A_60 : i32 to index
      %get3A_695 = arith.constant 720 : index
      %get3A_696 = tpu.vector_load %arg9[%get3A_694, %get3A_695] {strides = array<i32>} : memref<64x768xf32, #tpu.memory_space<vmem>>, vector<1x16xf32>,
      %get3A_697 = vector.shape_cast %get3A_696 : vector<1x16xf32> to vector<16xf32>
      %add3A_698 = arith.addf %get3A_693, %get3A_697 : vector<16xf32>
      %swap3A_699 = arith.index_cast %scan3A_60 : i32 to index
      %swap3A_700 = arith.constant 720 : index
      %swap3A_701 = tpu.vector_load %arg8[%swap3A_699, %swap3A_700] {strides = array<i32>} : memref<64x768xf32, #tpu.memory_space<vmem>>, vector<1x16xf32>,
      %swap3A_702 = vector.shape_cast %swap3A_701 : vector<1x16xf32> to vector<16xf32>
      %swap3A_703 = vector.shape_cast %add3A_698 : vector<16xf32> to vector<1x16xf32>
      tpu.vector_store %arg8[%swap3A_699, %swap3A_700], %swap3A_703 {strides = array<i32>} : memref<64x768xf32, #tpu.memory_space<vmem>>, vector<1x16xf32>,
      %get3A_704 = arith.index_cast %scan3A_60 : i32 to index
      %get3A_705 = arith.constant 736 : index
      %get3A_706 = tpu.vector_load %arg8[%get3A_704, %get3A_705] {strides = array<i32>} : memref<64x768xf32, #tpu.memory_space<vmem>>, vector<1x16xf32>,
      %get3A_707 = vector.shape_cast %get3A_706 : vector<1x16xf32> to vector<16xf32>
      %get3A_708 = arith.index_cast %scan3A_60 : i32 to index
      %get3A_709 = arith.constant 736 : index
      %get3A_710 = tpu.vector_load %arg9[%get3A_708, %get3A_709] {strides = array<i32>} : memref<64x768xf32, #tpu.memory_space<vmem>>, vector<1x16xf32>,
      %get3A_711 = vector.shape_cast %get3A_710 : vector<1x16xf32> to vector<16xf32>
      %add3A_712 = arith.addf %get3A_707, %get3A_711 : vector<16xf32>
      %swap3A_713 = arith.index_cast %scan3A_60 : i32 to index
      %swap3A_714 = arith.constant 736 : index
      %swap3A_715 = tpu.vector_load %arg8[%swap3A_713, %swap3A_714] {strides = array<i32>} : memref<64x768xf32, #tpu.memory_space<vmem>>, vector<1x16xf32>,
      %swap3A_716 = vector.shape_cast %swap3A_715 : vector<1x16xf32> to vector<16xf32>
      %swap3A_717 = vector.shape_cast %add3A_712 : vector<16xf32> to vector<1x16xf32>
      tpu.vector_store %arg8[%swap3A_713, %swap3A_714], %swap3A_717 {strides = array<i32>} : memref<64x768xf32, #tpu.memory_space<vmem>>, vector<1x16xf32>,
      %get3A_718 = arith.index_cast %scan3A_60 : i32 to index
      %get3A_719 = arith.constant 752 : index
      %get3A_720 = tpu.vector_load %arg8[%get3A_718, %get3A_719] {strides = array<i32>} : memref<64x768xf32, #tpu.memory_space<vmem>>, vector<1x16xf32>,
      %get3A_721 = vector.shape_cast %get3A_720 : vector<1x16xf32> to vector<16xf32>
      %get3A_722 = arith.index_cast %scan3A_60 : i32 to index
      %get3A_723 = arith.constant 752 : index
      %get3A_724 = tpu.vector_load %arg9[%get3A_722, %get3A_723] {strides = array<i32>} : memref<64x768xf32, #tpu.memory_space<vmem>>, vector<1x16xf32>,
      %get3A_725 = vector.shape_cast %get3A_724 : vector<1x16xf32> to vector<16xf32>
      %add3A_726 = arith.addf %get3A_721, %get3A_725 : vector<16xf32>
      %swap3A_727 = arith.index_cast %scan3A_60 : i32 to index
      %swap3A_728 = arith.constant 752 : index
      %swap3A_729 = tpu.vector_load %arg8[%swap3A_727, %swap3A_728] {strides = array<i32>} : memref<64x768xf32, #tpu.memory_space<vmem>>, vector<1x16xf32>,
      %swap3A_730 = vector.shape_cast %swap3A_729 : vector<1x16xf32> to vector<16xf32>
      %swap3A_731 = vector.shape_cast %add3A_726 : vector<16xf32> to vector<1x16xf32>
      tpu.vector_store %arg8[%swap3A_727, %swap3A_728], %swap3A_731 {strides = array<i32>} : memref<64x768xf32, #tpu.memory_space<vmem>>, vector<1x16xf32>,
      %scan3A_732 = arith.constant 0 : i32
      scf.yield %scan3A_732 : i32
    }
    %scan3A_24 = arith.constant 64 : i32
    %mul3A_25 = arith.constant 128 : i32
    %mul3A_26 = arith.muli %add3A, %mul3A_25 : i32
    %add3A_27 = arith.constant 0 : i32
    %add3A_28 = arith.addi %mul3A_26, %add3A_27 : i32
    "tpu.region"() ({
      %run_scoped3A = tpu.sem_alloc : memref<!tpu.dma_semaphore, #tpu.memory_space<semaphore_mem>>
      %dma_start3A_60 = arith.constant 0 : i32
      %dma_start3A_61 = tpu.memref_slice %arg5[%add3A_28, %dma_start3A_60] : memref<4096x768xf32, #tpu.memory_space<hbm>> -> memref<64x768xf32, #tpu.memory_space<hbm>>
      %dma_start3A_62 = arith.constant 0 : i32
      %dma_start3A_63 = tpu.memref_slice %arg5[%add3A_28, %dma_start3A_62] : memref<4096x768xf32, #tpu.memory_space<hbm>> -> memref<64x768xf32, #tpu.memory_space<hbm>>
      tpu.enqueue_dma source(%arg8 : memref<64x768xf32, #tpu.memory_space<vmem>>) target(%dma_start3A_63 : memref<64x768xf32, #tpu.memory_space<hbm>>) target_semaphore(%run_scoped3A : memref<!tpu.dma_semaphore, #tpu.memory_space<semaphore_mem>>)
      %dma_wait3A_64 = arith.constant 0 : i32
      %dma_wait3A_65 = tpu.memref_slice %arg5[%add3A_28, %dma_wait3A_64] : memref<4096x768xf32, #tpu.memory_space<hbm>> -> memref<64x768xf32, #tpu.memory_space<hbm>>
      %dma_wait3A_66 = arith.constant 0 : i32
      %dma_wait3A_67 = tpu.memref_slice %arg5[%add3A_28, %dma_wait3A_66] : memref<4096x768xf32, #tpu.memory_space<hbm>> -> memref<64x768xf32, #tpu.memory_space<hbm>>
      tpu.wait_dma2 semaphore(%run_scoped3A : memref<!tpu.dma_semaphore, #tpu.memory_space<semaphore_mem>>) src(%arg8 : memref<64x768xf32, #tpu.memory_space<vmem>>) dst(%dma_wait3A_67 : memref<64x768xf32, #tpu.memory_space<hbm>>)
      tpu.yield
    }) : () -> ()
    %dma_start3A_29 = arith.constant 64 : i32
    %dma_start3A_30 = tpu.memref_slice %arg6[%dma_start3A_29] : memref<128xi32, #tpu.memory_space<vmem>> -> memref<64xi32, #tpu.memory_space<vmem>>
    %dma_start3A_31 = arith.constant 0 : i32
    %dma_start3A_32 = arith.constant 0 : i32
    %dma_start3A_33 = tpu.memref_slice %arg2[%dma_start3A_31, %dma_start3A_32] : memref<8192x768xf32, #tpu.memory_space<hbm>> -> memref<8192x768xf32, #tpu.memory_space<hbm>>
    tpu.enqueue_indirect_dma source(%dma_start3A_33 : memref<8192x768xf32, #tpu.memory_space<hbm>>) target(%arg8 : memref<64x768xf32, #tpu.memory_space<vmem>>) offsets(%dma_start3A_30 : memref<64xi32, #tpu.memory_space<vmem>>) semaphore(%arg10 : memref<!tpu.dma_semaphore, #tpu.memory_space<semaphore_mem>>)
    %dma_wait3A_34 = arith.constant 64 : i32
    %dma_wait3A_35 = tpu.memref_slice %arg6[%dma_wait3A_34] : memref<128xi32, #tpu.memory_space<vmem>> -> memref<64xi32, #tpu.memory_space<vmem>>
    %dma_wait3A_36 = arith.constant 0 : i32
    %dma_wait3A_37 = arith.constant 0 : i32
    %dma_wait3A_38 = tpu.memref_slice %arg2[%dma_wait3A_36, %dma_wait3A_37] : memref<8192x768xf32, #tpu.memory_space<hbm>> -> memref<8192x768xf32, #tpu.memory_space<hbm>>
    tpu.wait_indirect_dma semaphore(%arg10 : memref<!tpu.dma_semaphore, #tpu.memory_space<semaphore_mem>>) src(%dma_wait3A_38 : memref<8192x768xf32, #tpu.memory_space<hbm>>) dst(%arg8 : memref<64x768xf32, #tpu.memory_space<vmem>>)
    %dma_start3A_39 = arith.constant 64 : i32
    %dma_start3A_40 = tpu.memref_slice %arg7[%dma_start3A_39] : memref<128xi32, #tpu.memory_space<vmem>> -> memref<64xi32, #tpu.memory_space<vmem>>
    %dma_start3A_41 = arith.constant 0 : i32
    %dma_start3A_42 = arith.constant 0 : i32
    %dma_start3A_43 = tpu.memref_slice %arg2[%dma_start3A_41, %dma_start3A_42] : memref<8192x768xf32, #tpu.memory_space<hbm>> -> memref<8192x768xf32, #tpu.memory_space<hbm>>
    tpu.enqueue_indirect_dma source(%dma_start3A_43 : memref<8192x768xf32, #tpu.memory_space<hbm>>) target(%arg9 : memref<64x768xf32, #tpu.memory_space<vmem>>) offsets(%dma_start3A_40 : memref<64xi32, #tpu.memory_space<vmem>>) semaphore(%arg10 : memref<!tpu.dma_semaphore, #tpu.memory_space<semaphore_mem>>)
    %dma_wait3A_44 = arith.constant 64 : i32
    %dma_wait3A_45 = tpu.memref_slice %arg7[%dma_wait3A_44] : memref<128xi32, #tpu.memory_space<vmem>> -> memref<64xi32, #tpu.memory_space<vmem>>
    %dma_wait3A_46 = arith.constant 0 : i32
    %dma_wait3A_47 = arith.constant 0 : i32
    %dma_wait3A_48 = tpu.memref_slice %arg2[%dma_wait3A_46, %dma_wait3A_47] : memref<8192x768xf32, #tpu.memory_space<hbm>> -> memref<8192x768xf32, #tpu.memory_space<hbm>>
    tpu.wait_indirect_dma semaphore(%arg10 : memref<!tpu.dma_semaphore, #tpu.memory_space<semaphore_mem>>) src(%dma_wait3A_48 : memref<8192x768xf32, #tpu.memory_space<hbm>>) dst(%arg9 : memref<64x768xf32, #tpu.memory_space<vmem>>)
    %scan3A_49 = arith.constant 0 : i32
    %scan3A_50 = arith.constant 0 : i32
    %scan3A_51 = arith.constant 64 : i32
    %scan3A_52 = arith.addi %scan3A_50, %scan3A_51 : i32
    %scan3A_53 = arith.constant 1 : i32
    %scan3A_54 = scf.for %scan3A_60 = %scan3A_50 to %scan3A_52 step %scan3A_53 iter_args(%scan3A_61 = %scan3A_49) -> (i32)  : i32 {
      %get3A = arith.index_cast %scan3A_60 : i32 to index
      %get3A_62 = arith.constant 0 : index
      %get3A_63 = tpu.vector_load %arg8[%get3A, %get3A_62] {strides = array<i32>} : memref<64x768xf32, #tpu.memory_space<vmem>>, vector<1x16xf32>,
      %get3A_64 = vector.shape_cast %get3A_63 : vector<1x16xf32> to vector<16xf32>
      %get3A_65 = arith.index_cast %scan3A_60 : i32 to index
      %get3A_66 = arith.constant 0 : index
      %get3A_67 = tpu.vector_load %arg9[%get3A_65, %get3A_66] {strides = array<i32>} : memref<64x768xf32, #tpu.memory_space<vmem>>, vector<1x16xf32>,
      %get3A_68 = vector.shape_cast %get3A_67 : vector<1x16xf32> to vector<16xf32>
      %add3A_69 = arith.addf %get3A_64, %get3A_68 : vector<16xf32>
      %swap3A = arith.index_cast %scan3A_60 : i32 to index
      %swap3A_70 = arith.constant 0 : index
      %swap3A_71 = tpu.vector_load %arg8[%swap3A, %swap3A_70] {strides = array<i32>} : memref<64x768xf32, #tpu.memory_space<vmem>>, vector<1x16xf32>,
      %swap3A_72 = vector.shape_cast %swap3A_71 : vector<1x16xf32> to vector<16xf32>
      %swap3A_73 = vector.shape_cast %add3A_69 : vector<16xf32> to vector<1x16xf32>
      tpu.vector_store %arg8[%swap3A, %swap3A_70], %swap3A_73 {strides = array<i32>} : memref<64x768xf32, #tpu.memory_space<vmem>>, vector<1x16xf32>,
      %get3A_74 = arith.index_cast %scan3A_60 : i32 to index
      %get3A_75 = arith.constant 16 : index
      %get3A_76 = tpu.vector_load %arg8[%get3A_74, %get3A_75] {strides = array<i32>} : memref<64x768xf32, #tpu.memory_space<vmem>>, vector<1x16xf32>,
      %get3A_77 = vector.shape_cast %get3A_76 : vector<1x16xf32> to vector<16xf32>
      %get3A_78 = arith.index_cast %scan3A_60 : i32 to index
      %get3A_79 = arith.constant 16 : index
      %get3A_80 = tpu.vector_load %arg9[%get3A_78, %get3A_79] {strides = array<i32>} : memref<64x768xf32, #tpu.memory_space<vmem>>, vector<1x16xf32>,
      %get3A_81 = vector.shape_cast %get3A_80 : vector<1x16xf32> to vector<16xf32>
      %add3A_82 = arith.addf %get3A_77, %get3A_81 : vector<16xf32>
      %swap3A_83 = arith.index_cast %scan3A_60 : i32 to index
      %swap3A_84 = arith.constant 16 : index
      %swap3A_85 = tpu.vector_load %arg8[%swap3A_83, %swap3A_84] {strides = array<i32>} : memref<64x768xf32, #tpu.memory_space<vmem>>, vector<1x16xf32>,
      %swap3A_86 = vector.shape_cast %swap3A_85 : vector<1x16xf32> to vector<16xf32>
      %swap3A_87 = vector.shape_cast %add3A_82 : vector<16xf32> to vector<1x16xf32>
      tpu.vector_store %arg8[%swap3A_83, %swap3A_84], %swap3A_87 {strides = array<i32>} : memref<64x768xf32, #tpu.memory_space<vmem>>, vector<1x16xf32>,
      %get3A_88 = arith.index_cast %scan3A_60 : i32 to index
      %get3A_89 = arith.constant 32 : index
      %get3A_90 = tpu.vector_load %arg8[%get3A_88, %get3A_89] {strides = array<i32>} : memref<64x768xf32, #tpu.memory_space<vmem>>, vector<1x16xf32>,
      %get3A_91 = vector.shape_cast %get3A_90 : vector<1x16xf32> to vector<16xf32>
      %get3A_92 = arith.index_cast %scan3A_60 : i32 to index
      %get3A_93 = arith.constant 32 : index
      %get3A_94 = tpu.vector_load %arg9[%get3A_92, %get3A_93] {strides = array<i32>} : memref<64x768xf32, #tpu.memory_space<vmem>>, vector<1x16xf32>,
      %get3A_95 = vector.shape_cast %get3A_94 : vector<1x16xf32> to vector<16xf32>
      %add3A_96 = arith.addf %get3A_91, %get3A_95 : vector<16xf32>
      %swap3A_97 = arith.index_cast %scan3A_60 : i32 to index
      %swap3A_98 = arith.constant 32 : index
      %swap3A_99 = tpu.vector_load %arg8[%swap3A_97, %swap3A_98] {strides = array<i32>} : memref<64x768xf32, #tpu.memory_space<vmem>>, vector<1x16xf32>,
      %swap3A_100 = vector.shape_cast %swap3A_99 : vector<1x16xf32> to vector<16xf32>
      %swap3A_101 = vector.shape_cast %add3A_96 : vector<16xf32> to vector<1x16xf32>
      tpu.vector_store %arg8[%swap3A_97, %swap3A_98], %swap3A_101 {strides = array<i32>} : memref<64x768xf32, #tpu.memory_space<vmem>>, vector<1x16xf32>,
      %get3A_102 = arith.index_cast %scan3A_60 : i32 to index
      %get3A_103 = arith.constant 48 : index
      %get3A_104 = tpu.vector_load %arg8[%get3A_102, %get3A_103] {strides = array<i32>} : memref<64x768xf32, #tpu.memory_space<vmem>>, vector<1x16xf32>,
      %get3A_105 = vector.shape_cast %get3A_104 : vector<1x16xf32> to vector<16xf32>
      %get3A_106 = arith.index_cast %scan3A_60 : i32 to index
      %get3A_107 = arith.constant 48 : index
      %get3A_108 = tpu.vector_load %arg9[%get3A_106, %get3A_107] {strides = array<i32>} : memref<64x768xf32, #tpu.memory_space<vmem>>, vector<1x16xf32>,
      %get3A_109 = vector.shape_cast %get3A_108 : vector<1x16xf32> to vector<16xf32>
      %add3A_110 = arith.addf %get3A_105, %get3A_109 : vector<16xf32>
      %swap3A_111 = arith.index_cast %scan3A_60 : i32 to index
      %swap3A_112 = arith.constant 48 : index
      %swap3A_113 = tpu.vector_load %arg8[%swap3A_111, %swap3A_112] {strides = array<i32>} : memref<64x768xf32, #tpu.memory_space<vmem>>, vector<1x16xf32>,
      %swap3A_114 = vector.shape_cast %swap3A_113 : vector<1x16xf32> to vector<16xf32>
      %swap3A_115 = vector.shape_cast %add3A_110 : vector<16xf32> to vector<1x16xf32>
      tpu.vector_store %arg8[%swap3A_111, %swap3A_112], %swap3A_115 {strides = array<i32>} : memref<64x768xf32, #tpu.memory_space<vmem>>, vector<1x16xf32>,
      %get3A_116 = arith.index_cast %scan3A_60 : i32 to index
      %get3A_117 = arith.constant 64 : index
      %get3A_118 = tpu.vector_load %arg8[%get3A_116, %get3A_117] {strides = array<i32>} : memref<64x768xf32, #tpu.memory_space<vmem>>, vector<1x16xf32>,
      %get3A_119 = vector.shape_cast %get3A_118 : vector<1x16xf32> to vector<16xf32>
      %get3A_120 = arith.index_cast %scan3A_60 : i32 to index
      %get3A_121 = arith.constant 64 : index
      %get3A_122 = tpu.vector_load %arg9[%get3A_120, %get3A_121] {strides = array<i32>} : memref<64x768xf32, #tpu.memory_space<vmem>>, vector<1x16xf32>,
      %get3A_123 = vector.shape_cast %get3A_122 : vector<1x16xf32> to vector<16xf32>
      %add3A_124 = arith.addf %get3A_119, %get3A_123 : vector<16xf32>
      %swap3A_125 = arith.index_cast %scan3A_60 : i32 to index
      %swap3A_126 = arith.constant 64 : index
      %swap3A_127 = tpu.vector_load %arg8[%swap3A_125, %swap3A_126] {strides = array<i32>} : memref<64x768xf32, #tpu.memory_space<vmem>>, vector<1x16xf32>,
      %swap3A_128 = vector.shape_cast %swap3A_127 : vector<1x16xf32> to vector<16xf32>
      %swap3A_129 = vector.shape_cast %add3A_124 : vector<16xf32> to vector<1x16xf32>
      tpu.vector_store %arg8[%swap3A_125, %swap3A_126], %swap3A_129 {strides = array<i32>} : memref<64x768xf32, #tpu.memory_space<vmem>>, vector<1x16xf32>,
      %get3A_130 = arith.index_cast %scan3A_60 : i32 to index
      %get3A_131 = arith.constant 80 : index
      %get3A_132 = tpu.vector_load %arg8[%get3A_130, %get3A_131] {strides = array<i32>} : memref<64x768xf32, #tpu.memory_space<vmem>>, vector<1x16xf32>,
      %get3A_133 = vector.shape_cast %get3A_132 : vector<1x16xf32> to vector<16xf32>
      %get3A_134 = arith.index_cast %scan3A_60 : i32 to index
      %get3A_135 = arith.constant 80 : index
      %get3A_136 = tpu.vector_load %arg9[%get3A_134, %get3A_135] {strides = array<i32>} : memref<64x768xf32, #tpu.memory_space<vmem>>, vector<1x16xf32>,
      %get3A_137 = vector.shape_cast %get3A_136 : vector<1x16xf32> to vector<16xf32>
      %add3A_138 = arith.addf %get3A_133, %get3A_137 : vector<16xf32>
      %swap3A_139 = arith.index_cast %scan3A_60 : i32 to index
      %swap3A_140 = arith.constant 80 : index
      %swap3A_141 = tpu.vector_load %arg8[%swap3A_139, %swap3A_140] {strides = array<i32>} : memref<64x768xf32, #tpu.memory_space<vmem>>, vector<1x16xf32>,
      %swap3A_142 = vector.shape_cast %swap3A_141 : vector<1x16xf32> to vector<16xf32>
      %swap3A_143 = vector.shape_cast %add3A_138 : vector<16xf32> to vector<1x16xf32>
      tpu.vector_store %arg8[%swap3A_139, %swap3A_140], %swap3A_143 {strides = array<i32>} : memref<64x768xf32, #tpu.memory_space<vmem>>, vector<1x16xf32>,
      %get3A_144 = arith.index_cast %scan3A_60 : i32 to index
      %get3A_145 = arith.constant 96 : index
      %get3A_146 = tpu.vector_load %arg8[%get3A_144, %get3A_145] {strides = array<i32>} : memref<64x768xf32, #tpu.memory_space<vmem>>, vector<1x16xf32>,
      %get3A_147 = vector.shape_cast %get3A_146 : vector<1x16xf32> to vector<16xf32>
      %get3A_148 = arith.index_cast %scan3A_60 : i32 to index
      %get3A_149 = arith.constant 96 : index
      %get3A_150 = tpu.vector_load %arg9[%get3A_148, %get3A_149] {strides = array<i32>} : memref<64x768xf32, #tpu.memory_space<vmem>>, vector<1x16xf32>,
      %get3A_151 = vector.shape_cast %get3A_150 : vector<1x16xf32> to vector<16xf32>
      %add3A_152 = arith.addf %get3A_147, %get3A_151 : vector<16xf32>
      %swap3A_153 = arith.index_cast %scan3A_60 : i32 to index
      %swap3A_154 = arith.constant 96 : index
      %swap3A_155 = tpu.vector_load %arg8[%swap3A_153, %swap3A_154] {strides = array<i32>} : memref<64x768xf32, #tpu.memory_space<vmem>>, vector<1x16xf32>,
      %swap3A_156 = vector.shape_cast %swap3A_155 : vector<1x16xf32> to vector<16xf32>
      %swap3A_157 = vector.shape_cast %add3A_152 : vector<16xf32> to vector<1x16xf32>
      tpu.vector_store %arg8[%swap3A_153, %swap3A_154], %swap3A_157 {strides = array<i32>} : memref<64x768xf32, #tpu.memory_space<vmem>>, vector<1x16xf32>,
      %get3A_158 = arith.index_cast %scan3A_60 : i32 to index
      %get3A_159 = arith.constant 112 : index
      %get3A_160 = tpu.vector_load %arg8[%get3A_158, %get3A_159] {strides = array<i32>} : memref<64x768xf32, #tpu.memory_space<vmem>>, vector<1x16xf32>,
      %get3A_161 = vector.shape_cast %get3A_160 : vector<1x16xf32> to vector<16xf32>
      %get3A_162 = arith.index_cast %scan3A_60 : i32 to index
      %get3A_163 = arith.constant 112 : index
      %get3A_164 = tpu.vector_load %arg9[%get3A_162, %get3A_163] {strides = array<i32>} : memref<64x768xf32, #tpu.memory_space<vmem>>, vector<1x16xf32>,
      %get3A_165 = vector.shape_cast %get3A_164 : vector<1x16xf32> to vector<16xf32>
      %add3A_166 = arith.addf %get3A_161, %get3A_165 : vector<16xf32>
      %swap3A_167 = arith.index_cast %scan3A_60 : i32 to index
      %swap3A_168 = arith.constant 112 : index
      %swap3A_169 = tpu.vector_load %arg8[%swap3A_167, %swap3A_168] {strides = array<i32>} : memref<64x768xf32, #tpu.memory_space<vmem>>, vector<1x16xf32>,
      %swap3A_170 = vector.shape_cast %swap3A_169 : vector<1x16xf32> to vector<16xf32>
      %swap3A_171 = vector.shape_cast %add3A_166 : vector<16xf32> to vector<1x16xf32>
      tpu.vector_store %arg8[%swap3A_167, %swap3A_168], %swap3A_171 {strides = array<i32>} : memref<64x768xf32, #tpu.memory_space<vmem>>, vector<1x16xf32>,
      %get3A_172 = arith.index_cast %scan3A_60 : i32 to index
      %get3A_173 = arith.constant 128 : index
      %get3A_174 = tpu.vector_load %arg8[%get3A_172, %get3A_173] {strides = array<i32>} : memref<64x768xf32, #tpu.memory_space<vmem>>, vector<1x16xf32>,
      %get3A_175 = vector.shape_cast %get3A_174 : vector<1x16xf32> to vector<16xf32>
      %get3A_176 = arith.index_cast %scan3A_60 : i32 to index
      %get3A_177 = arith.constant 128 : index
      %get3A_178 = tpu.vector_load %arg9[%get3A_176, %get3A_177] {strides = array<i32>} : memref<64x768xf32, #tpu.memory_space<vmem>>, vector<1x16xf32>,
      %get3A_179 = vector.shape_cast %get3A_178 : vector<1x16xf32> to vector<16xf32>
      %add3A_180 = arith.addf %get3A_175, %get3A_179 : vector<16xf32>
      %swap3A_181 = arith.index_cast %scan3A_60 : i32 to index
      %swap3A_182 = arith.constant 128 : index
      %swap3A_183 = tpu.vector_load %arg8[%swap3A_181, %swap3A_182] {strides = array<i32>} : memref<64x768xf32, #tpu.memory_space<vmem>>, vector<1x16xf32>,
      %swap3A_184 = vector.shape_cast %swap3A_183 : vector<1x16xf32> to vector<16xf32>
      %swap3A_185 = vector.shape_cast %add3A_180 : vector<16xf32> to vector<1x16xf32>
      tpu.vector_store %arg8[%swap3A_181, %swap3A_182], %swap3A_185 {strides = array<i32>} : memref<64x768xf32, #tpu.memory_space<vmem>>, vector<1x16xf32>,
      %get3A_186 = arith.index_cast %scan3A_60 : i32 to index
      %get3A_187 = arith.constant 144 : index
      %get3A_188 = tpu.vector_load %arg8[%get3A_186, %get3A_187] {strides = array<i32>} : memref<64x768xf32, #tpu.memory_space<vmem>>, vector<1x16xf32>,
      %get3A_189 = vector.shape_cast %get3A_188 : vector<1x16xf32> to vector<16xf32>
      %get3A_190 = arith.index_cast %scan3A_60 : i32 to index
      %get3A_191 = arith.constant 144 : index
      %get3A_192 = tpu.vector_load %arg9[%get3A_190, %get3A_191] {strides = array<i32>} : memref<64x768xf32, #tpu.memory_space<vmem>>, vector<1x16xf32>,
      %get3A_193 = vector.shape_cast %get3A_192 : vector<1x16xf32> to vector<16xf32>
      %add3A_194 = arith.addf %get3A_189, %get3A_193 : vector<16xf32>
      %swap3A_195 = arith.index_cast %scan3A_60 : i32 to index
      %swap3A_196 = arith.constant 144 : index
      %swap3A_197 = tpu.vector_load %arg8[%swap3A_195, %swap3A_196] {strides = array<i32>} : memref<64x768xf32, #tpu.memory_space<vmem>>, vector<1x16xf32>,
      %swap3A_198 = vector.shape_cast %swap3A_197 : vector<1x16xf32> to vector<16xf32>
      %swap3A_199 = vector.shape_cast %add3A_194 : vector<16xf32> to vector<1x16xf32>
      tpu.vector_store %arg8[%swap3A_195, %swap3A_196], %swap3A_199 {strides = array<i32>} : memref<64x768xf32, #tpu.memory_space<vmem>>, vector<1x16xf32>,
      %get3A_200 = arith.index_cast %scan3A_60 : i32 to index
      %get3A_201 = arith.constant 160 : index
      %get3A_202 = tpu.vector_load %arg8[%get3A_200, %get3A_201] {strides = array<i32>} : memref<64x768xf32, #tpu.memory_space<vmem>>, vector<1x16xf32>,
      %get3A_203 = vector.shape_cast %get3A_202 : vector<1x16xf32> to vector<16xf32>
      %get3A_204 = arith.index_cast %scan3A_60 : i32 to index
      %get3A_205 = arith.constant 160 : index
      %get3A_206 = tpu.vector_load %arg9[%get3A_204, %get3A_205] {strides = array<i32>} : memref<64x768xf32, #tpu.memory_space<vmem>>, vector<1x16xf32>,
      %get3A_207 = vector.shape_cast %get3A_206 : vector<1x16xf32> to vector<16xf32>
      %add3A_208 = arith.addf %get3A_203, %get3A_207 : vector<16xf32>
      %swap3A_209 = arith.index_cast %scan3A_60 : i32 to index
      %swap3A_210 = arith.constant 160 : index
      %swap3A_211 = tpu.vector_load %arg8[%swap3A_209, %swap3A_210] {strides = array<i32>} : memref<64x768xf32, #tpu.memory_space<vmem>>, vector<1x16xf32>,
      %swap3A_212 = vector.shape_cast %swap3A_211 : vector<1x16xf32> to vector<16xf32>
      %swap3A_213 = vector.shape_cast %add3A_208 : vector<16xf32> to vector<1x16xf32>
      tpu.vector_store %arg8[%swap3A_209, %swap3A_210], %swap3A_213 {strides = array<i32>} : memref<64x768xf32, #tpu.memory_space<vmem>>, vector<1x16xf32>,
      %get3A_214 = arith.index_cast %scan3A_60 : i32 to index
      %get3A_215 = arith.constant 176 : index
      %get3A_216 = tpu.vector_load %arg8[%get3A_214, %get3A_215] {strides = array<i32>} : memref<64x768xf32, #tpu.memory_space<vmem>>, vector<1x16xf32>,
      %get3A_217 = vector.shape_cast %get3A_216 : vector<1x16xf32> to vector<16xf32>
      %get3A_218 = arith.index_cast %scan3A_60 : i32 to index
      %get3A_219 = arith.constant 176 : index
      %get3A_220 = tpu.vector_load %arg9[%get3A_218, %get3A_219] {strides = array<i32>} : memref<64x768xf32, #tpu.memory_space<vmem>>, vector<1x16xf32>,
      %get3A_221 = vector.shape_cast %get3A_220 : vector<1x16xf32> to vector<16xf32>
      %add3A_222 = arith.addf %get3A_217, %get3A_221 : vector<16xf32>
      %swap3A_223 = arith.index_cast %scan3A_60 : i32 to index
      %swap3A_224 = arith.constant 176 : index
      %swap3A_225 = tpu.vector_load %arg8[%swap3A_223, %swap3A_224] {strides = array<i32>} : memref<64x768xf32, #tpu.memory_space<vmem>>, vector<1x16xf32>,
      %swap3A_226 = vector.shape_cast %swap3A_225 : vector<1x16xf32> to vector<16xf32>
      %swap3A_227 = vector.shape_cast %add3A_222 : vector<16xf32> to vector<1x16xf32>
      tpu.vector_store %arg8[%swap3A_223, %swap3A_224], %swap3A_227 {strides = array<i32>} : memref<64x768xf32, #tpu.memory_space<vmem>>, vector<1x16xf32>,
      %get3A_228 = arith.index_cast %scan3A_60 : i32 to index
      %get3A_229 = arith.constant 192 : index
      %get3A_230 = tpu.vector_load %arg8[%get3A_228, %get3A_229] {strides = array<i32>} : memref<64x768xf32, #tpu.memory_space<vmem>>, vector<1x16xf32>,
      %get3A_231 = vector.shape_cast %get3A_230 : vector<1x16xf32> to vector<16xf32>
      %get3A_232 = arith.index_cast %scan3A_60 : i32 to index
      %get3A_233 = arith.constant 192 : index
      %get3A_234 = tpu.vector_load %arg9[%get3A_232, %get3A_233] {strides = array<i32>} : memref<64x768xf32, #tpu.memory_space<vmem>>, vector<1x16xf32>,
      %get3A_235 = vector.shape_cast %get3A_234 : vector<1x16xf32> to vector<16xf32>
      %add3A_236 = arith.addf %get3A_231, %get3A_235 : vector<16xf32>
      %swap3A_237 = arith.index_cast %scan3A_60 : i32 to index
      %swap3A_238 = arith.constant 192 : index
      %swap3A_239 = tpu.vector_load %arg8[%swap3A_237, %swap3A_238] {strides = array<i32>} : memref<64x768xf32, #tpu.memory_space<vmem>>, vector<1x16xf32>,
      %swap3A_240 = vector.shape_cast %swap3A_239 : vector<1x16xf32> to vector<16xf32>
      %swap3A_241 = vector.shape_cast %add3A_236 : vector<16xf32> to vector<1x16xf32>
      tpu.vector_store %arg8[%swap3A_237, %swap3A_238], %swap3A_241 {strides = array<i32>} : memref<64x768xf32, #tpu.memory_space<vmem>>, vector<1x16xf32>,
      %get3A_242 = arith.index_cast %scan3A_60 : i32 to index
      %get3A_243 = arith.constant 208 : index
      %get3A_244 = tpu.vector_load %arg8[%get3A_242, %get3A_243] {strides = array<i32>} : memref<64x768xf32, #tpu.memory_space<vmem>>, vector<1x16xf32>,
      %get3A_245 = vector.shape_cast %get3A_244 : vector<1x16xf32> to vector<16xf32>
      %get3A_246 = arith.index_cast %scan3A_60 : i32 to index
      %get3A_247 = arith.constant 208 : index
      %get3A_248 = tpu.vector_load %arg9[%get3A_246, %get3A_247] {strides = array<i32>} : memref<64x768xf32, #tpu.memory_space<vmem>>, vector<1x16xf32>,
      %get3A_249 = vector.shape_cast %get3A_248 : vector<1x16xf32> to vector<16xf32>
      %add3A_250 = arith.addf %get3A_245, %get3A_249 : vector<16xf32>
      %swap3A_251 = arith.index_cast %scan3A_60 : i32 to index
      %swap3A_252 = arith.constant 208 : index
      %swap3A_253 = tpu.vector_load %arg8[%swap3A_251, %swap3A_252] {strides = array<i32>} : memref<64x768xf32, #tpu.memory_space<vmem>>, vector<1x16xf32>,
      %swap3A_254 = vector.shape_cast %swap3A_253 : vector<1x16xf32> to vector<16xf32>
      %swap3A_255 = vector.shape_cast %add3A_250 : vector<16xf32> to vector<1x16xf32>
      tpu.vector_store %arg8[%swap3A_251, %swap3A_252], %swap3A_255 {strides = array<i32>} : memref<64x768xf32, #tpu.memory_space<vmem>>, vector<1x16xf32>,
      %get3A_256 = arith.index_cast %scan3A_60 : i32 to index
      %get3A_257 = arith.constant 224 : index
      %get3A_258 = tpu.vector_load %arg8[%get3A_256, %get3A_257] {strides = array<i32>} : memref<64x768xf32, #tpu.memory_space<vmem>>, vector<1x16xf32>,
      %get3A_259 = vector.shape_cast %get3A_258 : vector<1x16xf32> to vector<16xf32>
      %get3A_260 = arith.index_cast %scan3A_60 : i32 to index
      %get3A_261 = arith.constant 224 : index
      %get3A_262 = tpu.vector_load %arg9[%get3A_260, %get3A_261] {strides = array<i32>} : memref<64x768xf32, #tpu.memory_space<vmem>>, vector<1x16xf32>,
      %get3A_263 = vector.shape_cast %get3A_262 : vector<1x16xf32> to vector<16xf32>
      %add3A_264 = arith.addf %get3A_259, %get3A_263 : vector<16xf32>
      %swap3A_265 = arith.index_cast %scan3A_60 : i32 to index
      %swap3A_266 = arith.constant 224 : index
      %swap3A_267 = tpu.vector_load %arg8[%swap3A_265, %swap3A_266] {strides = array<i32>} : memref<64x768xf32, #tpu.memory_space<vmem>>, vector<1x16xf32>,
      %swap3A_268 = vector.shape_cast %swap3A_267 : vector<1x16xf32> to vector<16xf32>
      %swap3A_269 = vector.shape_cast %add3A_264 : vector<16xf32> to vector<1x16xf32>
      tpu.vector_store %arg8[%swap3A_265, %swap3A_266], %swap3A_269 {strides = array<i32>} : memref<64x768xf32, #tpu.memory_space<vmem>>, vector<1x16xf32>,
      %get3A_270 = arith.index_cast %scan3A_60 : i32 to index
      %get3A_271 = arith.constant 240 : index
      %get3A_272 = tpu.vector_load %arg8[%get3A_270, %get3A_271] {strides = array<i32>} : memref<64x768xf32, #tpu.memory_space<vmem>>, vector<1x16xf32>,
      %get3A_273 = vector.shape_cast %get3A_272 : vector<1x16xf32> to vector<16xf32>
      %get3A_274 = arith.index_cast %scan3A_60 : i32 to index
      %get3A_275 = arith.constant 240 : index
      %get3A_276 = tpu.vector_load %arg9[%get3A_274, %get3A_275] {strides = array<i32>} : memref<64x768xf32, #tpu.memory_space<vmem>>, vector<1x16xf32>,
      %get3A_277 = vector.shape_cast %get3A_276 : vector<1x16xf32> to vector<16xf32>
      %add3A_278 = arith.addf %get3A_273, %get3A_277 : vector<16xf32>
      %swap3A_279 = arith.index_cast %scan3A_60 : i32 to index
      %swap3A_280 = arith.constant 240 : index
      %swap3A_281 = tpu.vector_load %arg8[%swap3A_279, %swap3A_280] {strides = array<i32>} : memref<64x768xf32, #tpu.memory_space<vmem>>, vector<1x16xf32>,
      %swap3A_282 = vector.shape_cast %swap3A_281 : vector<1x16xf32> to vector<16xf32>
      %swap3A_283 = vector.shape_cast %add3A_278 : vector<16xf32> to vector<1x16xf32>
      tpu.vector_store %arg8[%swap3A_279, %swap3A_280], %swap3A_283 {strides = array<i32>} : memref<64x768xf32, #tpu.memory_space<vmem>>, vector<1x16xf32>,
      %get3A_284 = arith.index_cast %scan3A_60 : i32 to index
      %get3A_285 = arith.constant 256 : index
      %get3A_286 = tpu.vector_load %arg8[%get3A_284, %get3A_285] {strides = array<i32>} : memref<64x768xf32, #tpu.memory_space<vmem>>, vector<1x16xf32>,
      %get3A_287 = vector.shape_cast %get3A_286 : vector<1x16xf32> to vector<16xf32>
      %get3A_288 = arith.index_cast %scan3A_60 : i32 to index
      %get3A_289 = arith.constant 256 : index
      %get3A_290 = tpu.vector_load %arg9[%get3A_288, %get3A_289] {strides = array<i32>} : memref<64x768xf32, #tpu.memory_space<vmem>>, vector<1x16xf32>,
      %get3A_291 = vector.shape_cast %get3A_290 : vector<1x16xf32> to vector<16xf32>
      %add3A_292 = arith.addf %get3A_287, %get3A_291 : vector<16xf32>
      %swap3A_293 = arith.index_cast %scan3A_60 : i32 to index
      %swap3A_294 = arith.constant 256 : index
      %swap3A_295 = tpu.vector_load %arg8[%swap3A_293, %swap3A_294] {strides = array<i32>} : memref<64x768xf32, #tpu.memory_space<vmem>>, vector<1x16xf32>,
      %swap3A_296 = vector.shape_cast %swap3A_295 : vector<1x16xf32> to vector<16xf32>
      %swap3A_297 = vector.shape_cast %add3A_292 : vector<16xf32> to vector<1x16xf32>
      tpu.vector_store %arg8[%swap3A_293, %swap3A_294], %swap3A_297 {strides = array<i32>} : memref<64x768xf32, #tpu.memory_space<vmem>>, vector<1x16xf32>,
      %get3A_298 = arith.index_cast %scan3A_60 : i32 to index
      %get3A_299 = arith.constant 272 : index
      %get3A_300 = tpu.vector_load %arg8[%get3A_298, %get3A_299] {strides = array<i32>} : memref<64x768xf32, #tpu.memory_space<vmem>>, vector<1x16xf32>,
      %get3A_301 = vector.shape_cast %get3A_300 : vector<1x16xf32> to vector<16xf32>
      %get3A_302 = arith.index_cast %scan3A_60 : i32 to index
      %get3A_303 = arith.constant 272 : index
      %get3A_304 = tpu.vector_load %arg9[%get3A_302, %get3A_303] {strides = array<i32>} : memref<64x768xf32, #tpu.memory_space<vmem>>, vector<1x16xf32>,
      %get3A_305 = vector.shape_cast %get3A_304 : vector<1x16xf32> to vector<16xf32>
      %add3A_306 = arith.addf %get3A_301, %get3A_305 : vector<16xf32>
      %swap3A_307 = arith.index_cast %scan3A_60 : i32 to index
      %swap3A_308 = arith.constant 272 : index
      %swap3A_309 = tpu.vector_load %arg8[%swap3A_307, %swap3A_308] {strides = array<i32>} : memref<64x768xf32, #tpu.memory_space<vmem>>, vector<1x16xf32>,
      %swap3A_310 = vector.shape_cast %swap3A_309 : vector<1x16xf32> to vector<16xf32>
      %swap3A_311 = vector.shape_cast %add3A_306 : vector<16xf32> to vector<1x16xf32>
      tpu.vector_store %arg8[%swap3A_307, %swap3A_308], %swap3A_311 {strides = array<i32>} : memref<64x768xf32, #tpu.memory_space<vmem>>, vector<1x16xf32>,
      %get3A_312 = arith.index_cast %scan3A_60 : i32 to index
      %get3A_313 = arith.constant 288 : index
      %get3A_314 = tpu.vector_load %arg8[%get3A_312, %get3A_313] {strides = array<i32>} : memref<64x768xf32, #tpu.memory_space<vmem>>, vector<1x16xf32>,
      %get3A_315 = vector.shape_cast %get3A_314 : vector<1x16xf32> to vector<16xf32>
      %get3A_316 = arith.index_cast %scan3A_60 : i32 to index
      %get3A_317 = arith.constant 288 : index
      %get3A_318 = tpu.vector_load %arg9[%get3A_316, %get3A_317] {strides = array<i32>} : memref<64x768xf32, #tpu.memory_space<vmem>>, vector<1x16xf32>,
      %get3A_319 = vector.shape_cast %get3A_318 : vector<1x16xf32> to vector<16xf32>
      %add3A_320 = arith.addf %get3A_315, %get3A_319 : vector<16xf32>
      %swap3A_321 = arith.index_cast %scan3A_60 : i32 to index
      %swap3A_322 = arith.constant 288 : index
      %swap3A_323 = tpu.vector_load %arg8[%swap3A_321, %swap3A_322] {strides = array<i32>} : memref<64x768xf32, #tpu.memory_space<vmem>>, vector<1x16xf32>,
      %swap3A_324 = vector.shape_cast %swap3A_323 : vector<1x16xf32> to vector<16xf32>
      %swap3A_325 = vector.shape_cast %add3A_320 : vector<16xf32> to vector<1x16xf32>
      tpu.vector_store %arg8[%swap3A_321, %swap3A_322], %swap3A_325 {strides = array<i32>} : memref<64x768xf32, #tpu.memory_space<vmem>>, vector<1x16xf32>,
      %get3A_326 = arith.index_cast %scan3A_60 : i32 to index
      %get3A_327 = arith.constant 304 : index
      %get3A_328 = tpu.vector_load %arg8[%get3A_326, %get3A_327] {strides = array<i32>} : memref<64x768xf32, #tpu.memory_space<vmem>>, vector<1x16xf32>,
      %get3A_329 = vector.shape_cast %get3A_328 : vector<1x16xf32> to vector<16xf32>
      %get3A_330 = arith.index_cast %scan3A_60 : i32 to index
      %get3A_331 = arith.constant 304 : index
      %get3A_332 = tpu.vector_load %arg9[%get3A_330, %get3A_331] {strides = array<i32>} : memref<64x768xf32, #tpu.memory_space<vmem>>, vector<1x16xf32>,
      %get3A_333 = vector.shape_cast %get3A_332 : vector<1x16xf32> to vector<16xf32>
      %add3A_334 = arith.addf %get3A_329, %get3A_333 : vector<16xf32>
      %swap3A_335 = arith.index_cast %scan3A_60 : i32 to index
      %swap3A_336 = arith.constant 304 : index
      %swap3A_337 = tpu.vector_load %arg8[%swap3A_335, %swap3A_336] {strides = array<i32>} : memref<64x768xf32, #tpu.memory_space<vmem>>, vector<1x16xf32>,
      %swap3A_338 = vector.shape_cast %swap3A_337 : vector<1x16xf32> to vector<16xf32>
      %swap3A_339 = vector.shape_cast %add3A_334 : vector<16xf32> to vector<1x16xf32>
      tpu.vector_store %arg8[%swap3A_335, %swap3A_336], %swap3A_339 {strides = array<i32>} : memref<64x768xf32, #tpu.memory_space<vmem>>, vector<1x16xf32>,
      %get3A_340 = arith.index_cast %scan3A_60 : i32 to index
      %get3A_341 = arith.constant 320 : index
      %get3A_342 = tpu.vector_load %arg8[%get3A_340, %get3A_341] {strides = array<i32>} : memref<64x768xf32, #tpu.memory_space<vmem>>, vector<1x16xf32>,
      %get3A_343 = vector.shape_cast %get3A_342 : vector<1x16xf32> to vector<16xf32>
      %get3A_344 = arith.index_cast %scan3A_60 : i32 to index
      %get3A_345 = arith.constant 320 : index
      %get3A_346 = tpu.vector_load %arg9[%get3A_344, %get3A_345] {strides = array<i32>} : memref<64x768xf32, #tpu.memory_space<vmem>>, vector<1x16xf32>,
      %get3A_347 = vector.shape_cast %get3A_346 : vector<1x16xf32> to vector<16xf32>
      %add3A_348 = arith.addf %get3A_343, %get3A_347 : vector<16xf32>
      %swap3A_349 = arith.index_cast %scan3A_60 : i32 to index
      %swap3A_350 = arith.constant 320 : index
      %swap3A_351 = tpu.vector_load %arg8[%swap3A_349, %swap3A_350] {strides = array<i32>} : memref<64x768xf32, #tpu.memory_space<vmem>>, vector<1x16xf32>,
      %swap3A_352 = vector.shape_cast %swap3A_351 : vector<1x16xf32> to vector<16xf32>
      %swap3A_353 = vector.shape_cast %add3A_348 : vector<16xf32> to vector<1x16xf32>
      tpu.vector_store %arg8[%swap3A_349, %swap3A_350], %swap3A_353 {strides = array<i32>} : memref<64x768xf32, #tpu.memory_space<vmem>>, vector<1x16xf32>,
      %get3A_354 = arith.index_cast %scan3A_60 : i32 to index
      %get3A_355 = arith.constant 336 : index
      %get3A_356 = tpu.vector_load %arg8[%get3A_354, %get3A_355] {strides = array<i32>} : memref<64x768xf32, #tpu.memory_space<vmem>>, vector<1x16xf32>,
      %get3A_357 = vector.shape_cast %get3A_356 : vector<1x16xf32> to vector<16xf32>
      %get3A_358 = arith.index_cast %scan3A_60 : i32 to index
      %get3A_359 = arith.constant 336 : index
      %get3A_360 = tpu.vector_load %arg9[%get3A_358, %get3A_359] {strides = array<i32>} : memref<64x768xf32, #tpu.memory_space<vmem>>, vector<1x16xf32>,
      %get3A_361 = vector.shape_cast %get3A_360 : vector<1x16xf32> to vector<16xf32>
      %add3A_362 = arith.addf %get3A_357, %get3A_361 : vector<16xf32>
      %swap3A_363 = arith.index_cast %scan3A_60 : i32 to index
      %swap3A_364 = arith.constant 336 : index
      %swap3A_365 = tpu.vector_load %arg8[%swap3A_363, %swap3A_364] {strides = array<i32>} : memref<64x768xf32, #tpu.memory_space<vmem>>, vector<1x16xf32>,
      %swap3A_366 = vector.shape_cast %swap3A_365 : vector<1x16xf32> to vector<16xf32>
      %swap3A_367 = vector.shape_cast %add3A_362 : vector<16xf32> to vector<1x16xf32>
      tpu.vector_store %arg8[%swap3A_363, %swap3A_364], %swap3A_367 {strides = array<i32>} : memref<64x768xf32, #tpu.memory_space<vmem>>, vector<1x16xf32>,
      %get3A_368 = arith.index_cast %scan3A_60 : i32 to index
      %get3A_369 = arith.constant 352 : index
      %get3A_370 = tpu.vector_load %arg8[%get3A_368, %get3A_369] {strides = array<i32>} : memref<64x768xf32, #tpu.memory_space<vmem>>, vector<1x16xf32>,
      %get3A_371 = vector.shape_cast %get3A_370 : vector<1x16xf32> to vector<16xf32>
      %get3A_372 = arith.index_cast %scan3A_60 : i32 to index
      %get3A_373 = arith.constant 352 : index
      %get3A_374 = tpu.vector_load %arg9[%get3A_372, %get3A_373] {strides = array<i32>} : memref<64x768xf32, #tpu.memory_space<vmem>>, vector<1x16xf32>,
      %get3A_375 = vector.shape_cast %get3A_374 : vector<1x16xf32> to vector<16xf32>
      %add3A_376 = arith.addf %get3A_371, %get3A_375 : vector<16xf32>
      %swap3A_377 = arith.index_cast %scan3A_60 : i32 to index
      %swap3A_378 = arith.constant 352 : index
      %swap3A_379 = tpu.vector_load %arg8[%swap3A_377, %swap3A_378] {strides = array<i32>} : memref<64x768xf32, #tpu.memory_space<vmem>>, vector<1x16xf32>,
      %swap3A_380 = vector.shape_cast %swap3A_379 : vector<1x16xf32> to vector<16xf32>
      %swap3A_381 = vector.shape_cast %add3A_376 : vector<16xf32> to vector<1x16xf32>
      tpu.vector_store %arg8[%swap3A_377, %swap3A_378], %swap3A_381 {strides = array<i32>} : memref<64x768xf32, #tpu.memory_space<vmem>>, vector<1x16xf32>,
      %get3A_382 = arith.index_cast %scan3A_60 : i32 to index
      %get3A_383 = arith.constant 368 : index
      %get3A_384 = tpu.vector_load %arg8[%get3A_382, %get3A_383] {strides = array<i32>} : memref<64x768xf32, #tpu.memory_space<vmem>>, vector<1x16xf32>,
      %get3A_385 = vector.shape_cast %get3A_384 : vector<1x16xf32> to vector<16xf32>
      %get3A_386 = arith.index_cast %scan3A_60 : i32 to index
      %get3A_387 = arith.constant 368 : index
      %get3A_388 = tpu.vector_load %arg9[%get3A_386, %get3A_387] {strides = array<i32>} : memref<64x768xf32, #tpu.memory_space<vmem>>, vector<1x16xf32>,
      %get3A_389 = vector.shape_cast %get3A_388 : vector<1x16xf32> to vector<16xf32>
      %add3A_390 = arith.addf %get3A_385, %get3A_389 : vector<16xf32>
      %swap3A_391 = arith.index_cast %scan3A_60 : i32 to index
      %swap3A_392 = arith.constant 368 : index
      %swap3A_393 = tpu.vector_load %arg8[%swap3A_391, %swap3A_392] {strides = array<i32>} : memref<64x768xf32, #tpu.memory_space<vmem>>, vector<1x16xf32>,
      %swap3A_394 = vector.shape_cast %swap3A_393 : vector<1x16xf32> to vector<16xf32>
      %swap3A_395 = vector.shape_cast %add3A_390 : vector<16xf32> to vector<1x16xf32>
      tpu.vector_store %arg8[%swap3A_391, %swap3A_392], %swap3A_395 {strides = array<i32>} : memref<64x768xf32, #tpu.memory_space<vmem>>, vector<1x16xf32>,
      %get3A_396 = arith.index_cast %scan3A_60 : i32 to index
      %get3A_397 = arith.constant 384 : index
      %get3A_398 = tpu.vector_load %arg8[%get3A_396, %get3A_397] {strides = array<i32>} : memref<64x768xf32, #tpu.memory_space<vmem>>, vector<1x16xf32>,
      %get3A_399 = vector.shape_cast %get3A_398 : vector<1x16xf32> to vector<16xf32>
      %get3A_400 = arith.index_cast %scan3A_60 : i32 to index
      %get3A_401 = arith.constant 384 : index
      %get3A_402 = tpu.vector_load %arg9[%get3A_400, %get3A_401] {strides = array<i32>} : memref<64x768xf32, #tpu.memory_space<vmem>>, vector<1x16xf32>,
      %get3A_403 = vector.shape_cast %get3A_402 : vector<1x16xf32> to vector<16xf32>
      %add3A_404 = arith.addf %get3A_399, %get3A_403 : vector<16xf32>
      %swap3A_405 = arith.index_cast %scan3A_60 : i32 to index
      %swap3A_406 = arith.constant 384 : index
      %swap3A_407 = tpu.vector_load %arg8[%swap3A_405, %swap3A_406] {strides = array<i32>} : memref<64x768xf32, #tpu.memory_space<vmem>>, vector<1x16xf32>,
      %swap3A_408 = vector.shape_cast %swap3A_407 : vector<1x16xf32> to vector<16xf32>
      %swap3A_409 = vector.shape_cast %add3A_404 : vector<16xf32> to vector<1x16xf32>
      tpu.vector_store %arg8[%swap3A_405, %swap3A_406], %swap3A_409 {strides = array<i32>} : memref<64x768xf32, #tpu.memory_space<vmem>>, vector<1x16xf32>,
      %get3A_410 = arith.index_cast %scan3A_60 : i32 to index
      %get3A_411 = arith.constant 400 : index
      %get3A_412 = tpu.vector_load %arg8[%get3A_410, %get3A_411] {strides = array<i32>} : memref<64x768xf32, #tpu.memory_space<vmem>>, vector<1x16xf32>,
      %get3A_413 = vector.shape_cast %get3A_412 : vector<1x16xf32> to vector<16xf32>
      %get3A_414 = arith.index_cast %scan3A_60 : i32 to index
      %get3A_415 = arith.constant 400 : index
      %get3A_416 = tpu.vector_load %arg9[%get3A_414, %get3A_415] {strides = array<i32>} : memref<64x768xf32, #tpu.memory_space<vmem>>, vector<1x16xf32>,
      %get3A_417 = vector.shape_cast %get3A_416 : vector<1x16xf32> to vector<16xf32>
      %add3A_418 = arith.addf %get3A_413, %get3A_417 : vector<16xf32>
      %swap3A_419 = arith.index_cast %scan3A_60 : i32 to index
      %swap3A_420 = arith.constant 400 : index
      %swap3A_421 = tpu.vector_load %arg8[%swap3A_419, %swap3A_420] {strides = array<i32>} : memref<64x768xf32, #tpu.memory_space<vmem>>, vector<1x16xf32>,
      %swap3A_422 = vector.shape_cast %swap3A_421 : vector<1x16xf32> to vector<16xf32>
      %swap3A_423 = vector.shape_cast %add3A_418 : vector<16xf32> to vector<1x16xf32>
      tpu.vector_store %arg8[%swap3A_419, %swap3A_420], %swap3A_423 {strides = array<i32>} : memref<64x768xf32, #tpu.memory_space<vmem>>, vector<1x16xf32>,
      %get3A_424 = arith.index_cast %scan3A_60 : i32 to index
      %get3A_425 = arith.constant 416 : index
      %get3A_426 = tpu.vector_load %arg8[%get3A_424, %get3A_425] {strides = array<i32>} : memref<64x768xf32, #tpu.memory_space<vmem>>, vector<1x16xf32>,
      %get3A_427 = vector.shape_cast %get3A_426 : vector<1x16xf32> to vector<16xf32>
      %get3A_428 = arith.index_cast %scan3A_60 : i32 to index
      %get3A_429 = arith.constant 416 : index
      %get3A_430 = tpu.vector_load %arg9[%get3A_428, %get3A_429] {strides = array<i32>} : memref<64x768xf32, #tpu.memory_space<vmem>>, vector<1x16xf32>,
      %get3A_431 = vector.shape_cast %get3A_430 : vector<1x16xf32> to vector<16xf32>
      %add3A_432 = arith.addf %get3A_427, %get3A_431 : vector<16xf32>
      %swap3A_433 = arith.index_cast %scan3A_60 : i32 to index
      %swap3A_434 = arith.constant 416 : index
      %swap3A_435 = tpu.vector_load %arg8[%swap3A_433, %swap3A_434] {strides = array<i32>} : memref<64x768xf32, #tpu.memory_space<vmem>>, vector<1x16xf32>,
      %swap3A_436 = vector.shape_cast %swap3A_435 : vector<1x16xf32> to vector<16xf32>
      %swap3A_437 = vector.shape_cast %add3A_432 : vector<16xf32> to vector<1x16xf32>
      tpu.vector_store %arg8[%swap3A_433, %swap3A_434], %swap3A_437 {strides = array<i32>} : memref<64x768xf32, #tpu.memory_space<vmem>>, vector<1x16xf32>,
      %get3A_438 = arith.index_cast %scan3A_60 : i32 to index
      %get3A_439 = arith.constant 432 : index
      %get3A_440 = tpu.vector_load %arg8[%get3A_438, %get3A_439] {strides = array<i32>} : memref<64x768xf32, #tpu.memory_space<vmem>>, vector<1x16xf32>,
      %get3A_441 = vector.shape_cast %get3A_440 : vector<1x16xf32> to vector<16xf32>
      %get3A_442 = arith.index_cast %scan3A_60 : i32 to index
      %get3A_443 = arith.constant 432 : index
      %get3A_444 = tpu.vector_load %arg9[%get3A_442, %get3A_443] {strides = array<i32>} : memref<64x768xf32, #tpu.memory_space<vmem>>, vector<1x16xf32>,
      %get3A_445 = vector.shape_cast %get3A_444 : vector<1x16xf32> to vector<16xf32>
      %add3A_446 = arith.addf %get3A_441, %get3A_445 : vector<16xf32>
      %swap3A_447 = arith.index_cast %scan3A_60 : i32 to index
      %swap3A_448 = arith.constant 432 : index
      %swap3A_449 = tpu.vector_load %arg8[%swap3A_447, %swap3A_448] {strides = array<i32>} : memref<64x768xf32, #tpu.memory_space<vmem>>, vector<1x16xf32>,
      %swap3A_450 = vector.shape_cast %swap3A_449 : vector<1x16xf32> to vector<16xf32>
      %swap3A_451 = vector.shape_cast %add3A_446 : vector<16xf32> to vector<1x16xf32>
      tpu.vector_store %arg8[%swap3A_447, %swap3A_448], %swap3A_451 {strides = array<i32>} : memref<64x768xf32, #tpu.memory_space<vmem>>, vector<1x16xf32>,
      %get3A_452 = arith.index_cast %scan3A_60 : i32 to index
      %get3A_453 = arith.constant 448 : index
      %get3A_454 = tpu.vector_load %arg8[%get3A_452, %get3A_453] {strides = array<i32>} : memref<64x768xf32, #tpu.memory_space<vmem>>, vector<1x16xf32>,
      %get3A_455 = vector.shape_cast %get3A_454 : vector<1x16xf32> to vector<16xf32>
      %get3A_456 = arith.index_cast %scan3A_60 : i32 to index
      %get3A_457 = arith.constant 448 : index
      %get3A_458 = tpu.vector_load %arg9[%get3A_456, %get3A_457] {strides = array<i32>} : memref<64x768xf32, #tpu.memory_space<vmem>>, vector<1x16xf32>,
      %get3A_459 = vector.shape_cast %get3A_458 : vector<1x16xf32> to vector<16xf32>
      %add3A_460 = arith.addf %get3A_455, %get3A_459 : vector<16xf32>
      %swap3A_461 = arith.index_cast %scan3A_60 : i32 to index
      %swap3A_462 = arith.constant 448 : index
      %swap3A_463 = tpu.vector_load %arg8[%swap3A_461, %swap3A_462] {strides = array<i32>} : memref<64x768xf32, #tpu.memory_space<vmem>>, vector<1x16xf32>,
      %swap3A_464 = vector.shape_cast %swap3A_463 : vector<1x16xf32> to vector<16xf32>
      %swap3A_465 = vector.shape_cast %add3A_460 : vector<16xf32> to vector<1x16xf32>
      tpu.vector_store %arg8[%swap3A_461, %swap3A_462], %swap3A_465 {strides = array<i32>} : memref<64x768xf32, #tpu.memory_space<vmem>>, vector<1x16xf32>,
      %get3A_466 = arith.index_cast %scan3A_60 : i32 to index
      %get3A_467 = arith.constant 464 : index
      %get3A_468 = tpu.vector_load %arg8[%get3A_466, %get3A_467] {strides = array<i32>} : memref<64x768xf32, #tpu.memory_space<vmem>>, vector<1x16xf32>,
      %get3A_469 = vector.shape_cast %get3A_468 : vector<1x16xf32> to vector<16xf32>
      %get3A_470 = arith.index_cast %scan3A_60 : i32 to index
      %get3A_471 = arith.constant 464 : index
      %get3A_472 = tpu.vector_load %arg9[%get3A_470, %get3A_471] {strides = array<i32>} : memref<64x768xf32, #tpu.memory_space<vmem>>, vector<1x16xf32>,
      %get3A_473 = vector.shape_cast %get3A_472 : vector<1x16xf32> to vector<16xf32>
      %add3A_474 = arith.addf %get3A_469, %get3A_473 : vector<16xf32>
      %swap3A_475 = arith.index_cast %scan3A_60 : i32 to index
      %swap3A_476 = arith.constant 464 : index
      %swap3A_477 = tpu.vector_load %arg8[%swap3A_475, %swap3A_476] {strides = array<i32>} : memref<64x768xf32, #tpu.memory_space<vmem>>, vector<1x16xf32>,
      %swap3A_478 = vector.shape_cast %swap3A_477 : vector<1x16xf32> to vector<16xf32>
      %swap3A_479 = vector.shape_cast %add3A_474 : vector<16xf32> to vector<1x16xf32>
      tpu.vector_store %arg8[%swap3A_475, %swap3A_476], %swap3A_479 {strides = array<i32>} : memref<64x768xf32, #tpu.memory_space<vmem>>, vector<1x16xf32>,
      %get3A_480 = arith.index_cast %scan3A_60 : i32 to index
      %get3A_481 = arith.constant 480 : index
      %get3A_482 = tpu.vector_load %arg8[%get3A_480, %get3A_481] {strides = array<i32>} : memref<64x768xf32, #tpu.memory_space<vmem>>, vector<1x16xf32>,
      %get3A_483 = vector.shape_cast %get3A_482 : vector<1x16xf32> to vector<16xf32>
      %get3A_484 = arith.index_cast %scan3A_60 : i32 to index
      %get3A_485 = arith.constant 480 : index
      %get3A_486 = tpu.vector_load %arg9[%get3A_484, %get3A_485] {strides = array<i32>} : memref<64x768xf32, #tpu.memory_space<vmem>>, vector<1x16xf32>,
      %get3A_487 = vector.shape_cast %get3A_486 : vector<1x16xf32> to vector<16xf32>
      %add3A_488 = arith.addf %get3A_483, %get3A_487 : vector<16xf32>
      %swap3A_489 = arith.index_cast %scan3A_60 : i32 to index
      %swap3A_490 = arith.constant 480 : index
      %swap3A_491 = tpu.vector_load %arg8[%swap3A_489, %swap3A_490] {strides = array<i32>} : memref<64x768xf32, #tpu.memory_space<vmem>>, vector<1x16xf32>,
      %swap3A_492 = vector.shape_cast %swap3A_491 : vector<1x16xf32> to vector<16xf32>
      %swap3A_493 = vector.shape_cast %add3A_488 : vector<16xf32> to vector<1x16xf32>
      tpu.vector_store %arg8[%swap3A_489, %swap3A_490], %swap3A_493 {strides = array<i32>} : memref<64x768xf32, #tpu.memory_space<vmem>>, vector<1x16xf32>,
      %get3A_494 = arith.index_cast %scan3A_60 : i32 to index
      %get3A_495 = arith.constant 496 : index
      %get3A_496 = tpu.vector_load %arg8[%get3A_494, %get3A_495] {strides = array<i32>} : memref<64x768xf32, #tpu.memory_space<vmem>>, vector<1x16xf32>,
      %get3A_497 = vector.shape_cast %get3A_496 : vector<1x16xf32> to vector<16xf32>
      %get3A_498 = arith.index_cast %scan3A_60 : i32 to index
      %get3A_499 = arith.constant 496 : index
      %get3A_500 = tpu.vector_load %arg9[%get3A_498, %get3A_499] {strides = array<i32>} : memref<64x768xf32, #tpu.memory_space<vmem>>, vector<1x16xf32>,
      %get3A_501 = vector.shape_cast %get3A_500 : vector<1x16xf32> to vector<16xf32>
      %add3A_502 = arith.addf %get3A_497, %get3A_501 : vector<16xf32>
      %swap3A_503 = arith.index_cast %scan3A_60 : i32 to index
      %swap3A_504 = arith.constant 496 : index
      %swap3A_505 = tpu.vector_load %arg8[%swap3A_503, %swap3A_504] {strides = array<i32>} : memref<64x768xf32, #tpu.memory_space<vmem>>, vector<1x16xf32>,
      %swap3A_506 = vector.shape_cast %swap3A_505 : vector<1x16xf32> to vector<16xf32>
      %swap3A_507 = vector.shape_cast %add3A_502 : vector<16xf32> to vector<1x16xf32>
      tpu.vector_store %arg8[%swap3A_503, %swap3A_504], %swap3A_507 {strides = array<i32>} : memref<64x768xf32, #tpu.memory_space<vmem>>, vector<1x16xf32>,
      %get3A_508 = arith.index_cast %scan3A_60 : i32 to index
      %get3A_509 = arith.constant 512 : index
      %get3A_510 = tpu.vector_load %arg8[%get3A_508, %get3A_509] {strides = array<i32>} : memref<64x768xf32, #tpu.memory_space<vmem>>, vector<1x16xf32>,
      %get3A_511 = vector.shape_cast %get3A_510 : vector<1x16xf32> to vector<16xf32>
      %get3A_512 = arith.index_cast %scan3A_60 : i32 to index
      %get3A_513 = arith.constant 512 : index
      %get3A_514 = tpu.vector_load %arg9[%get3A_512, %get3A_513] {strides = array<i32>} : memref<64x768xf32, #tpu.memory_space<vmem>>, vector<1x16xf32>,
      %get3A_515 = vector.shape_cast %get3A_514 : vector<1x16xf32> to vector<16xf32>
      %add3A_516 = arith.addf %get3A_511, %get3A_515 : vector<16xf32>
      %swap3A_517 = arith.index_cast %scan3A_60 : i32 to index
      %swap3A_518 = arith.constant 512 : index
      %swap3A_519 = tpu.vector_load %arg8[%swap3A_517, %swap3A_518] {strides = array<i32>} : memref<64x768xf32, #tpu.memory_space<vmem>>, vector<1x16xf32>,
      %swap3A_520 = vector.shape_cast %swap3A_519 : vector<1x16xf32> to vector<16xf32>
      %swap3A_521 = vector.shape_cast %add3A_516 : vector<16xf32> to vector<1x16xf32>
      tpu.vector_store %arg8[%swap3A_517, %swap3A_518], %swap3A_521 {strides = array<i32>} : memref<64x768xf32, #tpu.memory_space<vmem>>, vector<1x16xf32>,
      %get3A_522 = arith.index_cast %scan3A_60 : i32 to index
      %get3A_523 = arith.constant 528 : index
      %get3A_524 = tpu.vector_load %arg8[%get3A_522, %get3A_523] {strides = array<i32>} : memref<64x768xf32, #tpu.memory_space<vmem>>, vector<1x16xf32>,
      %get3A_525 = vector.shape_cast %get3A_524 : vector<1x16xf32> to vector<16xf32>
      %get3A_526 = arith.index_cast %scan3A_60 : i32 to index
      %get3A_527 = arith.constant 528 : index
      %get3A_528 = tpu.vector_load %arg9[%get3A_526, %get3A_527] {strides = array<i32>} : memref<64x768xf32, #tpu.memory_space<vmem>>, vector<1x16xf32>,
      %get3A_529 = vector.shape_cast %get3A_528 : vector<1x16xf32> to vector<16xf32>
      %add3A_530 = arith.addf %get3A_525, %get3A_529 : vector<16xf32>
      %swap3A_531 = arith.index_cast %scan3A_60 : i32 to index
      %swap3A_532 = arith.constant 528 : index
      %swap3A_533 = tpu.vector_load %arg8[%swap3A_531, %swap3A_532] {strides = array<i32>} : memref<64x768xf32, #tpu.memory_space<vmem>>, vector<1x16xf32>,
      %swap3A_534 = vector.shape_cast %swap3A_533 : vector<1x16xf32> to vector<16xf32>
      %swap3A_535 = vector.shape_cast %add3A_530 : vector<16xf32> to vector<1x16xf32>
      tpu.vector_store %arg8[%swap3A_531, %swap3A_532], %swap3A_535 {strides = array<i32>} : memref<64x768xf32, #tpu.memory_space<vmem>>, vector<1x16xf32>,
      %get3A_536 = arith.index_cast %scan3A_60 : i32 to index
      %get3A_537 = arith.constant 544 : index
      %get3A_538 = tpu.vector_load %arg8[%get3A_536, %get3A_537] {strides = array<i32>} : memref<64x768xf32, #tpu.memory_space<vmem>>, vector<1x16xf32>,
      %get3A_539 = vector.shape_cast %get3A_538 : vector<1x16xf32> to vector<16xf32>
      %get3A_540 = arith.index_cast %scan3A_60 : i32 to index
      %get3A_541 = arith.constant 544 : index
      %get3A_542 = tpu.vector_load %arg9[%get3A_540, %get3A_541] {strides = array<i32>} : memref<64x768xf32, #tpu.memory_space<vmem>>, vector<1x16xf32>,
      %get3A_543 = vector.shape_cast %get3A_542 : vector<1x16xf32> to vector<16xf32>
      %add3A_544 = arith.addf %get3A_539, %get3A_543 : vector<16xf32>
      %swap3A_545 = arith.index_cast %scan3A_60 : i32 to index
      %swap3A_546 = arith.constant 544 : index
      %swap3A_547 = tpu.vector_load %arg8[%swap3A_545, %swap3A_546] {strides = array<i32>} : memref<64x768xf32, #tpu.memory_space<vmem>>, vector<1x16xf32>,
      %swap3A_548 = vector.shape_cast %swap3A_547 : vector<1x16xf32> to vector<16xf32>
      %swap3A_549 = vector.shape_cast %add3A_544 : vector<16xf32> to vector<1x16xf32>
      tpu.vector_store %arg8[%swap3A_545, %swap3A_546], %swap3A_549 {strides = array<i32>} : memref<64x768xf32, #tpu.memory_space<vmem>>, vector<1x16xf32>,
      %get3A_550 = arith.index_cast %scan3A_60 : i32 to index
      %get3A_551 = arith.constant 560 : index
      %get3A_552 = tpu.vector_load %arg8[%get3A_550, %get3A_551] {strides = array<i32>} : memref<64x768xf32, #tpu.memory_space<vmem>>, vector<1x16xf32>,
      %get3A_553 = vector.shape_cast %get3A_552 : vector<1x16xf32> to vector<16xf32>
      %get3A_554 = arith.index_cast %scan3A_60 : i32 to index
      %get3A_555 = arith.constant 560 : index
      %get3A_556 = tpu.vector_load %arg9[%get3A_554, %get3A_555] {strides = array<i32>} : memref<64x768xf32, #tpu.memory_space<vmem>>, vector<1x16xf32>,
      %get3A_557 = vector.shape_cast %get3A_556 : vector<1x16xf32> to vector<16xf32>
      %add3A_558 = arith.addf %get3A_553, %get3A_557 : vector<16xf32>
      %swap3A_559 = arith.index_cast %scan3A_60 : i32 to index
      %swap3A_560 = arith.constant 560 : index
      %swap3A_561 = tpu.vector_load %arg8[%swap3A_559, %swap3A_560] {strides = array<i32>} : memref<64x768xf32, #tpu.memory_space<vmem>>, vector<1x16xf32>,
      %swap3A_562 = vector.shape_cast %swap3A_561 : vector<1x16xf32> to vector<16xf32>
      %swap3A_563 = vector.shape_cast %add3A_558 : vector<16xf32> to vector<1x16xf32>
      tpu.vector_store %arg8[%swap3A_559, %swap3A_560], %swap3A_563 {strides = array<i32>} : memref<64x768xf32, #tpu.memory_space<vmem>>, vector<1x16xf32>,
      %get3A_564 = arith.index_cast %scan3A_60 : i32 to index
      %get3A_565 = arith.constant 576 : index
      %get3A_566 = tpu.vector_load %arg8[%get3A_564, %get3A_565] {strides = array<i32>} : memref<64x768xf32, #tpu.memory_space<vmem>>, vector<1x16xf32>,
      %get3A_567 = vector.shape_cast %get3A_566 : vector<1x16xf32> to vector<16xf32>
      %get3A_568 = arith.index_cast %scan3A_60 : i32 to index
      %get3A_569 = arith.constant 576 : index
      %get3A_570 = tpu.vector_load %arg9[%get3A_568, %get3A_569] {strides = array<i32>} : memref<64x768xf32, #tpu.memory_space<vmem>>, vector<1x16xf32>,
      %get3A_571 = vector.shape_cast %get3A_570 : vector<1x16xf32> to vector<16xf32>
      %add3A_572 = arith.addf %get3A_567, %get3A_571 : vector<16xf32>
      %swap3A_573 = arith.index_cast %scan3A_60 : i32 to index
      %swap3A_574 = arith.constant 576 : index
      %swap3A_575 = tpu.vector_load %arg8[%swap3A_573, %swap3A_574] {strides = array<i32>} : memref<64x768xf32, #tpu.memory_space<vmem>>, vector<1x16xf32>,
      %swap3A_576 = vector.shape_cast %swap3A_575 : vector<1x16xf32> to vector<16xf32>
      %swap3A_577 = vector.shape_cast %add3A_572 : vector<16xf32> to vector<1x16xf32>
      tpu.vector_store %arg8[%swap3A_573, %swap3A_574], %swap3A_577 {strides = array<i32>} : memref<64x768xf32, #tpu.memory_space<vmem>>, vector<1x16xf32>,
      %get3A_578 = arith.index_cast %scan3A_60 : i32 to index
      %get3A_579 = arith.constant 592 : index
      %get3A_580 = tpu.vector_load %arg8[%get3A_578, %get3A_579] {strides = array<i32>} : memref<64x768xf32, #tpu.memory_space<vmem>>, vector<1x16xf32>,
      %get3A_581 = vector.shape_cast %get3A_580 : vector<1x16xf32> to vector<16xf32>
      %get3A_582 = arith.index_cast %scan3A_60 : i32 to index
      %get3A_583 = arith.constant 592 : index
      %get3A_584 = tpu.vector_load %arg9[%get3A_582, %get3A_583] {strides = array<i32>} : memref<64x768xf32, #tpu.memory_space<vmem>>, vector<1x16xf32>,
      %get3A_585 = vector.shape_cast %get3A_584 : vector<1x16xf32> to vector<16xf32>
      %add3A_586 = arith.addf %get3A_581, %get3A_585 : vector<16xf32>
      %swap3A_587 = arith.index_cast %scan3A_60 : i32 to index
      %swap3A_588 = arith.constant 592 : index
      %swap3A_589 = tpu.vector_load %arg8[%swap3A_587, %swap3A_588] {strides = array<i32>} : memref<64x768xf32, #tpu.memory_space<vmem>>, vector<1x16xf32>,
      %swap3A_590 = vector.shape_cast %swap3A_589 : vector<1x16xf32> to vector<16xf32>
      %swap3A_591 = vector.shape_cast %add3A_586 : vector<16xf32> to vector<1x16xf32>
      tpu.vector_store %arg8[%swap3A_587, %swap3A_588], %swap3A_591 {strides = array<i32>} : memref<64x768xf32, #tpu.memory_space<vmem>>, vector<1x16xf32>,
      %get3A_592 = arith.index_cast %scan3A_60 : i32 to index
      %get3A_593 = arith.constant 608 : index
      %get3A_594 = tpu.vector_load %arg8[%get3A_592, %get3A_593] {strides = array<i32>} : memref<64x768xf32, #tpu.memory_space<vmem>>, vector<1x16xf32>,
      %get3A_595 = vector.shape_cast %get3A_594 : vector<1x16xf32> to vector<16xf32>
      %get3A_596 = arith.index_cast %scan3A_60 : i32 to index
      %get3A_597 = arith.constant 608 : index
      %get3A_598 = tpu.vector_load %arg9[%get3A_596, %get3A_597] {strides = array<i32>} : memref<64x768xf32, #tpu.memory_space<vmem>>, vector<1x16xf32>,
      %get3A_599 = vector.shape_cast %get3A_598 : vector<1x16xf32> to vector<16xf32>
      %add3A_600 = arith.addf %get3A_595, %get3A_599 : vector<16xf32>
      %swap3A_601 = arith.index_cast %scan3A_60 : i32 to index
      %swap3A_602 = arith.constant 608 : index
      %swap3A_603 = tpu.vector_load %arg8[%swap3A_601, %swap3A_602] {strides = array<i32>} : memref<64x768xf32, #tpu.memory_space<vmem>>, vector<1x16xf32>,
      %swap3A_604 = vector.shape_cast %swap3A_603 : vector<1x16xf32> to vector<16xf32>
      %swap3A_605 = vector.shape_cast %add3A_600 : vector<16xf32> to vector<1x16xf32>
      tpu.vector_store %arg8[%swap3A_601, %swap3A_602], %swap3A_605 {strides = array<i32>} : memref<64x768xf32, #tpu.memory_space<vmem>>, vector<1x16xf32>,
      %get3A_606 = arith.index_cast %scan3A_60 : i32 to index
      %get3A_607 = arith.constant 624 : index
      %get3A_608 = tpu.vector_load %arg8[%get3A_606, %get3A_607] {strides = array<i32>} : memref<64x768xf32, #tpu.memory_space<vmem>>, vector<1x16xf32>,
      %get3A_609 = vector.shape_cast %get3A_608 : vector<1x16xf32> to vector<16xf32>
      %get3A_610 = arith.index_cast %scan3A_60 : i32 to index
      %get3A_611 = arith.constant 624 : index
      %get3A_612 = tpu.vector_load %arg9[%get3A_610, %get3A_611] {strides = array<i32>} : memref<64x768xf32, #tpu.memory_space<vmem>>, vector<1x16xf32>,
      %get3A_613 = vector.shape_cast %get3A_612 : vector<1x16xf32> to vector<16xf32>
      %add3A_614 = arith.addf %get3A_609, %get3A_613 : vector<16xf32>
      %swap3A_615 = arith.index_cast %scan3A_60 : i32 to index
      %swap3A_616 = arith.constant 624 : index
      %swap3A_617 = tpu.vector_load %arg8[%swap3A_615, %swap3A_616] {strides = array<i32>} : memref<64x768xf32, #tpu.memory_space<vmem>>, vector<1x16xf32>,
      %swap3A_618 = vector.shape_cast %swap3A_617 : vector<1x16xf32> to vector<16xf32>
      %swap3A_619 = vector.shape_cast %add3A_614 : vector<16xf32> to vector<1x16xf32>
      tpu.vector_store %arg8[%swap3A_615, %swap3A_616], %swap3A_619 {strides = array<i32>} : memref<64x768xf32, #tpu.memory_space<vmem>>, vector<1x16xf32>,
      %get3A_620 = arith.index_cast %scan3A_60 : i32 to index
      %get3A_621 = arith.constant 640 : index
      %get3A_622 = tpu.vector_load %arg8[%get3A_620, %get3A_621] {strides = array<i32>} : memref<64x768xf32, #tpu.memory_space<vmem>>, vector<1x16xf32>,
      %get3A_623 = vector.shape_cast %get3A_622 : vector<1x16xf32> to vector<16xf32>
      %get3A_624 = arith.index_cast %scan3A_60 : i32 to index
      %get3A_625 = arith.constant 640 : index
      %get3A_626 = tpu.vector_load %arg9[%get3A_624, %get3A_625] {strides = array<i32>} : memref<64x768xf32, #tpu.memory_space<vmem>>, vector<1x16xf32>,
      %get3A_627 = vector.shape_cast %get3A_626 : vector<1x16xf32> to vector<16xf32>
      %add3A_628 = arith.addf %get3A_623, %get3A_627 : vector<16xf32>
      %swap3A_629 = arith.index_cast %scan3A_60 : i32 to index
      %swap3A_630 = arith.constant 640 : index
      %swap3A_631 = tpu.vector_load %arg8[%swap3A_629, %swap3A_630] {strides = array<i32>} : memref<64x768xf32, #tpu.memory_space<vmem>>, vector<1x16xf32>,
      %swap3A_632 = vector.shape_cast %swap3A_631 : vector<1x16xf32> to vector<16xf32>
      %swap3A_633 = vector.shape_cast %add3A_628 : vector<16xf32> to vector<1x16xf32>
      tpu.vector_store %arg8[%swap3A_629, %swap3A_630], %swap3A_633 {strides = array<i32>} : memref<64x768xf32, #tpu.memory_space<vmem>>, vector<1x16xf32>,
      %get3A_634 = arith.index_cast %scan3A_60 : i32 to index
      %get3A_635 = arith.constant 656 : index
      %get3A_636 = tpu.vector_load %arg8[%get3A_634, %get3A_635] {strides = array<i32>} : memref<64x768xf32, #tpu.memory_space<vmem>>, vector<1x16xf32>,
      %get3A_637 = vector.shape_cast %get3A_636 : vector<1x16xf32> to vector<16xf32>
      %get3A_638 = arith.index_cast %scan3A_60 : i32 to index
      %get3A_639 = arith.constant 656 : index
      %get3A_640 = tpu.vector_load %arg9[%get3A_638, %get3A_639] {strides = array<i32>} : memref<64x768xf32, #tpu.memory_space<vmem>>, vector<1x16xf32>,
      %get3A_641 = vector.shape_cast %get3A_640 : vector<1x16xf32> to vector<16xf32>
      %add3A_642 = arith.addf %get3A_637, %get3A_641 : vector<16xf32>
      %swap3A_643 = arith.index_cast %scan3A_60 : i32 to index
      %swap3A_644 = arith.constant 656 : index
      %swap3A_645 = tpu.vector_load %arg8[%swap3A_643, %swap3A_644] {strides = array<i32>} : memref<64x768xf32, #tpu.memory_space<vmem>>, vector<1x16xf32>,
      %swap3A_646 = vector.shape_cast %swap3A_645 : vector<1x16xf32> to vector<16xf32>
      %swap3A_647 = vector.shape_cast %add3A_642 : vector<16xf32> to vector<1x16xf32>
      tpu.vector_store %arg8[%swap3A_643, %swap3A_644], %swap3A_647 {strides = array<i32>} : memref<64x768xf32, #tpu.memory_space<vmem>>, vector<1x16xf32>,
      %get3A_648 = arith.index_cast %scan3A_60 : i32 to index
      %get3A_649 = arith.constant 672 : index
      %get3A_650 = tpu.vector_load %arg8[%get3A_648, %get3A_649] {strides = array<i32>} : memref<64x768xf32, #tpu.memory_space<vmem>>, vector<1x16xf32>,
      %get3A_651 = vector.shape_cast %get3A_650 : vector<1x16xf32> to vector<16xf32>
      %get3A_652 = arith.index_cast %scan3A_60 : i32 to index
      %get3A_653 = arith.constant 672 : index
      %get3A_654 = tpu.vector_load %arg9[%get3A_652, %get3A_653] {strides = array<i32>} : memref<64x768xf32, #tpu.memory_space<vmem>>, vector<1x16xf32>,
      %get3A_655 = vector.shape_cast %get3A_654 : vector<1x16xf32> to vector<16xf32>
      %add3A_656 = arith.addf %get3A_651, %get3A_655 : vector<16xf32>
      %swap3A_657 = arith.index_cast %scan3A_60 : i32 to index
      %swap3A_658 = arith.constant 672 : index
      %swap3A_659 = tpu.vector_load %arg8[%swap3A_657, %swap3A_658] {strides = array<i32>} : memref<64x768xf32, #tpu.memory_space<vmem>>, vector<1x16xf32>,
      %swap3A_660 = vector.shape_cast %swap3A_659 : vector<1x16xf32> to vector<16xf32>
      %swap3A_661 = vector.shape_cast %add3A_656 : vector<16xf32> to vector<1x16xf32>
      tpu.vector_store %arg8[%swap3A_657, %swap3A_658], %swap3A_661 {strides = array<i32>} : memref<64x768xf32, #tpu.memory_space<vmem>>, vector<1x16xf32>,
      %get3A_662 = arith.index_cast %scan3A_60 : i32 to index
      %get3A_663 = arith.constant 688 : index
      %get3A_664 = tpu.vector_load %arg8[%get3A_662, %get3A_663] {strides = array<i32>} : memref<64x768xf32, #tpu.memory_space<vmem>>, vector<1x16xf32>,
      %get3A_665 = vector.shape_cast %get3A_664 : vector<1x16xf32> to vector<16xf32>
      %get3A_666 = arith.index_cast %scan3A_60 : i32 to index
      %get3A_667 = arith.constant 688 : index
      %get3A_668 = tpu.vector_load %arg9[%get3A_666, %get3A_667] {strides = array<i32>} : memref<64x768xf32, #tpu.memory_space<vmem>>, vector<1x16xf32>,
      %get3A_669 = vector.shape_cast %get3A_668 : vector<1x16xf32> to vector<16xf32>
      %add3A_670 = arith.addf %get3A_665, %get3A_669 : vector<16xf32>
      %swap3A_671 = arith.index_cast %scan3A_60 : i32 to index
      %swap3A_672 = arith.constant 688 : index
      %swap3A_673 = tpu.vector_load %arg8[%swap3A_671, %swap3A_672] {strides = array<i32>} : memref<64x768xf32, #tpu.memory_space<vmem>>, vector<1x16xf32>,
      %swap3A_674 = vector.shape_cast %swap3A_673 : vector<1x16xf32> to vector<16xf32>
      %swap3A_675 = vector.shape_cast %add3A_670 : vector<16xf32> to vector<1x16xf32>
      tpu.vector_store %arg8[%swap3A_671, %swap3A_672], %swap3A_675 {strides = array<i32>} : memref<64x768xf32, #tpu.memory_space<vmem>>, vector<1x16xf32>,
      %get3A_676 = arith.index_cast %scan3A_60 : i32 to index
      %get3A_677 = arith.constant 704 : index
      %get3A_678 = tpu.vector_load %arg8[%get3A_676, %get3A_677] {strides = array<i32>} : memref<64x768xf32, #tpu.memory_space<vmem>>, vector<1x16xf32>,
      %get3A_679 = vector.shape_cast %get3A_678 : vector<1x16xf32> to vector<16xf32>
      %get3A_680 = arith.index_cast %scan3A_60 : i32 to index
      %get3A_681 = arith.constant 704 : index
      %get3A_682 = tpu.vector_load %arg9[%get3A_680, %get3A_681] {strides = array<i32>} : memref<64x768xf32, #tpu.memory_space<vmem>>, vector<1x16xf32>,
      %get3A_683 = vector.shape_cast %get3A_682 : vector<1x16xf32> to vector<16xf32>
      %add3A_684 = arith.addf %get3A_679, %get3A_683 : vector<16xf32>
      %swap3A_685 = arith.index_cast %scan3A_60 : i32 to index
      %swap3A_686 = arith.constant 704 : index
      %swap3A_687 = tpu.vector_load %arg8[%swap3A_685, %swap3A_686] {strides = array<i32>} : memref<64x768xf32, #tpu.memory_space<vmem>>, vector<1x16xf32>,
      %swap3A_688 = vector.shape_cast %swap3A_687 : vector<1x16xf32> to vector<16xf32>
      %swap3A_689 = vector.shape_cast %add3A_684 : vector<16xf32> to vector<1x16xf32>
      tpu.vector_store %arg8[%swap3A_685, %swap3A_686], %swap3A_689 {strides = array<i32>} : memref<64x768xf32, #tpu.memory_space<vmem>>, vector<1x16xf32>,
      %get3A_690 = arith.index_cast %scan3A_60 : i32 to index
      %get3A_691 = arith.constant 720 : index
      %get3A_692 = tpu.vector_load %arg8[%get3A_690, %get3A_691] {strides = array<i32>} : memref<64x768xf32, #tpu.memory_space<vmem>>, vector<1x16xf32>,
      %get3A_693 = vector.shape_cast %get3A_692 : vector<1x16xf32> to vector<16xf32>
      %get3A_694 = arith.index_cast %scan3A_60 : i32 to index
      %get3A_695 = arith.constant 720 : index
      %get3A_696 = tpu.vector_load %arg9[%get3A_694, %get3A_695] {strides = array<i32>} : memref<64x768xf32, #tpu.memory_space<vmem>>, vector<1x16xf32>,
      %get3A_697 = vector.shape_cast %get3A_696 : vector<1x16xf32> to vector<16xf32>
      %add3A_698 = arith.addf %get3A_693, %get3A_697 : vector<16xf32>
      %swap3A_699 = arith.index_cast %scan3A_60 : i32 to index
      %swap3A_700 = arith.constant 720 : index
      %swap3A_701 = tpu.vector_load %arg8[%swap3A_699, %swap3A_700] {strides = array<i32>} : memref<64x768xf32, #tpu.memory_space<vmem>>, vector<1x16xf32>,
      %swap3A_702 = vector.shape_cast %swap3A_701 : vector<1x16xf32> to vector<16xf32>
      %swap3A_703 = vector.shape_cast %add3A_698 : vector<16xf32> to vector<1x16xf32>
      tpu.vector_store %arg8[%swap3A_699, %swap3A_700], %swap3A_703 {strides = array<i32>} : memref<64x768xf32, #tpu.memory_space<vmem>>, vector<1x16xf32>,
      %get3A_704 = arith.index_cast %scan3A_60 : i32 to index
      %get3A_705 = arith.constant 736 : index
      %get3A_706 = tpu.vector_load %arg8[%get3A_704, %get3A_705] {strides = array<i32>} : memref<64x768xf32, #tpu.memory_space<vmem>>, vector<1x16xf32>,
      %get3A_707 = vector.shape_cast %get3A_706 : vector<1x16xf32> to vector<16xf32>
      %get3A_708 = arith.index_cast %scan3A_60 : i32 to index
      %get3A_709 = arith.constant 736 : index
      %get3A_710 = tpu.vector_load %arg9[%get3A_708, %get3A_709] {strides = array<i32>} : memref<64x768xf32, #tpu.memory_space<vmem>>, vector<1x16xf32>,
      %get3A_711 = vector.shape_cast %get3A_710 : vector<1x16xf32> to vector<16xf32>
      %add3A_712 = arith.addf %get3A_707, %get3A_711 : vector<16xf32>
      %swap3A_713 = arith.index_cast %scan3A_60 : i32 to index
      %swap3A_714 = arith.constant 736 : index
      %swap3A_715 = tpu.vector_load %arg8[%swap3A_713, %swap3A_714] {strides = array<i32>} : memref<64x768xf32, #tpu.memory_space<vmem>>, vector<1x16xf32>,
      %swap3A_716 = vector.shape_cast %swap3A_715 : vector<1x16xf32> to vector<16xf32>
      %swap3A_717 = vector.shape_cast %add3A_712 : vector<16xf32> to vector<1x16xf32>
      tpu.vector_store %arg8[%swap3A_713, %swap3A_714], %swap3A_717 {strides = array<i32>} : memref<64x768xf32, #tpu.memory_space<vmem>>, vector<1x16xf32>,
      %get3A_718 = arith.index_cast %scan3A_60 : i32 to index
      %get3A_719 = arith.constant 752 : index
      %get3A_720 = tpu.vector_load %arg8[%get3A_718, %get3A_719] {strides = array<i32>} : memref<64x768xf32, #tpu.memory_space<vmem>>, vector<1x16xf32>,
      %get3A_721 = vector.shape_cast %get3A_720 : vector<1x16xf32> to vector<16xf32>
      %get3A_722 = arith.index_cast %scan3A_60 : i32 to index
      %get3A_723 = arith.constant 752 : index
      %get3A_724 = tpu.vector_load %arg9[%get3A_722, %get3A_723] {strides = array<i32>} : memref<64x768xf32, #tpu.memory_space<vmem>>, vector<1x16xf32>,
      %get3A_725 = vector.shape_cast %get3A_724 : vector<1x16xf32> to vector<16xf32>
      %add3A_726 = arith.addf %get3A_721, %get3A_725 : vector<16xf32>
      %swap3A_727 = arith.index_cast %scan3A_60 : i32 to index
      %swap3A_728 = arith.constant 752 : index
      %swap3A_729 = tpu.vector_load %arg8[%swap3A_727, %swap3A_728] {strides = array<i32>} : memref<64x768xf32, #tpu.memory_space<vmem>>, vector<1x16xf32>,
      %swap3A_730 = vector.shape_cast %swap3A_729 : vector<1x16xf32> to vector<16xf32>
      %swap3A_731 = vector.shape_cast %add3A_726 : vector<16xf32> to vector<1x16xf32>
      tpu.vector_store %arg8[%swap3A_727, %swap3A_728], %swap3A_731 {strides = array<i32>} : memref<64x768xf32, #tpu.memory_space<vmem>>, vector<1x16xf32>,
      %scan3A_732 = arith.constant 0 : i32
      scf.yield %scan3A_732 : i32
    }
    %scan3A_55 = arith.constant 64 : i32
    %mul3A_56 = arith.constant 128 : i32
    %mul3A_57 = arith.muli %add3A, %mul3A_56 : i32
    %add3A_58 = arith.constant 64 : i32
    %add3A_59 = arith.addi %mul3A_57, %add3A_58 : i32
    "tpu.region"() ({
      %run_scoped3A = tpu.sem_alloc : memref<!tpu.dma_semaphore, #tpu.memory_space<semaphore_mem>>
      %dma_start3A_60 = arith.constant 0 : i32
      %dma_start3A_61 = tpu.memref_slice %arg5[%add3A_59, %dma_start3A_60] : memref<4096x768xf32, #tpu.memory_space<hbm>> -> memref<64x768xf32, #tpu.memory_space<hbm>>
      %dma_start3A_62 = arith.constant 0 : i32
      %dma_start3A_63 = tpu.memref_slice %arg5[%add3A_59, %dma_start3A_62] : memref<4096x768xf32, #tpu.memory_space<hbm>> -> memref<64x768xf32, #tpu.memory_space<hbm>>
      tpu.enqueue_dma source(%arg8 : memref<64x768xf32, #tpu.memory_space<vmem>>) target(%dma_start3A_63 : memref<64x768xf32, #tpu.memory_space<hbm>>) target_semaphore(%run_scoped3A : memref<!tpu.dma_semaphore, #tpu.memory_space<semaphore_mem>>)
      %dma_wait3A_64 = arith.constant 0 : i32
      %dma_wait3A_65 = tpu.memref_slice %arg5[%add3A_59, %dma_wait3A_64] : memref<4096x768xf32, #tpu.memory_space<hbm>> -> memref<64x768xf32, #tpu.memory_space<hbm>>
      %dma_wait3A_66 = arith.constant 0 : i32
      %dma_wait3A_67 = tpu.memref_slice %arg5[%add3A_59, %dma_wait3A_66] : memref<4096x768xf32, #tpu.memory_space<hbm>> -> memref<64x768xf32, #tpu.memory_space<hbm>>
      tpu.wait_dma2 semaphore(%run_scoped3A : memref<!tpu.dma_semaphore, #tpu.memory_space<semaphore_mem>>) src(%arg8 : memref<64x768xf32, #tpu.memory_space<vmem>>) dst(%dma_wait3A_67 : memref<64x768xf32, #tpu.memory_space<hbm>>)
      tpu.yield
    }) : () -> ()
    return
  }
}

#map = affine_map<(d0, d1) -> (0, 0)>
#map1 = affine_map<(d0, d1) -> (0, 0, 0)>
#map2 = affine_map<(d0, d1) -> (0, 0, 0, 0)>
module attributes {stable_mosaic.version = 14 : i64} {
  func.func @dispatch(%arg0: i32, %arg1: i32, %arg2: memref<4096x768xf32, #tpu.memory_space<hbm>>, %arg3: memref<32x2x64xi32, #tpu.memory_space<hbm>>, %arg4: memref<32x2x64xi32, #tpu.memory_space<hbm>>, %arg5: memref<32x2x64x128xf32, #tpu.memory_space<hbm>>, %arg6: memref<32x2x64x128xf32, #tpu.memory_space<hbm>>, %arg7: memref<8192x768xf32, #tpu.memory_space<hbm>>, %arg8: memref<8192x128xf32, #tpu.memory_space<hbm>>, %arg9: memref<64xi32, #tpu.memory_space<vmem>>, %arg10: memref<64xi32, #tpu.memory_space<vmem>>, %arg11: memref<64x768xf32, #tpu.memory_space<vmem>>, %arg12: memref<64x128xf32, #tpu.memory_space<vmem>>, %arg13: memref<64x128xf32, #tpu.memory_space<vmem>>, %arg14: memref<!tpu.dma_semaphore, #tpu.memory_space<semaphore_mem>>) attributes {dimension_semantics = [#tpu.dimension_semantics<core_parallel>, #tpu.dimension_semantics<subcore_parallel>], iteration_bounds = array<i64: 2, 16>, scalar_prefetch = 0 : i64, scratch_operands = 6 : i64, tpu.core_type = #tpu.core_type<sc_vector_subcore>, window_params = [{transform_indices = #map}, {transform_indices = #map1}, {transform_indices = #map1}, {transform_indices = #map2}, {transform_indices = #map2}, {transform_indices = #map}, {transform_indices = #map}]} {
    %mul3A = arith.constant 2 : i32
    %mul3A_0 = arith.muli %arg1, %mul3A : i32
    %add3A = arith.addi %mul3A_0, %arg0 : i32
    %run_scoped3A = arith.constant 0 : i32
    "tpu.region"() ({
      %run_scoped3A_62 = tpu.sem_alloc : memref<!tpu.dma_semaphore, #tpu.memory_space<semaphore_mem>>
      %dma_start3A_63 = arith.constant 0 : i32
      %dma_start3A_64 = tpu.memref_slice %arg3[%add3A, %run_scoped3A, %dma_start3A_63] : memref<32x2x64xi32, #tpu.memory_space<hbm>> -> memref<1x1x64xi32, #tpu.memory_space<hbm>>
      %dma_start3A_65 = tpu.memref_squeeze %dma_start3A_64 : memref<1x1x64xi32, #tpu.memory_space<hbm>> -> memref<64xi32, #tpu.memory_space<hbm>>
      %dma_start3A_66 = arith.constant 0 : i32
      %dma_start3A_67 = tpu.memref_slice %arg3[%add3A, %run_scoped3A, %dma_start3A_66] : memref<32x2x64xi32, #tpu.memory_space<hbm>> -> memref<1x1x64xi32, #tpu.memory_space<hbm>>
      %dma_start3A_68 = tpu.memref_squeeze %dma_start3A_67 : memref<1x1x64xi32, #tpu.memory_space<hbm>> -> memref<64xi32, #tpu.memory_space<hbm>>
      tpu.enqueue_dma source(%dma_start3A_68 : memref<64xi32, #tpu.memory_space<hbm>>) target(%arg9 : memref<64xi32, #tpu.memory_space<vmem>>) target_semaphore(%run_scoped3A_62 : memref<!tpu.dma_semaphore, #tpu.memory_space<semaphore_mem>>)
      %dma_wait3A_69 = arith.constant 0 : i32
      %dma_wait3A_70 = tpu.memref_slice %arg3[%add3A, %run_scoped3A, %dma_wait3A_69] : memref<32x2x64xi32, #tpu.memory_space<hbm>> -> memref<1x1x64xi32, #tpu.memory_space<hbm>>
      %dma_wait3A_71 = tpu.memref_squeeze %dma_wait3A_70 : memref<1x1x64xi32, #tpu.memory_space<hbm>> -> memref<64xi32, #tpu.memory_space<hbm>>
      %dma_wait3A_72 = arith.constant 0 : i32
      %dma_wait3A_73 = tpu.memref_slice %arg3[%add3A, %run_scoped3A, %dma_wait3A_72] : memref<32x2x64xi32, #tpu.memory_space<hbm>> -> memref<1x1x64xi32, #tpu.memory_space<hbm>>
      %dma_wait3A_74 = tpu.memref_squeeze %dma_wait3A_73 : memref<1x1x64xi32, #tpu.memory_space<hbm>> -> memref<64xi32, #tpu.memory_space<hbm>>
      tpu.wait_dma2 semaphore(%run_scoped3A_62 : memref<!tpu.dma_semaphore, #tpu.memory_space<semaphore_mem>>) src(%dma_wait3A_74 : memref<64xi32, #tpu.memory_space<hbm>>) dst(%arg9 : memref<64xi32, #tpu.memory_space<vmem>>)
      tpu.yield
    }) : () -> ()
    %run_scoped3A_1 = arith.constant 0 : i32
    "tpu.region"() ({
      %run_scoped3A_62 = tpu.sem_alloc : memref<!tpu.dma_semaphore, #tpu.memory_space<semaphore_mem>>
      %dma_start3A_63 = arith.constant 0 : i32
      %dma_start3A_64 = tpu.memref_slice %arg4[%add3A, %run_scoped3A_1, %dma_start3A_63] : memref<32x2x64xi32, #tpu.memory_space<hbm>> -> memref<1x1x64xi32, #tpu.memory_space<hbm>>
      %dma_start3A_65 = tpu.memref_squeeze %dma_start3A_64 : memref<1x1x64xi32, #tpu.memory_space<hbm>> -> memref<64xi32, #tpu.memory_space<hbm>>
      %dma_start3A_66 = arith.constant 0 : i32
      %dma_start3A_67 = tpu.memref_slice %arg4[%add3A, %run_scoped3A_1, %dma_start3A_66] : memref<32x2x64xi32, #tpu.memory_space<hbm>> -> memref<1x1x64xi32, #tpu.memory_space<hbm>>
      %dma_start3A_68 = tpu.memref_squeeze %dma_start3A_67 : memref<1x1x64xi32, #tpu.memory_space<hbm>> -> memref<64xi32, #tpu.memory_space<hbm>>
      tpu.enqueue_dma source(%dma_start3A_68 : memref<64xi32, #tpu.memory_space<hbm>>) target(%arg10 : memref<64xi32, #tpu.memory_space<vmem>>) target_semaphore(%run_scoped3A_62 : memref<!tpu.dma_semaphore, #tpu.memory_space<semaphore_mem>>)
      %dma_wait3A_69 = arith.constant 0 : i32
      %dma_wait3A_70 = tpu.memref_slice %arg4[%add3A, %run_scoped3A_1, %dma_wait3A_69] : memref<32x2x64xi32, #tpu.memory_space<hbm>> -> memref<1x1x64xi32, #tpu.memory_space<hbm>>
      %dma_wait3A_71 = tpu.memref_squeeze %dma_wait3A_70 : memref<1x1x64xi32, #tpu.memory_space<hbm>> -> memref<64xi32, #tpu.memory_space<hbm>>
      %dma_wait3A_72 = arith.constant 0 : i32
      %dma_wait3A_73 = tpu.memref_slice %arg4[%add3A, %run_scoped3A_1, %dma_wait3A_72] : memref<32x2x64xi32, #tpu.memory_space<hbm>> -> memref<1x1x64xi32, #tpu.memory_space<hbm>>
      %dma_wait3A_74 = tpu.memref_squeeze %dma_wait3A_73 : memref<1x1x64xi32, #tpu.memory_space<hbm>> -> memref<64xi32, #tpu.memory_space<hbm>>
      tpu.wait_dma2 semaphore(%run_scoped3A_62 : memref<!tpu.dma_semaphore, #tpu.memory_space<semaphore_mem>>) src(%dma_wait3A_74 : memref<64xi32, #tpu.memory_space<hbm>>) dst(%arg10 : memref<64xi32, #tpu.memory_space<vmem>>)
      tpu.yield
    }) : () -> ()
    %run_scoped3A_2 = arith.constant 0 : i32
    "tpu.region"() ({
      %run_scoped3A_62 = tpu.sem_alloc : memref<!tpu.dma_semaphore, #tpu.memory_space<semaphore_mem>>
      %dma_start3A_63 = arith.constant 0 : i32
      %dma_start3A_64 = arith.constant 0 : i32
      %dma_start3A_65 = tpu.memref_slice %arg5[%add3A, %run_scoped3A_2, %dma_start3A_63, %dma_start3A_64] : memref<32x2x64x128xf32, #tpu.memory_space<hbm>> -> memref<1x1x64x128xf32, #tpu.memory_space<hbm>>
      %dma_start3A_66 = tpu.memref_squeeze %dma_start3A_65 : memref<1x1x64x128xf32, #tpu.memory_space<hbm>> -> memref<64x128xf32, #tpu.memory_space<hbm>>
      %dma_start3A_67 = arith.constant 0 : i32
      %dma_start3A_68 = arith.constant 0 : i32
      %dma_start3A_69 = tpu.memref_slice %arg5[%add3A, %run_scoped3A_2, %dma_start3A_67, %dma_start3A_68] : memref<32x2x64x128xf32, #tpu.memory_space<hbm>> -> memref<1x1x64x128xf32, #tpu.memory_space<hbm>>
      %dma_start3A_70 = tpu.memref_squeeze %dma_start3A_69 : memref<1x1x64x128xf32, #tpu.memory_space<hbm>> -> memref<64x128xf32, #tpu.memory_space<hbm>>
      tpu.enqueue_dma source(%dma_start3A_70 : memref<64x128xf32, #tpu.memory_space<hbm>>) target(%arg12 : memref<64x128xf32, #tpu.memory_space<vmem>>) target_semaphore(%run_scoped3A_62 : memref<!tpu.dma_semaphore, #tpu.memory_space<semaphore_mem>>)
      %dma_wait3A_71 = arith.constant 0 : i32
      %dma_wait3A_72 = arith.constant 0 : i32
      %dma_wait3A_73 = tpu.memref_slice %arg5[%add3A, %run_scoped3A_2, %dma_wait3A_71, %dma_wait3A_72] : memref<32x2x64x128xf32, #tpu.memory_space<hbm>> -> memref<1x1x64x128xf32, #tpu.memory_space<hbm>>
      %dma_wait3A_74 = tpu.memref_squeeze %dma_wait3A_73 : memref<1x1x64x128xf32, #tpu.memory_space<hbm>> -> memref<64x128xf32, #tpu.memory_space<hbm>>
      %dma_wait3A_75 = arith.constant 0 : i32
      %dma_wait3A_76 = arith.constant 0 : i32
      %dma_wait3A_77 = tpu.memref_slice %arg5[%add3A, %run_scoped3A_2, %dma_wait3A_75, %dma_wait3A_76] : memref<32x2x64x128xf32, #tpu.memory_space<hbm>> -> memref<1x1x64x128xf32, #tpu.memory_space<hbm>>
      %dma_wait3A_78 = tpu.memref_squeeze %dma_wait3A_77 : memref<1x1x64x128xf32, #tpu.memory_space<hbm>> -> memref<64x128xf32, #tpu.memory_space<hbm>>
      tpu.wait_dma2 semaphore(%run_scoped3A_62 : memref<!tpu.dma_semaphore, #tpu.memory_space<semaphore_mem>>) src(%dma_wait3A_78 : memref<64x128xf32, #tpu.memory_space<hbm>>) dst(%arg12 : memref<64x128xf32, #tpu.memory_space<vmem>>)
      tpu.yield
    }) : () -> ()
    %run_scoped3A_3 = arith.constant 0 : i32
    "tpu.region"() ({
      %run_scoped3A_62 = tpu.sem_alloc : memref<!tpu.dma_semaphore, #tpu.memory_space<semaphore_mem>>
      %dma_start3A_63 = arith.constant 0 : i32
      %dma_start3A_64 = arith.constant 0 : i32
      %dma_start3A_65 = tpu.memref_slice %arg6[%add3A, %run_scoped3A_3, %dma_start3A_63, %dma_start3A_64] : memref<32x2x64x128xf32, #tpu.memory_space<hbm>> -> memref<1x1x64x128xf32, #tpu.memory_space<hbm>>
      %dma_start3A_66 = tpu.memref_squeeze %dma_start3A_65 : memref<1x1x64x128xf32, #tpu.memory_space<hbm>> -> memref<64x128xf32, #tpu.memory_space<hbm>>
      %dma_start3A_67 = arith.constant 0 : i32
      %dma_start3A_68 = arith.constant 0 : i32
      %dma_start3A_69 = tpu.memref_slice %arg6[%add3A, %run_scoped3A_3, %dma_start3A_67, %dma_start3A_68] : memref<32x2x64x128xf32, #tpu.memory_space<hbm>> -> memref<1x1x64x128xf32, #tpu.memory_space<hbm>>
      %dma_start3A_70 = tpu.memref_squeeze %dma_start3A_69 : memref<1x1x64x128xf32, #tpu.memory_space<hbm>> -> memref<64x128xf32, #tpu.memory_space<hbm>>
      tpu.enqueue_dma source(%dma_start3A_70 : memref<64x128xf32, #tpu.memory_space<hbm>>) target(%arg13 : memref<64x128xf32, #tpu.memory_space<vmem>>) target_semaphore(%run_scoped3A_62 : memref<!tpu.dma_semaphore, #tpu.memory_space<semaphore_mem>>)
      %dma_wait3A_71 = arith.constant 0 : i32
      %dma_wait3A_72 = arith.constant 0 : i32
      %dma_wait3A_73 = tpu.memref_slice %arg6[%add3A, %run_scoped3A_3, %dma_wait3A_71, %dma_wait3A_72] : memref<32x2x64x128xf32, #tpu.memory_space<hbm>> -> memref<1x1x64x128xf32, #tpu.memory_space<hbm>>
      %dma_wait3A_74 = tpu.memref_squeeze %dma_wait3A_73 : memref<1x1x64x128xf32, #tpu.memory_space<hbm>> -> memref<64x128xf32, #tpu.memory_space<hbm>>
      %dma_wait3A_75 = arith.constant 0 : i32
      %dma_wait3A_76 = arith.constant 0 : i32
      %dma_wait3A_77 = tpu.memref_slice %arg6[%add3A, %run_scoped3A_3, %dma_wait3A_75, %dma_wait3A_76] : memref<32x2x64x128xf32, #tpu.memory_space<hbm>> -> memref<1x1x64x128xf32, #tpu.memory_space<hbm>>
      %dma_wait3A_78 = tpu.memref_squeeze %dma_wait3A_77 : memref<1x1x64x128xf32, #tpu.memory_space<hbm>> -> memref<64x128xf32, #tpu.memory_space<hbm>>
      tpu.wait_dma2 semaphore(%run_scoped3A_62 : memref<!tpu.dma_semaphore, #tpu.memory_space<semaphore_mem>>) src(%dma_wait3A_78 : memref<64x128xf32, #tpu.memory_space<hbm>>) dst(%arg13 : memref<64x128xf32, #tpu.memory_space<vmem>>)
      tpu.yield
    }) : () -> ()
    %mul3A_4 = arith.constant 128 : i32
    %mul3A_5 = arith.muli %add3A, %mul3A_4 : i32
    %add3A_6 = arith.constant 0 : i32
    %add3A_7 = arith.addi %mul3A_5, %add3A_6 : i32
    "tpu.region"() ({
      %run_scoped3A_62 = tpu.sem_alloc : memref<!tpu.dma_semaphore, #tpu.memory_space<semaphore_mem>>
      %dma_start3A_63 = arith.constant 0 : i32
      %dma_start3A_64 = tpu.memref_slice %arg2[%add3A_7, %dma_start3A_63] : memref<4096x768xf32, #tpu.memory_space<hbm>> -> memref<64x768xf32, #tpu.memory_space<hbm>>
      %dma_start3A_65 = arith.constant 0 : i32
      %dma_start3A_66 = tpu.memref_slice %arg2[%add3A_7, %dma_start3A_65] : memref<4096x768xf32, #tpu.memory_space<hbm>> -> memref<64x768xf32, #tpu.memory_space<hbm>>
      tpu.enqueue_dma source(%dma_start3A_66 : memref<64x768xf32, #tpu.memory_space<hbm>>) target(%arg11 : memref<64x768xf32, #tpu.memory_space<vmem>>) target_semaphore(%run_scoped3A_62 : memref<!tpu.dma_semaphore, #tpu.memory_space<semaphore_mem>>)
      %dma_wait3A_67 = arith.constant 0 : i32
      %dma_wait3A_68 = tpu.memref_slice %arg2[%add3A_7, %dma_wait3A_67] : memref<4096x768xf32, #tpu.memory_space<hbm>> -> memref<64x768xf32, #tpu.memory_space<hbm>>
      %dma_wait3A_69 = arith.constant 0 : i32
      %dma_wait3A_70 = tpu.memref_slice %arg2[%add3A_7, %dma_wait3A_69] : memref<4096x768xf32, #tpu.memory_space<hbm>> -> memref<64x768xf32, #tpu.memory_space<hbm>>
      tpu.wait_dma2 semaphore(%run_scoped3A_62 : memref<!tpu.dma_semaphore, #tpu.memory_space<semaphore_mem>>) src(%dma_wait3A_70 : memref<64x768xf32, #tpu.memory_space<hbm>>) dst(%arg11 : memref<64x768xf32, #tpu.memory_space<vmem>>)
      tpu.yield
    }) : () -> ()
    %dma_start3A = arith.constant 0 : i32
    %dma_start3A_8 = arith.constant 0 : i32
    %dma_start3A_9 = tpu.memref_slice %arg7[%dma_start3A, %dma_start3A_8] : memref<8192x768xf32, #tpu.memory_space<hbm>> -> memref<8192x768xf32, #tpu.memory_space<hbm>>
    tpu.enqueue_indirect_dma source(%arg11 : memref<64x768xf32, #tpu.memory_space<vmem>>) target(%dma_start3A_9 : memref<8192x768xf32, #tpu.memory_space<hbm>>) offsets(%arg9 : memref<64xi32, #tpu.memory_space<vmem>>) semaphore(%arg14 : memref<!tpu.dma_semaphore, #tpu.memory_space<semaphore_mem>>)
    %dma_wait3A = arith.constant 0 : i32
    %dma_wait3A_10 = arith.constant 0 : i32
    %dma_wait3A_11 = tpu.memref_slice %arg7[%dma_wait3A, %dma_wait3A_10] : memref<8192x768xf32, #tpu.memory_space<hbm>> -> memref<8192x768xf32, #tpu.memory_space<hbm>>
    tpu.wait_indirect_dma semaphore(%arg14 : memref<!tpu.dma_semaphore, #tpu.memory_space<semaphore_mem>>) src(%arg11 : memref<64x768xf32, #tpu.memory_space<vmem>>) dst(%dma_wait3A_11 : memref<8192x768xf32, #tpu.memory_space<hbm>>)
    %dma_start3A_12 = arith.constant 0 : i32
    %dma_start3A_13 = arith.constant 0 : i32
    %dma_start3A_14 = tpu.memref_slice %arg7[%dma_start3A_12, %dma_start3A_13] : memref<8192x768xf32, #tpu.memory_space<hbm>> -> memref<8192x768xf32, #tpu.memory_space<hbm>>
    tpu.enqueue_indirect_dma source(%arg11 : memref<64x768xf32, #tpu.memory_space<vmem>>) target(%dma_start3A_14 : memref<8192x768xf32, #tpu.memory_space<hbm>>) offsets(%arg10 : memref<64xi32, #tpu.memory_space<vmem>>) semaphore(%arg14 : memref<!tpu.dma_semaphore, #tpu.memory_space<semaphore_mem>>)
    %dma_wait3A_15 = arith.constant 0 : i32
    %dma_wait3A_16 = arith.constant 0 : i32
    %dma_wait3A_17 = tpu.memref_slice %arg7[%dma_wait3A_15, %dma_wait3A_16] : memref<8192x768xf32, #tpu.memory_space<hbm>> -> memref<8192x768xf32, #tpu.memory_space<hbm>>
    tpu.wait_indirect_dma semaphore(%arg14 : memref<!tpu.dma_semaphore, #tpu.memory_space<semaphore_mem>>) src(%arg11 : memref<64x768xf32, #tpu.memory_space<vmem>>) dst(%dma_wait3A_17 : memref<8192x768xf32, #tpu.memory_space<hbm>>)
    %dma_start3A_18 = arith.constant 0 : i32
    %dma_start3A_19 = arith.constant 0 : i32
    %dma_start3A_20 = tpu.memref_slice %arg8[%dma_start3A_18, %dma_start3A_19] : memref<8192x128xf32, #tpu.memory_space<hbm>> -> memref<8192x128xf32, #tpu.memory_space<hbm>>
    tpu.enqueue_indirect_dma source(%arg12 : memref<64x128xf32, #tpu.memory_space<vmem>>) target(%dma_start3A_20 : memref<8192x128xf32, #tpu.memory_space<hbm>>) offsets(%arg9 : memref<64xi32, #tpu.memory_space<vmem>>) semaphore(%arg14 : memref<!tpu.dma_semaphore, #tpu.memory_space<semaphore_mem>>)
    %dma_wait3A_21 = arith.constant 0 : i32
    %dma_wait3A_22 = arith.constant 0 : i32
    %dma_wait3A_23 = tpu.memref_slice %arg8[%dma_wait3A_21, %dma_wait3A_22] : memref<8192x128xf32, #tpu.memory_space<hbm>> -> memref<8192x128xf32, #tpu.memory_space<hbm>>
    tpu.wait_indirect_dma semaphore(%arg14 : memref<!tpu.dma_semaphore, #tpu.memory_space<semaphore_mem>>) src(%arg12 : memref<64x128xf32, #tpu.memory_space<vmem>>) dst(%dma_wait3A_23 : memref<8192x128xf32, #tpu.memory_space<hbm>>)
    %dma_start3A_24 = arith.constant 0 : i32
    %dma_start3A_25 = arith.constant 0 : i32
    %dma_start3A_26 = tpu.memref_slice %arg8[%dma_start3A_24, %dma_start3A_25] : memref<8192x128xf32, #tpu.memory_space<hbm>> -> memref<8192x128xf32, #tpu.memory_space<hbm>>
    tpu.enqueue_indirect_dma source(%arg13 : memref<64x128xf32, #tpu.memory_space<vmem>>) target(%dma_start3A_26 : memref<8192x128xf32, #tpu.memory_space<hbm>>) offsets(%arg10 : memref<64xi32, #tpu.memory_space<vmem>>) semaphore(%arg14 : memref<!tpu.dma_semaphore, #tpu.memory_space<semaphore_mem>>)
    %dma_wait3A_27 = arith.constant 0 : i32
    %dma_wait3A_28 = arith.constant 0 : i32
    %dma_wait3A_29 = tpu.memref_slice %arg8[%dma_wait3A_27, %dma_wait3A_28] : memref<8192x128xf32, #tpu.memory_space<hbm>> -> memref<8192x128xf32, #tpu.memory_space<hbm>>
    tpu.wait_indirect_dma semaphore(%arg14 : memref<!tpu.dma_semaphore, #tpu.memory_space<semaphore_mem>>) src(%arg13 : memref<64x128xf32, #tpu.memory_space<vmem>>) dst(%dma_wait3A_29 : memref<8192x128xf32, #tpu.memory_space<hbm>>)
    %run_scoped3A_30 = arith.constant 1 : i32
    "tpu.region"() ({
      %run_scoped3A_62 = tpu.sem_alloc : memref<!tpu.dma_semaphore, #tpu.memory_space<semaphore_mem>>
      %dma_start3A_63 = arith.constant 0 : i32
      %dma_start3A_64 = tpu.memref_slice %arg3[%add3A, %run_scoped3A_30, %dma_start3A_63] : memref<32x2x64xi32, #tpu.memory_space<hbm>> -> memref<1x1x64xi32, #tpu.memory_space<hbm>>
      %dma_start3A_65 = tpu.memref_squeeze %dma_start3A_64 : memref<1x1x64xi32, #tpu.memory_space<hbm>> -> memref<64xi32, #tpu.memory_space<hbm>>
      %dma_start3A_66 = arith.constant 0 : i32
      %dma_start3A_67 = tpu.memref_slice %arg3[%add3A, %run_scoped3A_30, %dma_start3A_66] : memref<32x2x64xi32, #tpu.memory_space<hbm>> -> memref<1x1x64xi32, #tpu.memory_space<hbm>>
      %dma_start3A_68 = tpu.memref_squeeze %dma_start3A_67 : memref<1x1x64xi32, #tpu.memory_space<hbm>> -> memref<64xi32, #tpu.memory_space<hbm>>
      tpu.enqueue_dma source(%dma_start3A_68 : memref<64xi32, #tpu.memory_space<hbm>>) target(%arg9 : memref<64xi32, #tpu.memory_space<vmem>>) target_semaphore(%run_scoped3A_62 : memref<!tpu.dma_semaphore, #tpu.memory_space<semaphore_mem>>)
      %dma_wait3A_69 = arith.constant 0 : i32
      %dma_wait3A_70 = tpu.memref_slice %arg3[%add3A, %run_scoped3A_30, %dma_wait3A_69] : memref<32x2x64xi32, #tpu.memory_space<hbm>> -> memref<1x1x64xi32, #tpu.memory_space<hbm>>
      %dma_wait3A_71 = tpu.memref_squeeze %dma_wait3A_70 : memref<1x1x64xi32, #tpu.memory_space<hbm>> -> memref<64xi32, #tpu.memory_space<hbm>>
      %dma_wait3A_72 = arith.constant 0 : i32
      %dma_wait3A_73 = tpu.memref_slice %arg3[%add3A, %run_scoped3A_30, %dma_wait3A_72] : memref<32x2x64xi32, #tpu.memory_space<hbm>> -> memref<1x1x64xi32, #tpu.memory_space<hbm>>
      %dma_wait3A_74 = tpu.memref_squeeze %dma_wait3A_73 : memref<1x1x64xi32, #tpu.memory_space<hbm>> -> memref<64xi32, #tpu.memory_space<hbm>>
      tpu.wait_dma2 semaphore(%run_scoped3A_62 : memref<!tpu.dma_semaphore, #tpu.memory_space<semaphore_mem>>) src(%dma_wait3A_74 : memref<64xi32, #tpu.memory_space<hbm>>) dst(%arg9 : memref<64xi32, #tpu.memory_space<vmem>>)
      tpu.yield
    }) : () -> ()
    %run_scoped3A_31 = arith.constant 1 : i32
    "tpu.region"() ({
      %run_scoped3A_62 = tpu.sem_alloc : memref<!tpu.dma_semaphore, #tpu.memory_space<semaphore_mem>>
      %dma_start3A_63 = arith.constant 0 : i32
      %dma_start3A_64 = tpu.memref_slice %arg4[%add3A, %run_scoped3A_31, %dma_start3A_63] : memref<32x2x64xi32, #tpu.memory_space<hbm>> -> memref<1x1x64xi32, #tpu.memory_space<hbm>>
      %dma_start3A_65 = tpu.memref_squeeze %dma_start3A_64 : memref<1x1x64xi32, #tpu.memory_space<hbm>> -> memref<64xi32, #tpu.memory_space<hbm>>
      %dma_start3A_66 = arith.constant 0 : i32
      %dma_start3A_67 = tpu.memref_slice %arg4[%add3A, %run_scoped3A_31, %dma_start3A_66] : memref<32x2x64xi32, #tpu.memory_space<hbm>> -> memref<1x1x64xi32, #tpu.memory_space<hbm>>
      %dma_start3A_68 = tpu.memref_squeeze %dma_start3A_67 : memref<1x1x64xi32, #tpu.memory_space<hbm>> -> memref<64xi32, #tpu.memory_space<hbm>>
      tpu.enqueue_dma source(%dma_start3A_68 : memref<64xi32, #tpu.memory_space<hbm>>) target(%arg10 : memref<64xi32, #tpu.memory_space<vmem>>) target_semaphore(%run_scoped3A_62 : memref<!tpu.dma_semaphore, #tpu.memory_space<semaphore_mem>>)
      %dma_wait3A_69 = arith.constant 0 : i32
      %dma_wait3A_70 = tpu.memref_slice %arg4[%add3A, %run_scoped3A_31, %dma_wait3A_69] : memref<32x2x64xi32, #tpu.memory_space<hbm>> -> memref<1x1x64xi32, #tpu.memory_space<hbm>>
      %dma_wait3A_71 = tpu.memref_squeeze %dma_wait3A_70 : memref<1x1x64xi32, #tpu.memory_space<hbm>> -> memref<64xi32, #tpu.memory_space<hbm>>
      %dma_wait3A_72 = arith.constant 0 : i32
      %dma_wait3A_73 = tpu.memref_slice %arg4[%add3A, %run_scoped3A_31, %dma_wait3A_72] : memref<32x2x64xi32, #tpu.memory_space<hbm>> -> memref<1x1x64xi32, #tpu.memory_space<hbm>>
      %dma_wait3A_74 = tpu.memref_squeeze %dma_wait3A_73 : memref<1x1x64xi32, #tpu.memory_space<hbm>> -> memref<64xi32, #tpu.memory_space<hbm>>
      tpu.wait_dma2 semaphore(%run_scoped3A_62 : memref<!tpu.dma_semaphore, #tpu.memory_space<semaphore_mem>>) src(%dma_wait3A_74 : memref<64xi32, #tpu.memory_space<hbm>>) dst(%arg10 : memref<64xi32, #tpu.memory_space<vmem>>)
      tpu.yield
    }) : () -> ()
    %run_scoped3A_32 = arith.constant 1 : i32
    "tpu.region"() ({
      %run_scoped3A_62 = tpu.sem_alloc : memref<!tpu.dma_semaphore, #tpu.memory_space<semaphore_mem>>
      %dma_start3A_63 = arith.constant 0 : i32
      %dma_start3A_64 = arith.constant 0 : i32
      %dma_start3A_65 = tpu.memref_slice %arg5[%add3A, %run_scoped3A_32, %dma_start3A_63, %dma_start3A_64] : memref<32x2x64x128xf32, #tpu.memory_space<hbm>> -> memref<1x1x64x128xf32, #tpu.memory_space<hbm>>
      %dma_start3A_66 = tpu.memref_squeeze %dma_start3A_65 : memref<1x1x64x128xf32, #tpu.memory_space<hbm>> -> memref<64x128xf32, #tpu.memory_space<hbm>>
      %dma_start3A_67 = arith.constant 0 : i32
      %dma_start3A_68 = arith.constant 0 : i32
      %dma_start3A_69 = tpu.memref_slice %arg5[%add3A, %run_scoped3A_32, %dma_start3A_67, %dma_start3A_68] : memref<32x2x64x128xf32, #tpu.memory_space<hbm>> -> memref<1x1x64x128xf32, #tpu.memory_space<hbm>>
      %dma_start3A_70 = tpu.memref_squeeze %dma_start3A_69 : memref<1x1x64x128xf32, #tpu.memory_space<hbm>> -> memref<64x128xf32, #tpu.memory_space<hbm>>
      tpu.enqueue_dma source(%dma_start3A_70 : memref<64x128xf32, #tpu.memory_space<hbm>>) target(%arg12 : memref<64x128xf32, #tpu.memory_space<vmem>>) target_semaphore(%run_scoped3A_62 : memref<!tpu.dma_semaphore, #tpu.memory_space<semaphore_mem>>)
      %dma_wait3A_71 = arith.constant 0 : i32
      %dma_wait3A_72 = arith.constant 0 : i32
      %dma_wait3A_73 = tpu.memref_slice %arg5[%add3A, %run_scoped3A_32, %dma_wait3A_71, %dma_wait3A_72] : memref<32x2x64x128xf32, #tpu.memory_space<hbm>> -> memref<1x1x64x128xf32, #tpu.memory_space<hbm>>
      %dma_wait3A_74 = tpu.memref_squeeze %dma_wait3A_73 : memref<1x1x64x128xf32, #tpu.memory_space<hbm>> -> memref<64x128xf32, #tpu.memory_space<hbm>>
      %dma_wait3A_75 = arith.constant 0 : i32
      %dma_wait3A_76 = arith.constant 0 : i32
      %dma_wait3A_77 = tpu.memref_slice %arg5[%add3A, %run_scoped3A_32, %dma_wait3A_75, %dma_wait3A_76] : memref<32x2x64x128xf32, #tpu.memory_space<hbm>> -> memref<1x1x64x128xf32, #tpu.memory_space<hbm>>
      %dma_wait3A_78 = tpu.memref_squeeze %dma_wait3A_77 : memref<1x1x64x128xf32, #tpu.memory_space<hbm>> -> memref<64x128xf32, #tpu.memory_space<hbm>>
      tpu.wait_dma2 semaphore(%run_scoped3A_62 : memref<!tpu.dma_semaphore, #tpu.memory_space<semaphore_mem>>) src(%dma_wait3A_78 : memref<64x128xf32, #tpu.memory_space<hbm>>) dst(%arg12 : memref<64x128xf32, #tpu.memory_space<vmem>>)
      tpu.yield
    }) : () -> ()
    %run_scoped3A_33 = arith.constant 1 : i32
    "tpu.region"() ({
      %run_scoped3A_62 = tpu.sem_alloc : memref<!tpu.dma_semaphore, #tpu.memory_space<semaphore_mem>>
      %dma_start3A_63 = arith.constant 0 : i32
      %dma_start3A_64 = arith.constant 0 : i32
      %dma_start3A_65 = tpu.memref_slice %arg6[%add3A, %run_scoped3A_33, %dma_start3A_63, %dma_start3A_64] : memref<32x2x64x128xf32, #tpu.memory_space<hbm>> -> memref<1x1x64x128xf32, #tpu.memory_space<hbm>>
      %dma_start3A_66 = tpu.memref_squeeze %dma_start3A_65 : memref<1x1x64x128xf32, #tpu.memory_space<hbm>> -> memref<64x128xf32, #tpu.memory_space<hbm>>
      %dma_start3A_67 = arith.constant 0 : i32
      %dma_start3A_68 = arith.constant 0 : i32
      %dma_start3A_69 = tpu.memref_slice %arg6[%add3A, %run_scoped3A_33, %dma_start3A_67, %dma_start3A_68] : memref<32x2x64x128xf32, #tpu.memory_space<hbm>> -> memref<1x1x64x128xf32, #tpu.memory_space<hbm>>
      %dma_start3A_70 = tpu.memref_squeeze %dma_start3A_69 : memref<1x1x64x128xf32, #tpu.memory_space<hbm>> -> memref<64x128xf32, #tpu.memory_space<hbm>>
      tpu.enqueue_dma source(%dma_start3A_70 : memref<64x128xf32, #tpu.memory_space<hbm>>) target(%arg13 : memref<64x128xf32, #tpu.memory_space<vmem>>) target_semaphore(%run_scoped3A_62 : memref<!tpu.dma_semaphore, #tpu.memory_space<semaphore_mem>>)
      %dma_wait3A_71 = arith.constant 0 : i32
      %dma_wait3A_72 = arith.constant 0 : i32
      %dma_wait3A_73 = tpu.memref_slice %arg6[%add3A, %run_scoped3A_33, %dma_wait3A_71, %dma_wait3A_72] : memref<32x2x64x128xf32, #tpu.memory_space<hbm>> -> memref<1x1x64x128xf32, #tpu.memory_space<hbm>>
      %dma_wait3A_74 = tpu.memref_squeeze %dma_wait3A_73 : memref<1x1x64x128xf32, #tpu.memory_space<hbm>> -> memref<64x128xf32, #tpu.memory_space<hbm>>
      %dma_wait3A_75 = arith.constant 0 : i32
      %dma_wait3A_76 = arith.constant 0 : i32
      %dma_wait3A_77 = tpu.memref_slice %arg6[%add3A, %run_scoped3A_33, %dma_wait3A_75, %dma_wait3A_76] : memref<32x2x64x128xf32, #tpu.memory_space<hbm>> -> memref<1x1x64x128xf32, #tpu.memory_space<hbm>>
      %dma_wait3A_78 = tpu.memref_squeeze %dma_wait3A_77 : memref<1x1x64x128xf32, #tpu.memory_space<hbm>> -> memref<64x128xf32, #tpu.memory_space<hbm>>
      tpu.wait_dma2 semaphore(%run_scoped3A_62 : memref<!tpu.dma_semaphore, #tpu.memory_space<semaphore_mem>>) src(%dma_wait3A_78 : memref<64x128xf32, #tpu.memory_space<hbm>>) dst(%arg13 : memref<64x128xf32, #tpu.memory_space<vmem>>)
      tpu.yield
    }) : () -> ()
    %mul3A_34 = arith.constant 128 : i32
    %mul3A_35 = arith.muli %add3A, %mul3A_34 : i32
    %add3A_36 = arith.constant 64 : i32
    %add3A_37 = arith.addi %mul3A_35, %add3A_36 : i32
    "tpu.region"() ({
      %run_scoped3A_62 = tpu.sem_alloc : memref<!tpu.dma_semaphore, #tpu.memory_space<semaphore_mem>>
      %dma_start3A_63 = arith.constant 0 : i32
      %dma_start3A_64 = tpu.memref_slice %arg2[%add3A_37, %dma_start3A_63] : memref<4096x768xf32, #tpu.memory_space<hbm>> -> memref<64x768xf32, #tpu.memory_space<hbm>>
      %dma_start3A_65 = arith.constant 0 : i32
      %dma_start3A_66 = tpu.memref_slice %arg2[%add3A_37, %dma_start3A_65] : memref<4096x768xf32, #tpu.memory_space<hbm>> -> memref<64x768xf32, #tpu.memory_space<hbm>>
      tpu.enqueue_dma source(%dma_start3A_66 : memref<64x768xf32, #tpu.memory_space<hbm>>) target(%arg11 : memref<64x768xf32, #tpu.memory_space<vmem>>) target_semaphore(%run_scoped3A_62 : memref<!tpu.dma_semaphore, #tpu.memory_space<semaphore_mem>>)
      %dma_wait3A_67 = arith.constant 0 : i32
      %dma_wait3A_68 = tpu.memref_slice %arg2[%add3A_37, %dma_wait3A_67] : memref<4096x768xf32, #tpu.memory_space<hbm>> -> memref<64x768xf32, #tpu.memory_space<hbm>>
      %dma_wait3A_69 = arith.constant 0 : i32
      %dma_wait3A_70 = tpu.memref_slice %arg2[%add3A_37, %dma_wait3A_69] : memref<4096x768xf32, #tpu.memory_space<hbm>> -> memref<64x768xf32, #tpu.memory_space<hbm>>
      tpu.wait_dma2 semaphore(%run_scoped3A_62 : memref<!tpu.dma_semaphore, #tpu.memory_space<semaphore_mem>>) src(%dma_wait3A_70 : memref<64x768xf32, #tpu.memory_space<hbm>>) dst(%arg11 : memref<64x768xf32, #tpu.memory_space<vmem>>)
      tpu.yield
    }) : () -> ()
    %dma_start3A_38 = arith.constant 0 : i32
    %dma_start3A_39 = arith.constant 0 : i32
    %dma_start3A_40 = tpu.memref_slice %arg7[%dma_start3A_38, %dma_start3A_39] : memref<8192x768xf32, #tpu.memory_space<hbm>> -> memref<8192x768xf32, #tpu.memory_space<hbm>>
    tpu.enqueue_indirect_dma source(%arg11 : memref<64x768xf32, #tpu.memory_space<vmem>>) target(%dma_start3A_40 : memref<8192x768xf32, #tpu.memory_space<hbm>>) offsets(%arg9 : memref<64xi32, #tpu.memory_space<vmem>>) semaphore(%arg14 : memref<!tpu.dma_semaphore, #tpu.memory_space<semaphore_mem>>)
    %dma_wait3A_41 = arith.constant 0 : i32
    %dma_wait3A_42 = arith.constant 0 : i32
    %dma_wait3A_43 = tpu.memref_slice %arg7[%dma_wait3A_41, %dma_wait3A_42] : memref<8192x768xf32, #tpu.memory_space<hbm>> -> memref<8192x768xf32, #tpu.memory_space<hbm>>
    tpu.wait_indirect_dma semaphore(%arg14 : memref<!tpu.dma_semaphore, #tpu.memory_space<semaphore_mem>>) src(%arg11 : memref<64x768xf32, #tpu.memory_space<vmem>>) dst(%dma_wait3A_43 : memref<8192x768xf32, #tpu.memory_space<hbm>>)
    %dma_start3A_44 = arith.constant 0 : i32
    %dma_start3A_45 = arith.constant 0 : i32
    %dma_start3A_46 = tpu.memref_slice %arg7[%dma_start3A_44, %dma_start3A_45] : memref<8192x768xf32, #tpu.memory_space<hbm>> -> memref<8192x768xf32, #tpu.memory_space<hbm>>
    tpu.enqueue_indirect_dma source(%arg11 : memref<64x768xf32, #tpu.memory_space<vmem>>) target(%dma_start3A_46 : memref<8192x768xf32, #tpu.memory_space<hbm>>) offsets(%arg10 : memref<64xi32, #tpu.memory_space<vmem>>) semaphore(%arg14 : memref<!tpu.dma_semaphore, #tpu.memory_space<semaphore_mem>>)
    %dma_wait3A_47 = arith.constant 0 : i32
    %dma_wait3A_48 = arith.constant 0 : i32
    %dma_wait3A_49 = tpu.memref_slice %arg7[%dma_wait3A_47, %dma_wait3A_48] : memref<8192x768xf32, #tpu.memory_space<hbm>> -> memref<8192x768xf32, #tpu.memory_space<hbm>>
    tpu.wait_indirect_dma semaphore(%arg14 : memref<!tpu.dma_semaphore, #tpu.memory_space<semaphore_mem>>) src(%arg11 : memref<64x768xf32, #tpu.memory_space<vmem>>) dst(%dma_wait3A_49 : memref<8192x768xf32, #tpu.memory_space<hbm>>)
    %dma_start3A_50 = arith.constant 0 : i32
    %dma_start3A_51 = arith.constant 0 : i32
    %dma_start3A_52 = tpu.memref_slice %arg8[%dma_start3A_50, %dma_start3A_51] : memref<8192x128xf32, #tpu.memory_space<hbm>> -> memref<8192x128xf32, #tpu.memory_space<hbm>>
    tpu.enqueue_indirect_dma source(%arg12 : memref<64x128xf32, #tpu.memory_space<vmem>>) target(%dma_start3A_52 : memref<8192x128xf32, #tpu.memory_space<hbm>>) offsets(%arg9 : memref<64xi32, #tpu.memory_space<vmem>>) semaphore(%arg14 : memref<!tpu.dma_semaphore, #tpu.memory_space<semaphore_mem>>)
    %dma_wait3A_53 = arith.constant 0 : i32
    %dma_wait3A_54 = arith.constant 0 : i32
    %dma_wait3A_55 = tpu.memref_slice %arg8[%dma_wait3A_53, %dma_wait3A_54] : memref<8192x128xf32, #tpu.memory_space<hbm>> -> memref<8192x128xf32, #tpu.memory_space<hbm>>
    tpu.wait_indirect_dma semaphore(%arg14 : memref<!tpu.dma_semaphore, #tpu.memory_space<semaphore_mem>>) src(%arg12 : memref<64x128xf32, #tpu.memory_space<vmem>>) dst(%dma_wait3A_55 : memref<8192x128xf32, #tpu.memory_space<hbm>>)
    %dma_start3A_56 = arith.constant 0 : i32
    %dma_start3A_57 = arith.constant 0 : i32
    %dma_start3A_58 = tpu.memref_slice %arg8[%dma_start3A_56, %dma_start3A_57] : memref<8192x128xf32, #tpu.memory_space<hbm>> -> memref<8192x128xf32, #tpu.memory_space<hbm>>
    tpu.enqueue_indirect_dma source(%arg13 : memref<64x128xf32, #tpu.memory_space<vmem>>) target(%dma_start3A_58 : memref<8192x128xf32, #tpu.memory_space<hbm>>) offsets(%arg10 : memref<64xi32, #tpu.memory_space<vmem>>) semaphore(%arg14 : memref<!tpu.dma_semaphore, #tpu.memory_space<semaphore_mem>>)
    %dma_wait3A_59 = arith.constant 0 : i32
    %dma_wait3A_60 = arith.constant 0 : i32
    %dma_wait3A_61 = tpu.memref_slice %arg8[%dma_wait3A_59, %dma_wait3A_60] : memref<8192x128xf32, #tpu.memory_space<hbm>> -> memref<8192x128xf32, #tpu.memory_space<hbm>>
    tpu.wait_indirect_dma semaphore(%arg14 : memref<!tpu.dma_semaphore, #tpu.memory_space<semaphore_mem>>) src(%arg13 : memref<64x128xf32, #tpu.memory_space<vmem>>) dst(%dma_wait3A_61 : memref<8192x128xf32, #tpu.memory_space<hbm>>)
    return
  }
}

module attributes {stable_mosaic.version = 14 : i64} {
  func.func @_gate_body(%arg0: i32, %arg1: memref<1x512x768xf32, #tpu.memory_space<vmem>>, %arg2: memref<768x8xf32, #tpu.memory_space<vmem>>, %arg3: memref<1x8xf32, #tpu.memory_space<vmem>>, %arg4: memref<512x128xf32, #tpu.memory_space<vmem>>, %arg5: memref<512x128xf32, #tpu.memory_space<vmem>>, %arg6: memref<512x1xi32, #tpu.memory_space<vmem>>, %arg7: memref<512x1xi32, #tpu.memory_space<vmem>>, %arg8: memref<512x1xi32, #tpu.memory_space<vmem>>, %arg9: memref<512x1xi32, #tpu.memory_space<vmem>>, %arg10: memref<1x1x8xi32, #tpu.memory_space<vmem>>) attributes {dimension_semantics = [#tpu.dimension_semantics<arbitrary>], iteration_bounds = array<i64: 8>, scalar_prefetch = 0 : i64, scratch_operands = 0 : i64, tpu.core_type = #tpu.core_type<tc>, window_params = [{transform_indices = @transform_0, window_bounds = array<i64: 1, 512, 768>}, {pipeline_mode = #tpu.pipeline_mode<synchronous>, transform_indices = @transform_1, window_bounds = array<i64: 768, 8>}, {pipeline_mode = #tpu.pipeline_mode<synchronous>, transform_indices = @transform_2, window_bounds = array<i64: 1, 8>}, {transform_indices = @transform_3, window_bounds = array<i64: 512, 128>}, {transform_indices = @transform_4, window_bounds = array<i64: 512, 128>}, {transform_indices = @transform_5, window_bounds = array<i64: 512, 1>}, {transform_indices = @transform_6, window_bounds = array<i64: 512, 1>}, {transform_indices = @transform_7, window_bounds = array<i64: 512, 1>}, {transform_indices = @transform_8, window_bounds = array<i64: 512, 1>}, {transform_indices = @transform_9, window_bounds = array<i64: 1, 1, 8>}]} {
    %get3A = arith.constant 0 : index
    %get3A_0 = arith.constant 0 : index
    %get3A_1 = arith.constant 0 : index
    %get3A_2 = vector.load %arg1[%get3A, %get3A_0, %get3A_1] : memref<1x512x768xf32, #tpu.memory_space<vmem>>, vector<1x512x768xf32>
    %get3A_3 = vector.shape_cast %get3A_2 : vector<1x512x768xf32> to vector<512x768xf32>
    %get3A_4 = arith.constant 0 : index
    %get3A_5 = arith.constant 0 : index
    %get3A_6 = vector.load %arg2[%get3A_4, %get3A_5] : memref<768x8xf32, #tpu.memory_space<vmem>>, vector<768x8xf32>
    %dot_general3A = arith.constant dense<0.000000e+00> : vector<512x8xf32>
    %dot_general3A_7 = tpu.matmul %get3A_3, %get3A_6, %dot_general3A {dimension_numbers = #tpu.dot_dimension_numbers<[1], [0], [0], [1], [0, 0, 1, 1], [], []>, transpose_lhs_hint = false} : vector<512x768xf32>, vector<768x8xf32>, vector<512x8xf32> -> vector<512x8xf32>
    %get3A_8 = arith.constant 0 : index
    %get3A_9 = arith.constant 0 : index
    %get3A_10 = vector.load %arg3[%get3A_8, %get3A_9] : memref<1x8xf32, #tpu.memory_space<vmem>>, vector<1x8xf32>
    %add3A = vector.broadcast %get3A_10 : vector<1x8xf32> to vector<512x8xf32>
    %add3A_11 = arith.addf %dot_general3A_7, %add3A : vector<512x8xf32>
    %reduce_max3A = arith.constant dense<0xFF800000> : vector<512xf32>
    %reduce_max3A_12 = vector.multi_reduction <maximumf>, %add3A_11, %reduce_max3A [1] : vector<512x8xf32> to vector<512xf32>
    %broadcast_in_dim3A = vector.shape_cast %reduce_max3A_12 : vector<512xf32> to vector<512x1xf32>
    %sub3A = vector.broadcast %broadcast_in_dim3A : vector<512x1xf32> to vector<512x8xf32>
    %sub3A_13 = arith.subf %add3A_11, %sub3A : vector<512x8xf32>
    %exp3A = math.exp %sub3A_13 : vector<512x8xf32>
    %reduce_sum3A = arith.constant dense<0.000000e+00> : vector<512xf32>
    %reduce_sum3A_14 = vector.multi_reduction <add>, %exp3A, %reduce_sum3A [1] : vector<512x8xf32> to vector<512xf32>
    %broadcast_in_dim3A_15 = vector.shape_cast %reduce_sum3A_14 : vector<512xf32> to vector<512x1xf32>
    %div3A = vector.broadcast %broadcast_in_dim3A_15 : vector<512x1xf32> to vector<512x8xf32>
    %div3A_16 = arith.divf %exp3A, %div3A : vector<512x8xf32>
    %iota3A = tpu.iota {dimensions = array<i32: 1>} : vector<512x8xi32>
    %reduce_max3A_17 = arith.constant dense<0xFF800000> : vector<512xf32>
    %reduce_max3A_18 = vector.multi_reduction <maximumf>, %div3A_16, %reduce_max3A_17 [1] : vector<512x8xf32> to vector<512xf32>
    %broadcast_in_dim3A_19 = vector.shape_cast %reduce_max3A_18 : vector<512xf32> to vector<512x1xf32>
    %eq3A = vector.broadcast %broadcast_in_dim3A_19 : vector<512x1xf32> to vector<512x8xf32>
    %eq3A_20 = arith.cmpf oeq, %div3A_16, %eq3A : vector<512x8xf32>
    %jit3A = arith.constant 8 : i32
    %broadcast_in_dim3A_21 = vector.broadcast %jit3A : i32 to vector<512x8xi32>
    %select_n3A = arith.select %eq3A_20, %iota3A, %broadcast_in_dim3A_21 : vector<512x8xi1>, vector<512x8xi32>
    %reduce_min3A = arith.constant dense<2147483647> : vector<512xi32>
    %reduce_min3A_22 = vector.multi_reduction <minsi>, %select_n3A, %reduce_min3A [1] : vector<512x8xi32> to vector<512xi32>
    %broadcast_in_dim3A_23 = vector.shape_cast %reduce_min3A_22 : vector<512xi32> to vector<512x1xi32>
    %eq3A_24 = vector.broadcast %broadcast_in_dim3A_23 : vector<512x1xi32> to vector<512x8xi32>
    %eq3A_25 = arith.cmpi eq, %iota3A, %eq3A_24 : vector<512x8xi32>
    %jit3A_26 = arith.constant 0xFF800000 : f32
    %broadcast_in_dim3A_27 = vector.broadcast %jit3A_26 : f32 to vector<512x8xf32>
    %select_n3A_28 = arith.select %eq3A_25, %broadcast_in_dim3A_27, %div3A_16 : vector<512x8xi1>, vector<512x8xf32>
    %reduce_max3A_29 = arith.constant dense<0xFF800000> : vector<512xf32>
    %reduce_max3A_30 = vector.multi_reduction <maximumf>, %select_n3A_28, %reduce_max3A_29 [1] : vector<512x8xf32> to vector<512xf32>
    %broadcast_in_dim3A_31 = vector.shape_cast %reduce_max3A_30 : vector<512xf32> to vector<512x1xf32>
    %eq3A_32 = vector.broadcast %broadcast_in_dim3A_31 : vector<512x1xf32> to vector<512x8xf32>
    %eq3A_33 = arith.cmpf oeq, %select_n3A_28, %eq3A_32 : vector<512x8xf32>
    %jit3A_34 = arith.constant 8 : i32
    %broadcast_in_dim3A_35 = vector.broadcast %jit3A_34 : i32 to vector<512x8xi32>
    %select_n3A_36 = arith.select %eq3A_33, %iota3A, %broadcast_in_dim3A_35 : vector<512x8xi1>, vector<512x8xi32>
    %reduce_min3A_37 = arith.constant dense<2147483647> : vector<512xi32>
    %reduce_min3A_38 = vector.multi_reduction <minsi>, %select_n3A_36, %reduce_min3A_37 [1] : vector<512x8xi32> to vector<512xi32>
    %broadcast_in_dim3A_39 = vector.shape_cast %reduce_min3A_38 : vector<512xi32> to vector<512x1xi32>
    %eq3A_40 = vector.broadcast %broadcast_in_dim3A_39 : vector<512x1xi32> to vector<512x8xi32>
    %eq3A_41 = arith.cmpi eq, %iota3A, %eq3A_40 : vector<512x8xi32>
    %add3A_42 = arith.addf %broadcast_in_dim3A_19, %broadcast_in_dim3A_31 : vector<512x1xf32>
    %broadcast_in_dim3A_43 = arith.constant 1.000000e+00 : f32
    %broadcast_in_dim3A_44 = vector.broadcast %broadcast_in_dim3A_43 : f32 to vector<1x128xf32>
    %div3A_45 = arith.divf %broadcast_in_dim3A_19, %add3A_42 : vector<512x1xf32>
    %mul3A = vector.broadcast %div3A_45 : vector<512x1xf32> to vector<512x128xf32>
    %mul3A_46 = vector.broadcast %broadcast_in_dim3A_44 : vector<1x128xf32> to vector<512x128xf32>
    %mul3A_47 = arith.mulf %mul3A, %mul3A_46 : vector<512x128xf32>
    %swap3A = arith.constant 0 : index
    %swap3A_48 = arith.constant 0 : index
    %swap3A_49 = vector.load %arg4[%swap3A, %swap3A_48] : memref<512x128xf32, #tpu.memory_space<vmem>>, vector<512x128xf32>
    tpu.vector_store %arg4[%swap3A, %swap3A_48], %mul3A_47 {strides = array<i32>} : memref<512x128xf32, #tpu.memory_space<vmem>>, vector<512x128xf32>,
    %div3A_50 = arith.divf %broadcast_in_dim3A_31, %add3A_42 : vector<512x1xf32>
    %mul3A_51 = vector.broadcast %div3A_50 : vector<512x1xf32> to vector<512x128xf32>
    %mul3A_52 = vector.broadcast %broadcast_in_dim3A_44 : vector<1x128xf32> to vector<512x128xf32>
    %mul3A_53 = arith.mulf %mul3A_51, %mul3A_52 : vector<512x128xf32>
    %swap3A_54 = arith.constant 0 : index
    %swap3A_55 = arith.constant 0 : index
    %swap3A_56 = vector.load %arg5[%swap3A_54, %swap3A_55] : memref<512x128xf32, #tpu.memory_space<vmem>>, vector<512x128xf32>
    tpu.vector_store %arg5[%swap3A_54, %swap3A_55], %mul3A_53 {strides = array<i32>} : memref<512x128xf32, #tpu.memory_space<vmem>>, vector<512x128xf32>,
    %swap3A_57 = arith.constant 0 : index
    %swap3A_58 = arith.constant 0 : index
    %swap3A_59 = vector.load %arg6[%swap3A_57, %swap3A_58] : memref<512x1xi32, #tpu.memory_space<vmem>>, vector<512x1xi32>
    tpu.vector_store %arg6[%swap3A_57, %swap3A_58], %broadcast_in_dim3A_23 {strides = array<i32>} : memref<512x1xi32, #tpu.memory_space<vmem>>, vector<512x1xi32>,
    %swap3A_60 = arith.constant 0 : index
    %swap3A_61 = arith.constant 0 : index
    %swap3A_62 = vector.load %arg7[%swap3A_60, %swap3A_61] : memref<512x1xi32, #tpu.memory_space<vmem>>, vector<512x1xi32>
    tpu.vector_store %arg7[%swap3A_60, %swap3A_61], %broadcast_in_dim3A_39 {strides = array<i32>} : memref<512x1xi32, #tpu.memory_space<vmem>>, vector<512x1xi32>,
    %convert_element_type3A = arith.extui %eq3A_25 : vector<512x8xi1> to vector<512x8xi32>
    %convert_element_type3A_63 = arith.sitofp %convert_element_type3A : vector<512x8xi32> to vector<512x8xf32>
    %convert_element_type3A_64 = arith.extui %eq3A_41 : vector<512x8xi1> to vector<512x8xi32>
    %convert_element_type3A_65 = arith.sitofp %convert_element_type3A_64 : vector<512x8xi32> to vector<512x8xf32>
    %add3A_66 = arith.addf %convert_element_type3A_63, %convert_element_type3A_65 : vector<512x8xf32>
    %iota3A_67 = tpu.iota {dimensions = array<i32: 0>} : vector<512x512xi32>
    %iota3A_68 = tpu.iota {dimensions = array<i32: 1>} : vector<512x512xi32>
    %gt3A = arith.cmpi sgt, %iota3A_67, %iota3A_68 : vector<512x512xi32>
    %convert_element_type3A_69 = arith.extui %gt3A : vector<512x512xi1> to vector<512x512xi32>
    %convert_element_type3A_70 = arith.sitofp %convert_element_type3A_69 : vector<512x512xi32> to vector<512x512xf32>
    %dot_general3A_71 = arith.constant dense<0.000000e+00> : vector<512x8xf32>
    %dot_general3A_72 = tpu.matmul %convert_element_type3A_70, %add3A_66, %dot_general3A_71 {dimension_numbers = #tpu.dot_dimension_numbers<[1], [0], [0], [1], [0, 0, 1, 1], [], []>, transpose_lhs_hint = false} : vector<512x512xf32>, vector<512x8xf32>, vector<512x8xf32> -> vector<512x8xf32>
    %jit3A_73 = arith.constant 0.000000e+00 : f32
    %broadcast_in_dim3A_74 = vector.broadcast %jit3A_73 : f32 to vector<512x8xf32>
    %select_n3A_75 = arith.select %eq3A_25, %dot_general3A_72, %broadcast_in_dim3A_74 : vector<512x8xi1>, vector<512x8xf32>
    %reduce_sum3A_76 = arith.constant dense<0.000000e+00> : vector<512xf32>
    %reduce_sum3A_77 = vector.multi_reduction <add>, %select_n3A_75, %reduce_sum3A_76 [1] : vector<512x8xf32> to vector<512xf32>
    %broadcast_in_dim3A_78 = vector.shape_cast %reduce_sum3A_77 : vector<512xf32> to vector<512x1xf32>
    %convert_element_type3A_79 = arith.fptosi %broadcast_in_dim3A_78 : vector<512x1xf32> to vector<512x1xi32>
    %swap3A_80 = arith.constant 0 : index
    %swap3A_81 = arith.constant 0 : index
    %swap3A_82 = vector.load %arg8[%swap3A_80, %swap3A_81] : memref<512x1xi32, #tpu.memory_space<vmem>>, vector<512x1xi32>
    tpu.vector_store %arg8[%swap3A_80, %swap3A_81], %convert_element_type3A_79 {strides = array<i32>} : memref<512x1xi32, #tpu.memory_space<vmem>>, vector<512x1xi32>,
    %jit3A_83 = arith.constant 0.000000e+00 : f32
    %broadcast_in_dim3A_84 = vector.broadcast %jit3A_83 : f32 to vector<512x8xf32>
    %select_n3A_85 = arith.select %eq3A_41, %dot_general3A_72, %broadcast_in_dim3A_84 : vector<512x8xi1>, vector<512x8xf32>
    %reduce_sum3A_86 = arith.constant dense<0.000000e+00> : vector<512xf32>
    %reduce_sum3A_87 = vector.multi_reduction <add>, %select_n3A_85, %reduce_sum3A_86 [1] : vector<512x8xf32> to vector<512xf32>
    %broadcast_in_dim3A_88 = vector.shape_cast %reduce_sum3A_87 : vector<512xf32> to vector<512x1xf32>
    %convert_element_type3A_89 = arith.fptosi %broadcast_in_dim3A_88 : vector<512x1xf32> to vector<512x1xi32>
    %swap3A_90 = arith.constant 0 : index
    %swap3A_91 = arith.constant 0 : index
    %swap3A_92 = vector.load %arg9[%swap3A_90, %swap3A_91] : memref<512x1xi32, #tpu.memory_space<vmem>>, vector<512x1xi32>
    tpu.vector_store %arg9[%swap3A_90, %swap3A_91], %convert_element_type3A_89 {strides = array<i32>} : memref<512x1xi32, #tpu.memory_space<vmem>>, vector<512x1xi32>,
    %reduce_sum3A_93 = arith.constant dense<0.000000e+00> : vector<8xf32>
    %reduce_sum3A_94 = vector.multi_reduction <add>, %add3A_66, %reduce_sum3A_93 [0] : vector<512x8xf32> to vector<8xf32>
    %broadcast_in_dim3A_95 = vector.shape_cast %reduce_sum3A_94 : vector<8xf32> to vector<1x8xf32>
    %broadcast_in_dim3A_96 = vector.shape_cast %broadcast_in_dim3A_95 : vector<1x8xf32> to vector<1x1x8xf32>
    %convert_element_type3A_97 = arith.fptosi %broadcast_in_dim3A_96 : vector<1x1x8xf32> to vector<1x1x8xi32>
    %swap3A_98 = arith.constant 0 : index
    %swap3A_99 = arith.constant 0 : index
    %swap3A_100 = arith.constant 0 : index
    %swap3A_101 = vector.load %arg10[%swap3A_98, %swap3A_99, %swap3A_100] : memref<1x1x8xi32, #tpu.memory_space<vmem>>, vector<1x1x8xi32>
    tpu.vector_store %arg10[%swap3A_98, %swap3A_99, %swap3A_100], %convert_element_type3A_97 {strides = array<i32>} : memref<1x1x8xi32, #tpu.memory_space<vmem>>, vector<1x1x8xi32>,
    return
  }
  func.func @transform_0(%arg0: i32) -> (i32, i32, i32) {
    %c0_i32 = arith.constant 0 : i32
    %c0_i32_0 = arith.constant 0 : i32
    %c0_i32_1 = arith.constant 0 : i32
    return %arg0, %c0_i32, %c0_i32_0 : i32, i32, i32
  }
  func.func @transform_1(%arg0: i32) -> (i32, i32) {
    %c0_i32 = arith.constant 0 : i32
    %c0_i32_0 = arith.constant 0 : i32
    %c0_i32_1 = arith.constant 0 : i32
    return %c0_i32, %c0_i32_0 : i32, i32
  }
  func.func @transform_2(%arg0: i32) -> (i32, i32) {
    %c0_i32 = arith.constant 0 : i32
    %c0_i32_0 = arith.constant 0 : i32
    %c0_i32_1 = arith.constant 0 : i32
    return %c0_i32, %c0_i32_0 : i32, i32
  }
  func.func @transform_3(%arg0: i32) -> (i32, i32) {
    %c0_i32 = arith.constant 0 : i32
    %c0_i32_0 = arith.constant 0 : i32
    return %arg0, %c0_i32 : i32, i32
  }
  func.func @transform_4(%arg0: i32) -> (i32, i32) {
    %c0_i32 = arith.constant 0 : i32
    %c0_i32_0 = arith.constant 0 : i32
    return %arg0, %c0_i32 : i32, i32
  }
  func.func @transform_5(%arg0: i32) -> (i32, i32) {
    %c0_i32 = arith.constant 0 : i32
    %c0_i32_0 = arith.constant 0 : i32
    return %arg0, %c0_i32 : i32, i32
  }
  func.func @transform_6(%arg0: i32) -> (i32, i32) {
    %c0_i32 = arith.constant 0 : i32
    %c0_i32_0 = arith.constant 0 : i32
    return %arg0, %c0_i32 : i32, i32
  }
  func.func @transform_7(%arg0: i32) -> (i32, i32) {
    %c0_i32 = arith.constant 0 : i32
    %c0_i32_0 = arith.constant 0 : i32
    return %arg0, %c0_i32 : i32, i32
  }
  func.func @transform_8(%arg0: i32) -> (i32, i32) {
    %c0_i32 = arith.constant 0 : i32
    %c0_i32_0 = arith.constant 0 : i32
    return %arg0, %c0_i32 : i32, i32
  }
  func.func @transform_9(%arg0: i32) -> (i32, i32, i32) {
    %c0_i32 = arith.constant 0 : i32
    %c0_i32_0 = arith.constant 0 : i32
    %c0_i32_1 = arith.constant 0 : i32
    return %arg0, %c0_i32, %c0_i32_0 : i32, i32, i32
  }
}

module attributes {stable_mosaic.version = 14 : i64} {
  func.func @_pos_body(%arg0: i32, %arg1: memref<512x1xi32, #tpu.memory_space<vmem>>, %arg2: memref<512x1xi32, #tpu.memory_space<vmem>>, %arg3: memref<512x1xi32, #tpu.memory_space<vmem>>, %arg4: memref<512x1xi32, #tpu.memory_space<vmem>>, %arg5: memref<1x1x8xi32, #tpu.memory_space<vmem>>, %arg6: memref<512x1xi32, #tpu.memory_space<vmem>>, %arg7: memref<512x1xi32, #tpu.memory_space<vmem>>) attributes {dimension_semantics = [#tpu.dimension_semantics<arbitrary>], iteration_bounds = array<i64: 8>, scalar_prefetch = 0 : i64, scratch_operands = 0 : i64, tpu.core_type = #tpu.core_type<tc>, window_params = [{transform_indices = @transform_0, window_bounds = array<i64: 512, 1>}, {transform_indices = @transform_1, window_bounds = array<i64: 512, 1>}, {transform_indices = @transform_2, window_bounds = array<i64: 512, 1>}, {transform_indices = @transform_3, window_bounds = array<i64: 512, 1>}, {transform_indices = @transform_4, window_bounds = array<i64: 1, 1, 8>}, {transform_indices = @transform_5, window_bounds = array<i64: 512, 1>}, {transform_indices = @transform_6, window_bounds = array<i64: 512, 1>}]} {
    %get3A = arith.constant 0 : index
    %get3A_0 = arith.constant 0 : index
    %get3A_1 = arith.constant 0 : index
    %get3A_2 = vector.load %arg5[%get3A, %get3A_0, %get3A_1] : memref<1x1x8xi32, #tpu.memory_space<vmem>>, vector<1x1x8xi32>
    %get3A_3 = vector.shape_cast %get3A_2 : vector<1x1x8xi32> to vector<1x8xi32>
    %iota3A = tpu.iota {dimensions = array<i32: 1>} : vector<512x8xi32>
    %get3A_4 = arith.constant 0 : index
    %get3A_5 = arith.constant 0 : index
    %get3A_6 = vector.load %arg1[%get3A_4, %get3A_5] : memref<512x1xi32, #tpu.memory_space<vmem>>, vector<512x1xi32>
    %eq3A = vector.broadcast %get3A_6 : vector<512x1xi32> to vector<512x8xi32>
    %eq3A_7 = arith.cmpi eq, %iota3A, %eq3A : vector<512x8xi32>
    %get3A_8 = arith.constant 0 : index
    %get3A_9 = arith.constant 0 : index
    %get3A_10 = vector.load %arg2[%get3A_8, %get3A_9] : memref<512x1xi32, #tpu.memory_space<vmem>>, vector<512x1xi32>
    %eq3A_11 = vector.broadcast %get3A_10 : vector<512x1xi32> to vector<512x8xi32>
    %eq3A_12 = arith.cmpi eq, %iota3A, %eq3A_11 : vector<512x8xi32>
    %jit3A = arith.constant 0 : i32
    %broadcast_in_dim3A = vector.shape_cast %get3A_3 : vector<1x8xi32> to vector<1x8xi32>
    %broadcast_in_dim3A_13 = vector.broadcast %broadcast_in_dim3A : vector<1x8xi32> to vector<512x8xi32>
    %broadcast_in_dim3A_14 = vector.broadcast %jit3A : i32 to vector<512x8xi32>
    %select_n3A = arith.select %eq3A_7, %broadcast_in_dim3A_13, %broadcast_in_dim3A_14 : vector<512x8xi1>, vector<512x8xi32>
    %reduce_sum3A = arith.constant dense<0> : vector<512xi32>
    %reduce_sum3A_15 = vector.multi_reduction <add>, %select_n3A, %reduce_sum3A [1] : vector<512x8xi32> to vector<512xi32>
    %broadcast_in_dim3A_16 = vector.shape_cast %reduce_sum3A_15 : vector<512xi32> to vector<512x1xi32>
    %jit3A_17 = arith.constant 0 : i32
    %broadcast_in_dim3A_18 = vector.shape_cast %get3A_3 : vector<1x8xi32> to vector<1x8xi32>
    %broadcast_in_dim3A_19 = vector.broadcast %broadcast_in_dim3A_18 : vector<1x8xi32> to vector<512x8xi32>
    %broadcast_in_dim3A_20 = vector.broadcast %jit3A_17 : i32 to vector<512x8xi32>
    %select_n3A_21 = arith.select %eq3A_12, %broadcast_in_dim3A_19, %broadcast_in_dim3A_20 : vector<512x8xi1>, vector<512x8xi32>
    %reduce_sum3A_22 = arith.constant dense<0> : vector<512xi32>
    %reduce_sum3A_23 = vector.multi_reduction <add>, %select_n3A_21, %reduce_sum3A_22 [1] : vector<512x8xi32> to vector<512xi32>
    %broadcast_in_dim3A_24 = vector.shape_cast %reduce_sum3A_23 : vector<512xi32> to vector<512x1xi32>
    %get3A_25 = arith.constant 0 : index
    %get3A_26 = arith.constant 0 : index
    %get3A_27 = vector.load %arg3[%get3A_25, %get3A_26] : memref<512x1xi32, #tpu.memory_space<vmem>>, vector<512x1xi32>
    %add3A = arith.addi %broadcast_in_dim3A_16, %get3A_27 : vector<512x1xi32>
    %swap3A = arith.constant 0 : index
    %swap3A_28 = arith.constant 0 : index
    %swap3A_29 = vector.load %arg6[%swap3A, %swap3A_28] : memref<512x1xi32, #tpu.memory_space<vmem>>, vector<512x1xi32>
    tpu.vector_store %arg6[%swap3A, %swap3A_28], %add3A {strides = array<i32>} : memref<512x1xi32, #tpu.memory_space<vmem>>, vector<512x1xi32>,
    %get3A_30 = arith.constant 0 : index
    %get3A_31 = arith.constant 0 : index
    %get3A_32 = vector.load %arg4[%get3A_30, %get3A_31] : memref<512x1xi32, #tpu.memory_space<vmem>>, vector<512x1xi32>
    %add3A_33 = arith.addi %broadcast_in_dim3A_24, %get3A_32 : vector<512x1xi32>
    %swap3A_34 = arith.constant 0 : index
    %swap3A_35 = arith.constant 0 : index
    %swap3A_36 = vector.load %arg7[%swap3A_34, %swap3A_35] : memref<512x1xi32, #tpu.memory_space<vmem>>, vector<512x1xi32>
    tpu.vector_store %arg7[%swap3A_34, %swap3A_35], %add3A_33 {strides = array<i32>} : memref<512x1xi32, #tpu.memory_space<vmem>>, vector<512x1xi32>,
    return
  }
  func.func @transform_0(%arg0: i32) -> (i32, i32) {
    %c0_i32 = arith.constant 0 : i32
    %c0_i32_0 = arith.constant 0 : i32
    return %arg0, %c0_i32 : i32, i32
  }
  func.func @transform_1(%arg0: i32) -> (i32, i32) {
    %c0_i32 = arith.constant 0 : i32
    %c0_i32_0 = arith.constant 0 : i32
    return %arg0, %c0_i32 : i32, i32
  }
  func.func @transform_2(%arg0: i32) -> (i32, i32) {
    %c0_i32 = arith.constant 0 : i32
    %c0_i32_0 = arith.constant 0 : i32
    return %arg0, %c0_i32 : i32, i32
  }
  func.func @transform_3(%arg0: i32) -> (i32, i32) {
    %c0_i32 = arith.constant 0 : i32
    %c0_i32_0 = arith.constant 0 : i32
    return %arg0, %c0_i32 : i32, i32
  }
  func.func @transform_4(%arg0: i32) -> (i32, i32, i32) {
    %c0_i32 = arith.constant 0 : i32
    %c0_i32_0 = arith.constant 0 : i32
    %c0_i32_1 = arith.constant 0 : i32
    return %arg0, %c0_i32, %c0_i32_0 : i32, i32, i32
  }
  func.func @transform_5(%arg0: i32) -> (i32, i32) {
    %c0_i32 = arith.constant 0 : i32
    %c0_i32_0 = arith.constant 0 : i32
    return %arg0, %c0_i32 : i32, i32
  }
  func.func @transform_6(%arg0: i32) -> (i32, i32) {
    %c0_i32 = arith.constant 0 : i32
    %c0_i32_0 = arith.constant 0 : i32
    return %arg0, %c0_i32 : i32, i32
  }
}

module attributes {stable_mosaic.version = 14 : i64} {
  func.func @_gmm_body(%arg0: i32, %arg1: memref<4x39xi32, #tpu.memory_space<smem>>, %arg2: memref<256x768xf32, #tpu.memory_space<vmem>>, %arg3: memref<256x128xf32, #tpu.memory_space<vmem>>, %arg4: memref<1x768x3072xbf16, #tpu.memory_space<vmem>>, %arg5: memref<1x1x3072xf32, #tpu.memory_space<vmem>>, %arg6: memref<1x3072x768xbf16, #tpu.memory_space<vmem>>, %arg7: memref<1x1x768xf32, #tpu.memory_space<vmem>>, %arg8: memref<256x768xf32, #tpu.memory_space<vmem>>) attributes {dimension_semantics = [#tpu.dimension_semantics<arbitrary>], iteration_bounds = array<i64: 39>, scalar_prefetch = 1 : i64, scratch_operands = 0 : i64, tpu.core_type = #tpu.core_type<tc>, window_params = [{transform_indices = @transform_0, window_bounds = array<i64: 256, 768>}, {transform_indices = @transform_1, window_bounds = array<i64: 256, 128>}, {transform_indices = @transform_2, window_bounds = array<i64: 1, 768, 3072>}, {transform_indices = @transform_3, window_bounds = array<i64: 1, 1, 3072>}, {transform_indices = @transform_4, window_bounds = array<i64: 1, 3072, 768>}, {transform_indices = @transform_5, window_bounds = array<i64: 1, 1, 768>}, {transform_indices = @transform_6, window_bounds = array<i64: 256, 768>}]} {
    %get3A = arith.constant 0 : index
    %get3A_0 = arith.index_cast %arg0 : i32 to index
    %get3A_1 = memref.load %arg1[%get3A, %get3A_0] : memref<4x39xi32, #tpu.memory_space<smem>>
    %get3A_2 = arith.constant 2 : index
    %get3A_3 = arith.index_cast %arg0 : i32 to index
    %get3A_4 = memref.load %arg1[%get3A_2, %get3A_3] : memref<4x39xi32, #tpu.memory_space<smem>>
    %get3A_5 = arith.constant 3 : index
    %get3A_6 = arith.index_cast %arg0 : i32 to index
    %get3A_7 = memref.load %arg1[%get3A_5, %get3A_6] : memref<4x39xi32, #tpu.memory_space<smem>>
    %get3A_8 = arith.constant 0 : index
    %get3A_9 = arith.constant 0 : index
    %get3A_10 = vector.load %arg2[%get3A_8, %get3A_9] : memref<256x768xf32, #tpu.memory_space<vmem>>, vector<256x768xf32>
    %convert_element_type3A = arith.truncf %get3A_10 : vector<256x768xf32> to vector<256x768xbf16>
    %get3A_11 = arith.constant 0 : index
    %get3A_12 = arith.constant 0 : index
    %get3A_13 = arith.constant 0 : index
    %get3A_14 = vector.load %arg4[%get3A_11, %get3A_12, %get3A_13] : memref<1x768x3072xbf16, #tpu.memory_space<vmem>>, vector<1x768x3072xbf16>
    %get3A_15 = vector.shape_cast %get3A_14 : vector<1x768x3072xbf16> to vector<768x3072xbf16>
    %dot_general3A = arith.constant dense<0.000000e+00> : vector<256x3072xf32>
    %dot_general3A_16 = tpu.matmul %convert_element_type3A, %get3A_15, %dot_general3A {dimension_numbers = #tpu.dot_dimension_numbers<[1], [0], [0], [1], [0, 0, 1, 1], [], []>, transpose_lhs_hint = false} : vector<256x768xbf16>, vector<768x3072xbf16>, vector<256x3072xf32> -> vector<256x3072xf32>
    %get3A_17 = arith.constant 0 : index
    %get3A_18 = arith.constant 0 : index
    %get3A_19 = arith.constant 0 : index
    %get3A_20 = vector.load %arg5[%get3A_17, %get3A_18, %get3A_19] : memref<1x1x3072xf32, #tpu.memory_space<vmem>>, vector<1x1x3072xf32>
    %get3A_21 = vector.shape_cast %get3A_20 : vector<1x1x3072xf32> to vector<1x3072xf32>
    %add3A = vector.broadcast %get3A_21 : vector<1x3072xf32> to vector<256x3072xf32>
    %add3A_22 = arith.addf %dot_general3A_16, %add3A : vector<256x3072xf32>
    %integer_pow3A = arith.mulf %add3A_22, %add3A_22 : vector<256x3072xf32>
    %integer_pow3A_23 = arith.mulf %add3A_22, %integer_pow3A : vector<256x3072xf32>
    %mul3A = arith.constant 4.471500e-02 : f32
    %mul3A_24 = vector.broadcast %mul3A : f32 to vector<256x3072xf32>
    %mul3A_25 = arith.mulf %mul3A_24, %integer_pow3A_23 : vector<256x3072xf32>
    %add3A_26 = arith.addf %add3A_22, %mul3A_25 : vector<256x3072xf32>
    %mul3A_27 = arith.constant 0.797884583 : f32
    %mul3A_28 = vector.broadcast %mul3A_27 : f32 to vector<256x3072xf32>
    %mul3A_29 = arith.mulf %mul3A_28, %add3A_26 : vector<256x3072xf32>
    %tanh3A = math.tanh %mul3A_29 : vector<256x3072xf32>
    %add3A_30 = arith.constant 1.000000e+00 : f32
    %add3A_31 = vector.broadcast %add3A_30 : f32 to vector<256x3072xf32>
    %add3A_32 = arith.addf %add3A_31, %tanh3A : vector<256x3072xf32>
    %mul3A_33 = arith.constant 5.000000e-01 : f32
    %mul3A_34 = vector.broadcast %mul3A_33 : f32 to vector<256x3072xf32>
    %mul3A_35 = arith.mulf %mul3A_34, %add3A_32 : vector<256x3072xf32>
    %mul3A_36 = arith.mulf %add3A_22, %mul3A_35 : vector<256x3072xf32>
    %convert_element_type3A_37 = arith.truncf %mul3A_36 : vector<256x3072xf32> to vector<256x3072xbf16>
    %get3A_38 = arith.constant 0 : index
    %get3A_39 = arith.constant 0 : index
    %get3A_40 = arith.constant 0 : index
    %get3A_41 = vector.load %arg6[%get3A_38, %get3A_39, %get3A_40] : memref<1x3072x768xbf16, #tpu.memory_space<vmem>>, vector<1x3072x768xbf16>
    %get3A_42 = vector.shape_cast %get3A_41 : vector<1x3072x768xbf16> to vector<3072x768xbf16>
    %dot_general3A_43 = arith.constant dense<0.000000e+00> : vector<256x768xf32>
    %dot_general3A_44 = tpu.matmul %convert_element_type3A_37, %get3A_42, %dot_general3A_43 {dimension_numbers = #tpu.dot_dimension_numbers<[1], [0], [0], [1], [0, 0, 1, 1], [], []>, transpose_lhs_hint = false} : vector<256x3072xbf16>, vector<3072x768xbf16>, vector<256x768xf32> -> vector<256x768xf32>
    %get3A_45 = arith.constant 0 : index
    %get3A_46 = arith.constant 0 : index
    %get3A_47 = arith.constant 0 : index
    %get3A_48 = vector.load %arg7[%get3A_45, %get3A_46, %get3A_47] : memref<1x1x768xf32, #tpu.memory_space<vmem>>, vector<1x1x768xf32>
    %get3A_49 = vector.shape_cast %get3A_48 : vector<1x1x768xf32> to vector<1x768xf32>
    %add3A_50 = vector.broadcast %get3A_49 : vector<1x768xf32> to vector<256x768xf32>
    %add3A_51 = arith.addf %dot_general3A_44, %add3A_50 : vector<256x768xf32>
    %get3A_52 = arith.constant 0 : index
    %get3A_53 = arith.constant 0 : index
    %get3A_54 = vector.load %arg3[%get3A_52, %get3A_53] : memref<256x128xf32, #tpu.memory_space<vmem>>, vector<256x128xf32>
    %slice3A = vector.extract_strided_slice %get3A_54 {offsets = [0, 0], sizes = [256, 1], strides = [1, 1]} : vector<256x128xf32> to vector<256x1xf32>
    %mul3A_55 = vector.broadcast %slice3A : vector<256x1xf32> to vector<256x768xf32>
    %mul3A_56 = arith.mulf %add3A_51, %mul3A_55 : vector<256x768xf32>
    %mul3A_57 = arith.constant 256 : i32
    %mul3A_58 = arith.muli %get3A_1, %mul3A_57 : i32
    %iota3A = tpu.iota {dimensions = array<i32: 0>} : vector<256x1xi32>
    %add3A_59 = vector.broadcast %mul3A_58 : i32 to vector<256x1xi32>
    %add3A_60 = arith.addi %add3A_59, %iota3A : vector<256x1xi32>
    %ge3A = vector.broadcast %get3A_4 : i32 to vector<256x1xi32>
    %ge3A_61 = arith.cmpi sge, %add3A_60, %ge3A : vector<256x1xi32>
    %lt3A = vector.broadcast %get3A_7 : i32 to vector<256x1xi32>
    %lt3A_62 = arith.cmpi slt, %add3A_60, %lt3A : vector<256x1xi32>
    %and3A = arith.andi %ge3A_61, %lt3A_62 : vector<256x1xi1>
    %get3A_63 = arith.constant 0 : index
    %get3A_64 = arith.constant 0 : index
    %get3A_65 = vector.load %arg8[%get3A_63, %get3A_64] : memref<256x768xf32, #tpu.memory_space<vmem>>, vector<256x768xf32>
    %broadcast_in_dim3A = vector.shape_cast %and3A : vector<256x1xi1> to vector<256x1xi1>
    %broadcast_in_dim3A_66 = vector.broadcast %broadcast_in_dim3A : vector<256x1xi1> to vector<256x768xi1>
    %select_n3A = arith.select %broadcast_in_dim3A_66, %mul3A_56, %get3A_65 : vector<256x768xi1>, vector<256x768xf32>
    %swap3A = arith.constant 0 : index
    %swap3A_67 = arith.constant 0 : index
    %swap3A_68 = vector.load %arg8[%swap3A, %swap3A_67] : memref<256x768xf32, #tpu.memory_space<vmem>>, vector<256x768xf32>
    tpu.vector_store %arg8[%swap3A, %swap3A_67], %select_n3A {strides = array<i32>} : memref<256x768xf32, #tpu.memory_space<vmem>>, vector<256x768xf32>,
    return
  }
  func.func @transform_0(%arg0: i32, %arg1: memref<4x39xi32, #tpu.memory_space<smem>>) -> (i32, i32) {
    %get3A = arith.constant 0 : index
    %get3A_0 = arith.index_cast %arg0 : i32 to index
    %get3A_1 = memref.load %arg1[%get3A, %get3A_0] : memref<4x39xi32, #tpu.memory_space<smem>>
    %c0_i32 = arith.constant 0 : i32
    %c0_i32_2 = arith.constant 0 : i32
    return %get3A_1, %c0_i32 : i32, i32
  }
  func.func @transform_1(%arg0: i32, %arg1: memref<4x39xi32, #tpu.memory_space<smem>>) -> (i32, i32) {
    %get3A = arith.constant 0 : index
    %get3A_0 = arith.index_cast %arg0 : i32 to index
    %get3A_1 = memref.load %arg1[%get3A, %get3A_0] : memref<4x39xi32, #tpu.memory_space<smem>>
    %c0_i32 = arith.constant 0 : i32
    %c0_i32_2 = arith.constant 0 : i32
    return %get3A_1, %c0_i32 : i32, i32
  }
  func.func @transform_2(%arg0: i32, %arg1: memref<4x39xi32, #tpu.memory_space<smem>>) -> (i32, i32, i32) {
    %get3A = arith.constant 1 : index
    %get3A_0 = arith.index_cast %arg0 : i32 to index
    %get3A_1 = memref.load %arg1[%get3A, %get3A_0] : memref<4x39xi32, #tpu.memory_space<smem>>
    %c0_i32 = arith.constant 0 : i32
    %c0_i32_2 = arith.constant 0 : i32
    %c0_i32_3 = arith.constant 0 : i32
    return %get3A_1, %c0_i32, %c0_i32_2 : i32, i32, i32
  }
  func.func @transform_3(%arg0: i32, %arg1: memref<4x39xi32, #tpu.memory_space<smem>>) -> (i32, i32, i32) {
    %get3A = arith.constant 1 : index
    %get3A_0 = arith.index_cast %arg0 : i32 to index
    %get3A_1 = memref.load %arg1[%get3A, %get3A_0] : memref<4x39xi32, #tpu.memory_space<smem>>
    %c0_i32 = arith.constant 0 : i32
    %c0_i32_2 = arith.constant 0 : i32
    %c0_i32_3 = arith.constant 0 : i32
    return %get3A_1, %c0_i32, %c0_i32_2 : i32, i32, i32
  }
  func.func @transform_4(%arg0: i32, %arg1: memref<4x39xi32, #tpu.memory_space<smem>>) -> (i32, i32, i32) {
    %get3A = arith.constant 1 : index
    %get3A_0 = arith.index_cast %arg0 : i32 to index
    %get3A_1 = memref.load %arg1[%get3A, %get3A_0] : memref<4x39xi32, #tpu.memory_space<smem>>
    %c0_i32 = arith.constant 0 : i32
    %c0_i32_2 = arith.constant 0 : i32
    %c0_i32_3 = arith.constant 0 : i32
    return %get3A_1, %c0_i32, %c0_i32_2 : i32, i32, i32
  }
  func.func @transform_5(%arg0: i32, %arg1: memref<4x39xi32, #tpu.memory_space<smem>>) -> (i32, i32, i32) {
    %get3A = arith.constant 1 : index
    %get3A_0 = arith.index_cast %arg0 : i32 to index
    %get3A_1 = memref.load %arg1[%get3A, %get3A_0] : memref<4x39xi32, #tpu.memory_space<smem>>
    %c0_i32 = arith.constant 0 : i32
    %c0_i32_2 = arith.constant 0 : i32
    %c0_i32_3 = arith.constant 0 : i32
    return %get3A_1, %c0_i32, %c0_i32_2 : i32, i32, i32
  }
  func.func @transform_6(%arg0: i32, %arg1: memref<4x39xi32, #tpu.memory_space<smem>>) -> (i32, i32) {
    %get3A = arith.constant 0 : index
    %get3A_0 = arith.index_cast %arg0 : i32 to index
    %get3A_1 = memref.load %arg1[%get3A, %get3A_0] : memref<4x39xi32, #tpu.memory_space<smem>>
    %c0_i32 = arith.constant 0 : i32
    %c0_i32_2 = arith.constant 0 : i32
    return %get3A_1, %c0_i32 : i32, i32
  }
}

</mosaic_0001>

<sc_bundles>
// kernel: kernel.10.cloned.1.call-start
scs
__scs_entry_jumppad:
0x0: {  	(pc) =	sbr.rel $0x88, $3  }
0x1: {  	(tag) =	ssettag $0x0;
	lr =	simm.s32 $0x1  }
0x2: {  	[smem:$0x3F9A] =	sst lr;
	_ =	strace $0xD0000000  }
0x3: {  	_ = 	snop  }
0x4: {  	_ = 	snop  }
0x5: {  	_ = 	snop  }
0x6: {  	_ = 	snop  }
0x7: {  	_ = 	snop  }
__scs_overlays_trampoline_lowered:
0x8: {  	[smem:$0x3FA9] =	sst s0  }
0x9: {  	[smem:$0x3FAA] =	sst s1  }
0xa: {  	[smem:$0x3FAB] =	sst s2  }
0xb: {  	[smem:$0x3FAC] =	sst s3  }
0xc: {  	[smem:$0x3FAD] =	sst s4  }
0xd: {  	[smem:$0x3FAE] =	sst s5  }
0xe: {  	[smem:$0x3FAF] =	sst s6  }
0xf: {  	[smem:$0x3FB0] =	sst s7  }
0x10: {  	[smem:$0x3FB1] =	sst s8  }
0x11: {  	[smem:$0x3FB2] =	sst s9;
	s0 =	simm.s32 @!p0 $0x0  }
0x12: {  	s1 =	sld [smem:$0x3F98];
	s0 =	simm.s32 @p0 $0x1  }
0x13: {  	[smem:$0x3FB3] =	sst s0;
	s0 =	simm.s32 @!p1 $0x0  }
0x14: {  	s2 =	sld [smem:$0x3F97];
	s0 =	simm.s32 @p1 $0x1  }
0x15: {  	[smem:$0x3FB4] =	sst s0;
	s0 =	simm.s32 @!p2 $0x0  }
0x16: {  	s3 =	sld [smem:$0x3FDB];
	s0 =	simm.s32 @p2 $0x1  }
0x17: {  	s4 =	simm.s32 $0x1BF5;
	[smem:$0x3FB6] =	sst s0  }
0x18: {  	s0 =	sld [smem:$0x3F99];
	_ =	swait.ge [sflag:s4], $0x0  }
0x19: {  	s7 =	sld [smem:$0x3F9A]  }
0x1a: {  	s8 =	sadd.s32 $0xFFFFE003, lr  }
0x1b: {  	s9 =	sadd.s32 $0xFFFFFEF7, lr;
	s5 =	simm.s32 $0xFFFFFFFF;
	p2 =	slt.u32 s8, $0xFFFFF086  }
0x1c: {  	p1 =	slt.u32 s9, $0xF7A;
	s5 =	simm.s32 @!p2 $0x0  }
0x1d: {  	s5 =	simm.s32 @p1 $0x1;
	p0 =	seq.s32 s7, s2  }
0x1e: {  	s7 =	smul.u32 @!p0 $0xF7A, s2;
	p2 =	seq.s32 @!p0 s5, $0x0  }
0x1f: {  	s9 =	smul.u32 $0xF7A, s1;
	s8 =	simm.s32 @!p0 $0x1BF5;
	p2 =	por !p2, p0  }
0x20: {  	[sflag:s8] =	ssyncset.s32 @!p0 $0xFFFFF086;
	s6 =	sadd.s32 @!p0 s3, s7;
	s7 =	simm.s32 @!p0 $0x108  }
0x21: {  	s3 =	sadd.s32 s3, s9;
	s6 =	sadd.s32 @!p0 $0x88, s6;
	s7 =	simm.s32 @p2 $0x1082  }
0x22: {  	[simem:s7], [sflag:s8] =	dma.local @!p0 [hbm:s6], $0xF7A  }
0x23: {  	s9 =	sor.u32 $0xD0000000, s2;
	s6 =	simm.s32 $0x108;
	_ =	swait.ge @!p0 [sflag:s8], $0x0  }
0x24: {  	s3 =	sadd.s32 $0x88, s3;
	s6 =	simm.s32 @!p1 $0x1082;
	[sflag:s4] =	ssyncset.s32 $0xFFFFF086  }
0x25: {  	[simem:s6], [sflag:s4] =	dma.local [hbm:s3], $0xF7A  }
0x26: {  	[smem:$0x3F9A] =	sst s1;
	(tag) =	ssettag s2;
	_ =	strace s9  }
0x27: {  	s1 =	sld [smem:$0x3FAA]  }
0x28: {  	s2 =	sld [smem:$0x3FAB]  }
0x29: {  	s4 =	sld [smem:$0x3FAD]  }
0x2a: {  	p0 =	seq.s32 s5, $0x0;
	s5 =	sld [smem:$0x3FAE]  }
0x2b: {  	s6 =	sld [smem:$0x3FAF]  }
0x2c: {  	s7 =	sld [smem:$0x3FB0]  }
0x2d: {  	s3 =	simm.s32 $0x108;
	s8 =	sld [smem:$0x3FB1]  }
0x2e: {  	s3 =	simm.s32 @!p0 $0x1082;
	s9 =	sld [smem:$0x3FB2]  }
0x2f: {  	lr =	sadd.s32 s0, s3;
	s0 =	sld [smem:$0x3FA9]  }
0x30: {  	s3 =	sld [smem:$0x3FAC]  }
0x31: {  	[smem:$0x3FB5] =	sst s10  }
0x32: {  	s10 =	sld [smem:$0x3FB3];
	_ =	sdelay $0x3  }
0x33: {  	p0 =	seq.s32 s10, $0x1;
	s10 =	sld [smem:$0x3FB5];
	_ =	sdelay $0x3  }
0x34: {  	[smem:$0x3FB5] =	sst s10  }
0x35: {  	s10 =	sld [smem:$0x3FB4];
	_ =	sdelay $0x3  }
0x36: {  	p1 =	seq.s32 s10, $0x1;
	s10 =	sld [smem:$0x3FB5];
	_ =	sdelay $0x3  }
0x37: {  	[smem:$0x3FB5] =	sst s10  }
0x38: {  	s10 =	sld [smem:$0x3FB6]  }
0x39: {  	_ = 	snop;
	(pc) =	sbr.ind lr, $3  }
0x3a: {  	_ = 	snop  }
0x3b: {  	_ = 	snop  }
0x3c: {  	p2 =	seq.s32 s10, $0x1;
	s10 =	sld [smem:$0x3FB5]  }
0x3d: {  	_ =	shalt  }
0x3e: {  	_ =	shalt  }
0x3f: {  	_ =	shalt  }
0x40: {  	_ =	shalt  }
0x41: {  	_ =	shalt  }
0x42: {  	_ =	shalt  }
0x43: {  	_ =	shalt  }
0x44: {  	_ =	shalt  }
0x45: {  	_ =	shalt  }
0x46: {  	_ =	shalt  }
0x47: {  	_ =	shalt  }
0x48: {  	_ =	shalt  }
0x49: {  	_ =	shalt  }
0x4a: {  	_ =	shalt  }
0x4b: {  	_ =	shalt  }
0x4c: {  	_ =	shalt  }
0x4d: {  	_ =	shalt  }
0x4e: {  	_ =	shalt  }
0x4f: {  	_ =	shalt  }
0x50: {  	_ =	shalt  }
0x51: {  	_ =	shalt  }
0x52: {  	_ =	shalt  }
0x53: {  	_ =	shalt  }
0x54: {  	_ =	shalt  }
0x55: {  	_ =	shalt  }
0x56: {  	_ =	shalt  }
0x57: {  	_ =	shalt  }
0x58: {  	_ =	shalt  }
0x59: {  	_ =	shalt  }
0x5a: {  	_ =	shalt  }
0x5b: {  	_ =	shalt  }
0x5c: {  	_ =	shalt  }
0x5d: {  	_ =	shalt  }
0x5e: {  	_ =	shalt  }
0x5f: {  	_ =	shalt  }
0x60: {  	_ =	shalt  }
0x61: {  	_ =	shalt  }
0x62: {  	_ =	shalt  }
0x63: {  	_ =	shalt  }
0x64: {  	_ =	shalt  }
0x65: {  	_ =	shalt  }
0x66: {  	_ =	shalt  }
0x67: {  	_ =	shalt  }
0x68: {  	_ =	shalt  }
0x69: {  	_ =	shalt  }
0x6a: {  	_ =	shalt  }
0x6b: {  	_ =	shalt  }
0x6c: {  	_ =	shalt  }
0x6d: {  	_ =	shalt  }
0x6e: {  	_ =	shalt  }
0x6f: {  	_ =	shalt  }
0x70: {  	_ =	shalt  }
0x71: {  	_ =	shalt  }
0x72: {  	_ =	shalt  }
0x73: {  	_ =	shalt  }
0x74: {  	_ =	shalt  }
0x75: {  	_ =	shalt  }
0x76: {  	_ =	shalt  }
0x77: {  	_ =	shalt  }
0x78: {  	_ =	shalt  }
0x79: {  	_ =	shalt  }
0x7a: {  	_ =	shalt  }
0x7b: {  	_ =	shalt  }
0x7c: {  	_ =	shalt  }
0x7d: {  	_ =	shalt  }
0x7e: {  	_ =	shalt  }
0x7f: {  	_ =	shalt  }
0x80: {  	_ =	shalt  }
0x81: {  	_ =	shalt  }
0x82: {  	_ =	shalt  }
0x83: {  	_ =	shalt  }
0x84: {  	_ =	shalt  }
0x85: {  	_ =	shalt  }
0x86: {  	_ =	shalt  }
0x87: {  	_ =	shalt  }
.Lfunc_end0:
.L_simem_size_0:
called_computation.1_lowered:
.L_overlay_start_0:
0x88: {  	s2 =	sld [smem:$0x3FD9]  }
0x89: {  	s3 =	sld [smem:$0x3FFE];
	_ =	sdelay $0x1  }
0x8a: {  	s1 =	srdreg.scid  }
0x8b: {  	s0 =	sand.u32 $0x1, s1  }
0x8c: {  	s17 =	sshll.u32 s0, $0xA;
	s2 =	sadd.s32 s3, s2  }
0x8d: {  	s2 =	sadd.s32 s2, s17  }
0x8e: {  	[smem:$0x3FC1] =	sst s2  }
0x8f: {  	_ = 	snop  }
0x90: {  	s2 =	sld [smem:$0x3FD0];
	(tm) =	ssettm $0x1  }
0x91: {  	s18 =	sld [smem:$0x3FFB];
	_ =	sdelay $0x3  }
0x92: {  	_ =	strace s18  }
0x93: {  	s3 =	sld [smem:$0x3FFC];
	_ =	sdelay $0x3  }
0x94: {  	_ =	strace s3  }
0x95: {  	s3 =	sld [smem:$0x3FFD];
	_ =	sdelay $0x3  }
0x96: {  	_ =	strace s3  }
0x97: {  	_ =	strace $0x8FFFFFFF  }
0x98: {  	s19 =	sld [smem:$0x3FDB];
	_ =	sdelay $0x1  }
0x99: {  	s4 =	simm.s32 $_scs_section_size  }
0x9a: {  	s5 =	simm.s32 $_size__tile_overlayer_lowered;
	s6 =	simm.s32 $_tile_overlayer_lowered  }
0x9b: {  	s22 =	simm.s32 $0x1BFF;
	s21 =	sshll.u32 s6, $0x1;
	s3 =	sadd.s32 s4, s19  }
0x9c: {  	s7 =	simm.s32 $0x0;
	s20 =	sshll.u32 s5, $0x1;
	s5 =	sadd.s32 s21, s3  }
0x9d: {  	[timem:s7], [sflag:s22] =	dma.local [hbm:s5], s20  }
0x9e: {  	_ =	swait.ge [sflag:s22], s20  }
0x9f: {  	s4 =	ssub.s32 $0x0, s20;
	[sflag:s22] =	ssyncset.done $0x0  }
0xa0: {  	[sflag:s22] =	ssyncadd.s32 s4;
	_ =	sdelay $0x1  }
0xa1: {  	s23 =	simm.s32 $0x1B8B  }
0xa2: {  	_ =	swait.ge [sflag:s23], $0x1  }
0xa3: {  	[sflag:s23] =	ssyncset.done $0x0  }
0xa4: {  	s25 =	simm.s32 $0x1B8E;
	s24 =	sld [smem:$0x3FFE];
	[sflag:s23] =	ssyncadd.s32 $0xFFFFFFFF  }
0xa5: {  	s26 =	simm.s32 $execute0_lowered;
	[smem:$0x3FD2] =	sst s25  }
0xa6: {  	s5 =	sshll.u32 s26, $0x1;
	_ =	strace $0x80000049;
	[dreg:$0x1] =	wrdreg $0xFFFFFFFF  }
0xa7: {  	s28 =	simm.s32 $_size_execute0_lowered;
	s3 =	sadd.s32 s3, s5;
	[dreg:$0x0] =	wrdreg $0x0  }
0xa8: {  	s5 =	sshll.u32 s28, $0x1;
	[dreg:$0x2] =	wrdreg s3  }
0xa9: {  	[dreg:$0x3] =	wrdreg s5  }
0xaa: {  	[dreg:$0x4] =	wrdreg $0xC0  }
0xab: {  	_ =	task [dreg:s7], $0x5FFFF  }
0xac: {  	[dreg:$0x1] =	wrdreg $0xFFFFFFFF  }
0xad: {  	[dreg:$0x0] =	wrdreg $0x60  }
0xae: {  	[dreg:$0x2] =	wrdreg s24  }
0xaf: {  	[dreg:$0x3] =	wrdreg s2  }
0xb0: {  	[dreg:$0x4] =	wrdreg $0x9  }
0xb1: {  	_ =	task.clear_ibuf [dreg:s7], $0x5FFFF;
	_ =	strace $0x90000049  }
0xb2: {  	s29 =	simm.s32 $0x9;
	_ =	strace $0x8000004B  }
0xb3: {  	_ =	swait.ge [sflag:s29], $0x1  }
0xb4: {  	[sflag:s29] =	ssyncadd.s32 $0xFFFFFFFF  }
0xb5: {  	_ =	strace $0x9000004B  }
0xb6: {  	_ =	sfence  }
0xb7: {  	s30 =	sld [smem:$0x0];
	_ =	sdelay $0x2  }
0xb8: {  	s31 =	sshll.u32 s1, $0xD;
	s1 =	sshrl.u32 s1, $0x2  }
0xb9: {  	s3 =	sand.u32 $0x4000, s31;
	s1 =	sadd.s32 s1, s30  }
0xba: {  	s0 =	sor.u32 s3, s0;
	s1 =	sshll.u32 s1, $0x11  }
0xbb: {  	s0 =	sor.u32 s1, s0  }
0xbc: {  	s0 =	sadd.s32 $0x8F2B, s0  }
0xbd: {  	[sflag:s0] =	ssyncadd.remote.s32 $0x1  }
0xbe: {  	_ =	sfence.sel $0xFFFF  }
0xbf: {  	[dreg:$0x0] =	wrdreg $0xFFFFFFFF;
	(pc) =	sbr.abs _section_cstart, $3  }
0xc0: {  	[dreg:$0x1] =	wrdreg $0xFFFFFFFF  }
0xc1: {  	_ =	task.clear_ibuf [dreg:s7], $0x2FFFF;
	_ =	strace $0x9FFFFFFF  }
0xc2: {  	(tm) =	ssettm $0x7FFFFFFF  }
0xc3: {  	_ =	shalt  }
tec
execute0_lowered:
.L_overlay_start_1:
0x0: {  	(tag) =	ssettag $0x1  }
0x1: {  	s0 =	rddreg [dreg:$0x0]  }
0x2: {  	s1 =	rddreg [dreg:$0x1];
	s2 =	simm.s32 $0x0  }
0x3: {  	s3 =	srdreg.scid;
	s5 =	stileid.u32;
	s11 =	simm.s32 $0x2  }
0x4: {  	s13 =	simm.s32 $0x100;
	s17 =	simm.s32 $0x1;
	s28 =	simm.s32 $0x11900  }
0x5: {  	s29 =	simm.s32 $0x12900;
	s30 =	simm.s32 $0x13100;
	s9 =	simm.s32 $0x13900  }
0x6: {  	s31 =	simm.s32 $0x14100;
	s10 =	simm.s32 $0x14900;
	s12 =	simm.s32 $0x16100  }
0x7: {  	s14 =	simm.s32 $0x16900;
	s15 =	simm.s32 $0x17100;
	s16 =	simm.s32 $0x17900  }
0x8: {  	s18 =	simm.s32 $0x0;
	s4 =	sand.u32 $0x1, s3;
	s22 =	sshll.u32 s5, $0x1  }
0x9: {  	[smem:$0x7FF] =	sst s2;
	s3 =	sadd.s32 $0x321000, s0;
	s5 =	sor.u32 s4, s22  }
0xa: {  	_ =	strace $0x8000004A;
	s4 =	ssub.s32 $0x2, s4;
	s6 =	sshll.u32 s5, $0x4  }
0xb: {  	s7 =	sshrl.u32 s4, $0x1;
	s8 =	smul.u32 $0x18000, s5;
	s6 =	sadd.s32 s6, s0  }
0xc: {  	s5 =	smul.u32 $0x3000, s5;
	s4 =	ssub.s32 s4, s7;
	s23 =	sadd.s32 $0x20200, s6  }
0xd: {  	s7 =	sadd.s32 $0x321200, s0;
	s6 =	sadd.s32 $0x20400, s6;
	[dreg:$0x3] =	wrdreg s23  }
0xe: {  	s8 =	sshrl.u32 s8, $0x3;
	s24 =	sadd.s32 s1, s5;
	[dreg:$0x4] =	wrdreg s6  }
0xf: {  	s26 =	smax.u32 s4, $0x1;
	s5 =	simm.s32 $0xF900;
	[dreg:$0x5] =	wrdreg s24  }
0x10: {  	s6 =	sadd.s32 $0x321100, s0;
	s25 =	sadd.s32 s1, s8;
	[dreg:$0x7] =	wrdreg s26  }
0x11: {  	v2 =	vlaneseq.u32;
	s23 =	simm.s32 $0xF100;
	s24 =	simm.s32 $0x10100;
	s26 =	simm.s32 $0x11100  }
0x12: {  	vm0 =	vmmov $0xffff;
	v1 =	vshrl.u32 v2, $0x3;
	s8 =	simm.s32 $0x12100;
	s1 =	simm.s32 $0x15900;
	s0 =	sadd.s32 $0x1800, s25  }
0x13: {  	v0 =	vand.u32 $0x7, v2;
	v2 =	vor.u32 $0x8, v2;
	v1 =	vmul.u32 $0x8, v1;
	s25 =	simm.s32 $0x10900;
	[dreg:$0x6] =	wrdreg s0;
	s0 =	simm.s32 $0x15100  }
.LBB2_1:
0x14: {  	s4 =	rddreg [dreg:$0x3]  }
0x15: {  	[tilespmem:s2], [sflag:$0x2] =	stream.linear.gather [hbm4b:s4+s2], $0x80, $0x38;
	[tilespmem:$0x18100] =	vst v63  }
0x16: {  	_ =	swait.ge [sflag:s11], $0x80  }
0x17: {  	[sflag:s11] =	ssyncset.done $0x0  }
0x18: {  	s19 =	simm.s32 $0x80;
	s20 =	rddreg [dreg:$0x4];
	[sflag:s11] =	ssyncadd.s32 $0xFFFFFF80  }
0x19: {  	[tilespmem:s19], [sflag:$0x2] =	stream.linear.gather [hbm4b:s20+s2], $0x80, $0x38;
	[tilespmem:$0x18100] =	vst v63  }
0x1a: {  	_ =	swait.ge [sflag:s11], $0x80  }
0x1b: {  	[sflag:s11] =	ssyncset.done $0x0  }
0x1c: {  	[sflag:s11] =	ssyncadd.s32 $0xFFFFFF80  }
0x1d: {  	v3 =	vld [tilespmem:$0x0];
	_ =	sdelay $0x4  }
0x1e: {  	v4 =	vshrl.u32 v3, $0x3  }
0x1f: {  	v4 =	vmul.u32 $0x30, v4  }
0x20: {  	v3 =	vand.u32 $0x7, v3  }
0x21: {  	v3 =	vor.u32 v3, v4  }
0x22: {  	v4 =	vperm.xlane v3, v0;
	_ =	sdelay $0x1  }
0x23: {  	v4 =	vadd.s32 v1, v4;
	_ =	sdelay $0x3  }
0x24: {  	v3 =	vperm.xlane v3, v2  }
0x25: {  	[tilespmem:s13], [sflag:$0x1] =	stream.indirect_vreg.gather [hbm4b:s3+s2], $0x80, v4, vm0, $0xb8;
	[tilespmem:$0x18100] =	vst v63  }
0x26: {  	s21 =	simm.s32 $0x900;
	v3 =	vadd.s32 v1, v3  }
0x27: {  	[tilespmem:s21], [sflag:$0x1] =	stream.indirect_vreg.gather [hbm4b:s6+s2], $0x80, v4, vm0, $0xb8;
	[tilespmem:$0x18100] =	vst v63  }
0x28: {  	s22 =	simm.s32 $0x1100  }
0x29: {  	[tilespmem:s22], [sflag:$0x1] =	stream.indirect_vreg.gather [hbm4b:s7+s2], $0x80, v4, vm0, $0xb8;
	[tilespmem:$0x18100] =	vst v63  }
0x2a: {  	s19 =	simm.s32 $0x1900  }
0x2b: {  	[tilespmem:s19], [sflag:$0x1] =	stream.indirect_vreg.gather [hbm4b:s3+s2], $0x80, v3, vm0, $0xb8;
	[tilespmem:$0x18100] =	vst v63  }
0x2c: {  	s20 =	simm.s32 $0x2100  }
0x2d: {  	[tilespmem:s20], [sflag:$0x1] =	stream.indirect_vreg.gather [hbm4b:s6+s2], $0x80, v3, vm0, $0xb8;
	[tilespmem:$0x18100] =	vst v63  }
0x2e: {  	s21 =	simm.s32 $0x2900  }
0x2f: {  	[tilespmem:s21], [sflag:$0x1] =	stream.indirect_vreg.gather [hbm4b:s7+s2], $0x80, v3, vm0, $0xb8;
	[tilespmem:$0x18100] =	vst v63  }
0x30: {  	v3 =	vld [tilespmem:$0x10];
	_ =	sdelay $0x4  }
0x31: {  	v4 =	vshrl.u32 v3, $0x3  }
0x32: {  	v4 =	vmul.u32 $0x30, v4  }
0x33: {  	v3 =	vand.u32 $0x7, v3  }
0x34: {  	v3 =	vor.u32 v3, v4  }
0x35: {  	v4 =	vperm.xlane v3, v0;
	_ =	sdelay $0x1  }
0x36: {  	v4 =	vadd.s32 v1, v4;
	_ =	sdelay $0x3  }
0x37: {  	s22 =	simm.s32 $0x3100;
	v3 =	vperm.xlane v3, v2  }
0x38: {  	[tilespmem:s22], [sflag:$0x1] =	stream.indirect_vreg.gather [hbm4b:s3+s2], $0x80, v4, vm0, $0xb8;
	[tilespmem:$0x18100] =	vst v63  }
0x39: {  	s19 =	simm.s32 $0x3900;
	v3 =	vadd.s32 v1, v3  }
0x3a: {  	[tilespmem:s19], [sflag:$0x1] =	stream.indirect_vreg.gather [hbm4b:s6+s2], $0x80, v4, vm0, $0xb8;
	[tilespmem:$0x18100] =	vst v63  }
0x3b: {  	s20 =	simm.s32 $0x4100  }
0x3c: {  	[tilespmem:s20], [sflag:$0x1] =	stream.indirect_vreg.gather [hbm4b:s7+s2], $0x80, v4, vm0, $0xb8;
	[tilespmem:$0x18100] =	vst v63  }
0x3d: {  	s21 =	simm.s32 $0x4900  }
0x3e: {  	[tilespmem:s21], [sflag:$0x1] =	stream.indirect_vreg.gather [hbm4b:s3+s2], $0x80, v3, vm0, $0xb8;
	[tilespmem:$0x18100] =	vst v63  }
0x3f: {  	s22 =	simm.s32 $0x5100  }
0x40: {  	[tilespmem:s22], [sflag:$0x1] =	stream.indirect_vreg.gather [hbm4b:s6+s2], $0x80, v3, vm0, $0xb8;
	[tilespmem:$0x18100] =	vst v63  }
0x41: {  	s19 =	simm.s32 $0x5900  }
0x42: {  	[tilespmem:s19], [sflag:$0x1] =	stream.indirect_vreg.gather [hbm4b:s7+s2], $0x80, v3, vm0, $0xb8;
	[tilespmem:$0x18100] =	vst v63  }
0x43: {  	v3 =	vld [tilespmem:$0x20];
	_ =	sdelay $0x4  }
0x44: {  	v4 =	vshrl.u32 v3, $0x3  }
0x45: {  	v4 =	vmul.u32 $0x30, v4  }
0x46: {  	v3 =	vand.u32 $0x7, v3  }
0x47: {  	v3 =	vor.u32 v3, v4  }
0x48: {  	v4 =	vperm.xlane v3, v0;
	_ =	sdelay $0x1  }
0x49: {  	v4 =	vadd.s32 v1, v4;
	_ =	sdelay $0x3  }
0x4a: {  	s20 =	simm.s32 $0x6100;
	v3 =	vperm.xlane v3, v2  }
0x4b: {  	[tilespmem:s20], [sflag:$0x1] =	stream.indirect_vreg.gather [hbm4b:s3+s2], $0x80, v4, vm0, $0xb8;
	[tilespmem:$0x18100] =	vst v63  }
0x4c: {  	s21 =	simm.s32 $0x6900;
	v3 =	vadd.s32 v1, v3  }
0x4d: {  	[tilespmem:s21], [sflag:$0x1] =	stream.indirect_vreg.gather [hbm4b:s6+s2], $0x80, v4, vm0, $0xb8;
	[tilespmem:$0x18100] =	vst v63  }
0x4e: {  	s22 =	simm.s32 $0x7100  }
0x4f: {  	[tilespmem:s22], [sflag:$0x1] =	stream.indirect_vreg.gather [hbm4b:s7+s2], $0x80, v4, vm0, $0xb8;
	[tilespmem:$0x18100] =	vst v63  }
0x50: {  	s19 =	simm.s32 $0x7900  }
0x51: {  	[tilespmem:s19], [sflag:$0x1] =	stream.indirect_vreg.gather [hbm4b:s3+s2], $0x80, v3, vm0, $0xb8;
	[tilespmem:$0x18100] =	vst v63  }
0x52: {  	s20 =	simm.s32 $0x8100  }
0x53: {  	[tilespmem:s20], [sflag:$0x1] =	stream.indirect_vreg.gather [hbm4b:s6+s2], $0x80, v3, vm0, $0xb8;
	[tilespmem:$0x18100] =	vst v63  }
0x54: {  	s21 =	simm.s32 $0x8900  }
0x55: {  	[tilespmem:s21], [sflag:$0x1] =	stream.indirect_vreg.gather [hbm4b:s7+s2], $0x80, v3, vm0, $0xb8;
	[tilespmem:$0x18100] =	vst v63  }
0x56: {  	v3 =	vld [tilespmem:$0x30];
	_ =	sdelay $0x4  }
0x57: {  	v4 =	vshrl.u32 v3, $0x3  }
0x58: {  	v4 =	vmul.u32 $0x30, v4  }
0x59: {  	v3 =	vand.u32 $0x7, v3  }
0x5a: {  	v3 =	vor.u32 v3, v4  }
0x5b: {  	v4 =	vperm.xlane v3, v0;
	_ =	sdelay $0x1  }
0x5c: {  	v4 =	vadd.s32 v1, v4;
	_ =	sdelay $0x3  }
0x5d: {  	s22 =	simm.s32 $0x9100;
	v3 =	vperm.xlane v3, v2  }
0x5e: {  	[tilespmem:s22], [sflag:$0x1] =	stream.indirect_vreg.gather [hbm4b:s3+s2], $0x80, v4, vm0, $0xb8;
	[tilespmem:$0x18100] =	vst v63  }
0x5f: {  	s19 =	simm.s32 $0x9900;
	v3 =	vadd.s32 v1, v3  }
0x60: {  	[tilespmem:s19], [sflag:$0x1] =	stream.indirect_vreg.gather [hbm4b:s6+s2], $0x80, v4, vm0, $0xb8;
	[tilespmem:$0x18100] =	vst v63  }
0x61: {  	s20 =	simm.s32 $0xA100  }
0x62: {  	[tilespmem:s20], [sflag:$0x1] =	stream.indirect_vreg.gather [hbm4b:s7+s2], $0x80, v4, vm0, $0xb8;
	[tilespmem:$0x18100] =	vst v63  }
0x63: {  	s21 =	simm.s32 $0xA900  }
0x64: {  	[tilespmem:s21], [sflag:$0x1] =	stream.indirect_vreg.gather [hbm4b:s3+s2], $0x80, v3, vm0, $0xb8;
	[tilespmem:$0x18100] =	vst v63  }
0x65: {  	s22 =	simm.s32 $0xB100  }
0x66: {  	[tilespmem:s22], [sflag:$0x1] =	stream.indirect_vreg.gather [hbm4b:s6+s2], $0x80, v3, vm0, $0xb8;
	[tilespmem:$0x18100] =	vst v63  }
0x67: {  	s19 =	simm.s32 $0xB900  }
0x68: {  	[tilespmem:s19], [sflag:$0x1] =	stream.indirect_vreg.gather [hbm4b:s7+s2], $0x80, v3, vm0, $0xb8;
	[tilespmem:$0x18100] =	vst v63  }
0x69: {  	_ =	swait.ge [sflag:s17], $0xC000  }
0x6a: {  	[sflag:s17] =	ssyncset.done $0x0  }
0x6b: {  	[sflag:s17] =	ssyncadd.s32 $0xFFFF4000  }
0x6c: {  	v3 =	vld [tilespmem:$0x80];
	_ =	sdelay $0x4  }
0x6d: {  	v4 =	vshrl.u32 v3, $0x3  }
0x6e: {  	v4 =	vmul.u32 $0x30, v4  }
0x6f: {  	v3 =	vand.u32 $0x7, v3  }
0x70: {  	v3 =	vor.u32 v3, v4  }
0x71: {  	v4 =	vperm.xlane v3, v0;
	_ =	sdelay $0x1  }
0x72: {  	v4 =	vadd.s32 v1, v4;
	_ =	sdelay $0x3  }
0x73: {  	s20 =	simm.s32 $0xC100;
	v3 =	vperm.xlane v3, v2  }
0x74: {  	[tilespmem:s20], [sflag:$0x1] =	stream.indirect_vreg.gather [hbm4b:s3+s2], $0x80, v4, vm0, $0xb8;
	[tilespmem:$0x18100] =	vst v63  }
0x75: {  	s21 =	simm.s32 $0xC900;
	v3 =	vadd.s32 v1, v3  }
0x76: {  	[tilespmem:s21], [sflag:$0x1] =	stream.indirect_vreg.gather [hbm4b:s6+s2], $0x80, v4, vm0, $0xb8;
	[tilespmem:$0x18100] =	vst v63  }
0x77: {  	s22 =	simm.s32 $0xD100  }
0x78: {  	[tilespmem:s22], [sflag:$0x1] =	stream.indirect_vreg.gather [hbm4b:s7+s2], $0x80, v4, vm0, $0xb8;
	[tilespmem:$0x18100] =	vst v63  }
0x79: {  	s19 =	simm.s32 $0xD900  }
0x7a: {  	[tilespmem:s19], [sflag:$0x1] =	stream.indirect_vreg.gather [hbm4b:s3+s2], $0x80, v3, vm0, $0xb8;
	[tilespmem:$0x18100] =	vst v63  }
0x7b: {  	s20 =	simm.s32 $0xE100  }
0x7c: {  	[tilespmem:s20], [sflag:$0x1] =	stream.indirect_vreg.gather [hbm4b:s6+s2], $0x80, v3, vm0, $0xb8;
	[tilespmem:$0x18100] =	vst v63  }
0x7d: {  	s21 =	simm.s32 $0xE900  }
0x7e: {  	[tilespmem:s21], [sflag:$0x1] =	stream.indirect_vreg.gather [hbm4b:s7+s2], $0x80, v3, vm0, $0xb8;
	[tilespmem:$0x18100] =	vst v63  }
0x7f: {  	v3 =	vld [tilespmem:$0x90];
	_ =	sdelay $0x4  }
0x80: {  	v4 =	vshrl.u32 v3, $0x3  }
0x81: {  	v4 =	vmul.u32 $0x30, v4  }
0x82: {  	v3 =	vand.u32 $0x7, v3  }
0x83: {  	v3 =	vor.u32 v3, v4  }
0x84: {  	v4 =	vperm.xlane v3, v0;
	_ =	sdelay $0x1  }
0x85: {  	v4 =	vadd.s32 v1, v4;
	_ =	sdelay $0x3  }
0x86: {  	v3 =	vperm.xlane v3, v2  }
0x87: {  	[tilespmem:s23], [sflag:$0x1] =	stream.indirect_vreg.gather [hbm4b:s3+s2], $0x80, v4, vm0, $0xb8;
	[tilespmem:$0x18100] =	vst v63  }
0x88: {  	v3 =	vadd.s32 v1, v3  }
0x89: {  	[tilespmem:s5], [sflag:$0x1] =	stream.indirect_vreg.gather [hbm4b:s6+s2], $0x80, v4, vm0, $0xb8;
	[tilespmem:$0x18100] =	vst v63  }
0x8a: {  	_ = 	snop  }
0x8b: {  	[tilespmem:s24], [sflag:$0x1] =	stream.indirect_vreg.gather [hbm4b:s7+s2], $0x80, v4, vm0, $0xb8;
	[tilespmem:$0x18100] =	vst v63  }
0x8c: {  	_ = 	snop  }
0x8d: {  	[tilespmem:s25], [sflag:$0x1] =	stream.indirect_vreg.gather [hbm4b:s3+s2], $0x80, v3, vm0, $0xb8;
	[tilespmem:$0x18100] =	vst v63  }
0x8e: {  	_ = 	snop  }
0x8f: {  	[tilespmem:s26], [sflag:$0x1] =	stream.indirect_vreg.gather [hbm4b:s6+s2], $0x80, v3, vm0, $0xb8;
	[tilespmem:$0x18100] =	vst v63  }
0x90: {  	_ = 	snop  }
0x91: {  	[tilespmem:s28], [sflag:$0x1] =	stream.indirect_vreg.gather [hbm4b:s7+s2], $0x80, v3, vm0, $0xb8;
	[tilespmem:$0x18100] =	vst v63  }
0x92: {  	v3 =	vld [tilespmem:$0xA0];
	_ =	sdelay $0x4  }
0x93: {  	v4 =	vshrl.u32 v3, $0x3  }
0x94: {  	v4 =	vmul.u32 $0x30, v4  }
0x95: {  	v3 =	vand.u32 $0x7, v3  }
0x96: {  	v3 =	vor.u32 v3, v4  }
0x97: {  	v4 =	vperm.xlane v3, v0;
	_ =	sdelay $0x1  }
0x98: {  	v4 =	vadd.s32 v1, v4;
	_ =	sdelay $0x3  }
0x99: {  	v3 =	vperm.xlane v3, v2  }
0x9a: {  	[tilespmem:s8], [sflag:$0x1] =	stream.indirect_vreg.gather [hbm4b:s3+s2], $0x80, v4, vm0, $0xb8;
	[tilespmem:$0x18100] =	vst v63  }
0x9b: {  	v3 =	vadd.s32 v1, v3  }
0x9c: {  	[tilespmem:s29], [sflag:$0x1] =	stream.indirect_vreg.gather [hbm4b:s6+s2], $0x80, v4, vm0, $0xb8;
	[tilespmem:$0x18100] =	vst v63  }
0x9d: {  	_ = 	snop  }
0x9e: {  	[tilespmem:s30], [sflag:$0x1] =	stream.indirect_vreg.gather [hbm4b:s7+s2], $0x80, v4, vm0, $0xb8;
	[tilespmem:$0x18100] =	vst v63  }
0x9f: {  	_ = 	snop  }
0xa0: {  	[tilespmem:s9], [sflag:$0x1] =	stream.indirect_vreg.gather [hbm4b:s3+s2], $0x80, v3, vm0, $0xb8;
	[tilespmem:$0x18100] =	vst v63  }
0xa1: {  	_ = 	snop  }
0xa2: {  	[tilespmem:s31], [sflag:$0x1] =	stream.indirect_vreg.gather [hbm4b:s6+s2], $0x80, v3, vm0, $0xb8;
	[tilespmem:$0x18100] =	vst v63  }
0xa3: {  	_ = 	snop  }
0xa4: {  	[tilespmem:s10], [sflag:$0x1] =	stream.indirect_vreg.gather [hbm4b:s7+s2], $0x80, v3, vm0, $0xb8;
	[tilespmem:$0x18100] =	vst v63  }
0xa5: {  	v3 =	vld [tilespmem:$0xB0];
	_ =	sdelay $0x4  }
0xa6: {  	v4 =	vshrl.u32 v3, $0x3  }
0xa7: {  	v4 =	vmul.u32 $0x30, v4  }
0xa8: {  	v3 =	vand.u32 $0x7, v3  }
0xa9: {  	v3 =	vor.u32 v3, v4  }
0xaa: {  	v4 =	vperm.xlane v3, v0;
	_ =	sdelay $0x1  }
0xab: {  	v4 =	vadd.s32 v1, v4;
	_ =	sdelay $0x3  }
0xac: {  	v3 =	vperm.xlane v3, v2  }
0xad: {  	[tilespmem:s0], [sflag:$0x1] =	stream.indirect_vreg.gather [hbm4b:s3+s2], $0x80, v4, vm0, $0xb8;
	[tilespmem:$0x18100] =	vst v63  }
0xae: {  	v3 =	vadd.s32 v1, v3  }
0xaf: {  	[tilespmem:s1], [sflag:$0x1] =	stream.indirect_vreg.gather [hbm4b:s6+s2], $0x80, v4, vm0, $0xb8;
	[tilespmem:$0x18100] =	vst v63  }
0xb0: {  	_ = 	snop  }
0xb1: {  	[tilespmem:s12], [sflag:$0x1] =	stream.indirect_vreg.gather [hbm4b:s7+s2], $0x80, v4, vm0, $0xb8;
	[tilespmem:$0x18100] =	vst v63  }
0xb2: {  	_ = 	snop  }
0xb3: {  	[tilespmem:s14], [sflag:$0x1] =	stream.indirect_vreg.gather [hbm4b:s3+s2], $0x80, v3, vm0, $0xb8;
	[tilespmem:$0x18100] =	vst v63  }
0xb4: {  	_ = 	snop  }
0xb5: {  	[tilespmem:s15], [sflag:$0x1] =	stream.indirect_vreg.gather [hbm4b:s6+s2], $0x80, v3, vm0, $0xb8;
	[tilespmem:$0x18100] =	vst v63  }
0xb6: {  	s22 =	simm.s32 $0x0  }
0xb7: {  	[tilespmem:s16], [sflag:$0x1] =	stream.indirect_vreg.gather [hbm4b:s7+s2], $0x80, v3, vm0, $0xb8;
	[tilespmem:$0x18100] =	vst v63  }
0xb8: {  	s19 =	smul.u32 $0x1800, s22;
	_ =	swait.ge [sflag:s17], $0xC000  }
0xb9: {  	s20 =	sand.u32 $0x380, s2;
	[sflag:s17] =	ssyncset.done $0x0  }
0xba: {  	s19 =	sor.u32 s20, s19;
	[sflag:s17] =	ssyncadd.s32 $0xFFFF4000  }
0xbb: {  	v12 =	vld [tilespmem:s19+$0xC100]  }
0xbc: {  	v13 =	vld [tilespmem:s19+$0xC110]  }
0xbd: {  	v14 =	vld [tilespmem:s19+$0xC120]  }
0xbe: {  	v15 =	vld [tilespmem:s19+$0xC130]  }
0xbf: {  	v16 =	vld [tilespmem:s19+$0xC140]  }
0xc0: {  	v17 =	vld [tilespmem:s19+$0xC150]  }
0xc1: {  	v18 =	vld [tilespmem:s19+$0xC160]  }
0xc2: {  	v19 =	vld [tilespmem:s19+$0xC170]  }
0xc3: {  	v20 =	vld [tilespmem:s19+$0xC500]  }
0xc4: {  	v21 =	vld [tilespmem:s19+$0xC510]  }
0xc5: {  	v22 =	vld [tilespmem:s19+$0xC520]  }
0xc6: {  	v23 =	vld [tilespmem:s19+$0xC530]  }
0xc7: {  	v24 =	vld [tilespmem:s19+$0xC540]  }
0xc8: {  	v25 =	vld [tilespmem:s19+$0xC550]  }
0xc9: {  	v26 =	vld [tilespmem:s19+$0xC560]  }
0xca: {  	v27 =	vld [tilespmem:s19+$0xC570]  }
0xcb: {  	v28 =	vld [tilespmem:s19+$0xC900]  }
0xcc: {  	v29 =	vld [tilespmem:s19+$0xC910]  }
0xcd: {  	v30 =	vld [tilespmem:s19+$0xC920]  }
0xce: {  	v31 =	vld [tilespmem:s19+$0xC930]  }
0xcf: {  	v32 =	vld [tilespmem:s19+$0xC940]  }
0xd0: {  	v33 =	vld [tilespmem:s19+$0xC950]  }
0xd1: {  	v34 =	vld [tilespmem:s19+$0xC960]  }
0xd2: {  	v35 =	vld [tilespmem:s19+$0xC970]  }
0xd3: {  	v36 =	vld [tilespmem:s19+$0xCD00]  }
0xd4: {  	v37 =	vld [tilespmem:s19+$0xCD10]  }
0xd5: {  	v38 =	vld [tilespmem:s19+$0xCD20]  }
0xd6: {  	v39 =	vld [tilespmem:s19+$0xCD30]  }
0xd7: {  	v40 =	vld [tilespmem:s19+$0xCD40]  }
0xd8: {  	v41 =	vld [tilespmem:s19+$0xCD50]  }
0xd9: {  	v42 =	vld [tilespmem:s19+$0xCD60]  }
0xda: {  	v43 =	vld [tilespmem:s19+$0xCD70]  }
0xdb: {  	v44 =	vld [tilespmem:s19+$0xD100]  }
0xdc: {  	v45 =	vld [tilespmem:s19+$0xD110]  }
0xdd: {  	v46 =	vld [tilespmem:s19+$0xD120]  }
0xde: {  	v47 =	vld [tilespmem:s19+$0xD130]  }
0xdf: {  	v48 =	vld [tilespmem:s19+$0xD140]  }
0xe0: {  	v49 =	vld [tilespmem:s19+$0xD150]  }
0xe1: {  	v50 =	vld [tilespmem:s19+$0xD160]  }
0xe2: {  	v11 =	vld [tilespmem:s19+$0xD170]  }
0xe3: {  	v10 =	vld [tilespmem:s19+$0xD500]  }
0xe4: {  	v9 =	vld [tilespmem:s19+$0xD510]  }
0xe5: {  	v8 =	vld [tilespmem:s19+$0xD520]  }
0xe6: {  	v7 =	vld [tilespmem:s19+$0xD530]  }
0xe7: {  	v6 =	vld [tilespmem:s19+$0xD540]  }
0xe8: {  	v51 =	vld [tilespmem:s19+$0x100]  }
0xe9: {  	v52 =	vld [tilespmem:s19+$0x110]  }
0xea: {  	v53 =	vld [tilespmem:s19+$0x120]  }
0xeb: {  	v54 =	vld [tilespmem:s19+$0x130]  }
0xec: {  	v55 =	vld [tilespmem:s19+$0x140]  }
0xed: {  	v62 =	vld [tilespmem:s19+$0x150];
	v12 =	vadd.f32 v12, v51  }
0xee: {  	v63 =	vld [tilespmem:s19+$0x160];
	v13 =	vadd.f32 v13, v52  }
0xef: {  	[tilespmem:s19+$0x100] =	vst v12;
	v12 =	vadd.f32 v14, v53;
	v14 =	vld [tilespmem:s19+$0x170]  }
0xf0: {  	[tilespmem:s19+$0x110] =	vst v13;
	v13 =	vadd.f32 v15, v54;
	v15 =	vld [tilespmem:s19+$0x500]  }
0xf1: {  	[tilespmem:s19+$0x120] =	vst v12;
	v12 =	vadd.f32 v16, v55;
	v16 =	vld [tilespmem:s19+$0x510]  }
0xf2: {  	[tilespmem:s19+$0x130] =	vst v13;
	v13 =	vadd.f32 v17, v62;
	v17 =	vld [tilespmem:s19+$0x520]  }
0xf3: {  	v5 =	vld [tilespmem:s19+$0xD550]  }
0xf4: {  	[tilespmem:s19+$0x140] =	vst v12;
	v12 =	vadd.f32 v18, v63;
	v18 =	vld [tilespmem:s19+$0x570]  }
0xf5: {  	[tilespmem:s19+$0x150] =	vst v13;
	v13 =	vadd.f32 v19, v14;
	v14 =	vld [tilespmem:s19+$0x530]  }
0xf6: {  	[tilespmem:s19+$0x160] =	vst v12;
	v12 =	vadd.f32 v20, v15;
	v15 =	vld [tilespmem:s19+$0x540]  }
0xf7: {  	[tilespmem:s19+$0x170] =	vst v13;
	v13 =	vadd.f32 v21, v16;
	v16 =	vadd.f32 v22, v17;
	v17 =	vld [tilespmem:s19+$0x560]  }
0xf8: {  	[tilespmem:s19+$0x500] =	vst v12;
	v12 =	vld [tilespmem:s19+$0x550]  }
0xf9: {  	[tilespmem:s19+$0x510] =	vst v13;
	v13 =	vld [tilespmem:s19+$0x900];
	v18 =	vadd.f32 v27, v18  }
0xfa: {  	[tilespmem:s19+$0x520] =	vst v16;
	v16 =	vld [tilespmem:s19+$0x910];
	v14 =	vadd.f32 v23, v14  }
0xfb: {  	v4 =	vld [tilespmem:s19+$0xD560];
	v15 =	vadd.f32 v24, v15;
	[tilespmem:s19+$0x570] =	vst v18  }
0xfc: {  	[tilespmem:s19+$0x530] =	vst v14;
	v14 =	vld [tilespmem:s19+$0x920];
	v17 =	vadd.f32 v26, v17  }
0xfd: {  	v12 =	vadd.f32 v25, v12;
	[tilespmem:s19+$0x540] =	vst v15;
	v15 =	vld [tilespmem:s19+$0x930]  }
0xfe: {  	v18 =	vld [tilespmem:s19+$0x970];
	[tilespmem:s19+$0x560] =	vst v17;
	v13 =	vadd.f32 v28, v13  }
0xff: {  	v16 =	vadd.f32 v29, v16;
	[tilespmem:s19+$0x550] =	vst v12;
	v12 =	vld [tilespmem:s19+$0x940]  }
0x100: {  	v17 =	vld [tilespmem:s19+$0x950];
	[tilespmem:s19+$0x900] =	vst v13  }
0x101: {  	[tilespmem:s19+$0x910] =	vst v16;
	v16 =	vld [tilespmem:s19+$0x960];
	v13 =	vadd.f32 v30, v14  }
0x102: {  	v14 =	vld [tilespmem:s19+$0xD00];
	v15 =	vadd.f32 v31, v15  }
0x103: {  	[tilespmem:s19+$0x920] =	vst v13;
	v13 =	vld [tilespmem:s19+$0xD10]  }
0x104: {  	v12 =	vadd.f32 v32, v12;
	[tilespmem:s19+$0x930] =	vst v15;
	v15 =	vld [tilespmem:s19+$0xD20]  }
0x105: {  	v3 =	vld [tilespmem:s19+$0xD570];
	v17 =	vadd.f32 v33, v17  }
0x106: {  	v16 =	vadd.f32 v34, v16;
	[tilespmem:s19+$0x940] =	vst v12;
	v12 =	vld [tilespmem:s19+$0xD30]  }
0x107: {  	[tilespmem:s19+$0x950] =	vst v17;
	v17 =	vld [tilespmem:s19+$0xD40];
	v14 =	vadd.f32 v36, v14  }
0x108: {  	v18 =	vadd.f32 v35, v18;
	[tilespmem:s19+$0x960] =	vst v16;
	v16 =	vld [tilespmem:s19+$0xD50]  }
0x109: {  	v13 =	vadd.f32 v37, v13;
	[tilespmem:s19+$0xD00] =	vst v14;
	v14 =	vadd.f32 v38, v15;
	v15 =	vld [tilespmem:s19+$0xD60]  }
0x10a: {  	[tilespmem:s19+$0x970] =	vst v18;
	v18 =	vld [tilespmem:s19+$0xD70]  }
0x10b: {  	[tilespmem:s19+$0xD10] =	vst v13;
	v13 =	vld [tilespmem:s19+$0x1100];
	v12 =	vadd.f32 v39, v12  }
0x10c: {  	v17 =	vadd.f32 v40, v17;
	[tilespmem:s19+$0xD20] =	vst v14;
	v14 =	vld [tilespmem:s19+$0x1110]  }
0x10d: {  	v16 =	vadd.f32 v41, v16;
	[tilespmem:s19+$0xD30] =	vst v12;
	v12 =	vld [tilespmem:s19+$0x1120]  }
0x10e: {  	[tilespmem:s19+$0xD40] =	vst v17;
	v17 =	vld [tilespmem:s19+$0x1130];
	v15 =	vadd.f32 v42, v15  }
0x10f: {  	v19 =	vld [tilespmem:s19+$0x1140];
	[tilespmem:s19+$0xD50] =	vst v16;
	v16 =	vadd.f32 v43, v18  }
0x110: {  	v18 =	vld [tilespmem:s19+$0x1150];
	v13 =	vadd.f32 v44, v13;
	[tilespmem:s19+$0xD60] =	vst v15  }
0x111: {  	v20 =	vld [tilespmem:s19+$0x1160];
	[tilespmem:s19+$0xD70] =	vst v16;
	v14 =	vadd.f32 v45, v14  }
0x112: {  	v16 =	vld [tilespmem:s19+$0x1170];
	[tilespmem:s19+$0x1100] =	vst v13;
	v12 =	vadd.f32 v46, v12  }
0x113: {  	v15 =	vld [tilespmem:s19+$0x1500];
	v13 =	vadd.f32 v47, v17;
	[tilespmem:s19+$0x1110] =	vst v14  }
0x114: {  	v14 =	vld [tilespmem:s19+$0x1510];
	[tilespmem:s19+$0x1120] =	vst v12;
	v12 =	vadd.f32 v48, v19  }
0x115: {  	[tilespmem:s19+$0x1130] =	vst v13;
	v13 =	vld [tilespmem:s19+$0x1520];
	v18 =	vadd.f32 v49, v18  }
0x116: {  	s20 =	simm.s32 $0x1;
	s21 =	simm.s32 $0x0;
	v17 =	vadd.f32 v50, v20;
	[tilespmem:s19+$0x1140] =	vst v12;
	v12 =	vld [tilespmem:s19+$0x1530]  }
.LBB2_2:
0x117: {  	s4 =	sshrl.u32 s20, $0x3;
	p0 =	sne.s32 s20, $0x3F;
	[tilespmem:s19+$0x1150] =	vst v18;
	v11 =	vadd.f32 v11, v16;
	v16 =	vld [tilespmem:s19+$0x1540]  }
0x118: {  	s21 =	sadd.s32 $0x80, s21;
	s4 =	smul.u32 $0x1800, s4;
	[tilespmem:s19+$0x1160] =	vst v17;
	v10 =	vadd.f32 v10, v15;
	v15 =	vld [tilespmem:s19+$0x1550]  }
0x119: {  	s22 =	sand.u32 $0x380, s21;
	[tilespmem:s19+$0x1170] =	vst v11;
	v9 =	vadd.f32 v9, v14;
	v11 =	vld [tilespmem:s19+$0x1560]  }
0x11a: {  	s4 =	sor.u32 s22, s4;
	[tilespmem:s19+$0x1500] =	vst v10;
	v8 =	vadd.f32 v8, v13;
	v10 =	vld [tilespmem:s19+$0x1570]  }
0x11b: {  	v39 =	vld [tilespmem:s4+$0xC100];
	[tilespmem:s19+$0x1510] =	vst v9;
	v7 =	vadd.f32 v7, v12  }
0x11c: {  	v40 =	vld [tilespmem:s4+$0xC110];
	[tilespmem:s19+$0x1520] =	vst v8;
	v6 =	vadd.f32 v6, v16  }
0x11d: {  	v41 =	vld [tilespmem:s4+$0xC120];
	[tilespmem:s19+$0x1530] =	vst v7;
	v5 =	vadd.f32 v5, v15  }
0x11e: {  	v42 =	vld [tilespmem:s4+$0xC130];
	[tilespmem:s19+$0x1540] =	vst v6;
	v4 =	vadd.f32 v4, v11  }
0x11f: {  	v43 =	vld [tilespmem:s4+$0xC140];
	[tilespmem:s19+$0x1550] =	vst v5;
	v3 =	vadd.f32 v3, v10  }
0x120: {  	v44 =	vld [tilespmem:s4+$0xC150];
	[tilespmem:s19+$0x1560] =	vst v4  }
0x121: {  	v45 =	vld [tilespmem:s4+$0xC160];
	[tilespmem:s19+$0x1570] =	vst v3;
	s19 =	smov.u32 s4  }
0x122: {  	v46 =	vld [tilespmem:s19+$0xC170]  }
0x123: {  	v47 =	vld [tilespmem:s19+$0xC500]  }
0x124: {  	v48 =	vld [tilespmem:s19+$0xC510]  }
0x125: {  	v49 =	vld [tilespmem:s19+$0xC520]  }
0x126: {  	v50 =	vld [tilespmem:s19+$0xC530]  }
0x127: {  	v38 =	vld [tilespmem:s19+$0xC540]  }
0x128: {  	v37 =	vld [tilespmem:s19+$0xC550]  }
0x129: {  	v36 =	vld [tilespmem:s19+$0xC560]  }
0x12a: {  	v35 =	vld [tilespmem:s19+$0xC570]  }
0x12b: {  	v34 =	vld [tilespmem:s19+$0xC900]  }
0x12c: {  	v33 =	vld [tilespmem:s19+$0xC910]  }
0x12d: {  	v32 =	vld [tilespmem:s19+$0xC920]  }
0x12e: {  	v31 =	vld [tilespmem:s19+$0xC930]  }
0x12f: {  	v30 =	vld [tilespmem:s19+$0xC940]  }
0x130: {  	v29 =	vld [tilespmem:s19+$0xC950]  }
0x131: {  	v28 =	vld [tilespmem:s19+$0xC960]  }
0x132: {  	v27 =	vld [tilespmem:s19+$0xC970]  }
0x133: {  	v26 =	vld [tilespmem:s19+$0xCD00]  }
0x134: {  	v25 =	vld [tilespmem:s19+$0xCD10]  }
0x135: {  	v24 =	vld [tilespmem:s19+$0xCD20]  }
0x136: {  	v23 =	vld [tilespmem:s19+$0xCD30]  }
0x137: {  	v22 =	vld [tilespmem:s19+$0xCD40]  }
0x138: {  	v21 =	vld [tilespmem:s19+$0xCD50]  }
0x139: {  	v20 =	vld [tilespmem:s19+$0xCD60]  }
0x13a: {  	v19 =	vld [tilespmem:s19+$0xCD70]  }
0x13b: {  	v18 =	vld [tilespmem:s19+$0xD100]  }
0x13c: {  	v17 =	vld [tilespmem:s19+$0xD110]  }
0x13d: {  	v16 =	vld [tilespmem:s19+$0xD120]  }
0x13e: {  	v15 =	vld [tilespmem:s19+$0xD130]  }
0x13f: {  	v14 =	vld [tilespmem:s19+$0xD140]  }
0x140: {  	v13 =	vld [tilespmem:s19+$0xD150]  }
0x141: {  	v12 =	vld [tilespmem:s19+$0xD160]  }
0x142: {  	v11 =	vld [tilespmem:s19+$0xD170]  }
0x143: {  	v10 =	vld [tilespmem:s19+$0xD500]  }
0x144: {  	v9 =	vld [tilespmem:s19+$0xD510]  }
0x145: {  	v8 =	vld [tilespmem:s19+$0xD520]  }
0x146: {  	v7 =	vld [tilespmem:s19+$0xD530]  }
0x147: {  	v6 =	vld [tilespmem:s19+$0xD540]  }
0x148: {  	v5 =	vld [tilespmem:s19+$0xD550]  }
0x149: {  	v4 =	vld [tilespmem:s19+$0xD560]  }
0x14a: {  	v3 =	vld [tilespmem:s19+$0xD570]  }
0x14b: {  	v51 =	vld [tilespmem:s19+$0x100]  }
0x14c: {  	v52 =	vld [tilespmem:s19+$0x110]  }
0x14d: {  	v53 =	vld [tilespmem:s19+$0x120]  }
0x14e: {  	v54 =	vld [tilespmem:s19+$0x130]  }
0x14f: {  	v55 =	vld [tilespmem:s19+$0x140]  }
0x150: {  	v39 =	vadd.f32 v39, v51;
	v51 =	vld [tilespmem:s19+$0x150]  }
0x151: {  	v40 =	vadd.f32 v40, v52;
	v52 =	vld [tilespmem:s19+$0x160]  }
0x152: {  	[tilespmem:s19+$0x100] =	vst v39;
	v39 =	vadd.f32 v41, v53;
	v41 =	vld [tilespmem:s19+$0x170]  }
0x153: {  	[tilespmem:s19+$0x110] =	vst v40;
	v40 =	vadd.f32 v42, v54;
	v42 =	vld [tilespmem:s19+$0x500]  }
0x154: {  	[tilespmem:s19+$0x120] =	vst v39;
	v39 =	vadd.f32 v43, v55;
	v43 =	vld [tilespmem:s19+$0x510]  }
0x155: {  	[tilespmem:s19+$0x130] =	vst v40;
	v40 =	vadd.f32 v44, v51;
	v44 =	vld [tilespmem:s19+$0x520]  }
0x156: {  	[tilespmem:s19+$0x140] =	vst v39;
	v39 =	vadd.f32 v45, v52;
	v45 =	vld [tilespmem:s19+$0x530]  }
0x157: {  	[tilespmem:s19+$0x150] =	vst v40;
	v40 =	vadd.f32 v46, v41;
	v41 =	vld [tilespmem:s19+$0x540]  }
0x158: {  	[tilespmem:s19+$0x160] =	vst v39;
	v39 =	vadd.f32 v47, v42;
	v42 =	vld [tilespmem:s19+$0x550]  }
0x159: {  	[tilespmem:s19+$0x170] =	vst v40;
	v40 =	vadd.f32 v48, v43;
	v43 =	vld [tilespmem:s19+$0x560]  }
0x15a: {  	[tilespmem:s19+$0x500] =	vst v39;
	v39 =	vadd.f32 v49, v44;
	v44 =	vld [tilespmem:s19+$0x570]  }
0x15b: {  	[tilespmem:s19+$0x510] =	vst v40;
	v40 =	vadd.f32 v50, v45;
	v45 =	vld [tilespmem:s19+$0x900]  }
0x15c: {  	[tilespmem:s19+$0x520] =	vst v39;
	v38 =	vadd.f32 v38, v41;
	v39 =	vld [tilespmem:s19+$0x910]  }
0x15d: {  	[tilespmem:s19+$0x530] =	vst v40;
	v37 =	vadd.f32 v37, v42;
	v40 =	vld [tilespmem:s19+$0x920]  }
0x15e: {  	[tilespmem:s19+$0x540] =	vst v38;
	v36 =	vadd.f32 v36, v43;
	v38 =	vld [tilespmem:s19+$0x930]  }
0x15f: {  	[tilespmem:s19+$0x550] =	vst v37;
	v35 =	vadd.f32 v35, v44;
	v37 =	vld [tilespmem:s19+$0x940]  }
0x160: {  	[tilespmem:s19+$0x560] =	vst v36;
	v34 =	vadd.f32 v34, v45;
	v36 =	vld [tilespmem:s19+$0x950]  }
0x161: {  	[tilespmem:s19+$0x570] =	vst v35;
	v33 =	vadd.f32 v33, v39;
	v35 =	vld [tilespmem:s19+$0x960]  }
0x162: {  	[tilespmem:s19+$0x900] =	vst v34;
	v32 =	vadd.f32 v32, v40;
	v34 =	vld [tilespmem:s19+$0x970]  }
0x163: {  	[tilespmem:s19+$0x910] =	vst v33;
	v31 =	vadd.f32 v31, v38;
	v33 =	vld [tilespmem:s19+$0xD00]  }
0x164: {  	[tilespmem:s19+$0x920] =	vst v32;
	v30 =	vadd.f32 v30, v37;
	v32 =	vld [tilespmem:s19+$0xD10]  }
0x165: {  	[tilespmem:s19+$0x930] =	vst v31;
	v29 =	vadd.f32 v29, v36;
	v31 =	vld [tilespmem:s19+$0xD20]  }
0x166: {  	[tilespmem:s19+$0x940] =	vst v30;
	v28 =	vadd.f32 v28, v35;
	v30 =	vld [tilespmem:s19+$0xD30]  }
0x167: {  	[tilespmem:s19+$0x950] =	vst v29;
	v27 =	vadd.f32 v27, v34;
	v29 =	vld [tilespmem:s19+$0xD40]  }
0x168: {  	[tilespmem:s19+$0x960] =	vst v28;
	v26 =	vadd.f32 v26, v33;
	v28 =	vld [tilespmem:s19+$0xD50]  }
0x169: {  	[tilespmem:s19+$0x970] =	vst v27;
	v25 =	vadd.f32 v25, v32;
	v27 =	vld [tilespmem:s19+$0xD60]  }
0x16a: {  	[tilespmem:s19+$0xD00] =	vst v26;
	v24 =	vadd.f32 v24, v31;
	v26 =	vld [tilespmem:s19+$0xD70]  }
0x16b: {  	[tilespmem:s19+$0xD10] =	vst v25;
	v23 =	vadd.f32 v23, v30;
	v25 =	vld [tilespmem:s19+$0x1100]  }
0x16c: {  	[tilespmem:s19+$0xD20] =	vst v24;
	v22 =	vadd.f32 v22, v29;
	v24 =	vld [tilespmem:s19+$0x1110]  }
0x16d: {  	[tilespmem:s19+$0xD30] =	vst v23;
	v21 =	vadd.f32 v21, v28;
	v23 =	vld [tilespmem:s19+$0x1120]  }
0x16e: {  	[tilespmem:s19+$0xD40] =	vst v22;
	v20 =	vadd.f32 v20, v27;
	v22 =	vld [tilespmem:s19+$0x1130]  }
0x16f: {  	[tilespmem:s19+$0xD50] =	vst v21;
	v19 =	vadd.f32 v19, v26;
	v21 =	vld [tilespmem:s19+$0x1140]  }
0x170: {  	[tilespmem:s19+$0xD60] =	vst v20;
	v18 =	vadd.f32 v18, v25;
	v20 =	vld [tilespmem:s19+$0x1150]  }
0x171: {  	[tilespmem:s19+$0xD70] =	vst v19;
	v17 =	vadd.f32 v17, v24;
	v19 =	vld [tilespmem:s19+$0x1160]  }
.Ltmp0:
0x172: {  	[tilespmem:s19+$0x1100] =	vst v18;
	v18 =	vadd.f32 v16, v23;
	v16 =	vld [tilespmem:s19+$0x1170];
	(pc) =	sbr.rel @p0 .LBB2_2-.Ltmp0, $4  }
0x173: {  	[tilespmem:s19+$0x1110] =	vst v17;
	v17 =	vadd.f32 v15, v22;
	v15 =	vld [tilespmem:s19+$0x1500]  }
0x174: {  	[tilespmem:s19+$0x1120] =	vst v18;
	v21 =	vadd.f32 v14, v21;
	v14 =	vld [tilespmem:s19+$0x1510]  }
0x175: {  	[tilespmem:s19+$0x1130] =	vst v17;
	v18 =	vadd.f32 v13, v20;
	v13 =	vld [tilespmem:s19+$0x1520]  }
0x176: {  	s20 =	sadd.s32 $0x1, s20;
	[tilespmem:s19+$0x1140] =	vst v21;
	v17 =	vadd.f32 v12, v19;
	v12 =	vld [tilespmem:s19+$0x1530]  }
0x177: {  	[tilespmem:s19+$0x1150] =	vst v18;
	v18 =	vld [tilespmem:s19+$0x1540];
	v11 =	vadd.f32 v11, v16  }
0x178: {  	v16 =	vld [tilespmem:s19+$0x1550];
	[tilespmem:s19+$0x1160] =	vst v17;
	v10 =	vadd.f32 v10, v15  }
0x179: {  	[tilespmem:s19+$0x1170] =	vst v11;
	v9 =	vadd.f32 v9, v14;
	v11 =	vld [tilespmem:s19+$0x1560]  }
0x17a: {  	[tilespmem:s19+$0x1500] =	vst v10;
	v8 =	vadd.f32 v8, v13;
	v10 =	vld [tilespmem:s19+$0x1570]  }
0x17b: {  	[tilespmem:s19+$0x1510] =	vst v9;
	v7 =	vadd.f32 v7, v12  }
0x17c: {  	[tilespmem:s19+$0x1520] =	vst v8;
	v6 =	vadd.f32 v6, v18  }
0x17d: {  	v5 =	vadd.f32 v5, v16;
	[tilespmem:s19+$0x1530] =	vst v7  }
0x17e: {  	[tilespmem:s19+$0x1540] =	vst v6;
	v4 =	vadd.f32 v4, v11  }
0x17f: {  	[tilespmem:s19+$0x1550] =	vst v5;
	v3 =	vadd.f32 v3, v10  }
0x180: {  	[tilespmem:s19+$0x1560] =	vst v4  }
0x181: {  	s4 =	rddreg [dreg:$0x5];
	[tilespmem:s19+$0x1570] =	vst v3;
	s19 =	simm.s32 $0x0  }
0x182: {  	[hbm4b:s4+s19] =	stream.linear.scatter [tilespmem:s13], [sflag:$0x2], $0xC000, $0x38;
	[tilespmem:$0x18100] =	vst v63  }
0x183: {  	_ =	swait.ge [sflag:s11], $0xC000  }
0x184: {  	[sflag:s11] =	ssyncset.done $0x0  }
0x185: {  	[sflag:s11] =	ssyncadd.s32 $0xFFFF4000  }
0x186: {  	v3 =	vld [tilespmem:$0x40];
	_ =	sdelay $0x4  }
0x187: {  	v4 =	vshrl.u32 v3, $0x3  }
0x188: {  	v4 =	vmul.u32 $0x30, v4  }
0x189: {  	v3 =	vand.u32 $0x7, v3  }
0x18a: {  	v3 =	vor.u32 v3, v4  }
0x18b: {  	v4 =	vperm.xlane v3, v0;
	_ =	sdelay $0x1  }
0x18c: {  	v4 =	vadd.s32 v1, v4;
	_ =	sdelay $0x3  }
0x18d: {  	v3 =	vperm.xlane v3, v2  }
0x18e: {  	[tilespmem:s13], [sflag:$0x1] =	stream.indirect_vreg.gather [hbm4b:s3+s19], $0x80, v4, vm0, $0xb8;
	[tilespmem:$0x18100] =	vst v63  }
0x18f: {  	s20 =	simm.s32 $0x900;
	v3 =	vadd.s32 v1, v3  }
0x190: {  	[tilespmem:s20], [sflag:$0x1] =	stream.indirect_vreg.gather [hbm4b:s6+s19], $0x80, v4, vm0, $0xb8;
	[tilespmem:$0x18100] =	vst v63  }
0x191: {  	s21 =	simm.s32 $0x1100  }
0x192: {  	[tilespmem:s21], [sflag:$0x1] =	stream.indirect_vreg.gather [hbm4b:s7+s19], $0x80, v4, vm0, $0xb8;
	[tilespmem:$0x18100] =	vst v63  }
0x193: {  	s22 =	simm.s32 $0x1900  }
0x194: {  	[tilespmem:s22], [sflag:$0x1] =	stream.indirect_vreg.gather [hbm4b:s3+s19], $0x80, v3, vm0, $0xb8;
	[tilespmem:$0x18100] =	vst v63  }
0x195: {  	s20 =	simm.s32 $0x2100  }
0x196: {  	[tilespmem:s20], [sflag:$0x1] =	stream.indirect_vreg.gather [hbm4b:s6+s19], $0x80, v3, vm0, $0xb8;
	[tilespmem:$0x18100] =	vst v63  }
0x197: {  	s21 =	simm.s32 $0x2900  }
0x198: {  	[tilespmem:s21], [sflag:$0x1] =	stream.indirect_vreg.gather [hbm4b:s7+s19], $0x80, v3, vm0, $0xb8;
	[tilespmem:$0x18100] =	vst v63  }
0x199: {  	v3 =	vld [tilespmem:$0x50];
	_ =	sdelay $0x4  }
0x19a: {  	v4 =	vshrl.u32 v3, $0x3  }
0x19b: {  	v4 =	vmul.u32 $0x30, v4  }
0x19c: {  	v3 =	vand.u32 $0x7, v3  }
0x19d: {  	v3 =	vor.u32 v3, v4  }
0x19e: {  	v4 =	vperm.xlane v3, v0;
	_ =	sdelay $0x1  }
0x19f: {  	v4 =	vadd.s32 v1, v4;
	_ =	sdelay $0x3  }
0x1a0: {  	s22 =	simm.s32 $0x3100;
	v3 =	vperm.xlane v3, v2  }
0x1a1: {  	[tilespmem:s22], [sflag:$0x1] =	stream.indirect_vreg.gather [hbm4b:s3+s19], $0x80, v4, vm0, $0xb8;
	[tilespmem:$0x18100] =	vst v63  }
0x1a2: {  	s20 =	simm.s32 $0x3900;
	v3 =	vadd.s32 v1, v3  }
0x1a3: {  	[tilespmem:s20], [sflag:$0x1] =	stream.indirect_vreg.gather [hbm4b:s6+s19], $0x80, v4, vm0, $0xb8;
	[tilespmem:$0x18100] =	vst v63  }
0x1a4: {  	s21 =	simm.s32 $0x4100  }
0x1a5: {  	[tilespmem:s21], [sflag:$0x1] =	stream.indirect_vreg.gather [hbm4b:s7+s19], $0x80, v4, vm0, $0xb8;
	[tilespmem:$0x18100] =	vst v63  }
0x1a6: {  	s22 =	simm.s32 $0x4900  }
0x1a7: {  	[tilespmem:s22], [sflag:$0x1] =	stream.indirect_vreg.gather [hbm4b:s3+s19], $0x80, v3, vm0, $0xb8;
	[tilespmem:$0x18100] =	vst v63  }
0x1a8: {  	s20 =	simm.s32 $0x5100  }
0x1a9: {  	[tilespmem:s20], [sflag:$0x1] =	stream.indirect_vreg.gather [hbm4b:s6+s19], $0x80, v3, vm0, $0xb8;
	[tilespmem:$0x18100] =	vst v63  }
0x1aa: {  	s21 =	simm.s32 $0x5900  }
0x1ab: {  	[tilespmem:s21], [sflag:$0x1] =	stream.indirect_vreg.gather [hbm4b:s7+s19], $0x80, v3, vm0, $0xb8;
	[tilespmem:$0x18100] =	vst v63  }
0x1ac: {  	v3 =	vld [tilespmem:$0x60];
	_ =	sdelay $0x4  }
0x1ad: {  	v4 =	vshrl.u32 v3, $0x3  }
0x1ae: {  	v4 =	vmul.u32 $0x30, v4  }
0x1af: {  	v3 =	vand.u32 $0x7, v3  }
0x1b0: {  	v3 =	vor.u32 v3, v4  }
0x1b1: {  	v4 =	vperm.xlane v3, v0;
	_ =	sdelay $0x1  }
0x1b2: {  	v4 =	vadd.s32 v1, v4;
	_ =	sdelay $0x3  }
0x1b3: {  	s22 =	simm.s32 $0x6100;
	v3 =	vperm.xlane v3, v2  }
0x1b4: {  	[tilespmem:s22], [sflag:$0x1] =	stream.indirect_vreg.gather [hbm4b:s3+s19], $0x80, v4, vm0, $0xb8;
	[tilespmem:$0x18100] =	vst v63  }
0x1b5: {  	s20 =	simm.s32 $0x6900;
	v3 =	vadd.s32 v1, v3  }
0x1b6: {  	[tilespmem:s20], [sflag:$0x1] =	stream.indirect_vreg.gather [hbm4b:s6+s19], $0x80, v4, vm0, $0xb8;
	[tilespmem:$0x18100] =	vst v63  }
0x1b7: {  	s21 =	simm.s32 $0x7100  }
0x1b8: {  	[tilespmem:s21], [sflag:$0x1] =	stream.indirect_vreg.gather [hbm4b:s7+s19], $0x80, v4, vm0, $0xb8;
	[tilespmem:$0x18100] =	vst v63  }
0x1b9: {  	s22 =	simm.s32 $0x7900  }
0x1ba: {  	[tilespmem:s22], [sflag:$0x1] =	stream.indirect_vreg.gather [hbm4b:s3+s19], $0x80, v3, vm0, $0xb8;
	[tilespmem:$0x18100] =	vst v63  }
0x1bb: {  	s20 =	simm.s32 $0x8100  }
0x1bc: {  	[tilespmem:s20], [sflag:$0x1] =	stream.indirect_vreg.gather [hbm4b:s6+s19], $0x80, v3, vm0, $0xb8;
	[tilespmem:$0x18100] =	vst v63  }
0x1bd: {  	s21 =	simm.s32 $0x8900  }
0x1be: {  	[tilespmem:s21], [sflag:$0x1] =	stream.indirect_vreg.gather [hbm4b:s7+s19], $0x80, v3, vm0, $0xb8;
	[tilespmem:$0x18100] =	vst v63  }
0x1bf: {  	v3 =	vld [tilespmem:$0x70];
	_ =	sdelay $0x4  }
0x1c0: {  	v4 =	vshrl.u32 v3, $0x3  }
0x1c1: {  	v4 =	vmul.u32 $0x30, v4  }
0x1c2: {  	v3 =	vand.u32 $0x7, v3  }
0x1c3: {  	v3 =	vor.u32 v3, v4  }
0x1c4: {  	v4 =	vperm.xlane v3, v0;
	_ =	sdelay $0x1  }
0x1c5: {  	v4 =	vadd.s32 v1, v4;
	_ =	sdelay $0x3  }
0x1c6: {  	s22 =	simm.s32 $0x9100;
	v3 =	vperm.xlane v3, v2  }
0x1c7: {  	[tilespmem:s22], [sflag:$0x1] =	stream.indirect_vreg.gather [hbm4b:s3+s19], $0x80, v4, vm0, $0xb8;
	[tilespmem:$0x18100] =	vst v63  }
0x1c8: {  	s20 =	simm.s32 $0x9900;
	v3 =	vadd.s32 v1, v3  }
0x1c9: {  	[tilespmem:s20], [sflag:$0x1] =	stream.indirect_vreg.gather [hbm4b:s6+s19], $0x80, v4, vm0, $0xb8;
	[tilespmem:$0x18100] =	vst v63  }
0x1ca: {  	s21 =	simm.s32 $0xA100  }
0x1cb: {  	[tilespmem:s21], [sflag:$0x1] =	stream.indirect_vreg.gather [hbm4b:s7+s19], $0x80, v4, vm0, $0xb8;
	[tilespmem:$0x18100] =	vst v63  }
0x1cc: {  	s22 =	simm.s32 $0xA900  }
0x1cd: {  	[tilespmem:s22], [sflag:$0x1] =	stream.indirect_vreg.gather [hbm4b:s3+s19], $0x80, v3, vm0, $0xb8;
	[tilespmem:$0x18100] =	vst v63  }
0x1ce: {  	s20 =	simm.s32 $0xB100  }
0x1cf: {  	[tilespmem:s20], [sflag:$0x1] =	stream.indirect_vreg.gather [hbm4b:s6+s19], $0x80, v3, vm0, $0xb8;
	[tilespmem:$0x18100] =	vst v63  }
0x1d0: {  	s21 =	simm.s32 $0xB900  }
0x1d1: {  	[tilespmem:s21], [sflag:$0x1] =	stream.indirect_vreg.gather [hbm4b:s7+s19], $0x80, v3, vm0, $0xb8;
	[tilespmem:$0x18100] =	vst v63  }
0x1d2: {  	_ =	swait.ge [sflag:s17], $0xC000  }
0x1d3: {  	[sflag:s17] =	ssyncset.done $0x0  }
0x1d4: {  	[sflag:s17] =	ssyncadd.s32 $0xFFFF4000  }
0x1d5: {  	v3 =	vld [tilespmem:$0xC0];
	_ =	sdelay $0x4  }
0x1d6: {  	v4 =	vshrl.u32 v3, $0x3  }
0x1d7: {  	v4 =	vmul.u32 $0x30, v4  }
0x1d8: {  	v3 =	vand.u32 $0x7, v3  }
0x1d9: {  	v3 =	vor.u32 v3, v4  }
0x1da: {  	v4 =	vperm.xlane v3, v0;
	_ =	sdelay $0x1  }
0x1db: {  	v4 =	vadd.s32 v1, v4;
	_ =	sdelay $0x3  }
0x1dc: {  	s22 =	simm.s32 $0xC100;
	v3 =	vperm.xlane v3, v2  }
0x1dd: {  	[tilespmem:s22], [sflag:$0x1] =	stream.indirect_vreg.gather [hbm4b:s3+s19], $0x80, v4, vm0, $0xb8;
	[tilespmem:$0x18100] =	vst v63  }
0x1de: {  	s20 =	simm.s32 $0xC900;
	v3 =	vadd.s32 v1, v3  }
0x1df: {  	[tilespmem:s20], [sflag:$0x1] =	stream.indirect_vreg.gather [hbm4b:s6+s19], $0x80, v4, vm0, $0xb8;
	[tilespmem:$0x18100] =	vst v63  }
0x1e0: {  	s21 =	simm.s32 $0xD100  }
0x1e1: {  	[tilespmem:s21], [sflag:$0x1] =	stream.indirect_vreg.gather [hbm4b:s7+s19], $0x80, v4, vm0, $0xb8;
	[tilespmem:$0x18100] =	vst v63  }
0x1e2: {  	s22 =	simm.s32 $0xD900  }
0x1e3: {  	[tilespmem:s22], [sflag:$0x1] =	stream.indirect_vreg.gather [hbm4b:s3+s19], $0x80, v3, vm0, $0xb8;
	[tilespmem:$0x18100] =	vst v63  }
0x1e4: {  	s20 =	simm.s32 $0xE100  }
0x1e5: {  	[tilespmem:s20], [sflag:$0x1] =	stream.indirect_vreg.gather [hbm4b:s6+s19], $0x80, v3, vm0, $0xb8;
	[tilespmem:$0x18100] =	vst v63  }
0x1e6: {  	s21 =	simm.s32 $0xE900  }
0x1e7: {  	[tilespmem:s21], [sflag:$0x1] =	stream.indirect_vreg.gather [hbm4b:s7+s19], $0x80, v3, vm0, $0xb8;
	[tilespmem:$0x18100] =	vst v63  }
0x1e8: {  	v3 =	vld [tilespmem:$0xD0];
	_ =	sdelay $0x4  }
0x1e9: {  	v4 =	vshrl.u32 v3, $0x3  }
0x1ea: {  	v4 =	vmul.u32 $0x30, v4  }
0x1eb: {  	v3 =	vand.u32 $0x7, v3  }
0x1ec: {  	v3 =	vor.u32 v3, v4  }
0x1ed: {  	v4 =	vperm.xlane v3, v0;
	_ =	sdelay $0x1  }
0x1ee: {  	v4 =	vadd.s32 v1, v4;
	_ =	sdelay $0x3  }
0x1ef: {  	v3 =	vperm.xlane v3, v2  }
0x1f0: {  	[tilespmem:s23], [sflag:$0x1] =	stream.indirect_vreg.gather [hbm4b:s3+s19], $0x80, v4, vm0, $0xb8;
	[tilespmem:$0x18100] =	vst v63  }
0x1f1: {  	v3 =	vadd.s32 v1, v3  }
0x1f2: {  	[tilespmem:s5], [sflag:$0x1] =	stream.indirect_vreg.gather [hbm4b:s6+s19], $0x80, v4, vm0, $0xb8;
	[tilespmem:$0x18100] =	vst v63  }
0x1f3: {  	_ = 	snop  }
0x1f4: {  	[tilespmem:s24], [sflag:$0x1] =	stream.indirect_vreg.gather [hbm4b:s7+s19], $0x80, v4, vm0, $0xb8;
	[tilespmem:$0x18100] =	vst v63  }
0x1f5: {  	_ = 	snop  }
0x1f6: {  	[tilespmem:s25], [sflag:$0x1] =	stream.indirect_vreg.gather [hbm4b:s3+s19], $0x80, v3, vm0, $0xb8;
	[tilespmem:$0x18100] =	vst v63  }
0x1f7: {  	_ = 	snop  }
0x1f8: {  	[tilespmem:s26], [sflag:$0x1] =	stream.indirect_vreg.gather [hbm4b:s6+s19], $0x80, v3, vm0, $0xb8;
	[tilespmem:$0x18100] =	vst v63  }
0x1f9: {  	_ = 	snop  }
0x1fa: {  	[tilespmem:s28], [sflag:$0x1] =	stream.indirect_vreg.gather [hbm4b:s7+s19], $0x80, v3, vm0, $0xb8;
	[tilespmem:$0x18100] =	vst v63  }
0x1fb: {  	v3 =	vld [tilespmem:$0xE0];
	_ =	sdelay $0x4  }
0x1fc: {  	v4 =	vshrl.u32 v3, $0x3  }
0x1fd: {  	v4 =	vmul.u32 $0x30, v4  }
0x1fe: {  	v3 =	vand.u32 $0x7, v3  }
0x1ff: {  	v3 =	vor.u32 v3, v4  }
0x200: {  	v4 =	vperm.xlane v3, v0;
	_ =	sdelay $0x1  }
0x201: {  	v4 =	vadd.s32 v1, v4;
	_ =	sdelay $0x3  }
0x202: {  	v3 =	vperm.xlane v3, v2  }
0x203: {  	[tilespmem:s8], [sflag:$0x1] =	stream.indirect_vreg.gather [hbm4b:s3+s19], $0x80, v4, vm0, $0xb8;
	[tilespmem:$0x18100] =	vst v63  }
0x204: {  	v3 =	vadd.s32 v1, v3  }
0x205: {  	[tilespmem:s29], [sflag:$0x1] =	stream.indirect_vreg.gather [hbm4b:s6+s19], $0x80, v4, vm0, $0xb8;
	[tilespmem:$0x18100] =	vst v63  }
0x206: {  	_ = 	snop  }
0x207: {  	[tilespmem:s30], [sflag:$0x1] =	stream.indirect_vreg.gather [hbm4b:s7+s19], $0x80, v4, vm0, $0xb8;
	[tilespmem:$0x18100] =	vst v63  }
0x208: {  	_ = 	snop  }
0x209: {  	[tilespmem:s9], [sflag:$0x1] =	stream.indirect_vreg.gather [hbm4b:s3+s19], $0x80, v3, vm0, $0xb8;
	[tilespmem:$0x18100] =	vst v63  }
0x20a: {  	_ = 	snop  }
0x20b: {  	[tilespmem:s31], [sflag:$0x1] =	stream.indirect_vreg.gather [hbm4b:s6+s19], $0x80, v3, vm0, $0xb8;
	[tilespmem:$0x18100] =	vst v63  }
0x20c: {  	_ = 	snop  }
0x20d: {  	[tilespmem:s10], [sflag:$0x1] =	stream.indirect_vreg.gather [hbm4b:s7+s19], $0x80, v3, vm0, $0xb8;
	[tilespmem:$0x18100] =	vst v63  }
0x20e: {  	v3 =	vld [tilespmem:$0xF0];
	_ =	sdelay $0x4  }
0x20f: {  	v4 =	vshrl.u32 v3, $0x3  }
0x210: {  	v4 =	vmul.u32 $0x30, v4  }
0x211: {  	v3 =	vand.u32 $0x7, v3  }
0x212: {  	v3 =	vor.u32 v3, v4  }
0x213: {  	v4 =	vperm.xlane v3, v0;
	_ =	sdelay $0x1  }
0x214: {  	v4 =	vadd.s32 v1, v4;
	_ =	sdelay $0x3  }
0x215: {  	v3 =	vperm.xlane v3, v2  }
0x216: {  	[tilespmem:s0], [sflag:$0x1] =	stream.indirect_vreg.gather [hbm4b:s3+s19], $0x80, v4, vm0, $0xb8;
	[tilespmem:$0x18100] =	vst v63  }
0x217: {  	v3 =	vadd.s32 v1, v3  }
0x218: {  	[tilespmem:s1], [sflag:$0x1] =	stream.indirect_vreg.gather [hbm4b:s6+s19], $0x80, v4, vm0, $0xb8;
	[tilespmem:$0x18100] =	vst v63  }
0x219: {  	_ = 	snop  }
0x21a: {  	[tilespmem:s12], [sflag:$0x1] =	stream.indirect_vreg.gather [hbm4b:s7+s19], $0x80, v4, vm0, $0xb8;
	[tilespmem:$0x18100] =	vst v63  }
0x21b: {  	_ = 	snop  }
0x21c: {  	[tilespmem:s14], [sflag:$0x1] =	stream.indirect_vreg.gather [hbm4b:s3+s19], $0x80, v3, vm0, $0xb8;
	[tilespmem:$0x18100] =	vst v63  }
0x21d: {  	_ = 	snop  }
0x21e: {  	[tilespmem:s15], [sflag:$0x1] =	stream.indirect_vreg.gather [hbm4b:s6+s19], $0x80, v3, vm0, $0xb8;
	[tilespmem:$0x18100] =	vst v63  }
0x21f: {  	s22 =	simm.s32 $0x0  }
0x220: {  	[tilespmem:s16], [sflag:$0x1] =	stream.indirect_vreg.gather [hbm4b:s7+s19], $0x80, v3, vm0, $0xb8;
	[tilespmem:$0x18100] =	vst v63  }
0x221: {  	s4 =	smul.u32 $0x1800, s22;
	_ =	swait.ge [sflag:s17], $0xC000  }
0x222: {  	s20 =	sand.u32 $0x380, s19;
	[sflag:s17] =	ssyncset.done $0x0  }
0x223: {  	s20 =	sor.u32 s20, s4;
	[sflag:s17] =	ssyncadd.s32 $0xFFFF4000  }
0x224: {  	v12 =	vld [tilespmem:s20+$0xC100]  }
0x225: {  	v13 =	vld [tilespmem:s20+$0xC110]  }
0x226: {  	v14 =	vld [tilespmem:s20+$0xC120]  }
0x227: {  	v15 =	vld [tilespmem:s20+$0xC130]  }
0x228: {  	v16 =	vld [tilespmem:s20+$0xC140]  }
0x229: {  	v17 =	vld [tilespmem:s20+$0xC150]  }
0x22a: {  	v18 =	vld [tilespmem:s20+$0xC160]  }
0x22b: {  	v19 =	vld [tilespmem:s20+$0xC170]  }
0x22c: {  	v20 =	vld [tilespmem:s20+$0xC500]  }
0x22d: {  	v21 =	vld [tilespmem:s20+$0xC510]  }
0x22e: {  	v22 =	vld [tilespmem:s20+$0xC520]  }
0x22f: {  	v23 =	vld [tilespmem:s20+$0xC530]  }
0x230: {  	v24 =	vld [tilespmem:s20+$0xC540]  }
0x231: {  	v25 =	vld [tilespmem:s20+$0xC550]  }
0x232: {  	v26 =	vld [tilespmem:s20+$0xC560]  }
0x233: {  	v27 =	vld [tilespmem:s20+$0xC570]  }
0x234: {  	v28 =	vld [tilespmem:s20+$0xC900]  }
0x235: {  	v29 =	vld [tilespmem:s20+$0xC910]  }
0x236: {  	v30 =	vld [tilespmem:s20+$0xC920]  }
0x237: {  	v31 =	vld [tilespmem:s20+$0xC930]  }
0x238: {  	v32 =	vld [tilespmem:s20+$0xC940]  }
0x239: {  	v33 =	vld [tilespmem:s20+$0xC950]  }
0x23a: {  	v34 =	vld [tilespmem:s20+$0xC960]  }
0x23b: {  	v35 =	vld [tilespmem:s20+$0xC970]  }
0x23c: {  	v36 =	vld [tilespmem:s20+$0xCD00]  }
0x23d: {  	v37 =	vld [tilespmem:s20+$0xCD10]  }
0x23e: {  	v38 =	vld [tilespmem:s20+$0xCD20]  }
0x23f: {  	v39 =	vld [tilespmem:s20+$0xCD30]  }
0x240: {  	v40 =	vld [tilespmem:s20+$0xCD40]  }
0x241: {  	v41 =	vld [tilespmem:s20+$0xCD50]  }
0x242: {  	v42 =	vld [tilespmem:s20+$0xCD60]  }
0x243: {  	v43 =	vld [tilespmem:s20+$0xCD70]  }
0x244: {  	v44 =	vld [tilespmem:s20+$0xD100]  }
0x245: {  	v45 =	vld [tilespmem:s20+$0xD110]  }
0x246: {  	v46 =	vld [tilespmem:s20+$0xD120]  }
0x247: {  	v47 =	vld [tilespmem:s20+$0xD130]  }
0x248: {  	v48 =	vld [tilespmem:s20+$0xD140]  }
0x249: {  	v49 =	vld [tilespmem:s20+$0xD150]  }
0x24a: {  	v50 =	vld [tilespmem:s20+$0xD160]  }
0x24b: {  	v11 =	vld [tilespmem:s20+$0xD170]  }
0x24c: {  	v10 =	vld [tilespmem:s20+$0xD500]  }
0x24d: {  	v9 =	vld [tilespmem:s20+$0xD510]  }
0x24e: {  	v8 =	vld [tilespmem:s20+$0xD520]  }
0x24f: {  	v7 =	vld [tilespmem:s20+$0xD530]  }
0x250: {  	v6 =	vld [tilespmem:s20+$0xD540]  }
0x251: {  	v51 =	vld [tilespmem:s20+$0x100]  }
0x252: {  	v52 =	vld [tilespmem:s20+$0x110]  }
0x253: {  	v53 =	vld [tilespmem:s20+$0x120]  }
0x254: {  	v54 =	vld [tilespmem:s20+$0x130]  }
0x255: {  	v55 =	vld [tilespmem:s20+$0x140]  }
0x256: {  	v62 =	vld [tilespmem:s20+$0x150];
	v12 =	vadd.f32 v12, v51  }
0x257: {  	v63 =	vld [tilespmem:s20+$0x160];
	v13 =	vadd.f32 v13, v52  }
0x258: {  	[tilespmem:s20+$0x100] =	vst v12;
	v12 =	vadd.f32 v14, v53;
	v14 =	vld [tilespmem:s20+$0x170]  }
0x259: {  	[tilespmem:s20+$0x110] =	vst v13;
	v13 =	vadd.f32 v15, v54;
	v15 =	vld [tilespmem:s20+$0x500]  }
0x25a: {  	[tilespmem:s20+$0x120] =	vst v12;
	v12 =	vadd.f32 v16, v55;
	v16 =	vld [tilespmem:s20+$0x510]  }
0x25b: {  	[tilespmem:s20+$0x130] =	vst v13;
	v13 =	vadd.f32 v17, v62;
	v17 =	vld [tilespmem:s20+$0x520]  }
0x25c: {  	v5 =	vld [tilespmem:s20+$0xD550]  }
0x25d: {  	[tilespmem:s20+$0x140] =	vst v12;
	v12 =	vadd.f32 v18, v63;
	v18 =	vld [tilespmem:s20+$0x570]  }
0x25e: {  	[tilespmem:s20+$0x150] =	vst v13;
	v13 =	vadd.f32 v19, v14;
	v14 =	vld [tilespmem:s20+$0x530]  }
0x25f: {  	[tilespmem:s20+$0x160] =	vst v12;
	v12 =	vadd.f32 v20, v15;
	v15 =	vld [tilespmem:s20+$0x540]  }
0x260: {  	[tilespmem:s20+$0x170] =	vst v13;
	v13 =	vadd.f32 v21, v16;
	v16 =	vadd.f32 v22, v17;
	v17 =	vld [tilespmem:s20+$0x560]  }
0x261: {  	[tilespmem:s20+$0x500] =	vst v12;
	v12 =	vld [tilespmem:s20+$0x550]  }
0x262: {  	[tilespmem:s20+$0x510] =	vst v13;
	v13 =	vld [tilespmem:s20+$0x900];
	v18 =	vadd.f32 v27, v18  }
0x263: {  	[tilespmem:s20+$0x520] =	vst v16;
	v16 =	vld [tilespmem:s20+$0x910];
	v14 =	vadd.f32 v23, v14  }
0x264: {  	v4 =	vld [tilespmem:s20+$0xD560];
	v15 =	vadd.f32 v24, v15;
	[tilespmem:s20+$0x570] =	vst v18  }
0x265: {  	[tilespmem:s20+$0x530] =	vst v14;
	v14 =	vld [tilespmem:s20+$0x920];
	v17 =	vadd.f32 v26, v17  }
0x266: {  	v12 =	vadd.f32 v25, v12;
	[tilespmem:s20+$0x540] =	vst v15;
	v15 =	vld [tilespmem:s20+$0x930]  }
0x267: {  	v18 =	vld [tilespmem:s20+$0x970];
	[tilespmem:s20+$0x560] =	vst v17;
	v13 =	vadd.f32 v28, v13  }
0x268: {  	v16 =	vadd.f32 v29, v16;
	[tilespmem:s20+$0x550] =	vst v12;
	v12 =	vld [tilespmem:s20+$0x940]  }
0x269: {  	v17 =	vld [tilespmem:s20+$0x950];
	[tilespmem:s20+$0x900] =	vst v13  }
0x26a: {  	[tilespmem:s20+$0x910] =	vst v16;
	v16 =	vld [tilespmem:s20+$0x960];
	v13 =	vadd.f32 v30, v14  }
0x26b: {  	v14 =	vld [tilespmem:s20+$0xD00];
	v15 =	vadd.f32 v31, v15  }
0x26c: {  	[tilespmem:s20+$0x920] =	vst v13;
	v13 =	vld [tilespmem:s20+$0xD10]  }
0x26d: {  	v12 =	vadd.f32 v32, v12;
	[tilespmem:s20+$0x930] =	vst v15;
	v15 =	vld [tilespmem:s20+$0xD20]  }
0x26e: {  	v3 =	vld [tilespmem:s20+$0xD570];
	v17 =	vadd.f32 v33, v17  }
0x26f: {  	v16 =	vadd.f32 v34, v16;
	[tilespmem:s20+$0x940] =	vst v12;
	v12 =	vld [tilespmem:s20+$0xD30]  }
0x270: {  	[tilespmem:s20+$0x950] =	vst v17;
	v17 =	vld [tilespmem:s20+$0xD40];
	v14 =	vadd.f32 v36, v14  }
0x271: {  	v18 =	vadd.f32 v35, v18;
	[tilespmem:s20+$0x960] =	vst v16;
	v16 =	vld [tilespmem:s20+$0xD50]  }
0x272: {  	v13 =	vadd.f32 v37, v13;
	[tilespmem:s20+$0xD00] =	vst v14;
	v14 =	vadd.f32 v38, v15;
	v15 =	vld [tilespmem:s20+$0xD60]  }
0x273: {  	[tilespmem:s20+$0x970] =	vst v18;
	v18 =	vld [tilespmem:s20+$0xD70]  }
0x274: {  	[tilespmem:s20+$0xD10] =	vst v13;
	v13 =	vld [tilespmem:s20+$0x1100];
	v12 =	vadd.f32 v39, v12  }
0x275: {  	v17 =	vadd.f32 v40, v17;
	[tilespmem:s20+$0xD20] =	vst v14;
	v14 =	vld [tilespmem:s20+$0x1110]  }
0x276: {  	v16 =	vadd.f32 v41, v16;
	[tilespmem:s20+$0xD30] =	vst v12;
	v12 =	vld [tilespmem:s20+$0x1120]  }
0x277: {  	[tilespmem:s20+$0xD40] =	vst v17;
	v17 =	vld [tilespmem:s20+$0x1130];
	v15 =	vadd.f32 v42, v15  }
0x278: {  	v19 =	vld [tilespmem:s20+$0x1140];
	[tilespmem:s20+$0xD50] =	vst v16;
	v16 =	vadd.f32 v43, v18  }
0x279: {  	v18 =	vld [tilespmem:s20+$0x1150];
	v13 =	vadd.f32 v44, v13;
	[tilespmem:s20+$0xD60] =	vst v15  }
0x27a: {  	v20 =	vld [tilespmem:s20+$0x1160];
	[tilespmem:s20+$0xD70] =	vst v16;
	v14 =	vadd.f32 v45, v14  }
0x27b: {  	v16 =	vld [tilespmem:s20+$0x1170];
	[tilespmem:s20+$0x1100] =	vst v13;
	v12 =	vadd.f32 v46, v12  }
0x27c: {  	v15 =	vld [tilespmem:s20+$0x1500];
	v13 =	vadd.f32 v47, v17;
	[tilespmem:s20+$0x1110] =	vst v14  }
0x27d: {  	v14 =	vld [tilespmem:s20+$0x1510];
	[tilespmem:s20+$0x1120] =	vst v12;
	v12 =	vadd.f32 v48, v19  }
0x27e: {  	[tilespmem:s20+$0x1130] =	vst v13;
	v13 =	vld [tilespmem:s20+$0x1520];
	v18 =	vadd.f32 v49, v18  }
0x27f: {  	s21 =	simm.s32 $0x1;
	v17 =	vadd.f32 v50, v20;
	[tilespmem:s20+$0x1140] =	vst v12;
	v12 =	vld [tilespmem:s20+$0x1530]  }
.LBB2_4:
0x280: {  	s4 =	sshrl.u32 s21, $0x3;
	p0 =	sne.s32 s21, $0x3F;
	[tilespmem:s20+$0x1150] =	vst v18;
	v11 =	vadd.f32 v11, v16;
	v16 =	vld [tilespmem:s20+$0x1540]  }
0x281: {  	s19 =	sadd.s32 $0x80, s19;
	s4 =	smul.u32 $0x1800, s4;
	[tilespmem:s20+$0x1160] =	vst v17;
	v10 =	vadd.f32 v10, v15;
	v15 =	vld [tilespmem:s20+$0x1550]  }
0x282: {  	s22 =	sand.u32 $0x380, s19;
	[tilespmem:s20+$0x1170] =	vst v11;
	v9 =	vadd.f32 v9, v14;
	v11 =	vld [tilespmem:s20+$0x1560]  }
0x283: {  	s4 =	sor.u32 s22, s4;
	[tilespmem:s20+$0x1500] =	vst v10;
	v8 =	vadd.f32 v8, v13;
	v10 =	vld [tilespmem:s20+$0x1570]  }
0x284: {  	v39 =	vld [tilespmem:s4+$0xC100];
	[tilespmem:s20+$0x1510] =	vst v9;
	v7 =	vadd.f32 v7, v12  }
0x285: {  	v40 =	vld [tilespmem:s4+$0xC110];
	[tilespmem:s20+$0x1520] =	vst v8;
	v6 =	vadd.f32 v6, v16  }
0x286: {  	v41 =	vld [tilespmem:s4+$0xC120];
	[tilespmem:s20+$0x1530] =	vst v7;
	v5 =	vadd.f32 v5, v15  }
0x287: {  	v42 =	vld [tilespmem:s4+$0xC130];
	[tilespmem:s20+$0x1540] =	vst v6;
	v4 =	vadd.f32 v4, v11  }
0x288: {  	v43 =	vld [tilespmem:s4+$0xC140];
	[tilespmem:s20+$0x1550] =	vst v5;
	v3 =	vadd.f32 v3, v10  }
0x289: {  	v44 =	vld [tilespmem:s4+$0xC150];
	[tilespmem:s20+$0x1560] =	vst v4  }
0x28a: {  	v45 =	vld [tilespmem:s4+$0xC160];
	[tilespmem:s20+$0x1570] =	vst v3;
	s20 =	smov.u32 s4  }
0x28b: {  	v46 =	vld [tilespmem:s20+$0xC170]  }
0x28c: {  	v47 =	vld [tilespmem:s20+$0xC500]  }
0x28d: {  	v48 =	vld [tilespmem:s20+$0xC510]  }
0x28e: {  	v49 =	vld [tilespmem:s20+$0xC520]  }
0x28f: {  	v50 =	vld [tilespmem:s20+$0xC530]  }
0x290: {  	v38 =	vld [tilespmem:s20+$0xC540]  }
0x291: {  	v37 =	vld [tilespmem:s20+$0xC550]  }
0x292: {  	v36 =	vld [tilespmem:s20+$0xC560]  }
0x293: {  	v35 =	vld [tilespmem:s20+$0xC570]  }
0x294: {  	v34 =	vld [tilespmem:s20+$0xC900]  }
0x295: {  	v33 =	vld [tilespmem:s20+$0xC910]  }
0x296: {  	v32 =	vld [tilespmem:s20+$0xC920]  }
0x297: {  	v31 =	vld [tilespmem:s20+$0xC930]  }
0x298: {  	v30 =	vld [tilespmem:s20+$0xC940]  }
0x299: {  	v29 =	vld [tilespmem:s20+$0xC950]  }
0x29a: {  	v28 =	vld [tilespmem:s20+$0xC960]  }
0x29b: {  	v27 =	vld [tilespmem:s20+$0xC970]  }
0x29c: {  	v26 =	vld [tilespmem:s20+$0xCD00]  }
0x29d: {  	v25 =	vld [tilespmem:s20+$0xCD10]  }
0x29e: {  	v24 =	vld [tilespmem:s20+$0xCD20]  }
0x29f: {  	v23 =	vld [tilespmem:s20+$0xCD30]  }
0x2a0: {  	v22 =	vld [tilespmem:s20+$0xCD40]  }
0x2a1: {  	v21 =	vld [tilespmem:s20+$0xCD50]  }
0x2a2: {  	v20 =	vld [tilespmem:s20+$0xCD60]  }
0x2a3: {  	v19 =	vld [tilespmem:s20+$0xCD70]  }
0x2a4: {  	v18 =	vld [tilespmem:s20+$0xD100]  }
0x2a5: {  	v17 =	vld [tilespmem:s20+$0xD110]  }
0x2a6: {  	v16 =	vld [tilespmem:s20+$0xD120]  }
0x2a7: {  	v15 =	vld [tilespmem:s20+$0xD130]  }
0x2a8: {  	v14 =	vld [tilespmem:s20+$0xD140]  }
0x2a9: {  	v13 =	vld [tilespmem:s20+$0xD150]  }
0x2aa: {  	v12 =	vld [tilespmem:s20+$0xD160]  }
0x2ab: {  	v11 =	vld [tilespmem:s20+$0xD170]  }
0x2ac: {  	v10 =	vld [tilespmem:s20+$0xD500]  }
0x2ad: {  	v9 =	vld [tilespmem:s20+$0xD510]  }
0x2ae: {  	v8 =	vld [tilespmem:s20+$0xD520]  }
0x2af: {  	v7 =	vld [tilespmem:s20+$0xD530]  }
0x2b0: {  	v6 =	vld [tilespmem:s20+$0xD540]  }
0x2b1: {  	v5 =	vld [tilespmem:s20+$0xD550]  }
0x2b2: {  	v4 =	vld [tilespmem:s20+$0xD560]  }
0x2b3: {  	v3 =	vld [tilespmem:s20+$0xD570]  }
0x2b4: {  	v51 =	vld [tilespmem:s20+$0x100]  }
0x2b5: {  	v52 =	vld [tilespmem:s20+$0x110]  }
0x2b6: {  	v53 =	vld [tilespmem:s20+$0x120]  }
0x2b7: {  	v54 =	vld [tilespmem:s20+$0x130]  }
0x2b8: {  	v55 =	vld [tilespmem:s20+$0x140]  }
0x2b9: {  	v39 =	vadd.f32 v39, v51;
	v51 =	vld [tilespmem:s20+$0x150]  }
0x2ba: {  	v40 =	vadd.f32 v40, v52;
	v52 =	vld [tilespmem:s20+$0x160]  }
0x2bb: {  	[tilespmem:s20+$0x100] =	vst v39;
	v39 =	vadd.f32 v41, v53;
	v41 =	vld [tilespmem:s20+$0x170]  }
0x2bc: {  	[tilespmem:s20+$0x110] =	vst v40;
	v40 =	vadd.f32 v42, v54;
	v42 =	vld [tilespmem:s20+$0x500]  }
0x2bd: {  	[tilespmem:s20+$0x120] =	vst v39;
	v39 =	vadd.f32 v43, v55;
	v43 =	vld [tilespmem:s20+$0x510]  }
0x2be: {  	[tilespmem:s20+$0x130] =	vst v40;
	v40 =	vadd.f32 v44, v51;
	v44 =	vld [tilespmem:s20+$0x520]  }
0x2bf: {  	[tilespmem:s20+$0x140] =	vst v39;
	v39 =	vadd.f32 v45, v52;
	v45 =	vld [tilespmem:s20+$0x530]  }
0x2c0: {  	[tilespmem:s20+$0x150] =	vst v40;
	v40 =	vadd.f32 v46, v41;
	v41 =	vld [tilespmem:s20+$0x540]  }
0x2c1: {  	[tilespmem:s20+$0x160] =	vst v39;
	v39 =	vadd.f32 v47, v42;
	v42 =	vld [tilespmem:s20+$0x550]  }
0x2c2: {  	[tilespmem:s20+$0x170] =	vst v40;
	v40 =	vadd.f32 v48, v43;
	v43 =	vld [tilespmem:s20+$0x560]  }
0x2c3: {  	[tilespmem:s20+$0x500] =	vst v39;
	v39 =	vadd.f32 v49, v44;
	v44 =	vld [tilespmem:s20+$0x570]  }
0x2c4: {  	[tilespmem:s20+$0x510] =	vst v40;
	v40 =	vadd.f32 v50, v45;
	v45 =	vld [tilespmem:s20+$0x900]  }
0x2c5: {  	[tilespmem:s20+$0x520] =	vst v39;
	v38 =	vadd.f32 v38, v41;
	v39 =	vld [tilespmem:s20+$0x910]  }
0x2c6: {  	[tilespmem:s20+$0x530] =	vst v40;
	v37 =	vadd.f32 v37, v42;
	v40 =	vld [tilespmem:s20+$0x920]  }
0x2c7: {  	[tilespmem:s20+$0x540] =	vst v38;
	v36 =	vadd.f32 v36, v43;
	v38 =	vld [tilespmem:s20+$0x930]  }
0x2c8: {  	[tilespmem:s20+$0x550] =	vst v37;
	v35 =	vadd.f32 v35, v44;
	v37 =	vld [tilespmem:s20+$0x940]  }
0x2c9: {  	[tilespmem:s20+$0x560] =	vst v36;
	v34 =	vadd.f32 v34, v45;
	v36 =	vld [tilespmem:s20+$0x950]  }
0x2ca: {  	[tilespmem:s20+$0x570] =	vst v35;
	v33 =	vadd.f32 v33, v39;
	v35 =	vld [tilespmem:s20+$0x960]  }
0x2cb: {  	[tilespmem:s20+$0x900] =	vst v34;
	v32 =	vadd.f32 v32, v40;
	v34 =	vld [tilespmem:s20+$0x970]  }
0x2cc: {  	[tilespmem:s20+$0x910] =	vst v33;
	v31 =	vadd.f32 v31, v38;
	v33 =	vld [tilespmem:s20+$0xD00]  }
0x2cd: {  	[tilespmem:s20+$0x920] =	vst v32;
	v30 =	vadd.f32 v30, v37;
	v32 =	vld [tilespmem:s20+$0xD10]  }
0x2ce: {  	[tilespmem:s20+$0x930] =	vst v31;
	v29 =	vadd.f32 v29, v36;
	v31 =	vld [tilespmem:s20+$0xD20]  }
0x2cf: {  	[tilespmem:s20+$0x940] =	vst v30;
	v28 =	vadd.f32 v28, v35;
	v30 =	vld [tilespmem:s20+$0xD30]  }
0x2d0: {  	[tilespmem:s20+$0x950] =	vst v29;
	v27 =	vadd.f32 v27, v34;
	v29 =	vld [tilespmem:s20+$0xD40]  }
0x2d1: {  	[tilespmem:s20+$0x960] =	vst v28;
	v26 =	vadd.f32 v26, v33;
	v28 =	vld [tilespmem:s20+$0xD50]  }
0x2d2: {  	[tilespmem:s20+$0x970] =	vst v27;
	v25 =	vadd.f32 v25, v32;
	v27 =	vld [tilespmem:s20+$0xD60]  }
0x2d3: {  	[tilespmem:s20+$0xD00] =	vst v26;
	v24 =	vadd.f32 v24, v31;
	v26 =	vld [tilespmem:s20+$0xD70]  }
0x2d4: {  	[tilespmem:s20+$0xD10] =	vst v25;
	v23 =	vadd.f32 v23, v30;
	v25 =	vld [tilespmem:s20+$0x1100]  }
0x2d5: {  	[tilespmem:s20+$0xD20] =	vst v24;
	v22 =	vadd.f32 v22, v29;
	v24 =	vld [tilespmem:s20+$0x1110]  }
0x2d6: {  	[tilespmem:s20+$0xD30] =	vst v23;
	v21 =	vadd.f32 v21, v28;
	v23 =	vld [tilespmem:s20+$0x1120]  }
0x2d7: {  	[tilespmem:s20+$0xD40] =	vst v22;
	v20 =	vadd.f32 v20, v27;
	v22 =	vld [tilespmem:s20+$0x1130]  }
0x2d8: {  	[tilespmem:s20+$0xD50] =	vst v21;
	v19 =	vadd.f32 v19, v26;
	v21 =	vld [tilespmem:s20+$0x1140]  }
0x2d9: {  	[tilespmem:s20+$0xD60] =	vst v20;
	v18 =	vadd.f32 v18, v25;
	v20 =	vld [tilespmem:s20+$0x1150]  }
0x2da: {  	[tilespmem:s20+$0xD70] =	vst v19;
	v17 =	vadd.f32 v17, v24;
	v19 =	vld [tilespmem:s20+$0x1160]  }
.Ltmp1:
0x2db: {  	[tilespmem:s20+$0x1100] =	vst v18;
	v18 =	vadd.f32 v16, v23;
	v16 =	vld [tilespmem:s20+$0x1170];
	(pc) =	sbr.rel @p0 .LBB2_4-.Ltmp1, $4  }
0x2dc: {  	[tilespmem:s20+$0x1110] =	vst v17;
	v17 =	vadd.f32 v15, v22;
	v15 =	vld [tilespmem:s20+$0x1500]  }
0x2dd: {  	[tilespmem:s20+$0x1120] =	vst v18;
	v21 =	vadd.f32 v14, v21;
	v14 =	vld [tilespmem:s20+$0x1510]  }
0x2de: {  	[tilespmem:s20+$0x1130] =	vst v17;
	v18 =	vadd.f32 v13, v20;
	v13 =	vld [tilespmem:s20+$0x1520]  }
0x2df: {  	s21 =	sadd.s32 $0x1, s21;
	[tilespmem:s20+$0x1140] =	vst v21;
	v17 =	vadd.f32 v12, v19;
	v12 =	vld [tilespmem:s20+$0x1530]  }
0x2e0: {  	[tilespmem:s20+$0x1150] =	vst v18;
	v60 =	vld [tilespmem:s20+$0x1540];
	v11 =	vadd.f32 v11, v16  }
0x2e1: {  	v61 =	vld [tilespmem:s20+$0x1550];
	[tilespmem:s20+$0x1160] =	vst v17;
	v10 =	vadd.f32 v10, v15  }
0x2e2: {  	v62 =	vld [tilespmem:s20+$0x1560];
	[tilespmem:s20+$0x1170] =	vst v11;
	v9 =	vadd.f32 v9, v14  }
0x2e3: {  	v63 =	vld [tilespmem:s20+$0x1570];
	[tilespmem:s20+$0x1500] =	vst v10;
	v8 =	vadd.f32 v8, v13  }
0x2e4: {  	[tilespmem:s20+$0x1510] =	vst v9;
	v7 =	vadd.f32 v7, v12  }
0x2e5: {  	[tilespmem:s20+$0x1520] =	vst v8;
	v6 =	vadd.f32 v6, v60  }
0x2e6: {  	v5 =	vadd.f32 v5, v61;
	[tilespmem:s20+$0x1530] =	vst v7  }
0x2e7: {  	v4 =	vadd.f32 v4, v62;
	[tilespmem:s20+$0x1540] =	vst v6  }
0x2e8: {  	v3 =	vadd.f32 v3, v63;
	[tilespmem:s20+$0x1550] =	vst v5  }
0x2e9: {  	[tilespmem:s20+$0x1560] =	vst v4  }
0x2ea: {  	s4 =	rddreg [dreg:$0x6];
	[tilespmem:s20+$0x1570] =	vst v3  }
0x2eb: {  	[hbm4b:s4+s2] =	stream.linear.scatter [tilespmem:s13], [sflag:$0x2], $0xC000, $0x38;
	[tilespmem:$0x18100] =	vst v63  }
0x2ec: {  	_ =	swait.ge [sflag:s11], $0xC000  }
0x2ed: {  	s18 =	sadd.s32 $0x1, s18;
	s22 =	rddreg [dreg:$0x7]  }
0x2ee: {  	p0 =	sne.s32 s18, s22  }
.Ltmp2:
0x2ef: {  	_ = 	snop;
	(pc) =	sbr.rel @p0 .LBB2_1-.Ltmp2, $3  }
0x2f0: {  	_ =	sdelay $0x1  }
0x2f1: {  	[sflag:s11] =	ssyncset.done $0x0  }
0x2f2: {  	[sflag:s11] =	ssyncadd.s32 $0xFFFF4000  }
0x2f3: {  	_ =	sfence.sel $0x180000  }
0x2f4: {  	[bflag:$0x0] =	sbarrier.arrive $0xFFFF  }
0x2f5: {  	_ =	strace $0x9000004A  }
0x2f6: {  	s0 =	stileid.u32;
	[bflag:$0x2] =	sbarrier.arrive $0xFFFF  }
0x2f7: {  	p0 =	sne.s32 s0, $0x0;
	s0 =	rddreg [dreg:$0x2]  }
0x2f8: {  	s0 =	sadd.s32 @!p0 $0x100000, s0  }
0x2f9: {  	[sflag:s0] =	ssyncadd.tile.s32 @!p0 $0x1;
	_ =	shalt  }
.Lfunc_end2:
_tile_overlayer_lowered:
.L_overlay_start_2:
0x2fa: {  	(tag) =	ssettag $0x2  }
0x2fb: {  	s0 =	rddreg [dreg:$0x0];
	s2 =	stileid.u32  }
0x2fc: {  	s1 =	rddreg [dreg:$0x1];
	p0 =	sne.s32 s2, $0x0  }
0x2fd: {  	s3 =	rddreg [dreg:$0x2];
	[bflag:$0x3] =	sbarrier.arrive $0xFFFF;
	s2 =	simm.s32 @!p0 $0x1C02  }
0x2fe: {  	[timem:s3], [sflag:s2] =	dma.local @!p0 [hbm:s0], s1  }
0x2ff: {  	s0 =	simm.s32 @!p0 $0x2  }
0x300: {  	_ =	swait.ge @!p0 [sflag:s0], s1  }
0x301: {  	s1 =	ssub.s32 @!p0 $0x0, s1;
	[sflag:s0] =	ssyncset.done @!p0 $0x0  }
0x302: {  	[sflag:s0] =	ssyncadd.s32 @!p0 s1  }
0x303: {  	[bflag:$0x3] =	sbarrier.arrive $0xFFFF  }
0x304: {  	_ =	shalt  }

// kernel: kernel.7.cloned.1.call-start
scs
__scs_entry_jumppad:
0x0: {  	(pc) =	sbr.rel $0x88, $3  }
0x1: {  	(tag) =	ssettag $0x0;
	lr =	simm.s32 $0x1  }
0x2: {  	[smem:$0x3F9A] =	sst lr;
	_ =	strace $0xD0000000  }
0x3: {  	_ = 	snop  }
0x4: {  	_ = 	snop  }
0x5: {  	_ = 	snop  }
0x6: {  	_ = 	snop  }
0x7: {  	_ = 	snop  }
__scs_overlays_trampoline_lowered:
0x8: {  	[smem:$0x3FA9] =	sst s0  }
0x9: {  	[smem:$0x3FAA] =	sst s1  }
0xa: {  	[smem:$0x3FAB] =	sst s2  }
0xb: {  	[smem:$0x3FAC] =	sst s3  }
0xc: {  	[smem:$0x3FAD] =	sst s4  }
0xd: {  	[smem:$0x3FAE] =	sst s5  }
0xe: {  	[smem:$0x3FAF] =	sst s6  }
0xf: {  	[smem:$0x3FB0] =	sst s7  }
0x10: {  	[smem:$0x3FB1] =	sst s8  }
0x11: {  	[smem:$0x3FB2] =	sst s9;
	s0 =	simm.s32 @!p0 $0x0  }
0x12: {  	s1 =	sld [smem:$0x3F98];
	s0 =	simm.s32 @p0 $0x1  }
0x13: {  	[smem:$0x3FB3] =	sst s0;
	s0 =	simm.s32 @!p1 $0x0  }
0x14: {  	s2 =	sld [smem:$0x3F97];
	s0 =	simm.s32 @p1 $0x1  }
0x15: {  	[smem:$0x3FB4] =	sst s0;
	s0 =	simm.s32 @!p2 $0x0  }
0x16: {  	s3 =	sld [smem:$0x3FDB];
	s0 =	simm.s32 @p2 $0x1  }
0x17: {  	s4 =	simm.s32 $0x1BF5;
	[smem:$0x3FB6] =	sst s0  }
0x18: {  	s0 =	sld [smem:$0x3F99];
	_ =	swait.ge [sflag:s4], $0x0  }
0x19: {  	s7 =	sld [smem:$0x3F9A]  }
0x1a: {  	s8 =	sadd.s32 $0xFFFFE003, lr  }
0x1b: {  	s9 =	sadd.s32 $0xFFFFFEF7, lr;
	s5 =	simm.s32 $0xFFFFFFFF;
	p2 =	slt.u32 s8, $0xFFFFF086  }
0x1c: {  	p1 =	slt.u32 s9, $0xF7A;
	s5 =	simm.s32 @!p2 $0x0  }
0x1d: {  	s5 =	simm.s32 @p1 $0x1;
	p0 =	seq.s32 s7, s2  }
0x1e: {  	s7 =	smul.u32 @!p0 $0xF7A, s2;
	p2 =	seq.s32 @!p0 s5, $0x0  }
0x1f: {  	s9 =	smul.u32 $0xF7A, s1;
	s8 =	simm.s32 @!p0 $0x1BF5;
	p2 =	por !p2, p0  }
0x20: {  	[sflag:s8] =	ssyncset.s32 @!p0 $0xFFFFF086;
	s6 =	sadd.s32 @!p0 s3, s7;
	s7 =	simm.s32 @!p0 $0x108  }
0x21: {  	s3 =	sadd.s32 s3, s9;
	s6 =	sadd.s32 @!p0 $0x88, s6;
	s7 =	simm.s32 @p2 $0x1082  }
0x22: {  	[simem:s7], [sflag:s8] =	dma.local @!p0 [hbm:s6], $0xF7A  }
0x23: {  	s9 =	sor.u32 $0xD0000000, s2;
	s6 =	simm.s32 $0x108;
	_ =	swait.ge @!p0 [sflag:s8], $0x0  }
0x24: {  	s3 =	sadd.s32 $0x88, s3;
	s6 =	simm.s32 @!p1 $0x1082;
	[sflag:s4] =	ssyncset.s32 $0xFFFFF086  }
0x25: {  	[simem:s6], [sflag:s4] =	dma.local [hbm:s3], $0xF7A  }
0x26: {  	[smem:$0x3F9A] =	sst s1;
	(tag) =	ssettag s2;
	_ =	strace s9  }
0x27: {  	s1 =	sld [smem:$0x3FAA]  }
0x28: {  	s2 =	sld [smem:$0x3FAB]  }
0x29: {  	s4 =	sld [smem:$0x3FAD]  }
0x2a: {  	p0 =	seq.s32 s5, $0x0;
	s5 =	sld [smem:$0x3FAE]  }
0x2b: {  	s6 =	sld [smem:$0x3FAF]  }
0x2c: {  	s7 =	sld [smem:$0x3FB0]  }
0x2d: {  	s3 =	simm.s32 $0x108;
	s8 =	sld [smem:$0x3FB1]  }
0x2e: {  	s3 =	simm.s32 @!p0 $0x1082;
	s9 =	sld [smem:$0x3FB2]  }
0x2f: {  	lr =	sadd.s32 s0, s3;
	s0 =	sld [smem:$0x3FA9]  }
0x30: {  	s3 =	sld [smem:$0x3FAC]  }
0x31: {  	[smem:$0x3FB5] =	sst s10  }
0x32: {  	s10 =	sld [smem:$0x3FB3];
	_ =	sdelay $0x3  }
0x33: {  	p0 =	seq.s32 s10, $0x1;
	s10 =	sld [smem:$0x3FB5];
	_ =	sdelay $0x3  }
0x34: {  	[smem:$0x3FB5] =	sst s10  }
0x35: {  	s10 =	sld [smem:$0x3FB4];
	_ =	sdelay $0x3  }
0x36: {  	p1 =	seq.s32 s10, $0x1;
	s10 =	sld [smem:$0x3FB5];
	_ =	sdelay $0x3  }
0x37: {  	[smem:$0x3FB5] =	sst s10  }
0x38: {  	s10 =	sld [smem:$0x3FB6]  }
0x39: {  	_ = 	snop;
	(pc) =	sbr.ind lr, $3  }
0x3a: {  	_ = 	snop  }
0x3b: {  	_ = 	snop  }
0x3c: {  	p2 =	seq.s32 s10, $0x1;
	s10 =	sld [smem:$0x3FB5]  }
0x3d: {  	_ =	shalt  }
0x3e: {  	_ =	shalt  }
0x3f: {  	_ =	shalt  }
0x40: {  	_ =	shalt  }
0x41: {  	_ =	shalt  }
0x42: {  	_ =	shalt  }
0x43: {  	_ =	shalt  }
0x44: {  	_ =	shalt  }
0x45: {  	_ =	shalt  }
0x46: {  	_ =	shalt  }
0x47: {  	_ =	shalt  }
0x48: {  	_ =	shalt  }
0x49: {  	_ =	shalt  }
0x4a: {  	_ =	shalt  }
0x4b: {  	_ =	shalt  }
0x4c: {  	_ =	shalt  }
0x4d: {  	_ =	shalt  }
0x4e: {  	_ =	shalt  }
0x4f: {  	_ =	shalt  }
0x50: {  	_ =	shalt  }
0x51: {  	_ =	shalt  }
0x52: {  	_ =	shalt  }
0x53: {  	_ =	shalt  }
0x54: {  	_ =	shalt  }
0x55: {  	_ =	shalt  }
0x56: {  	_ =	shalt  }
0x57: {  	_ =	shalt  }
0x58: {  	_ =	shalt  }
0x59: {  	_ =	shalt  }
0x5a: {  	_ =	shalt  }
0x5b: {  	_ =	shalt  }
0x5c: {  	_ =	shalt  }
0x5d: {  	_ =	shalt  }
0x5e: {  	_ =	shalt  }
0x5f: {  	_ =	shalt  }
0x60: {  	_ =	shalt  }
0x61: {  	_ =	shalt  }
0x62: {  	_ =	shalt  }
0x63: {  	_ =	shalt  }
0x64: {  	_ =	shalt  }
0x65: {  	_ =	shalt  }
0x66: {  	_ =	shalt  }
0x67: {  	_ =	shalt  }
0x68: {  	_ =	shalt  }
0x69: {  	_ =	shalt  }
0x6a: {  	_ =	shalt  }
0x6b: {  	_ =	shalt  }
0x6c: {  	_ =	shalt  }
0x6d: {  	_ =	shalt  }
0x6e: {  	_ =	shalt  }
0x6f: {  	_ =	shalt  }
0x70: {  	_ =	shalt  }
0x71: {  	_ =	shalt  }
0x72: {  	_ =	shalt  }
0x73: {  	_ =	shalt  }
0x74: {  	_ =	shalt  }
0x75: {  	_ =	shalt  }
0x76: {  	_ =	shalt  }
0x77: {  	_ =	shalt  }
0x78: {  	_ =	shalt  }
0x79: {  	_ =	shalt  }
0x7a: {  	_ =	shalt  }
0x7b: {  	_ =	shalt  }
0x7c: {  	_ =	shalt  }
0x7d: {  	_ =	shalt  }
0x7e: {  	_ =	shalt  }
0x7f: {  	_ =	shalt  }
0x80: {  	_ =	shalt  }
0x81: {  	_ =	shalt  }
0x82: {  	_ =	shalt  }
0x83: {  	_ =	shalt  }
0x84: {  	_ =	shalt  }
0x85: {  	_ =	shalt  }
0x86: {  	_ =	shalt  }
0x87: {  	_ =	shalt  }
.Lfunc_end0:
.L_simem_size_0:
called_computation_lowered:
.L_overlay_start_0:
0x88: {  	s2 =	sld [smem:$0x3FD9]  }
0x89: {  	s3 =	sld [smem:$0x3FFE];
	_ =	sdelay $0x1  }
0x8a: {  	s1 =	srdreg.scid  }
0x8b: {  	s0 =	sand.u32 $0x1, s1  }
0x8c: {  	s17 =	sshll.u32 s0, $0xA;
	s2 =	sadd.s32 s3, s2  }
0x8d: {  	s2 =	sadd.s32 s2, s17  }
0x8e: {  	[smem:$0x3FC1] =	sst s2  }
0x8f: {  	_ = 	snop  }
0x90: {  	s2 =	sld [smem:$0x3FC9]  }
0x91: {  	s18 =	sld [smem:$0x3FD0];
	(tm) =	ssettm $0x1  }
0x92: {  	s4 =	sld [smem:$0x3FFB];
	_ =	sdelay $0x3  }
0x93: {  	_ =	strace s4  }
0x94: {  	s4 =	sld [smem:$0x3FFC];
	_ =	sdelay $0x3  }
0x95: {  	_ =	strace s4  }
0x96: {  	s4 =	sld [smem:$0x3FFD];
	_ =	sdelay $0x3  }
0x97: {  	_ =	strace s4  }
0x98: {  	_ =	strace $0x8FFFFFFF  }
0x99: {  	s19 =	sld [smem:$0x3FDB];
	_ =	sdelay $0x1  }
0x9a: {  	s5 =	simm.s32 $_scs_section_size  }
0x9b: {  	s6 =	simm.s32 $_size__tile_overlayer_lowered;
	s7 =	simm.s32 $_tile_overlayer_lowered  }
0x9c: {  	s22 =	simm.s32 $0x1BFF;
	s21 =	sshll.u32 s7, $0x1;
	s4 =	sadd.s32 s5, s19  }
0x9d: {  	s8 =	simm.s32 $0x0;
	s20 =	sshll.u32 s6, $0x1;
	s6 =	sadd.s32 s21, s4  }
0x9e: {  	[timem:s8], [sflag:s22] =	dma.local [hbm:s6], s20  }
0x9f: {  	_ =	swait.ge [sflag:s22], s20  }
0xa0: {  	s5 =	ssub.s32 $0x0, s20;
	[sflag:s22] =	ssyncset.done $0x0  }
0xa1: {  	[sflag:s22] =	ssyncadd.s32 s5;
	_ =	sdelay $0x1  }
0xa2: {  	s23 =	simm.s32 $0x1B8B  }
0xa3: {  	_ =	swait.ge [sflag:s23], $0x1  }
0xa4: {  	[sflag:s23] =	ssyncset.done $0x0  }
0xa5: {  	s25 =	simm.s32 $0x1B8E;
	s24 =	sld [smem:$0x3FFE];
	[sflag:s23] =	ssyncadd.s32 $0xFFFFFFFF  }
0xa6: {  	s26 =	simm.s32 $execute0_lowered;
	[smem:$0x3FD2] =	sst s25  }
0xa7: {  	s6 =	sshll.u32 s26, $0x1;
	_ =	strace $0x80000046;
	[dreg:$0x1] =	wrdreg $0xFFFFFFFF  }
0xa8: {  	s28 =	simm.s32 $_size_execute0_lowered;
	s4 =	sadd.s32 s4, s6;
	[dreg:$0x0] =	wrdreg $0x0  }
0xa9: {  	s6 =	sshll.u32 s28, $0x1;
	[dreg:$0x2] =	wrdreg s4  }
0xaa: {  	[dreg:$0x3] =	wrdreg s6  }
0xab: {  	[dreg:$0x4] =	wrdreg $0xC0  }
0xac: {  	_ =	task [dreg:s8], $0x5FFFF  }
0xad: {  	[dreg:$0x1] =	wrdreg $0xFFFFFFFF  }
0xae: {  	[dreg:$0x0] =	wrdreg $0x60  }
0xaf: {  	[dreg:$0x2] =	wrdreg s2  }
0xb0: {  	[dreg:$0x3] =	wrdreg s24  }
0xb1: {  	[dreg:$0x4] =	wrdreg s18  }
0xb2: {  	[dreg:$0x5] =	wrdreg $0x9  }
0xb3: {  	_ =	task.clear_ibuf [dreg:s8], $0x6FFFF;
	_ =	strace $0x90000046  }
0xb4: {  	s29 =	simm.s32 $0x9;
	_ =	strace $0x80000048  }
0xb5: {  	_ =	swait.ge [sflag:s29], $0x1  }
0xb6: {  	[sflag:s29] =	ssyncadd.s32 $0xFFFFFFFF  }
0xb7: {  	_ =	strace $0x90000048  }
0xb8: {  	_ =	sfence  }
0xb9: {  	s30 =	sld [smem:$0x0];
	_ =	sdelay $0x2  }
0xba: {  	s31 =	sshll.u32 s1, $0xD;
	s1 =	sshrl.u32 s1, $0x2  }
0xbb: {  	s3 =	sand.u32 $0x4000, s31;
	s1 =	sadd.s32 s1, s30  }
0xbc: {  	s0 =	sor.u32 s3, s0;
	s1 =	sshll.u32 s1, $0x11  }
0xbd: {  	s0 =	sor.u32 s1, s0  }
0xbe: {  	s0 =	sadd.s32 $0x8F2B, s0  }
0xbf: {  	[sflag:s0] =	ssyncadd.remote.s32 $0x1  }
0xc0: {  	_ =	sfence.sel $0xFFFF  }
0xc1: {  	[dreg:$0x0] =	wrdreg $0xFFFFFFFF;
	(pc) =	sbr.abs _section_cstart, $3  }
0xc2: {  	[dreg:$0x1] =	wrdreg $0xFFFFFFFF  }
0xc3: {  	_ =	task.clear_ibuf [dreg:s8], $0x2FFFF;
	_ =	strace $0x9FFFFFFF  }
0xc4: {  	(tm) =	ssettm $0x7FFFFFFF  }
0xc5: {  	_ =	shalt  }
tec
execute0_lowered:
.L_overlay_start_1:
0x0: {  	(tag) =	ssettag $0x1  }
0x1: {  	s0 =	rddreg [dreg:$0x0]  }
0x2: {  	s1 =	rddreg [dreg:$0x1];
	s3 =	simm.s32 $0x0  }
0x3: {  	s2 =	srdreg.scid;
	s4 =	stileid.u32;
	s30 =	simm.s32 $0x100  }
0x4: {  	[smem:$0x7FF] =	sst s3;
	s2 =	sand.u32 $0x1, s2;
	s4 =	sshll.u32 s4, $0x1  }
0x5: {  	s5 =	sadd.s32 $0x20A00, s1;
	s6 =	sadd.s32 $0x20600, s1;
	s8 =	sadd.s32 $0x10000, s1  }
0x6: {  	_ =	strace $0x80000047;
	s7 =	sor.u32 s2, s4;
	s2 =	ssub.s32 $0x2, s2  }
0x7: {  	s4 =	sadd.s32 $0x20E00, s1;
	s9 =	sshll.u32 s7, $0x5;
	s10 =	sshrl.u32 s2, $0x1  }
0x8: {  	s12 =	sshll.u32 s7, $0xB;
	s13 =	smul.u32 $0x3000, s7;
	s11 =	sadd.s32 s5, s9  }
0x9: {  	s7 =	smul.u32 $0x18000, s7;
	s23 =	sadd.s32 s6, s9;
	[dreg:$0x4] =	wrdreg s11  }
0xa: {  	s24 =	sadd.s32 s1, s12;
	s2 =	ssub.s32 s2, s10;
	[dreg:$0x5] =	wrdreg s23  }
0xb: {  	s25 =	sadd.s32 s8, s12;
	s9 =	sor.u32 $0x10, s9;
	[dreg:$0x6] =	wrdreg s24  }
0xc: {  	s29 =	sor.u32 $0x400, s12;
	[dreg:$0x7] =	wrdreg s25;
	s26 =	sadd.s32 s0, s13  }
0xd: {  	s5 =	sadd.s32 s5, s9;
	s28 =	sadd.s32 s6, s9;
	[dreg:$0x8] =	wrdreg s26  }
0xe: {  	s31 =	sadd.s32 s1, s29;
	s7 =	sshrl.u32 s7, $0x3;
	[dreg:$0x9] =	wrdreg s5  }
0xf: {  	s6 =	sadd.s32 s8, s29;
	s8 =	simm.s32 $0x2;
	[dreg:$0xa] =	wrdreg s28  }
0x10: {  	v2 =	vlaneseq.u32;
	s11 =	simm.s32 $0x1;
	[dreg:$0xb] =	wrdreg s31;
	s0 =	sadd.s32 s0, s7  }
0x11: {  	vm0 =	vmmov $0xffff;
	v1 =	vshrl.u32 v2, $0x3;
	s5 =	sadd.s32 $0x20F00, s1;
	[dreg:$0xc] =	wrdreg s6;
	s0 =	sadd.s32 $0x1800, s0  }
0x12: {  	v0 =	vand.u32 $0x7, v2;
	v2 =	vor.u32 $0x8, v2;
	v1 =	vmul.u32 $0x8, v1;
	s6 =	sadd.s32 $0x21000, s1;
	s7 =	smax.u32 s2, $0x1;
	[dreg:$0xd] =	wrdreg s0  }
.LBB2_1:
0x13: {  	s14 =	rddreg [dreg:$0x4]  }
0x14: {  	[tilespmem:s3], [sflag:$0x2] =	stream.linear.gather [hbm4b:s14+s3], $0x80, $0x38;
	[tilespmem:$0x10100] =	vst v63  }
0x15: {  	_ =	swait.ge [sflag:s8], $0x80  }
0x16: {  	[sflag:s8] =	ssyncset.done $0x0  }
0x17: {  	s0 =	simm.s32 $0x80;
	s16 =	rddreg [dreg:$0x5];
	[sflag:s8] =	ssyncadd.s32 $0xFFFFFF80  }
0x18: {  	[tilespmem:s0], [sflag:$0x2] =	stream.linear.gather [hbm4b:s16+s3], $0x80, $0x38;
	[tilespmem:$0x10100] =	vst v63  }
0x19: {  	_ =	swait.ge [sflag:s8], $0x80  }
0x1a: {  	[sflag:s8] =	ssyncset.done $0x0  }
0x1b: {  	s18 =	simm.s32 $0xC100;
	s17 =	rddreg [dreg:$0x6];
	[sflag:s8] =	ssyncadd.s32 $0xFFFFFF80  }
0x1c: {  	[tilespmem:s18], [sflag:$0x2] =	stream.linear.gather [hbm4b:s17+s3], $0x2000, $0x38;
	[tilespmem:$0x10100] =	vst v63  }
0x1d: {  	_ =	swait.ge [sflag:s8], $0x2000  }
0x1e: {  	[sflag:s8] =	ssyncset.done $0x0  }
0x1f: {  	s20 =	simm.s32 $0xE100;
	s19 =	rddreg [dreg:$0x7];
	[sflag:s8] =	ssyncadd.s32 $0xFFFFE000  }
0x20: {  	[tilespmem:s20], [sflag:$0x2] =	stream.linear.gather [hbm4b:s19+s3], $0x2000, $0x38;
	[tilespmem:$0x10100] =	vst v63  }
0x21: {  	_ =	swait.ge [sflag:s8], $0x2000  }
0x22: {  	[sflag:s8] =	ssyncset.done $0x0  }
0x23: {  	s21 =	rddreg [dreg:$0x8];
	[sflag:s8] =	ssyncadd.s32 $0xFFFFE000  }
0x24: {  	[tilespmem:s30], [sflag:$0x2] =	stream.linear.gather [hbm4b:s21+s3], $0xC000, $0x38;
	[tilespmem:$0x10100] =	vst v63  }
0x25: {  	_ =	swait.ge [sflag:s8], $0xC000  }
0x26: {  	[sflag:s8] =	ssyncset.done $0x0  }
0x27: {  	[sflag:s8] =	ssyncadd.s32 $0xFFFF4000  }
0x28: {  	v3 =	vld [tilespmem:$0x0];
	_ =	sdelay $0x4  }
0x29: {  	v4 =	vshrl.u32 v3, $0x3  }
0x2a: {  	v4 =	vmul.u32 $0x30, v4  }
0x2b: {  	v3 =	vand.u32 $0x7, v3  }
0x2c: {  	v3 =	vor.u32 v3, v4  }
0x2d: {  	v4 =	vperm.xlane v3, v0;
	_ =	sdelay $0x1  }
0x2e: {  	v4 =	vadd.s32 v1, v4;
	_ =	sdelay $0x3  }
0x2f: {  	v3 =	vperm.xlane v3, v2  }
0x30: {  	[hbm4b:s4+s3] =	stream.indirect_vreg.scatter [tilespmem:s30], [sflag:$0x1], $0x80, v4, vm0, $0xb8;
	[tilespmem:$0x10100] =	vst v63  }
0x31: {  	s22 =	simm.s32 $0x900;
	v3 =	vadd.s32 v1, v3  }
0x32: {  	[hbm4b:s5+s3] =	stream.indirect_vreg.scatter [tilespmem:s22], [sflag:$0x1], $0x80, v4, vm0, $0xb8;
	[tilespmem:$0x10100] =	vst v63  }
0x33: {  	s23 =	simm.s32 $0x1100  }
0x34: {  	[hbm4b:s6+s3] =	stream.indirect_vreg.scatter [tilespmem:s23], [sflag:$0x1], $0x80, v4, vm0, $0xb8;
	[tilespmem:$0x10100] =	vst v63  }
0x35: {  	s24 =	simm.s32 $0x1900  }
0x36: {  	[hbm4b:s4+s3] =	stream.indirect_vreg.scatter [tilespmem:s24], [sflag:$0x1], $0x80, v3, vm0, $0xb8;
	[tilespmem:$0x10100] =	vst v63  }
0x37: {  	s25 =	simm.s32 $0x2100  }
0x38: {  	[hbm4b:s5+s3] =	stream.indirect_vreg.scatter [tilespmem:s25], [sflag:$0x1], $0x80, v3, vm0, $0xb8;
	[tilespmem:$0x10100] =	vst v63  }
0x39: {  	s26 =	simm.s32 $0x2900  }
0x3a: {  	[hbm4b:s6+s3] =	stream.indirect_vreg.scatter [tilespmem:s26], [sflag:$0x1], $0x80, v3, vm0, $0xb8;
	[tilespmem:$0x10100] =	vst v63  }
0x3b: {  	v3 =	vld [tilespmem:$0x10];
	_ =	sdelay $0x4  }
0x3c: {  	v49 =	vshrl.u32 v3, $0x3  }
0x3d: {  	v4 =	vmul.u32 $0x30, v49  }
0x3e: {  	v3 =	vand.u32 $0x7, v3  }
0x3f: {  	v3 =	vor.u32 v3, v4  }
0x40: {  	v4 =	vperm.xlane v3, v0;
	_ =	sdelay $0x1  }
0x41: {  	v4 =	vadd.s32 v1, v4;
	_ =	sdelay $0x3  }
0x42: {  	s28 =	simm.s32 $0x3100;
	v3 =	vperm.xlane v3, v2  }
0x43: {  	[hbm4b:s4+s3] =	stream.indirect_vreg.scatter [tilespmem:s28], [sflag:$0x1], $0x80, v4, vm0, $0xb8;
	[tilespmem:$0x10100] =	vst v63  }
0x44: {  	s29 =	simm.s32 $0x3900;
	v3 =	vadd.s32 v1, v3  }
0x45: {  	[hbm4b:s5+s3] =	stream.indirect_vreg.scatter [tilespmem:s29], [sflag:$0x1], $0x80, v4, vm0, $0xb8;
	[tilespmem:$0x10100] =	vst v63  }
0x46: {  	s31 =	simm.s32 $0x4100  }
0x47: {  	[hbm4b:s6+s3] =	stream.indirect_vreg.scatter [tilespmem:s31], [sflag:$0x1], $0x80, v4, vm0, $0xb8;
	[tilespmem:$0x10100] =	vst v63  }
0x48: {  	s1 =	simm.s32 $0x4900  }
0x49: {  	[hbm4b:s4+s3] =	stream.indirect_vreg.scatter [tilespmem:s1], [sflag:$0x1], $0x80, v3, vm0, $0xb8;
	[tilespmem:$0x10100] =	vst v63  }
0x4a: {  	s2 =	simm.s32 $0x5100  }
0x4b: {  	[hbm4b:s5+s3] =	stream.indirect_vreg.scatter [tilespmem:s2], [sflag:$0x1], $0x80, v3, vm0, $0xb8;
	[tilespmem:$0x10100] =	vst v63  }
0x4c: {  	s9 =	simm.s32 $0x5900  }
0x4d: {  	[hbm4b:s6+s3] =	stream.indirect_vreg.scatter [tilespmem:s9], [sflag:$0x1], $0x80, v3, vm0, $0xb8;
	[tilespmem:$0x10100] =	vst v63  }
0x4e: {  	v3 =	vld [tilespmem:$0x20];
	_ =	sdelay $0x4  }
0x4f: {  	v50 =	vshrl.u32 v3, $0x3  }
0x50: {  	v4 =	vmul.u32 $0x30, v50  }
0x51: {  	v3 =	vand.u32 $0x7, v3  }
0x52: {  	v3 =	vor.u32 v3, v4  }
0x53: {  	v4 =	vperm.xlane v3, v0;
	_ =	sdelay $0x1  }
0x54: {  	v4 =	vadd.s32 v1, v4;
	_ =	sdelay $0x3  }
0x55: {  	s10 =	simm.s32 $0x6100;
	v3 =	vperm.xlane v3, v2  }
0x56: {  	[hbm4b:s4+s3] =	stream.indirect_vreg.scatter [tilespmem:s10], [sflag:$0x1], $0x80, v4, vm0, $0xb8;
	[tilespmem:$0x10100] =	vst v63  }
0x57: {  	s12 =	simm.s32 $0x6900;
	v3 =	vadd.s32 v1, v3  }
0x58: {  	[hbm4b:s5+s3] =	stream.indirect_vreg.scatter [tilespmem:s12], [sflag:$0x1], $0x80, v4, vm0, $0xb8;
	[tilespmem:$0x10100] =	vst v63  }
0x59: {  	s13 =	simm.s32 $0x7100  }
0x5a: {  	[hbm4b:s6+s3] =	stream.indirect_vreg.scatter [tilespmem:s13], [sflag:$0x1], $0x80, v4, vm0, $0xb8;
	[tilespmem:$0x10100] =	vst v63  }
0x5b: {  	s14 =	simm.s32 $0x7900  }
0x5c: {  	[hbm4b:s4+s3] =	stream.indirect_vreg.scatter [tilespmem:s14], [sflag:$0x1], $0x80, v3, vm0, $0xb8;
	[tilespmem:$0x10100] =	vst v63  }
0x5d: {  	s15 =	simm.s32 $0x8100  }
0x5e: {  	[hbm4b:s5+s3] =	stream.indirect_vreg.scatter [tilespmem:s15], [sflag:$0x1], $0x80, v3, vm0, $0xb8;
	[tilespmem:$0x10100] =	vst v63  }
0x5f: {  	s16 =	simm.s32 $0x8900  }
0x60: {  	[hbm4b:s6+s3] =	stream.indirect_vreg.scatter [tilespmem:s16], [sflag:$0x1], $0x80, v3, vm0, $0xb8;
	[tilespmem:$0x10100] =	vst v63  }
0x61: {  	v3 =	vld [tilespmem:$0x30];
	_ =	sdelay $0x4  }
0x62: {  	v51 =	vshrl.u32 v3, $0x3  }
0x63: {  	v4 =	vmul.u32 $0x30, v51  }
0x64: {  	v3 =	vand.u32 $0x7, v3  }
0x65: {  	v3 =	vor.u32 v3, v4  }
0x66: {  	v4 =	vperm.xlane v3, v0;
	_ =	sdelay $0x1  }
0x67: {  	v4 =	vadd.s32 v1, v4;
	_ =	sdelay $0x3  }
0x68: {  	s17 =	simm.s32 $0x9100;
	v3 =	vperm.xlane v3, v2  }
0x69: {  	[hbm4b:s4+s3] =	stream.indirect_vreg.scatter [tilespmem:s17], [sflag:$0x1], $0x80, v4, vm0, $0xb8;
	[tilespmem:$0x10100] =	vst v63  }
0x6a: {  	s10 =	simm.s32 $0x9900;
	v3 =	vadd.s32 v1, v3  }
0x6b: {  	[hbm4b:s5+s3] =	stream.indirect_vreg.scatter [tilespmem:s10], [sflag:$0x1], $0x80, v4, vm0, $0xb8;
	[tilespmem:$0x10100] =	vst v63  }
0x6c: {  	s13 =	simm.s32 $0xA100  }
0x6d: {  	[hbm4b:s6+s3] =	stream.indirect_vreg.scatter [tilespmem:s13], [sflag:$0x1], $0x80, v4, vm0, $0xb8;
	[tilespmem:$0x10100] =	vst v63  }
0x6e: {  	s16 =	simm.s32 $0xA900  }
0x6f: {  	[hbm4b:s4+s3] =	stream.indirect_vreg.scatter [tilespmem:s16], [sflag:$0x1], $0x80, v3, vm0, $0xb8;
	[tilespmem:$0x10100] =	vst v63  }
0x70: {  	s17 =	simm.s32 $0xB100  }
0x71: {  	[hbm4b:s5+s3] =	stream.indirect_vreg.scatter [tilespmem:s17], [sflag:$0x1], $0x80, v3, vm0, $0xb8;
	[tilespmem:$0x10100] =	vst v63  }
0x72: {  	s0 =	simm.s32 $0xB900  }
0x73: {  	[hbm4b:s6+s3] =	stream.indirect_vreg.scatter [tilespmem:s0], [sflag:$0x1], $0x80, v3, vm0, $0xb8;
	[tilespmem:$0x10100] =	vst v63  }
0x74: {  	_ =	swait.ge [sflag:s11], $0xC000  }
0x75: {  	[sflag:s11] =	ssyncset.done $0x0  }
0x76: {  	[sflag:s11] =	ssyncadd.s32 $0xFFFF4000  }
0x77: {  	v3 =	vld [tilespmem:$0x80];
	_ =	sdelay $0x4  }
0x78: {  	v52 =	vshrl.u32 v3, $0x3  }
0x79: {  	v4 =	vmul.u32 $0x30, v52  }
0x7a: {  	v3 =	vand.u32 $0x7, v3  }
0x7b: {  	v3 =	vor.u32 v3, v4  }
0x7c: {  	v4 =	vperm.xlane v3, v0;
	_ =	sdelay $0x1  }
0x7d: {  	v4 =	vadd.s32 v1, v4;
	_ =	sdelay $0x3  }
0x7e: {  	v3 =	vperm.xlane v3, v2  }
0x7f: {  	[hbm4b:s4+s3] =	stream.indirect_vreg.scatter [tilespmem:s30], [sflag:$0x1], $0x80, v4, vm0, $0xb8;
	[tilespmem:$0x10100] =	vst v63  }
0x80: {  	s18 =	simm.s32 $0x900;
	v3 =	vadd.s32 v1, v3  }
0x81: {  	[hbm4b:s5+s3] =	stream.indirect_vreg.scatter [tilespmem:s18], [sflag:$0x1], $0x80, v4, vm0, $0xb8;
	[tilespmem:$0x10100] =	vst v63  }
0x82: {  	s19 =	simm.s32 $0x1100  }
0x83: {  	[hbm4b:s6+s3] =	stream.indirect_vreg.scatter [tilespmem:s19], [sflag:$0x1], $0x80, v4, vm0, $0xb8;
	[tilespmem:$0x10100] =	vst v63  }
0x84: {  	s20 =	simm.s32 $0x1900  }
0x85: {  	[hbm4b:s4+s3] =	stream.indirect_vreg.scatter [tilespmem:s20], [sflag:$0x1], $0x80, v3, vm0, $0xb8;
	[tilespmem:$0x10100] =	vst v63  }
0x86: {  	s21 =	simm.s32 $0x2100  }
0x87: {  	[hbm4b:s5+s3] =	stream.indirect_vreg.scatter [tilespmem:s21], [sflag:$0x1], $0x80, v3, vm0, $0xb8;
	[tilespmem:$0x10100] =	vst v63  }
0x88: {  	s22 =	simm.s32 $0x2900  }
0x89: {  	[hbm4b:s6+s3] =	stream.indirect_vreg.scatter [tilespmem:s22], [sflag:$0x1], $0x80, v3, vm0, $0xb8;
	[tilespmem:$0x10100] =	vst v63  }
0x8a: {  	v3 =	vld [tilespmem:$0x90];
	_ =	sdelay $0x4  }
0x8b: {  	v53 =	vshrl.u32 v3, $0x3  }
0x8c: {  	v4 =	vmul.u32 $0x30, v53  }
0x8d: {  	v3 =	vand.u32 $0x7, v3  }
0x8e: {  	v3 =	vor.u32 v3, v4  }
0x8f: {  	v4 =	vperm.xlane v3, v0;
	_ =	sdelay $0x1  }
0x90: {  	v4 =	vadd.s32 v1, v4;
	_ =	sdelay $0x3  }
0x91: {  	s23 =	simm.s32 $0x3100;
	v3 =	vperm.xlane v3, v2  }
0x92: {  	[hbm4b:s4+s3] =	stream.indirect_vreg.scatter [tilespmem:s23], [sflag:$0x1], $0x80, v4, vm0, $0xb8;
	[tilespmem:$0x10100] =	vst v63  }
0x93: {  	s24 =	simm.s32 $0x3900;
	v3 =	vadd.s32 v1, v3  }
0x94: {  	[hbm4b:s5+s3] =	stream.indirect_vreg.scatter [tilespmem:s24], [sflag:$0x1], $0x80, v4, vm0, $0xb8;
	[tilespmem:$0x10100] =	vst v63  }
0x95: {  	s25 =	simm.s32 $0x4100  }
0x96: {  	[hbm4b:s6+s3] =	stream.indirect_vreg.scatter [tilespmem:s25], [sflag:$0x1], $0x80, v4, vm0, $0xb8;
	[tilespmem:$0x10100] =	vst v63  }
0x97: {  	s26 =	simm.s32 $0x4900  }
0x98: {  	[hbm4b:s4+s3] =	stream.indirect_vreg.scatter [tilespmem:s26], [sflag:$0x1], $0x80, v3, vm0, $0xb8;
	[tilespmem:$0x10100] =	vst v63  }
0x99: {  	s28 =	simm.s32 $0x5100  }
0x9a: {  	[hbm4b:s5+s3] =	stream.indirect_vreg.scatter [tilespmem:s28], [sflag:$0x1], $0x80, v3, vm0, $0xb8;
	[tilespmem:$0x10100] =	vst v63  }
0x9b: {  	s29 =	simm.s32 $0x5900  }
0x9c: {  	[hbm4b:s6+s3] =	stream.indirect_vreg.scatter [tilespmem:s29], [sflag:$0x1], $0x80, v3, vm0, $0xb8;
	[tilespmem:$0x10100] =	vst v63  }
0x9d: {  	v3 =	vld [tilespmem:$0xA0];
	_ =	sdelay $0x4  }
0x9e: {  	v54 =	vshrl.u32 v3, $0x3  }
0x9f: {  	v4 =	vmul.u32 $0x30, v54  }
0xa0: {  	v3 =	vand.u32 $0x7, v3  }
0xa1: {  	v3 =	vor.u32 v3, v4  }
0xa2: {  	v4 =	vperm.xlane v3, v0;
	_ =	sdelay $0x1  }
0xa3: {  	v4 =	vadd.s32 v1, v4;
	_ =	sdelay $0x3  }
0xa4: {  	s31 =	simm.s32 $0x6100;
	v3 =	vperm.xlane v3, v2  }
0xa5: {  	[hbm4b:s4+s3] =	stream.indirect_vreg.scatter [tilespmem:s31], [sflag:$0x1], $0x80, v4, vm0, $0xb8;
	[tilespmem:$0x10100] =	vst v63  }
0xa6: {  	s1 =	simm.s32 $0x6900;
	v3 =	vadd.s32 v1, v3  }
0xa7: {  	[hbm4b:s5+s3] =	stream.indirect_vreg.scatter [tilespmem:s1], [sflag:$0x1], $0x80, v4, vm0, $0xb8;
	[tilespmem:$0x10100] =	vst v63  }
0xa8: {  	s2 =	simm.s32 $0x7100  }
0xa9: {  	[hbm4b:s6+s3] =	stream.indirect_vreg.scatter [tilespmem:s2], [sflag:$0x1], $0x80, v4, vm0, $0xb8;
	[tilespmem:$0x10100] =	vst v63  }
0xaa: {  	s9 =	simm.s32 $0x7900  }
0xab: {  	[hbm4b:s4+s3] =	stream.indirect_vreg.scatter [tilespmem:s9], [sflag:$0x1], $0x80, v3, vm0, $0xb8;
	[tilespmem:$0x10100] =	vst v63  }
0xac: {  	s14 =	simm.s32 $0x8100  }
0xad: {  	[hbm4b:s5+s3] =	stream.indirect_vreg.scatter [tilespmem:s14], [sflag:$0x1], $0x80, v3, vm0, $0xb8;
	[tilespmem:$0x10100] =	vst v63  }
0xae: {  	s15 =	simm.s32 $0x8900  }
0xaf: {  	[hbm4b:s6+s3] =	stream.indirect_vreg.scatter [tilespmem:s15], [sflag:$0x1], $0x80, v3, vm0, $0xb8;
	[tilespmem:$0x10100] =	vst v63  }
0xb0: {  	v3 =	vld [tilespmem:$0xB0];
	_ =	sdelay $0x4  }
0xb1: {  	v55 =	vshrl.u32 v3, $0x3  }
0xb2: {  	v4 =	vmul.u32 $0x30, v55  }
0xb3: {  	v3 =	vand.u32 $0x7, v3  }
0xb4: {  	v3 =	vor.u32 v3, v4  }
0xb5: {  	v4 =	vperm.xlane v3, v0;
	_ =	sdelay $0x1  }
0xb6: {  	v4 =	vadd.s32 v1, v4;
	_ =	sdelay $0x3  }
0xb7: {  	s12 =	simm.s32 $0x9100;
	v3 =	vperm.xlane v3, v2  }
0xb8: {  	[hbm4b:s4+s3] =	stream.indirect_vreg.scatter [tilespmem:s12], [sflag:$0x1], $0x80, v4, vm0, $0xb8;
	[tilespmem:$0x10100] =	vst v63  }
0xb9: {  	s10 =	simm.s32 $0x9900;
	v3 =	vadd.s32 v1, v3  }
0xba: {  	[hbm4b:s5+s3] =	stream.indirect_vreg.scatter [tilespmem:s10], [sflag:$0x1], $0x80, v4, vm0, $0xb8;
	[tilespmem:$0x10100] =	vst v63  }
0xbb: {  	s13 =	simm.s32 $0xA100  }
0xbc: {  	[hbm4b:s6+s3] =	stream.indirect_vreg.scatter [tilespmem:s13], [sflag:$0x1], $0x80, v4, vm0, $0xb8;
	[tilespmem:$0x10100] =	vst v63  }
0xbd: {  	s16 =	simm.s32 $0xA900  }
0xbe: {  	[hbm4b:s4+s3] =	stream.indirect_vreg.scatter [tilespmem:s16], [sflag:$0x1], $0x80, v3, vm0, $0xb8;
	[tilespmem:$0x10100] =	vst v63  }
0xbf: {  	s17 =	simm.s32 $0xB100  }
0xc0: {  	[hbm4b:s5+s3] =	stream.indirect_vreg.scatter [tilespmem:s17], [sflag:$0x1], $0x80, v3, vm0, $0xb8;
	[tilespmem:$0x10100] =	vst v63  }
0xc1: {  	s0 =	simm.s32 $0xB900  }
0xc2: {  	[hbm4b:s6+s3] =	stream.indirect_vreg.scatter [tilespmem:s0], [sflag:$0x1], $0x80, v3, vm0, $0xb8;
	[tilespmem:$0x10100] =	vst v63  }
0xc3: {  	_ =	swait.ge [sflag:s11], $0xC000  }
0xc4: {  	[sflag:s11] =	ssyncset.done $0x0  }
0xc5: {  	[sflag:s11] =	ssyncadd.s32 $0xFFFF4000  }
0xc6: {  	s15 =	simm.s32 $0x40;
	s16 =	simm.s32 $0xC100;
	s31 =	rddreg [dreg:$0x2]  }
0xc7: {  	[hbm4b:s31+s15] =	stream.indirect.scatter [tilespmem:s16], [sflag:$0x1], $0x80, s3, s15, $0xb8;
	[tilespmem:$0x10100] =	vst v63  }
0xc8: {  	_ =	swait.ge [sflag:s11], $0x2000  }
0xc9: {  	[sflag:s11] =	ssyncset.done $0x0  }
0xca: {  	s18 =	simm.s32 $0xE100;
	s17 =	simm.s32 $0x80;
	[sflag:s11] =	ssyncadd.s32 $0xFFFFE000  }
0xcb: {  	[hbm4b:s31+s15] =	stream.indirect.scatter [tilespmem:s18], [sflag:$0x1], $0x80, s17, s15, $0xb8;
	[tilespmem:$0x10100] =	vst v63  }
0xcc: {  	_ =	swait.ge [sflag:s11], $0x2000  }
0xcd: {  	[sflag:s11] =	ssyncset.done $0x0  }
0xce: {  	s19 =	rddreg [dreg:$0x9];
	[sflag:s11] =	ssyncadd.s32 $0xFFFFE000  }
0xcf: {  	[tilespmem:s3], [sflag:$0x2] =	stream.linear.gather [hbm4b:s19+s3], $0x80, $0x38;
	[tilespmem:$0x10100] =	vst v63  }
0xd0: {  	_ =	swait.ge [sflag:s8], $0x80  }
0xd1: {  	[sflag:s8] =	ssyncset.done $0x0  }
0xd2: {  	s20 =	rddreg [dreg:$0xa];
	[sflag:s8] =	ssyncadd.s32 $0xFFFFFF80  }
0xd3: {  	[tilespmem:s17], [sflag:$0x2] =	stream.linear.gather [hbm4b:s20+s3], $0x80, $0x38;
	[tilespmem:$0x10100] =	vst v63  }
0xd4: {  	_ =	swait.ge [sflag:s8], $0x80  }
0xd5: {  	[sflag:s8] =	ssyncset.done $0x0  }
0xd6: {  	s21 =	rddreg [dreg:$0xb];
	[sflag:s8] =	ssyncadd.s32 $0xFFFFFF80  }
0xd7: {  	[tilespmem:s16], [sflag:$0x2] =	stream.linear.gather [hbm4b:s21+s3], $0x2000, $0x38;
	[tilespmem:$0x10100] =	vst v63  }
0xd8: {  	_ =	swait.ge [sflag:s8], $0x2000  }
0xd9: {  	[sflag:s8] =	ssyncset.done $0x0  }
0xda: {  	s22 =	rddreg [dreg:$0xc];
	[sflag:s8] =	ssyncadd.s32 $0xFFFFE000  }
0xdb: {  	[tilespmem:s18], [sflag:$0x2] =	stream.linear.gather [hbm4b:s22+s3], $0x2000, $0x38;
	[tilespmem:$0x10100] =	vst v63  }
0xdc: {  	_ =	swait.ge [sflag:s8], $0x2000  }
0xdd: {  	[sflag:s8] =	ssyncset.done $0x0  }
0xde: {  	s23 =	rddreg [dreg:$0xd];
	[sflag:s8] =	ssyncadd.s32 $0xFFFFE000  }
0xdf: {  	[tilespmem:s30], [sflag:$0x2] =	stream.linear.gather [hbm4b:s23+s3], $0xC000, $0x38;
	[tilespmem:$0x10100] =	vst v63  }
0xe0: {  	_ =	swait.ge [sflag:s8], $0xC000  }
0xe1: {  	[sflag:s8] =	ssyncset.done $0x0  }
0xe2: {  	[sflag:s8] =	ssyncadd.s32 $0xFFFF4000  }
0xe3: {  	v3 =	vld [tilespmem:$0x0];
	_ =	sdelay $0x4  }
0xe4: {  	v56 =	vshrl.u32 v3, $0x3  }
0xe5: {  	v4 =	vmul.u32 $0x30, v56  }
0xe6: {  	v3 =	vand.u32 $0x7, v3  }
0xe7: {  	v3 =	vor.u32 v3, v4  }
0xe8: {  	v4 =	vperm.xlane v3, v0;
	_ =	sdelay $0x1  }
0xe9: {  	v4 =	vadd.s32 v1, v4;
	_ =	sdelay $0x3  }
0xea: {  	v3 =	vperm.xlane v3, v2  }
0xeb: {  	[hbm4b:s4+s3] =	stream.indirect_vreg.scatter [tilespmem:s30], [sflag:$0x1], $0x80, v4, vm0, $0xb8;
	[tilespmem:$0x10100] =	vst v63  }
0xec: {  	s17 =	simm.s32 $0x900;
	v3 =	vadd.s32 v1, v3  }
0xed: {  	[hbm4b:s5+s3] =	stream.indirect_vreg.scatter [tilespmem:s17], [sflag:$0x1], $0x80, v4, vm0, $0xb8;
	[tilespmem:$0x10100] =	vst v63  }
0xee: {  	s18 =	simm.s32 $0x1100  }
0xef: {  	[hbm4b:s6+s3] =	stream.indirect_vreg.scatter [tilespmem:s18], [sflag:$0x1], $0x80, v4, vm0, $0xb8;
	[tilespmem:$0x10100] =	vst v63  }
0xf0: {  	s19 =	simm.s32 $0x1900  }
0xf1: {  	[hbm4b:s4+s3] =	stream.indirect_vreg.scatter [tilespmem:s19], [sflag:$0x1], $0x80, v3, vm0, $0xb8;
	[tilespmem:$0x10100] =	vst v63  }
0xf2: {  	s20 =	simm.s32 $0x2100  }
0xf3: {  	[hbm4b:s5+s3] =	stream.indirect_vreg.scatter [tilespmem:s20], [sflag:$0x1], $0x80, v3, vm0, $0xb8;
	[tilespmem:$0x10100] =	vst v63  }
0xf4: {  	s21 =	simm.s32 $0x2900  }
0xf5: {  	[hbm4b:s6+s3] =	stream.indirect_vreg.scatter [tilespmem:s21], [sflag:$0x1], $0x80, v3, vm0, $0xb8;
	[tilespmem:$0x10100] =	vst v63  }
0xf6: {  	v3 =	vld [tilespmem:$0x10];
	_ =	sdelay $0x4  }
0xf7: {  	v57 =	vshrl.u32 v3, $0x3  }
0xf8: {  	v4 =	vmul.u32 $0x30, v57  }
0xf9: {  	v3 =	vand.u32 $0x7, v3  }
0xfa: {  	v3 =	vor.u32 v3, v4  }
0xfb: {  	v4 =	vperm.xlane v3, v0;
	_ =	sdelay $0x1  }
0xfc: {  	v4 =	vadd.s32 v1, v4;
	_ =	sdelay $0x3  }
0xfd: {  	s22 =	simm.s32 $0x3100;
	v3 =	vperm.xlane v3, v2  }
0xfe: {  	[hbm4b:s4+s3] =	stream.indirect_vreg.scatter [tilespmem:s22], [sflag:$0x1], $0x80, v4, vm0, $0xb8;
	[tilespmem:$0x10100] =	vst v63  }
0xff: {  	s23 =	simm.s32 $0x3900;
	v3 =	vadd.s32 v1, v3  }
0x100: {  	[hbm4b:s5+s3] =	stream.indirect_vreg.scatter [tilespmem:s23], [sflag:$0x1], $0x80, v4, vm0, $0xb8;
	[tilespmem:$0x10100] =	vst v63  }
0x101: {  	s24 =	simm.s32 $0x4100  }
0x102: {  	[hbm4b:s6+s3] =	stream.indirect_vreg.scatter [tilespmem:s24], [sflag:$0x1], $0x80, v4, vm0, $0xb8;
	[tilespmem:$0x10100] =	vst v63  }
0x103: {  	s25 =	simm.s32 $0x4900  }
0x104: {  	[hbm4b:s4+s3] =	stream.indirect_vreg.scatter [tilespmem:s25], [sflag:$0x1], $0x80, v3, vm0, $0xb8;
	[tilespmem:$0x10100] =	vst v63  }
0x105: {  	s26 =	simm.s32 $0x5100  }
0x106: {  	[hbm4b:s5+s3] =	stream.indirect_vreg.scatter [tilespmem:s26], [sflag:$0x1], $0x80, v3, vm0, $0xb8;
	[tilespmem:$0x10100] =	vst v63  }
0x107: {  	s28 =	simm.s32 $0x5900  }
0x108: {  	[hbm4b:s6+s3] =	stream.indirect_vreg.scatter [tilespmem:s28], [sflag:$0x1], $0x80, v3, vm0, $0xb8;
	[tilespmem:$0x10100] =	vst v63  }
0x109: {  	v3 =	vld [tilespmem:$0x20];
	_ =	sdelay $0x4  }
0x10a: {  	v58 =	vshrl.u32 v3, $0x3  }
0x10b: {  	v4 =	vmul.u32 $0x30, v58  }
0x10c: {  	v3 =	vand.u32 $0x7, v3  }
0x10d: {  	v3 =	vor.u32 v3, v4  }
0x10e: {  	v4 =	vperm.xlane v3, v0;
	_ =	sdelay $0x1  }
0x10f: {  	v4 =	vadd.s32 v1, v4;
	_ =	sdelay $0x3  }
0x110: {  	s29 =	simm.s32 $0x6100;
	v3 =	vperm.xlane v3, v2  }
0x111: {  	[hbm4b:s4+s3] =	stream.indirect_vreg.scatter [tilespmem:s29], [sflag:$0x1], $0x80, v4, vm0, $0xb8;
	[tilespmem:$0x10100] =	vst v63  }
0x112: {  	s14 =	simm.s32 $0x6900;
	v3 =	vadd.s32 v1, v3  }
0x113: {  	[hbm4b:s5+s3] =	stream.indirect_vreg.scatter [tilespmem:s14], [sflag:$0x1], $0x80, v4, vm0, $0xb8;
	[tilespmem:$0x10100] =	vst v63  }
0x114: {  	s0 =	simm.s32 $0x7100  }
0x115: {  	[hbm4b:s6+s3] =	stream.indirect_vreg.scatter [tilespmem:s0], [sflag:$0x1], $0x80, v4, vm0, $0xb8;
	[tilespmem:$0x10100] =	vst v63  }
0x116: {  	s1 =	simm.s32 $0x7900  }
0x117: {  	[hbm4b:s4+s3] =	stream.indirect_vreg.scatter [tilespmem:s1], [sflag:$0x1], $0x80, v3, vm0, $0xb8;
	[tilespmem:$0x10100] =	vst v63  }
0x118: {  	s9 =	simm.s32 $0x8100  }
0x119: {  	[hbm4b:s5+s3] =	stream.indirect_vreg.scatter [tilespmem:s9], [sflag:$0x1], $0x80, v3, vm0, $0xb8;
	[tilespmem:$0x10100] =	vst v63  }
0x11a: {  	s10 =	simm.s32 $0x8900  }
0x11b: {  	[hbm4b:s6+s3] =	stream.indirect_vreg.scatter [tilespmem:s10], [sflag:$0x1], $0x80, v3, vm0, $0xb8;
	[tilespmem:$0x10100] =	vst v63  }
0x11c: {  	v3 =	vld [tilespmem:$0x30];
	_ =	sdelay $0x4  }
0x11d: {  	v59 =	vshrl.u32 v3, $0x3  }
0x11e: {  	v4 =	vmul.u32 $0x30, v59  }
0x11f: {  	v3 =	vand.u32 $0x7, v3  }
0x120: {  	v3 =	vor.u32 v3, v4  }
0x121: {  	v4 =	vperm.xlane v3, v0;
	_ =	sdelay $0x1  }
0x122: {  	v4 =	vadd.s32 v1, v4;
	_ =	sdelay $0x3  }
0x123: {  	s12 =	simm.s32 $0x9100;
	v3 =	vperm.xlane v3, v2  }
0x124: {  	[hbm4b:s4+s3] =	stream.indirect_vreg.scatter [tilespmem:s12], [sflag:$0x1], $0x80, v4, vm0, $0xb8;
	[tilespmem:$0x10100] =	vst v63  }
0x125: {  	v3 =	vadd.s32 v1, v3;
	s12 =	simm.s32 $0x9900  }
0x126: {  	[hbm4b:s5+s3] =	stream.indirect_vreg.scatter [tilespmem:s12], [sflag:$0x1], $0x80, v4, vm0, $0xb8;
	[tilespmem:$0x10100] =	vst v63  }
0x127: {  	s13 =	simm.s32 $0xA100  }
0x128: {  	[hbm4b:s6+s3] =	stream.indirect_vreg.scatter [tilespmem:s13], [sflag:$0x1], $0x80, v4, vm0, $0xb8;
	[tilespmem:$0x10100] =	vst v63  }
0x129: {  	s15 =	simm.s32 $0xA900  }
0x12a: {  	[hbm4b:s4+s3] =	stream.indirect_vreg.scatter [tilespmem:s15], [sflag:$0x1], $0x80, v3, vm0, $0xb8;
	[tilespmem:$0x10100] =	vst v63  }
0x12b: {  	s16 =	simm.s32 $0xB100  }
0x12c: {  	[hbm4b:s5+s3] =	stream.indirect_vreg.scatter [tilespmem:s16], [sflag:$0x1], $0x80, v3, vm0, $0xb8;
	[tilespmem:$0x10100] =	vst v63  }
0x12d: {  	s2 =	simm.s32 $0xB900  }
0x12e: {  	[hbm4b:s6+s3] =	stream.indirect_vreg.scatter [tilespmem:s2], [sflag:$0x1], $0x80, v3, vm0, $0xb8;
	[tilespmem:$0x10100] =	vst v63  }
0x12f: {  	_ =	swait.ge [sflag:s11], $0xC000  }
0x130: {  	[sflag:s11] =	ssyncset.done $0x0  }
0x131: {  	[sflag:s11] =	ssyncadd.s32 $0xFFFF4000  }
0x132: {  	v3 =	vld [tilespmem:$0x80];
	_ =	sdelay $0x4  }
0x133: {  	v60 =	vshrl.u32 v3, $0x3  }
0x134: {  	v4 =	vmul.u32 $0x30, v60  }
0x135: {  	v3 =	vand.u32 $0x7, v3  }
0x136: {  	v3 =	vor.u32 v3, v4  }
0x137: {  	v4 =	vperm.xlane v3, v0;
	_ =	sdelay $0x1  }
0x138: {  	v4 =	vadd.s32 v1, v4;
	_ =	sdelay $0x3  }
0x139: {  	v3 =	vperm.xlane v3, v2  }
0x13a: {  	[hbm4b:s4+s3] =	stream.indirect_vreg.scatter [tilespmem:s30], [sflag:$0x1], $0x80, v4, vm0, $0xb8;
	[tilespmem:$0x10100] =	vst v63  }
0x13b: {  	v3 =	vadd.s32 v1, v3  }
0x13c: {  	[hbm4b:s5+s3] =	stream.indirect_vreg.scatter [tilespmem:s17], [sflag:$0x1], $0x80, v4, vm0, $0xb8;
	[tilespmem:$0x10100] =	vst v63  }
0x13d: {  	_ = 	snop  }
0x13e: {  	[hbm4b:s6+s3] =	stream.indirect_vreg.scatter [tilespmem:s18], [sflag:$0x1], $0x80, v4, vm0, $0xb8;
	[tilespmem:$0x10100] =	vst v63  }
0x13f: {  	_ = 	snop  }
0x140: {  	[hbm4b:s4+s3] =	stream.indirect_vreg.scatter [tilespmem:s19], [sflag:$0x1], $0x80, v3, vm0, $0xb8;
	[tilespmem:$0x10100] =	vst v63  }
0x141: {  	_ = 	snop  }
0x142: {  	[hbm4b:s5+s3] =	stream.indirect_vreg.scatter [tilespmem:s20], [sflag:$0x1], $0x80, v3, vm0, $0xb8;
	[tilespmem:$0x10100] =	vst v63  }
0x143: {  	_ = 	snop  }
0x144: {  	[hbm4b:s6+s3] =	stream.indirect_vreg.scatter [tilespmem:s21], [sflag:$0x1], $0x80, v3, vm0, $0xb8;
	[tilespmem:$0x10100] =	vst v63  }
0x145: {  	v3 =	vld [tilespmem:$0x90];
	_ =	sdelay $0x4  }
0x146: {  	v61 =	vshrl.u32 v3, $0x3  }
0x147: {  	v4 =	vmul.u32 $0x30, v61  }
0x148: {  	v3 =	vand.u32 $0x7, v3  }
0x149: {  	v3 =	vor.u32 v3, v4  }
0x14a: {  	v4 =	vperm.xlane v3, v0;
	_ =	sdelay $0x1  }
0x14b: {  	v4 =	vadd.s32 v1, v4;
	_ =	sdelay $0x3  }
0x14c: {  	v3 =	vperm.xlane v3, v2  }
0x14d: {  	[hbm4b:s4+s3] =	stream.indirect_vreg.scatter [tilespmem:s22], [sflag:$0x1], $0x80, v4, vm0, $0xb8;
	[tilespmem:$0x10100] =	vst v63  }
0x14e: {  	v3 =	vadd.s32 v1, v3  }
0x14f: {  	[hbm4b:s5+s3] =	stream.indirect_vreg.scatter [tilespmem:s23], [sflag:$0x1], $0x80, v4, vm0, $0xb8;
	[tilespmem:$0x10100] =	vst v63  }
0x150: {  	_ = 	snop  }
0x151: {  	[hbm4b:s6+s3] =	stream.indirect_vreg.scatter [tilespmem:s24], [sflag:$0x1], $0x80, v4, vm0, $0xb8;
	[tilespmem:$0x10100] =	vst v63  }
0x152: {  	_ = 	snop  }
0x153: {  	[hbm4b:s4+s3] =	stream.indirect_vreg.scatter [tilespmem:s25], [sflag:$0x1], $0x80, v3, vm0, $0xb8;
	[tilespmem:$0x10100] =	vst v63  }
0x154: {  	_ = 	snop  }
0x155: {  	[hbm4b:s5+s3] =	stream.indirect_vreg.scatter [tilespmem:s26], [sflag:$0x1], $0x80, v3, vm0, $0xb8;
	[tilespmem:$0x10100] =	vst v63  }
0x156: {  	_ = 	snop  }
0x157: {  	[hbm4b:s6+s3] =	stream.indirect_vreg.scatter [tilespmem:s28], [sflag:$0x1], $0x80, v3, vm0, $0xb8;
	[tilespmem:$0x10100] =	vst v63  }
0x158: {  	v3 =	vld [tilespmem:$0xA0];
	_ =	sdelay $0x4  }
0x159: {  	v62 =	vshrl.u32 v3, $0x3  }
0x15a: {  	v4 =	vmul.u32 $0x30, v62  }
0x15b: {  	v3 =	vand.u32 $0x7, v3  }
0x15c: {  	v3 =	vor.u32 v3, v4  }
0x15d: {  	v4 =	vperm.xlane v3, v0;
	_ =	sdelay $0x1  }
0x15e: {  	v4 =	vadd.s32 v1, v4;
	_ =	sdelay $0x3  }
0x15f: {  	v3 =	vperm.xlane v3, v2  }
0x160: {  	[hbm4b:s4+s3] =	stream.indirect_vreg.scatter [tilespmem:s29], [sflag:$0x1], $0x80, v4, vm0, $0xb8;
	[tilespmem:$0x10100] =	vst v63  }
0x161: {  	v3 =	vadd.s32 v1, v3  }
0x162: {  	[hbm4b:s5+s3] =	stream.indirect_vreg.scatter [tilespmem:s14], [sflag:$0x1], $0x80, v4, vm0, $0xb8;
	[tilespmem:$0x10100] =	vst v63  }
0x163: {  	_ = 	snop  }
0x164: {  	[hbm4b:s6+s3] =	stream.indirect_vreg.scatter [tilespmem:s0], [sflag:$0x1], $0x80, v4, vm0, $0xb8;
	[tilespmem:$0x10100] =	vst v63  }
0x165: {  	_ = 	snop  }
0x166: {  	[hbm4b:s4+s3] =	stream.indirect_vreg.scatter [tilespmem:s1], [sflag:$0x1], $0x80, v3, vm0, $0xb8;
	[tilespmem:$0x10100] =	vst v63  }
0x167: {  	_ = 	snop  }
0x168: {  	[hbm4b:s5+s3] =	stream.indirect_vreg.scatter [tilespmem:s9], [sflag:$0x1], $0x80, v3, vm0, $0xb8;
	[tilespmem:$0x10100] =	vst v63  }
0x169: {  	_ = 	snop  }
0x16a: {  	[hbm4b:s6+s3] =	stream.indirect_vreg.scatter [tilespmem:s10], [sflag:$0x1], $0x80, v3, vm0, $0xb8;
	[tilespmem:$0x10100] =	vst v63  }
0x16b: {  	v3 =	vld [tilespmem:$0xB0];
	_ =	sdelay $0x4  }
0x16c: {  	v63 =	vshrl.u32 v3, $0x3  }
0x16d: {  	v4 =	vmul.u32 $0x30, v63  }
0x16e: {  	v3 =	vand.u32 $0x7, v3  }
0x16f: {  	v3 =	vor.u32 v3, v4  }
0x170: {  	v4 =	vperm.xlane v3, v0;
	_ =	sdelay $0x1  }
0x171: {  	v4 =	vadd.s32 v1, v4;
	_ =	sdelay $0x3  }
0x172: {  	s24 =	simm.s32 $0x9100;
	v3 =	vperm.xlane v3, v2  }
0x173: {  	[hbm4b:s4+s3] =	stream.indirect_vreg.scatter [tilespmem:s24], [sflag:$0x1], $0x80, v4, vm0, $0xb8;
	[tilespmem:$0x10100] =	vst v63  }
0x174: {  	v3 =	vadd.s32 v1, v3  }
0x175: {  	[hbm4b:s5+s3] =	stream.indirect_vreg.scatter [tilespmem:s12], [sflag:$0x1], $0x80, v4, vm0, $0xb8;
	[tilespmem:$0x10100] =	vst v63  }
0x176: {  	_ = 	snop  }
0x177: {  	[hbm4b:s6+s3] =	stream.indirect_vreg.scatter [tilespmem:s13], [sflag:$0x1], $0x80, v4, vm0, $0xb8;
	[tilespmem:$0x10100] =	vst v63  }
0x178: {  	_ = 	snop  }
0x179: {  	[hbm4b:s4+s3] =	stream.indirect_vreg.scatter [tilespmem:s15], [sflag:$0x1], $0x80, v3, vm0, $0xb8;
	[tilespmem:$0x10100] =	vst v63  }
0x17a: {  	_ = 	snop  }
0x17b: {  	[hbm4b:s5+s3] =	stream.indirect_vreg.scatter [tilespmem:s16], [sflag:$0x1], $0x80, v3, vm0, $0xb8;
	[tilespmem:$0x10100] =	vst v63  }
0x17c: {  	_ = 	snop  }
0x17d: {  	[hbm4b:s6+s3] =	stream.indirect_vreg.scatter [tilespmem:s2], [sflag:$0x1], $0x80, v3, vm0, $0xb8;
	[tilespmem:$0x10100] =	vst v63  }
0x17e: {  	_ =	swait.ge [sflag:s11], $0xC000  }
0x17f: {  	[sflag:s11] =	ssyncset.done $0x0  }
0x180: {  	s25 =	simm.s32 $0x40;
	s26 =	simm.s32 $0xC100;
	[sflag:s11] =	ssyncadd.s32 $0xFFFF4000  }
0x181: {  	[hbm4b:s31+s25] =	stream.indirect.scatter [tilespmem:s26], [sflag:$0x1], $0x80, s3, s25, $0xb8;
	[tilespmem:$0x10100] =	vst v63  }
0x182: {  	_ =	swait.ge [sflag:s11], $0x2000  }
0x183: {  	p0 =	sne.s32 s7, $0x1;
	s28 =	simm.s32 $0x80;
	[sflag:s11] =	ssyncset.done $0x0  }
.Ltmp0:
0x184: {  	s29 =	simm.s32 $0xE100;
	[sflag:s11] =	ssyncadd.s32 $0xFFFFE000;
	(pc) =	sbr.rel @p0 .LBB2_1-.Ltmp0, $4  }
0x185: {  	[hbm4b:s31+s25] =	stream.indirect.scatter [tilespmem:s29], [sflag:$0x1], $0x80, s28, s25, $0xb8;
	[tilespmem:$0x10100] =	vst v63  }
0x186: {  	_ =	swait.ge [sflag:s11], $0x2000  }
0x187: {  	[sflag:s11] =	ssyncset.done $0x0  }
0x188: {  	s7 =	sadd.s32 $0xFFFFFFFF, s7;
	[sflag:s11] =	ssyncadd.s32 $0xFFFFE000  }
0x189: {  	_ =	sfence.sel $0x180000  }
0x18a: {  	[bflag:$0x0] =	sbarrier.arrive $0xFFFF  }
0x18b: {  	_ =	strace $0x90000047  }
0x18c: {  	s0 =	stileid.u32;
	[bflag:$0x2] =	sbarrier.arrive $0xFFFF  }
0x18d: {  	p0 =	sne.s32 s0, $0x0;
	s0 =	rddreg [dreg:$0x3]  }
0x18e: {  	s0 =	sadd.s32 @!p0 $0x100000, s0  }
0x18f: {  	[sflag:s0] =	ssyncadd.tile.s32 @!p0 $0x1;
	_ =	shalt  }
.Lfunc_end2:
_tile_overlayer_lowered:
.L_overlay_start_2:
0x190: {  	(tag) =	ssettag $0x2  }
0x191: {  	s0 =	rddreg [dreg:$0x0];
	s2 =	stileid.u32  }
0x192: {  	s1 =	rddreg [dreg:$0x1];
	p0 =	sne.s32 s2, $0x0  }
0x193: {  	s3 =	rddreg [dreg:$0x2];
	[bflag:$0x3] =	sbarrier.arrive $0xFFFF;
	s2 =	simm.s32 @!p0 $0x1C02  }
0x194: {  	[timem:s3], [sflag:s2] =	dma.local @!p0 [hbm:s0], s1  }
0x195: {  	s0 =	simm.s32 @!p0 $0x2  }
0x196: {  	_ =	swait.ge @!p0 [sflag:s0], s1  }
0x197: {  	s1 =	ssub.s32 @!p0 $0x0, s1;
	[sflag:s0] =	ssyncset.done @!p0 $0x0  }
0x198: {  	[sflag:s0] =	ssyncadd.s32 @!p0 s1  }
0x199: {  	[bflag:$0x3] =	sbarrier.arrive $0xFFFF  }
0x19a: {  	_ =	shalt  }

</sc_bundles>
